<compile_context>
chip_gen: v7x
topology: tpu7x:2x2x1
jax: 0.10.2.dev20260603
libtpu: 0.0.44.dev20260713+nightly
codegen_flags: <defaults>
</compile_context>

<pallas_src>
import functools

import jax
import jax.numpy as jnp
from jax import lax
from jax.experimental import pallas as pl
from jax.experimental.pallas import tpu as pltpu
from jax.experimental.pallas import tpu_sc as plsc

N = 10000
E = 320000
D = 128
DH = 64
NC = 2
NS = 16
NW = NC * NS
CHUNK = 128
NCHUNKS = E // CHUNK
CPW = NCHUNKS // NW
NEXTRA = NCHUNKS - CPW * NW
NP = 10240
RPT = NP // NS
NBUF = 6

_mesh = plsc.VectorSubcoreMesh(core_axis_name="c", subcore_axis_name="s")



@functools.partial(
    pl.kernel,
    out_type=jax.ShapeDtypeStruct((NC, NP), jnp.float32),
    mesh=_mesh,
    compiler_params=pltpu.CompilerParams(use_tc_tiling_on_sc=False),
    scratch_types=[
        pltpu.VMEM((CPW + 1, CHUNK), jnp.int32),
        pltpu.VMEM((RPT,), jnp.float32),
        pltpu.VMEM((CHUNK,), jnp.float32),
        [pltpu.SemaphoreType.DMA] * NBUF,
        pltpu.VMEM_SHARED((NP,), jnp.float32),
    ],
)
def _deg_kernel(e_hbm, deg_out, idx_v, row_v, ones_v, dsems, acc):
    c = lax.axis_index("c")
    s = lax.axis_index("s")
    wid = c * NS + s
    base = s * RPT
    for i in range(RPT // 16):
        row_v[pl.ds(i * 16, 16)] = jnp.zeros((16,), jnp.float32)
    for i in range(CHUNK // 16):
        ones_v[pl.ds(i * 16, 16)] = jnp.ones((16,), jnp.float32)
    pltpu.sync_copy(row_v, acc.at[pl.ds(base, RPT)])
    pltpu.sync_copy(e_hbm.at[1, pl.ds(wid * CPW, CPW)],
                    idx_v.at[pl.ds(0, CPW)])

    @pl.when(wid < NEXTRA)
    def _():
        pltpu.sync_copy(e_hbm.at[1, pl.ds(NW * CPW + wid, 1)],
                        idx_v.at[pl.ds(CPW, 1)])

    plsc.subcore_barrier()

    def body(g, carry):
        for u in range(NBUF):
            @pl.when(g > 0)
            def _():
                pltpu.make_async_copy(ones_v, acc.at[pl.ds(0, CHUNK)],
                                      dsems[u]).wait()
            pltpu.async_copy(ones_v, acc.at[idx_v.at[g * NBUF + u]],
                             dsems[u], add=True)
        return carry

    lax.fori_loop(0, CPW // NBUF, body, 0)
    for u in range(NBUF):
        pltpu.make_async_copy(ones_v, acc.at[pl.ds(0, CHUNK)],
                              dsems[u]).wait()

    @pl.when(wid < NEXTRA)
    def _():
        pltpu.sync_copy(ones_v, acc.at[idx_v.at[CPW]], add=True)

    plsc.subcore_barrier()
    pltpu.sync_copy(acc.at[pl.ds(base, RPT)], row_v)
    pltpu.sync_copy(row_v, deg_out.at[c, pl.ds(base, RPT)])



_RPW = NP // NW


@functools.partial(
    pl.kernel,
    out_type=jax.ShapeDtypeStruct((NP,), jnp.float32),
    mesh=_mesh,
    compiler_params=pltpu.CompilerParams(use_tc_tiling_on_sc=False,
                                         needs_layout_passes=False),
    scratch_types=[
        pltpu.VMEM((_RPW,), jnp.float32),
        pltpu.VMEM((_RPW,), jnp.float32),
    ],
)
def _dinv_kernel(deg_hbm, dinv_out, v0, v1):
    c = lax.axis_index("c")
    s = lax.axis_index("s")
    base = (s * NC + c) * _RPW
    pltpu.sync_copy(deg_hbm.at[0, pl.ds(base, _RPW)], v0)
    pltpu.sync_copy(deg_hbm.at[1, pl.ds(base, _RPW)], v1)
    for i in range(_RPW // 16):
        d = v0[pl.ds(i * 16, 16)] + v1[pl.ds(i * 16, 16)] + 1.0
        y = plsc.bitcast(
            jnp.int32(0x5F3759DF) - (plsc.bitcast(d, jnp.int32) >> 1),
            jnp.float32)
        h = -0.5 * d
        y = y * (1.5 + h * y * y)
        y = y * (1.5 + h * y * y)
        y = y * (1.5 + h * y * y)
        v0[pl.ds(i * 16, 16)] = y
    pltpu.sync_copy(v0, dinv_out.at[pl.ds(base, _RPW)])



@functools.partial(
    pl.kernel,
    out_type=[jax.ShapeDtypeStruct((NP, DH), jnp.float32),
              jax.ShapeDtypeStruct((NP, DH), jnp.float32)],
    mesh=_mesh,
    compiler_params=pltpu.CompilerParams(use_tc_tiling_on_sc=False),
    scratch_types=[
        pltpu.VMEM((CPW + 1, CHUNK), jnp.int32),
        pltpu.VMEM((CPW + 1, CHUNK), jnp.int32),
        [pltpu.VMEM((CHUNK, DH), jnp.float32)] * NBUF,
        [pltpu.SemaphoreType.DMA] * NBUF,
        pltpu.VMEM_SHARED((NP, DH), jnp.float32),
    ],
)
def _agg_kernel(e_hbm, hp_hbm, out0_hbm, out1_hbm,
                src_v, dst_v, bufs, gsems, acc):
    c = lax.axis_index("c")
    s = lax.axis_index("s")
    wid = c * NS + s
    base = s * RPT

    def zrow(i, carry):
        for k in range(DH // 16):
            bufs[0][i, pl.ds(k * 16, 16)] = jnp.zeros((16,), jnp.float32)
        return carry

    lax.fori_loop(0, CHUNK, zrow, 0)
    for k in range(RPT // CHUNK):
        pltpu.sync_copy(bufs[0], acc.at[pl.ds(base + k * CHUNK, CHUNK)])
    pltpu.sync_copy(e_hbm.at[0, pl.ds(wid * CPW, CPW)],
                    src_v.at[pl.ds(0, CPW)])
    pltpu.sync_copy(e_hbm.at[1, pl.ds(wid * CPW, CPW)],
                    dst_v.at[pl.ds(0, CPW)])

    @pl.when(wid < NEXTRA)
    def _():
        pltpu.sync_copy(e_hbm.at[0, pl.ds(NW * CPW + wid, 1)],
                        src_v.at[pl.ds(CPW, 1)])
        pltpu.sync_copy(e_hbm.at[1, pl.ds(NW * CPW + wid, 1)],
                        dst_v.at[pl.ds(CPW, 1)])

    plsc.subcore_barrier()

    for j0 in range(NBUF):
        pltpu.async_copy(hp_hbm.at[src_v.at[j0]], bufs[j0], gsems[j0])

    def group(g, carry):
        for u in range(NBUF):
            j = g * NBUF + u
            pltpu.make_async_copy(hp_hbm.at[pl.ds(0, CHUNK)], bufs[u],
                                  gsems[u]).wait()
            pltpu.sync_copy(bufs[u], acc.at[dst_v.at[j]], add=True)
            pltpu.async_copy(hp_hbm.at[src_v.at[j + NBUF]], bufs[u],
                             gsems[u])
        return carry

    lax.fori_loop(0, CPW // NBUF - 1, group, 0)
    for u in range(NBUF):
        j = (CPW // NBUF - 1) * NBUF + u
        pltpu.make_async_copy(hp_hbm.at[pl.ds(0, CHUNK)], bufs[u],
                              gsems[u]).wait()
        pltpu.sync_copy(bufs[u], acc.at[dst_v.at[j]], add=True)

    @pl.when(wid < NEXTRA)
    def _():
        pltpu.async_copy(hp_hbm.at[src_v.at[CPW]], bufs[0], gsems[0])
        pltpu.make_async_copy(hp_hbm.at[pl.ds(0, CHUNK)], bufs[0],
                              gsems[0]).wait()
        pltpu.sync_copy(bufs[0], acc.at[dst_v.at[CPW]], add=True)

    plsc.subcore_barrier()

    for k in range(RPT // CHUNK):
        buf = bufs[k % NBUF]
        pltpu.sync_copy(acc.at[pl.ds(base + k * CHUNK, CHUNK)], buf)

        @pl.when(c == 0)
        def _():
            pltpu.sync_copy(buf, out0_hbm.at[pl.ds(base + k * CHUNK, CHUNK)])

        @pl.when(c == 1)
        def _():
            pltpu.sync_copy(buf, out1_hbm.at[pl.ds(base + k * CHUNK, CHUNK)])



def _xform_body(x_ref, w_ref, dinv_ref, hp_ref):
    h = jnp.dot(x_ref[...], w_ref[...], preferred_element_type=jnp.float32)
    hp_ref[...] = h * dinv_ref[...]


_BM = 1000


def _xform(x, W, dinv):
    return pl.pallas_call(
        _xform_body,
        grid=(N // _BM,),
        in_specs=[
            pl.BlockSpec((_BM, D), lambda i: (i, 0)),
            pl.BlockSpec((D, D), lambda i: (0, 0)),
            pl.BlockSpec((_BM, 1), lambda i: (i, 0)),
        ],
        out_specs=pl.BlockSpec((_BM, D), lambda i: (i, 0)),
        out_shape=jax.ShapeDtypeStruct((N, D), jnp.float32),
    )(x, W, dinv)



def _combine_body(aa0_ref, aa1_ref, ab0_ref, ab1_ref, hp_ref, dinv_ref,
                  b_ref, out_ref):
    dinv = dinv_ref[...]
    bias = b_ref[...]
    hp = hp_ref[...]
    outa = dinv * (aa0_ref[...] + aa1_ref[...] + hp[:, :DH]) + bias[:, :DH]
    outb = dinv * (ab0_ref[...] + ab1_ref[...] + hp[:, DH:]) + bias[:, DH:]
    out_ref[...] = jnp.concatenate([outa, outb], axis=1)


def _combine(aa0, aa1, ab0, ab1, hp, dinv, b2):
    half = pl.BlockSpec((_BM, DH), lambda i: (i, 0))
    return pl.pallas_call(
        _combine_body,
        grid=(N // _BM,),
        in_specs=[
            half, half, half, half,
            pl.BlockSpec((_BM, D), lambda i: (i, 0)),
            pl.BlockSpec((_BM, 1), lambda i: (i, 0)),
            pl.BlockSpec((1, D), lambda i: (0, 0)),
        ],
        out_specs=pl.BlockSpec((_BM, D), lambda i: (i, 0)),
        out_shape=jax.ShapeDtypeStruct((N, D), jnp.float32),
    )(aa0, aa1, ab0, ab1, hp, dinv, b2)



def kernel(x, edge_index, W, b):
    e = edge_index.astype(jnp.int32).reshape(2, NCHUNKS, CHUNK)
    deg = _deg_kernel(e)
    dinv = _dinv_kernel(deg)[:, None]
    hp = _xform(x, W, dinv)
    aa0, aa1 = _agg_kernel(e, hp[:, :DH])
    ab0, ab1 = _agg_kernel(e, hp[:, DH:])
    return _combine(aa0, aa1, ab0, ab1, hp, dinv, b.reshape(1, D))

# --- scband reference (transcript-rebuilt; emitter-appended) ---
"""Pipeline reference for scband-gcnmodule-58093727646025 (READ-ONLY COPY).

The authoritative reference and input builder live on the scoring server;
editing this copy changes nothing except your own understanding.
"""

import jax, jax.numpy as jnp
import numpy as np

N_NODES = 10000
N_EDGES = 320000
D_IN = 128
D_OUT = 128

def setup_inputs(seed: int = 0) -> dict:
    key = jax.random.key(seed)
    k1, k2, k3, k4 = jax.random.split(key, 4)
    x = jax.random.normal(k1, (N_NODES, D_IN), dtype=jnp.float32)
    edge_index = jax.random.randint(k2, (2, N_EDGES), 0, N_NODES, dtype=jnp.int64)
    # GCNConv linear weight (glorot) and bias (zeros init in PyG)
    limit = float(np.sqrt(6.0 / (D_IN + D_OUT)))
    W = jax.random.uniform(k3, (D_IN, D_OUT), dtype=jnp.float32, minval=-limit, maxval=limit)
    b = jnp.zeros((D_OUT,), dtype=jnp.float32)
    return {"x": x, "edge_index": edge_index, "W": W, "b": b}

def reference(x, edge_index, W, b):
    # Faithful GCNConv: add self-loops, symmetric deg^-1/2 normalization,
    # linear transform, sum aggregation to destination nodes, bias.
    N = x.shape[0]
    src = edge_index[0]
    dst = edge_index[1]
    loop = jnp.arange(N, dtype=src.dtype)
    src = jnp.concatenate([src, loop], axis=0)
    dst = jnp.concatenate([dst, loop], axis=0)
    h = x @ W
    deg = jnp.zeros((N,), dtype=h.dtype).at[dst].add(1.0)
    deg_inv_sqrt = jnp.where(deg > 0, deg ** -0.5, 0.0)
    norm = deg_inv_sqrt[src] * deg_inv_sqrt[dst]
    msg = h[src] * norm[:, None]
    out = jnp.zeros((N, h.shape[1]), dtype=h.dtype).at[dst].add(msg)
    return out + b

if __name__ == "__main__":
    import jax
    _d = setup_inputs()
    print(jax.jit(kernel)(*tuple(_d.values())))

</pallas_src>

<mosaic_0001>
#map = affine_map<(d0, d1) -> (0, 0)>
#map1 = affine_map<(d0, d1) -> (0)>
module attributes {stable_mosaic.version = 14 : i64} {
  func.func @_dinv_kernel(%arg0: i32, %arg1: i32, %arg2: memref<2x10240xf32, #tpu.memory_space<hbm>>, %arg3: memref<10240xf32, #tpu.memory_space<hbm>>, %arg4: memref<320xf32, #tpu.memory_space<vmem>>, %arg5: memref<320xf32, #tpu.memory_space<vmem>>) attributes {dimension_semantics = [#tpu.dimension_semantics<core_parallel>, #tpu.dimension_semantics<subcore_parallel>], iteration_bounds = array<i64: 2, 16>, scalar_prefetch = 0 : i64, scratch_operands = 2 : i64, tpu.core_type = #tpu.core_type<sc_vector_subcore>, window_params = [{transform_indices = #map}, {transform_indices = #map1}]} {
    %mul3A = arith.constant 2 : i32
    %mul3A_0 = arith.muli %arg1, %mul3A : i32
    %add3A = arith.addi %mul3A_0, %arg0 : i32
    %mul3A_1 = arith.constant 320 : i32
    %mul3A_2 = arith.muli %add3A, %mul3A_1 : i32
    %run_scoped3A = arith.constant 0 : i32
    "tpu.region"() ({
      %run_scoped3A_779 = tpu.sem_alloc : memref<!tpu.dma_semaphore, #tpu.memory_space<semaphore_mem>>
      %dma_start3A = tpu.memref_slice %arg2[%run_scoped3A, %mul3A_2] : memref<2x10240xf32, #tpu.memory_space<hbm>> -> memref<1x320xf32, #tpu.memory_space<hbm>>
      %dma_start3A_780 = tpu.memref_squeeze %dma_start3A : memref<1x320xf32, #tpu.memory_space<hbm>> -> memref<320xf32, #tpu.memory_space<hbm>>
      %dma_start3A_781 = tpu.memref_slice %arg2[%run_scoped3A, %mul3A_2] : memref<2x10240xf32, #tpu.memory_space<hbm>> -> memref<1x320xf32, #tpu.memory_space<hbm>>
      %dma_start3A_782 = tpu.memref_squeeze %dma_start3A_781 : memref<1x320xf32, #tpu.memory_space<hbm>> -> memref<320xf32, #tpu.memory_space<hbm>>
      tpu.enqueue_dma source(%dma_start3A_782 : memref<320xf32, #tpu.memory_space<hbm>>) target(%arg4 : memref<320xf32, #tpu.memory_space<vmem>>) target_semaphore(%run_scoped3A_779 : memref<!tpu.dma_semaphore, #tpu.memory_space<semaphore_mem>>)
      %dma_wait3A = tpu.memref_slice %arg2[%run_scoped3A, %mul3A_2] : memref<2x10240xf32, #tpu.memory_space<hbm>> -> memref<1x320xf32, #tpu.memory_space<hbm>>
      %dma_wait3A_783 = tpu.memref_squeeze %dma_wait3A : memref<1x320xf32, #tpu.memory_space<hbm>> -> memref<320xf32, #tpu.memory_space<hbm>>
      %dma_wait3A_784 = tpu.memref_slice %arg2[%run_scoped3A, %mul3A_2] : memref<2x10240xf32, #tpu.memory_space<hbm>> -> memref<1x320xf32, #tpu.memory_space<hbm>>
      %dma_wait3A_785 = tpu.memref_squeeze %dma_wait3A_784 : memref<1x320xf32, #tpu.memory_space<hbm>> -> memref<320xf32, #tpu.memory_space<hbm>>
      tpu.wait_dma2 semaphore(%run_scoped3A_779 : memref<!tpu.dma_semaphore, #tpu.memory_space<semaphore_mem>>) src(%dma_wait3A_785 : memref<320xf32, #tpu.memory_space<hbm>>) dst(%arg4 : memref<320xf32, #tpu.memory_space<vmem>>)
      tpu.yield
    }) : () -> ()
    %run_scoped3A_3 = arith.constant 1 : i32
    "tpu.region"() ({
      %run_scoped3A_779 = tpu.sem_alloc : memref<!tpu.dma_semaphore, #tpu.memory_space<semaphore_mem>>
      %dma_start3A = tpu.memref_slice %arg2[%run_scoped3A_3, %mul3A_2] : memref<2x10240xf32, #tpu.memory_space<hbm>> -> memref<1x320xf32, #tpu.memory_space<hbm>>
      %dma_start3A_780 = tpu.memref_squeeze %dma_start3A : memref<1x320xf32, #tpu.memory_space<hbm>> -> memref<320xf32, #tpu.memory_space<hbm>>
      %dma_start3A_781 = tpu.memref_slice %arg2[%run_scoped3A_3, %mul3A_2] : memref<2x10240xf32, #tpu.memory_space<hbm>> -> memref<1x320xf32, #tpu.memory_space<hbm>>
      %dma_start3A_782 = tpu.memref_squeeze %dma_start3A_781 : memref<1x320xf32, #tpu.memory_space<hbm>> -> memref<320xf32, #tpu.memory_space<hbm>>
      tpu.enqueue_dma source(%dma_start3A_782 : memref<320xf32, #tpu.memory_space<hbm>>) target(%arg5 : memref<320xf32, #tpu.memory_space<vmem>>) target_semaphore(%run_scoped3A_779 : memref<!tpu.dma_semaphore, #tpu.memory_space<semaphore_mem>>)
      %dma_wait3A = tpu.memref_slice %arg2[%run_scoped3A_3, %mul3A_2] : memref<2x10240xf32, #tpu.memory_space<hbm>> -> memref<1x320xf32, #tpu.memory_space<hbm>>
      %dma_wait3A_783 = tpu.memref_squeeze %dma_wait3A : memref<1x320xf32, #tpu.memory_space<hbm>> -> memref<320xf32, #tpu.memory_space<hbm>>
      %dma_wait3A_784 = tpu.memref_slice %arg2[%run_scoped3A_3, %mul3A_2] : memref<2x10240xf32, #tpu.memory_space<hbm>> -> memref<1x320xf32, #tpu.memory_space<hbm>>
      %dma_wait3A_785 = tpu.memref_squeeze %dma_wait3A_784 : memref<1x320xf32, #tpu.memory_space<hbm>> -> memref<320xf32, #tpu.memory_space<hbm>>
      tpu.wait_dma2 semaphore(%run_scoped3A_779 : memref<!tpu.dma_semaphore, #tpu.memory_space<semaphore_mem>>) src(%dma_wait3A_785 : memref<320xf32, #tpu.memory_space<hbm>>) dst(%arg5 : memref<320xf32, #tpu.memory_space<vmem>>)
      tpu.yield
    }) : () -> ()
    %get3A = arith.constant 0 : index
    %get3A_4 = tpu.vector_load %arg4[%get3A] {strides = array<i32>} : memref<320xf32, #tpu.memory_space<vmem>>, vector<16xf32>,
    %get3A_5 = arith.constant 0 : index
    %get3A_6 = tpu.vector_load %arg5[%get3A_5] {strides = array<i32>} : memref<320xf32, #tpu.memory_space<vmem>>, vector<16xf32>,
    %add3A_7 = arith.addf %get3A_4, %get3A_6 : vector<16xf32>
    %add3A_8 = arith.constant 1.000000e+00 : f32
    %add3A_9 = vector.broadcast %add3A_8 : f32 to vector<16xf32>
    %add3A_10 = arith.addf %add3A_7, %add3A_9 : vector<16xf32>
    %bitcast3A = vector.bitcast %add3A_10 : vector<16xf32> to vector<16xi32>
    %shift_right_arithmetic3A = arith.constant 1 : i32
    %shift_right_arithmetic3A_11 = vector.broadcast %shift_right_arithmetic3A : i32 to vector<16xi32>
    %shift_right_arithmetic3A_12 = arith.shrsi %bitcast3A, %shift_right_arithmetic3A_11 : vector<16xi32>
    %sub3A = arith.constant 1597463007 : i32
    %sub3A_13 = vector.broadcast %sub3A : i32 to vector<16xi32>
    %sub3A_14 = arith.subi %sub3A_13, %shift_right_arithmetic3A_12 : vector<16xi32>
    %bitcast3A_15 = vector.bitcast %sub3A_14 : vector<16xi32> to vector<16xf32>
    %mul3A_16 = arith.constant -5.000000e-01 : f32
    %mul3A_17 = vector.broadcast %mul3A_16 : f32 to vector<16xf32>
    %mul3A_18 = arith.mulf %mul3A_17, %add3A_10 : vector<16xf32>
    %mul3A_19 = arith.mulf %mul3A_18, %bitcast3A_15 : vector<16xf32>
    %mul3A_20 = arith.mulf %mul3A_19, %bitcast3A_15 : vector<16xf32>
    %add3A_21 = arith.constant 1.500000e+00 : f32
    %add3A_22 = vector.broadcast %add3A_21 : f32 to vector<16xf32>
    %add3A_23 = arith.addf %add3A_22, %mul3A_20 : vector<16xf32>
    %mul3A_24 = arith.mulf %bitcast3A_15, %add3A_23 : vector<16xf32>
    %mul3A_25 = arith.mulf %mul3A_18, %mul3A_24 : vector<16xf32>
    %mul3A_26 = arith.mulf %mul3A_25, %mul3A_24 : vector<16xf32>
    %add3A_27 = arith.constant 1.500000e+00 : f32
    %add3A_28 = vector.broadcast %add3A_27 : f32 to vector<16xf32>
    %add3A_29 = arith.addf %add3A_28, %mul3A_26 : vector<16xf32>
    %mul3A_30 = arith.mulf %mul3A_24, %add3A_29 : vector<16xf32>
    %mul3A_31 = arith.mulf %mul3A_18, %mul3A_30 : vector<16xf32>
    %mul3A_32 = arith.mulf %mul3A_31, %mul3A_30 : vector<16xf32>
    %add3A_33 = arith.constant 1.500000e+00 : f32
    %add3A_34 = vector.broadcast %add3A_33 : f32 to vector<16xf32>
    %add3A_35 = arith.addf %add3A_34, %mul3A_32 : vector<16xf32>
    %mul3A_36 = arith.mulf %mul3A_30, %add3A_35 : vector<16xf32>
    %swap3A = arith.constant 0 : index
    %swap3A_37 = tpu.vector_load %arg4[%swap3A] {strides = array<i32>} : memref<320xf32, #tpu.memory_space<vmem>>, vector<16xf32>,
    tpu.vector_store %arg4[%swap3A], %mul3A_36 {strides = array<i32>} : memref<320xf32, #tpu.memory_space<vmem>>, vector<16xf32>,
    %get3A_38 = arith.constant 16 : index
    %get3A_39 = tpu.vector_load %arg4[%get3A_38] {strides = array<i32>} : memref<320xf32, #tpu.memory_space<vmem>>, vector<16xf32>,
    %get3A_40 = arith.constant 16 : index
    %get3A_41 = tpu.vector_load %arg5[%get3A_40] {strides = array<i32>} : memref<320xf32, #tpu.memory_space<vmem>>, vector<16xf32>,
    %add3A_42 = arith.addf %get3A_39, %get3A_41 : vector<16xf32>
    %add3A_43 = arith.constant 1.000000e+00 : f32
    %add3A_44 = vector.broadcast %add3A_43 : f32 to vector<16xf32>
    %add3A_45 = arith.addf %add3A_42, %add3A_44 : vector<16xf32>
    %bitcast3A_46 = vector.bitcast %add3A_45 : vector<16xf32> to vector<16xi32>
    %shift_right_arithmetic3A_47 = arith.constant 1 : i32
    %shift_right_arithmetic3A_48 = vector.broadcast %shift_right_arithmetic3A_47 : i32 to vector<16xi32>
    %shift_right_arithmetic3A_49 = arith.shrsi %bitcast3A_46, %shift_right_arithmetic3A_48 : vector<16xi32>
    %sub3A_50 = arith.constant 1597463007 : i32
    %sub3A_51 = vector.broadcast %sub3A_50 : i32 to vector<16xi32>
    %sub3A_52 = arith.subi %sub3A_51, %shift_right_arithmetic3A_49 : vector<16xi32>
    %bitcast3A_53 = vector.bitcast %sub3A_52 : vector<16xi32> to vector<16xf32>
    %mul3A_54 = arith.constant -5.000000e-01 : f32
    %mul3A_55 = vector.broadcast %mul3A_54 : f32 to vector<16xf32>
    %mul3A_56 = arith.mulf %mul3A_55, %add3A_45 : vector<16xf32>
    %mul3A_57 = arith.mulf %mul3A_56, %bitcast3A_53 : vector<16xf32>
    %mul3A_58 = arith.mulf %mul3A_57, %bitcast3A_53 : vector<16xf32>
    %add3A_59 = arith.constant 1.500000e+00 : f32
    %add3A_60 = vector.broadcast %add3A_59 : f32 to vector<16xf32>
    %add3A_61 = arith.addf %add3A_60, %mul3A_58 : vector<16xf32>
    %mul3A_62 = arith.mulf %bitcast3A_53, %add3A_61 : vector<16xf32>
    %mul3A_63 = arith.mulf %mul3A_56, %mul3A_62 : vector<16xf32>
    %mul3A_64 = arith.mulf %mul3A_63, %mul3A_62 : vector<16xf32>
    %add3A_65 = arith.constant 1.500000e+00 : f32
    %add3A_66 = vector.broadcast %add3A_65 : f32 to vector<16xf32>
    %add3A_67 = arith.addf %add3A_66, %mul3A_64 : vector<16xf32>
    %mul3A_68 = arith.mulf %mul3A_62, %add3A_67 : vector<16xf32>
    %mul3A_69 = arith.mulf %mul3A_56, %mul3A_68 : vector<16xf32>
    %mul3A_70 = arith.mulf %mul3A_69, %mul3A_68 : vector<16xf32>
    %add3A_71 = arith.constant 1.500000e+00 : f32
    %add3A_72 = vector.broadcast %add3A_71 : f32 to vector<16xf32>
    %add3A_73 = arith.addf %add3A_72, %mul3A_70 : vector<16xf32>
    %mul3A_74 = arith.mulf %mul3A_68, %add3A_73 : vector<16xf32>
    %swap3A_75 = arith.constant 16 : index
    %swap3A_76 = tpu.vector_load %arg4[%swap3A_75] {strides = array<i32>} : memref<320xf32, #tpu.memory_space<vmem>>, vector<16xf32>,
    tpu.vector_store %arg4[%swap3A_75], %mul3A_74 {strides = array<i32>} : memref<320xf32, #tpu.memory_space<vmem>>, vector<16xf32>,
    %get3A_77 = arith.constant 32 : index
    %get3A_78 = tpu.vector_load %arg4[%get3A_77] {strides = array<i32>} : memref<320xf32, #tpu.memory_space<vmem>>, vector<16xf32>,
    %get3A_79 = arith.constant 32 : index
    %get3A_80 = tpu.vector_load %arg5[%get3A_79] {strides = array<i32>} : memref<320xf32, #tpu.memory_space<vmem>>, vector<16xf32>,
    %add3A_81 = arith.addf %get3A_78, %get3A_80 : vector<16xf32>
    %add3A_82 = arith.constant 1.000000e+00 : f32
    %add3A_83 = vector.broadcast %add3A_82 : f32 to vector<16xf32>
    %add3A_84 = arith.addf %add3A_81, %add3A_83 : vector<16xf32>
    %bitcast3A_85 = vector.bitcast %add3A_84 : vector<16xf32> to vector<16xi32>
    %shift_right_arithmetic3A_86 = arith.constant 1 : i32
    %shift_right_arithmetic3A_87 = vector.broadcast %shift_right_arithmetic3A_86 : i32 to vector<16xi32>
    %shift_right_arithmetic3A_88 = arith.shrsi %bitcast3A_85, %shift_right_arithmetic3A_87 : vector<16xi32>
    %sub3A_89 = arith.constant 1597463007 : i32
    %sub3A_90 = vector.broadcast %sub3A_89 : i32 to vector<16xi32>
    %sub3A_91 = arith.subi %sub3A_90, %shift_right_arithmetic3A_88 : vector<16xi32>
    %bitcast3A_92 = vector.bitcast %sub3A_91 : vector<16xi32> to vector<16xf32>
    %mul3A_93 = arith.constant -5.000000e-01 : f32
    %mul3A_94 = vector.broadcast %mul3A_93 : f32 to vector<16xf32>
    %mul3A_95 = arith.mulf %mul3A_94, %add3A_84 : vector<16xf32>
    %mul3A_96 = arith.mulf %mul3A_95, %bitcast3A_92 : vector<16xf32>
    %mul3A_97 = arith.mulf %mul3A_96, %bitcast3A_92 : vector<16xf32>
    %add3A_98 = arith.constant 1.500000e+00 : f32
    %add3A_99 = vector.broadcast %add3A_98 : f32 to vector<16xf32>
    %add3A_100 = arith.addf %add3A_99, %mul3A_97 : vector<16xf32>
    %mul3A_101 = arith.mulf %bitcast3A_92, %add3A_100 : vector<16xf32>
    %mul3A_102 = arith.mulf %mul3A_95, %mul3A_101 : vector<16xf32>
    %mul3A_103 = arith.mulf %mul3A_102, %mul3A_101 : vector<16xf32>
    %add3A_104 = arith.constant 1.500000e+00 : f32
    %add3A_105 = vector.broadcast %add3A_104 : f32 to vector<16xf32>
    %add3A_106 = arith.addf %add3A_105, %mul3A_103 : vector<16xf32>
    %mul3A_107 = arith.mulf %mul3A_101, %add3A_106 : vector<16xf32>
    %mul3A_108 = arith.mulf %mul3A_95, %mul3A_107 : vector<16xf32>
    %mul3A_109 = arith.mulf %mul3A_108, %mul3A_107 : vector<16xf32>
    %add3A_110 = arith.constant 1.500000e+00 : f32
    %add3A_111 = vector.broadcast %add3A_110 : f32 to vector<16xf32>
    %add3A_112 = arith.addf %add3A_111, %mul3A_109 : vector<16xf32>
    %mul3A_113 = arith.mulf %mul3A_107, %add3A_112 : vector<16xf32>
    %swap3A_114 = arith.constant 32 : index
    %swap3A_115 = tpu.vector_load %arg4[%swap3A_114] {strides = array<i32>} : memref<320xf32, #tpu.memory_space<vmem>>, vector<16xf32>,
    tpu.vector_store %arg4[%swap3A_114], %mul3A_113 {strides = array<i32>} : memref<320xf32, #tpu.memory_space<vmem>>, vector<16xf32>,
    %get3A_116 = arith.constant 48 : index
    %get3A_117 = tpu.vector_load %arg4[%get3A_116] {strides = array<i32>} : memref<320xf32, #tpu.memory_space<vmem>>, vector<16xf32>,
    %get3A_118 = arith.constant 48 : index
    %get3A_119 = tpu.vector_load %arg5[%get3A_118] {strides = array<i32>} : memref<320xf32, #tpu.memory_space<vmem>>, vector<16xf32>,
    %add3A_120 = arith.addf %get3A_117, %get3A_119 : vector<16xf32>
    %add3A_121 = arith.constant 1.000000e+00 : f32
    %add3A_122 = vector.broadcast %add3A_121 : f32 to vector<16xf32>
    %add3A_123 = arith.addf %add3A_120, %add3A_122 : vector<16xf32>
    %bitcast3A_124 = vector.bitcast %add3A_123 : vector<16xf32> to vector<16xi32>
    %shift_right_arithmetic3A_125 = arith.constant 1 : i32
    %shift_right_arithmetic3A_126 = vector.broadcast %shift_right_arithmetic3A_125 : i32 to vector<16xi32>
    %shift_right_arithmetic3A_127 = arith.shrsi %bitcast3A_124, %shift_right_arithmetic3A_126 : vector<16xi32>
    %sub3A_128 = arith.constant 1597463007 : i32
    %sub3A_129 = vector.broadcast %sub3A_128 : i32 to vector<16xi32>
    %sub3A_130 = arith.subi %sub3A_129, %shift_right_arithmetic3A_127 : vector<16xi32>
    %bitcast3A_131 = vector.bitcast %sub3A_130 : vector<16xi32> to vector<16xf32>
    %mul3A_132 = arith.constant -5.000000e-01 : f32
    %mul3A_133 = vector.broadcast %mul3A_132 : f32 to vector<16xf32>
    %mul3A_134 = arith.mulf %mul3A_133, %add3A_123 : vector<16xf32>
    %mul3A_135 = arith.mulf %mul3A_134, %bitcast3A_131 : vector<16xf32>
    %mul3A_136 = arith.mulf %mul3A_135, %bitcast3A_131 : vector<16xf32>
    %add3A_137 = arith.constant 1.500000e+00 : f32
    %add3A_138 = vector.broadcast %add3A_137 : f32 to vector<16xf32>
    %add3A_139 = arith.addf %add3A_138, %mul3A_136 : vector<16xf32>
    %mul3A_140 = arith.mulf %bitcast3A_131, %add3A_139 : vector<16xf32>
    %mul3A_141 = arith.mulf %mul3A_134, %mul3A_140 : vector<16xf32>
    %mul3A_142 = arith.mulf %mul3A_141, %mul3A_140 : vector<16xf32>
    %add3A_143 = arith.constant 1.500000e+00 : f32
    %add3A_144 = vector.broadcast %add3A_143 : f32 to vector<16xf32>
    %add3A_145 = arith.addf %add3A_144, %mul3A_142 : vector<16xf32>
    %mul3A_146 = arith.mulf %mul3A_140, %add3A_145 : vector<16xf32>
    %mul3A_147 = arith.mulf %mul3A_134, %mul3A_146 : vector<16xf32>
    %mul3A_148 = arith.mulf %mul3A_147, %mul3A_146 : vector<16xf32>
    %add3A_149 = arith.constant 1.500000e+00 : f32
    %add3A_150 = vector.broadcast %add3A_149 : f32 to vector<16xf32>
    %add3A_151 = arith.addf %add3A_150, %mul3A_148 : vector<16xf32>
    %mul3A_152 = arith.mulf %mul3A_146, %add3A_151 : vector<16xf32>
    %swap3A_153 = arith.constant 48 : index
    %swap3A_154 = tpu.vector_load %arg4[%swap3A_153] {strides = array<i32>} : memref<320xf32, #tpu.memory_space<vmem>>, vector<16xf32>,
    tpu.vector_store %arg4[%swap3A_153], %mul3A_152 {strides = array<i32>} : memref<320xf32, #tpu.memory_space<vmem>>, vector<16xf32>,
    %get3A_155 = arith.constant 64 : index
    %get3A_156 = tpu.vector_load %arg4[%get3A_155] {strides = array<i32>} : memref<320xf32, #tpu.memory_space<vmem>>, vector<16xf32>,
    %get3A_157 = arith.constant 64 : index
    %get3A_158 = tpu.vector_load %arg5[%get3A_157] {strides = array<i32>} : memref<320xf32, #tpu.memory_space<vmem>>, vector<16xf32>,
    %add3A_159 = arith.addf %get3A_156, %get3A_158 : vector<16xf32>
    %add3A_160 = arith.constant 1.000000e+00 : f32
    %add3A_161 = vector.broadcast %add3A_160 : f32 to vector<16xf32>
    %add3A_162 = arith.addf %add3A_159, %add3A_161 : vector<16xf32>
    %bitcast3A_163 = vector.bitcast %add3A_162 : vector<16xf32> to vector<16xi32>
    %shift_right_arithmetic3A_164 = arith.constant 1 : i32
    %shift_right_arithmetic3A_165 = vector.broadcast %shift_right_arithmetic3A_164 : i32 to vector<16xi32>
    %shift_right_arithmetic3A_166 = arith.shrsi %bitcast3A_163, %shift_right_arithmetic3A_165 : vector<16xi32>
    %sub3A_167 = arith.constant 1597463007 : i32
    %sub3A_168 = vector.broadcast %sub3A_167 : i32 to vector<16xi32>
    %sub3A_169 = arith.subi %sub3A_168, %shift_right_arithmetic3A_166 : vector<16xi32>
    %bitcast3A_170 = vector.bitcast %sub3A_169 : vector<16xi32> to vector<16xf32>
    %mul3A_171 = arith.constant -5.000000e-01 : f32
    %mul3A_172 = vector.broadcast %mul3A_171 : f32 to vector<16xf32>
    %mul3A_173 = arith.mulf %mul3A_172, %add3A_162 : vector<16xf32>
    %mul3A_174 = arith.mulf %mul3A_173, %bitcast3A_170 : vector<16xf32>
    %mul3A_175 = arith.mulf %mul3A_174, %bitcast3A_170 : vector<16xf32>
    %add3A_176 = arith.constant 1.500000e+00 : f32
    %add3A_177 = vector.broadcast %add3A_176 : f32 to vector<16xf32>
    %add3A_178 = arith.addf %add3A_177, %mul3A_175 : vector<16xf32>
    %mul3A_179 = arith.mulf %bitcast3A_170, %add3A_178 : vector<16xf32>
    %mul3A_180 = arith.mulf %mul3A_173, %mul3A_179 : vector<16xf32>
    %mul3A_181 = arith.mulf %mul3A_180, %mul3A_179 : vector<16xf32>
    %add3A_182 = arith.constant 1.500000e+00 : f32
    %add3A_183 = vector.broadcast %add3A_182 : f32 to vector<16xf32>
    %add3A_184 = arith.addf %add3A_183, %mul3A_181 : vector<16xf32>
    %mul3A_185 = arith.mulf %mul3A_179, %add3A_184 : vector<16xf32>
    %mul3A_186 = arith.mulf %mul3A_173, %mul3A_185 : vector<16xf32>
    %mul3A_187 = arith.mulf %mul3A_186, %mul3A_185 : vector<16xf32>
    %add3A_188 = arith.constant 1.500000e+00 : f32
    %add3A_189 = vector.broadcast %add3A_188 : f32 to vector<16xf32>
    %add3A_190 = arith.addf %add3A_189, %mul3A_187 : vector<16xf32>
    %mul3A_191 = arith.mulf %mul3A_185, %add3A_190 : vector<16xf32>
    %swap3A_192 = arith.constant 64 : index
    %swap3A_193 = tpu.vector_load %arg4[%swap3A_192] {strides = array<i32>} : memref<320xf32, #tpu.memory_space<vmem>>, vector<16xf32>,
    tpu.vector_store %arg4[%swap3A_192], %mul3A_191 {strides = array<i32>} : memref<320xf32, #tpu.memory_space<vmem>>, vector<16xf32>,
    %get3A_194 = arith.constant 80 : index
    %get3A_195 = tpu.vector_load %arg4[%get3A_194] {strides = array<i32>} : memref<320xf32, #tpu.memory_space<vmem>>, vector<16xf32>,
    %get3A_196 = arith.constant 80 : index
    %get3A_197 = tpu.vector_load %arg5[%get3A_196] {strides = array<i32>} : memref<320xf32, #tpu.memory_space<vmem>>, vector<16xf32>,
    %add3A_198 = arith.addf %get3A_195, %get3A_197 : vector<16xf32>
    %add3A_199 = arith.constant 1.000000e+00 : f32
    %add3A_200 = vector.broadcast %add3A_199 : f32 to vector<16xf32>
    %add3A_201 = arith.addf %add3A_198, %add3A_200 : vector<16xf32>
    %bitcast3A_202 = vector.bitcast %add3A_201 : vector<16xf32> to vector<16xi32>
    %shift_right_arithmetic3A_203 = arith.constant 1 : i32
    %shift_right_arithmetic3A_204 = vector.broadcast %shift_right_arithmetic3A_203 : i32 to vector<16xi32>
    %shift_right_arithmetic3A_205 = arith.shrsi %bitcast3A_202, %shift_right_arithmetic3A_204 : vector<16xi32>
    %sub3A_206 = arith.constant 1597463007 : i32
    %sub3A_207 = vector.broadcast %sub3A_206 : i32 to vector<16xi32>
    %sub3A_208 = arith.subi %sub3A_207, %shift_right_arithmetic3A_205 : vector<16xi32>
    %bitcast3A_209 = vector.bitcast %sub3A_208 : vector<16xi32> to vector<16xf32>
    %mul3A_210 = arith.constant -5.000000e-01 : f32
    %mul3A_211 = vector.broadcast %mul3A_210 : f32 to vector<16xf32>
    %mul3A_212 = arith.mulf %mul3A_211, %add3A_201 : vector<16xf32>
    %mul3A_213 = arith.mulf %mul3A_212, %bitcast3A_209 : vector<16xf32>
    %mul3A_214 = arith.mulf %mul3A_213, %bitcast3A_209 : vector<16xf32>
    %add3A_215 = arith.constant 1.500000e+00 : f32
    %add3A_216 = vector.broadcast %add3A_215 : f32 to vector<16xf32>
    %add3A_217 = arith.addf %add3A_216, %mul3A_214 : vector<16xf32>
    %mul3A_218 = arith.mulf %bitcast3A_209, %add3A_217 : vector<16xf32>
    %mul3A_219 = arith.mulf %mul3A_212, %mul3A_218 : vector<16xf32>
    %mul3A_220 = arith.mulf %mul3A_219, %mul3A_218 : vector<16xf32>
    %add3A_221 = arith.constant 1.500000e+00 : f32
    %add3A_222 = vector.broadcast %add3A_221 : f32 to vector<16xf32>
    %add3A_223 = arith.addf %add3A_222, %mul3A_220 : vector<16xf32>
    %mul3A_224 = arith.mulf %mul3A_218, %add3A_223 : vector<16xf32>
    %mul3A_225 = arith.mulf %mul3A_212, %mul3A_224 : vector<16xf32>
    %mul3A_226 = arith.mulf %mul3A_225, %mul3A_224 : vector<16xf32>
    %add3A_227 = arith.constant 1.500000e+00 : f32
    %add3A_228 = vector.broadcast %add3A_227 : f32 to vector<16xf32>
    %add3A_229 = arith.addf %add3A_228, %mul3A_226 : vector<16xf32>
    %mul3A_230 = arith.mulf %mul3A_224, %add3A_229 : vector<16xf32>
    %swap3A_231 = arith.constant 80 : index
    %swap3A_232 = tpu.vector_load %arg4[%swap3A_231] {strides = array<i32>} : memref<320xf32, #tpu.memory_space<vmem>>, vector<16xf32>,
    tpu.vector_store %arg4[%swap3A_231], %mul3A_230 {strides = array<i32>} : memref<320xf32, #tpu.memory_space<vmem>>, vector<16xf32>,
    %get3A_233 = arith.constant 96 : index
    %get3A_234 = tpu.vector_load %arg4[%get3A_233] {strides = array<i32>} : memref<320xf32, #tpu.memory_space<vmem>>, vector<16xf32>,
    %get3A_235 = arith.constant 96 : index
    %get3A_236 = tpu.vector_load %arg5[%get3A_235] {strides = array<i32>} : memref<320xf32, #tpu.memory_space<vmem>>, vector<16xf32>,
    %add3A_237 = arith.addf %get3A_234, %get3A_236 : vector<16xf32>
    %add3A_238 = arith.constant 1.000000e+00 : f32
    %add3A_239 = vector.broadcast %add3A_238 : f32 to vector<16xf32>
    %add3A_240 = arith.addf %add3A_237, %add3A_239 : vector<16xf32>
    %bitcast3A_241 = vector.bitcast %add3A_240 : vector<16xf32> to vector<16xi32>
    %shift_right_arithmetic3A_242 = arith.constant 1 : i32
    %shift_right_arithmetic3A_243 = vector.broadcast %shift_right_arithmetic3A_242 : i32 to vector<16xi32>
    %shift_right_arithmetic3A_244 = arith.shrsi %bitcast3A_241, %shift_right_arithmetic3A_243 : vector<16xi32>
    %sub3A_245 = arith.constant 1597463007 : i32
    %sub3A_246 = vector.broadcast %sub3A_245 : i32 to vector<16xi32>
    %sub3A_247 = arith.subi %sub3A_246, %shift_right_arithmetic3A_244 : vector<16xi32>
    %bitcast3A_248 = vector.bitcast %sub3A_247 : vector<16xi32> to vector<16xf32>
    %mul3A_249 = arith.constant -5.000000e-01 : f32
    %mul3A_250 = vector.broadcast %mul3A_249 : f32 to vector<16xf32>
    %mul3A_251 = arith.mulf %mul3A_250, %add3A_240 : vector<16xf32>
    %mul3A_252 = arith.mulf %mul3A_251, %bitcast3A_248 : vector<16xf32>
    %mul3A_253 = arith.mulf %mul3A_252, %bitcast3A_248 : vector<16xf32>
    %add3A_254 = arith.constant 1.500000e+00 : f32
    %add3A_255 = vector.broadcast %add3A_254 : f32 to vector<16xf32>
    %add3A_256 = arith.addf %add3A_255, %mul3A_253 : vector<16xf32>
    %mul3A_257 = arith.mulf %bitcast3A_248, %add3A_256 : vector<16xf32>
    %mul3A_258 = arith.mulf %mul3A_251, %mul3A_257 : vector<16xf32>
    %mul3A_259 = arith.mulf %mul3A_258, %mul3A_257 : vector<16xf32>
    %add3A_260 = arith.constant 1.500000e+00 : f32
    %add3A_261 = vector.broadcast %add3A_260 : f32 to vector<16xf32>
    %add3A_262 = arith.addf %add3A_261, %mul3A_259 : vector<16xf32>
    %mul3A_263 = arith.mulf %mul3A_257, %add3A_262 : vector<16xf32>
    %mul3A_264 = arith.mulf %mul3A_251, %mul3A_263 : vector<16xf32>
    %mul3A_265 = arith.mulf %mul3A_264, %mul3A_263 : vector<16xf32>
    %add3A_266 = arith.constant 1.500000e+00 : f32
    %add3A_267 = vector.broadcast %add3A_266 : f32 to vector<16xf32>
    %add3A_268 = arith.addf %add3A_267, %mul3A_265 : vector<16xf32>
    %mul3A_269 = arith.mulf %mul3A_263, %add3A_268 : vector<16xf32>
    %swap3A_270 = arith.constant 96 : index
    %swap3A_271 = tpu.vector_load %arg4[%swap3A_270] {strides = array<i32>} : memref<320xf32, #tpu.memory_space<vmem>>, vector<16xf32>,
    tpu.vector_store %arg4[%swap3A_270], %mul3A_269 {strides = array<i32>} : memref<320xf32, #tpu.memory_space<vmem>>, vector<16xf32>,
    %get3A_272 = arith.constant 112 : index
    %get3A_273 = tpu.vector_load %arg4[%get3A_272] {strides = array<i32>} : memref<320xf32, #tpu.memory_space<vmem>>, vector<16xf32>,
    %get3A_274 = arith.constant 112 : index
    %get3A_275 = tpu.vector_load %arg5[%get3A_274] {strides = array<i32>} : memref<320xf32, #tpu.memory_space<vmem>>, vector<16xf32>,
    %add3A_276 = arith.addf %get3A_273, %get3A_275 : vector<16xf32>
    %add3A_277 = arith.constant 1.000000e+00 : f32
    %add3A_278 = vector.broadcast %add3A_277 : f32 to vector<16xf32>
    %add3A_279 = arith.addf %add3A_276, %add3A_278 : vector<16xf32>
    %bitcast3A_280 = vector.bitcast %add3A_279 : vector<16xf32> to vector<16xi32>
    %shift_right_arithmetic3A_281 = arith.constant 1 : i32
    %shift_right_arithmetic3A_282 = vector.broadcast %shift_right_arithmetic3A_281 : i32 to vector<16xi32>
    %shift_right_arithmetic3A_283 = arith.shrsi %bitcast3A_280, %shift_right_arithmetic3A_282 : vector<16xi32>
    %sub3A_284 = arith.constant 1597463007 : i32
    %sub3A_285 = vector.broadcast %sub3A_284 : i32 to vector<16xi32>
    %sub3A_286 = arith.subi %sub3A_285, %shift_right_arithmetic3A_283 : vector<16xi32>
    %bitcast3A_287 = vector.bitcast %sub3A_286 : vector<16xi32> to vector<16xf32>
    %mul3A_288 = arith.constant -5.000000e-01 : f32
    %mul3A_289 = vector.broadcast %mul3A_288 : f32 to vector<16xf32>
    %mul3A_290 = arith.mulf %mul3A_289, %add3A_279 : vector<16xf32>
    %mul3A_291 = arith.mulf %mul3A_290, %bitcast3A_287 : vector<16xf32>
    %mul3A_292 = arith.mulf %mul3A_291, %bitcast3A_287 : vector<16xf32>
    %add3A_293 = arith.constant 1.500000e+00 : f32
    %add3A_294 = vector.broadcast %add3A_293 : f32 to vector<16xf32>
    %add3A_295 = arith.addf %add3A_294, %mul3A_292 : vector<16xf32>
    %mul3A_296 = arith.mulf %bitcast3A_287, %add3A_295 : vector<16xf32>
    %mul3A_297 = arith.mulf %mul3A_290, %mul3A_296 : vector<16xf32>
    %mul3A_298 = arith.mulf %mul3A_297, %mul3A_296 : vector<16xf32>
    %add3A_299 = arith.constant 1.500000e+00 : f32
    %add3A_300 = vector.broadcast %add3A_299 : f32 to vector<16xf32>
    %add3A_301 = arith.addf %add3A_300, %mul3A_298 : vector<16xf32>
    %mul3A_302 = arith.mulf %mul3A_296, %add3A_301 : vector<16xf32>
    %mul3A_303 = arith.mulf %mul3A_290, %mul3A_302 : vector<16xf32>
    %mul3A_304 = arith.mulf %mul3A_303, %mul3A_302 : vector<16xf32>
    %add3A_305 = arith.constant 1.500000e+00 : f32
    %add3A_306 = vector.broadcast %add3A_305 : f32 to vector<16xf32>
    %add3A_307 = arith.addf %add3A_306, %mul3A_304 : vector<16xf32>
    %mul3A_308 = arith.mulf %mul3A_302, %add3A_307 : vector<16xf32>
    %swap3A_309 = arith.constant 112 : index
    %swap3A_310 = tpu.vector_load %arg4[%swap3A_309] {strides = array<i32>} : memref<320xf32, #tpu.memory_space<vmem>>, vector<16xf32>,
    tpu.vector_store %arg4[%swap3A_309], %mul3A_308 {strides = array<i32>} : memref<320xf32, #tpu.memory_space<vmem>>, vector<16xf32>,
    %get3A_311 = arith.constant 128 : index
    %get3A_312 = tpu.vector_load %arg4[%get3A_311] {strides = array<i32>} : memref<320xf32, #tpu.memory_space<vmem>>, vector<16xf32>,
    %get3A_313 = arith.constant 128 : index
    %get3A_314 = tpu.vector_load %arg5[%get3A_313] {strides = array<i32>} : memref<320xf32, #tpu.memory_space<vmem>>, vector<16xf32>,
    %add3A_315 = arith.addf %get3A_312, %get3A_314 : vector<16xf32>
    %add3A_316 = arith.constant 1.000000e+00 : f32
    %add3A_317 = vector.broadcast %add3A_316 : f32 to vector<16xf32>
    %add3A_318 = arith.addf %add3A_315, %add3A_317 : vector<16xf32>
    %bitcast3A_319 = vector.bitcast %add3A_318 : vector<16xf32> to vector<16xi32>
    %shift_right_arithmetic3A_320 = arith.constant 1 : i32
    %shift_right_arithmetic3A_321 = vector.broadcast %shift_right_arithmetic3A_320 : i32 to vector<16xi32>
    %shift_right_arithmetic3A_322 = arith.shrsi %bitcast3A_319, %shift_right_arithmetic3A_321 : vector<16xi32>
    %sub3A_323 = arith.constant 1597463007 : i32
    %sub3A_324 = vector.broadcast %sub3A_323 : i32 to vector<16xi32>
    %sub3A_325 = arith.subi %sub3A_324, %shift_right_arithmetic3A_322 : vector<16xi32>
    %bitcast3A_326 = vector.bitcast %sub3A_325 : vector<16xi32> to vector<16xf32>
    %mul3A_327 = arith.constant -5.000000e-01 : f32
    %mul3A_328 = vector.broadcast %mul3A_327 : f32 to vector<16xf32>
    %mul3A_329 = arith.mulf %mul3A_328, %add3A_318 : vector<16xf32>
    %mul3A_330 = arith.mulf %mul3A_329, %bitcast3A_326 : vector<16xf32>
    %mul3A_331 = arith.mulf %mul3A_330, %bitcast3A_326 : vector<16xf32>
    %add3A_332 = arith.constant 1.500000e+00 : f32
    %add3A_333 = vector.broadcast %add3A_332 : f32 to vector<16xf32>
    %add3A_334 = arith.addf %add3A_333, %mul3A_331 : vector<16xf32>
    %mul3A_335 = arith.mulf %bitcast3A_326, %add3A_334 : vector<16xf32>
    %mul3A_336 = arith.mulf %mul3A_329, %mul3A_335 : vector<16xf32>
    %mul3A_337 = arith.mulf %mul3A_336, %mul3A_335 : vector<16xf32>
    %add3A_338 = arith.constant 1.500000e+00 : f32
    %add3A_339 = vector.broadcast %add3A_338 : f32 to vector<16xf32>
    %add3A_340 = arith.addf %add3A_339, %mul3A_337 : vector<16xf32>
    %mul3A_341 = arith.mulf %mul3A_335, %add3A_340 : vector<16xf32>
    %mul3A_342 = arith.mulf %mul3A_329, %mul3A_341 : vector<16xf32>
    %mul3A_343 = arith.mulf %mul3A_342, %mul3A_341 : vector<16xf32>
    %add3A_344 = arith.constant 1.500000e+00 : f32
    %add3A_345 = vector.broadcast %add3A_344 : f32 to vector<16xf32>
    %add3A_346 = arith.addf %add3A_345, %mul3A_343 : vector<16xf32>
    %mul3A_347 = arith.mulf %mul3A_341, %add3A_346 : vector<16xf32>
    %swap3A_348 = arith.constant 128 : index
    %swap3A_349 = tpu.vector_load %arg4[%swap3A_348] {strides = array<i32>} : memref<320xf32, #tpu.memory_space<vmem>>, vector<16xf32>,
    tpu.vector_store %arg4[%swap3A_348], %mul3A_347 {strides = array<i32>} : memref<320xf32, #tpu.memory_space<vmem>>, vector<16xf32>,
    %get3A_350 = arith.constant 144 : index
    %get3A_351 = tpu.vector_load %arg4[%get3A_350] {strides = array<i32>} : memref<320xf32, #tpu.memory_space<vmem>>, vector<16xf32>,
    %get3A_352 = arith.constant 144 : index
    %get3A_353 = tpu.vector_load %arg5[%get3A_352] {strides = array<i32>} : memref<320xf32, #tpu.memory_space<vmem>>, vector<16xf32>,
    %add3A_354 = arith.addf %get3A_351, %get3A_353 : vector<16xf32>
    %add3A_355 = arith.constant 1.000000e+00 : f32
    %add3A_356 = vector.broadcast %add3A_355 : f32 to vector<16xf32>
    %add3A_357 = arith.addf %add3A_354, %add3A_356 : vector<16xf32>
    %bitcast3A_358 = vector.bitcast %add3A_357 : vector<16xf32> to vector<16xi32>
    %shift_right_arithmetic3A_359 = arith.constant 1 : i32
    %shift_right_arithmetic3A_360 = vector.broadcast %shift_right_arithmetic3A_359 : i32 to vector<16xi32>
    %shift_right_arithmetic3A_361 = arith.shrsi %bitcast3A_358, %shift_right_arithmetic3A_360 : vector<16xi32>
    %sub3A_362 = arith.constant 1597463007 : i32
    %sub3A_363 = vector.broadcast %sub3A_362 : i32 to vector<16xi32>
    %sub3A_364 = arith.subi %sub3A_363, %shift_right_arithmetic3A_361 : vector<16xi32>
    %bitcast3A_365 = vector.bitcast %sub3A_364 : vector<16xi32> to vector<16xf32>
    %mul3A_366 = arith.constant -5.000000e-01 : f32
    %mul3A_367 = vector.broadcast %mul3A_366 : f32 to vector<16xf32>
    %mul3A_368 = arith.mulf %mul3A_367, %add3A_357 : vector<16xf32>
    %mul3A_369 = arith.mulf %mul3A_368, %bitcast3A_365 : vector<16xf32>
    %mul3A_370 = arith.mulf %mul3A_369, %bitcast3A_365 : vector<16xf32>
    %add3A_371 = arith.constant 1.500000e+00 : f32
    %add3A_372 = vector.broadcast %add3A_371 : f32 to vector<16xf32>
    %add3A_373 = arith.addf %add3A_372, %mul3A_370 : vector<16xf32>
    %mul3A_374 = arith.mulf %bitcast3A_365, %add3A_373 : vector<16xf32>
    %mul3A_375 = arith.mulf %mul3A_368, %mul3A_374 : vector<16xf32>
    %mul3A_376 = arith.mulf %mul3A_375, %mul3A_374 : vector<16xf32>
    %add3A_377 = arith.constant 1.500000e+00 : f32
    %add3A_378 = vector.broadcast %add3A_377 : f32 to vector<16xf32>
    %add3A_379 = arith.addf %add3A_378, %mul3A_376 : vector<16xf32>
    %mul3A_380 = arith.mulf %mul3A_374, %add3A_379 : vector<16xf32>
    %mul3A_381 = arith.mulf %mul3A_368, %mul3A_380 : vector<16xf32>
    %mul3A_382 = arith.mulf %mul3A_381, %mul3A_380 : vector<16xf32>
    %add3A_383 = arith.constant 1.500000e+00 : f32
    %add3A_384 = vector.broadcast %add3A_383 : f32 to vector<16xf32>
    %add3A_385 = arith.addf %add3A_384, %mul3A_382 : vector<16xf32>
    %mul3A_386 = arith.mulf %mul3A_380, %add3A_385 : vector<16xf32>
    %swap3A_387 = arith.constant 144 : index
    %swap3A_388 = tpu.vector_load %arg4[%swap3A_387] {strides = array<i32>} : memref<320xf32, #tpu.memory_space<vmem>>, vector<16xf32>,
    tpu.vector_store %arg4[%swap3A_387], %mul3A_386 {strides = array<i32>} : memref<320xf32, #tpu.memory_space<vmem>>, vector<16xf32>,
    %get3A_389 = arith.constant 160 : index
    %get3A_390 = tpu.vector_load %arg4[%get3A_389] {strides = array<i32>} : memref<320xf32, #tpu.memory_space<vmem>>, vector<16xf32>,
    %get3A_391 = arith.constant 160 : index
    %get3A_392 = tpu.vector_load %arg5[%get3A_391] {strides = array<i32>} : memref<320xf32, #tpu.memory_space<vmem>>, vector<16xf32>,
    %add3A_393 = arith.addf %get3A_390, %get3A_392 : vector<16xf32>
    %add3A_394 = arith.constant 1.000000e+00 : f32
    %add3A_395 = vector.broadcast %add3A_394 : f32 to vector<16xf32>
    %add3A_396 = arith.addf %add3A_393, %add3A_395 : vector<16xf32>
    %bitcast3A_397 = vector.bitcast %add3A_396 : vector<16xf32> to vector<16xi32>
    %shift_right_arithmetic3A_398 = arith.constant 1 : i32
    %shift_right_arithmetic3A_399 = vector.broadcast %shift_right_arithmetic3A_398 : i32 to vector<16xi32>
    %shift_right_arithmetic3A_400 = arith.shrsi %bitcast3A_397, %shift_right_arithmetic3A_399 : vector<16xi32>
    %sub3A_401 = arith.constant 1597463007 : i32
    %sub3A_402 = vector.broadcast %sub3A_401 : i32 to vector<16xi32>
    %sub3A_403 = arith.subi %sub3A_402, %shift_right_arithmetic3A_400 : vector<16xi32>
    %bitcast3A_404 = vector.bitcast %sub3A_403 : vector<16xi32> to vector<16xf32>
    %mul3A_405 = arith.constant -5.000000e-01 : f32
    %mul3A_406 = vector.broadcast %mul3A_405 : f32 to vector<16xf32>
    %mul3A_407 = arith.mulf %mul3A_406, %add3A_396 : vector<16xf32>
    %mul3A_408 = arith.mulf %mul3A_407, %bitcast3A_404 : vector<16xf32>
    %mul3A_409 = arith.mulf %mul3A_408, %bitcast3A_404 : vector<16xf32>
    %add3A_410 = arith.constant 1.500000e+00 : f32
    %add3A_411 = vector.broadcast %add3A_410 : f32 to vector<16xf32>
    %add3A_412 = arith.addf %add3A_411, %mul3A_409 : vector<16xf32>
    %mul3A_413 = arith.mulf %bitcast3A_404, %add3A_412 : vector<16xf32>
    %mul3A_414 = arith.mulf %mul3A_407, %mul3A_413 : vector<16xf32>
    %mul3A_415 = arith.mulf %mul3A_414, %mul3A_413 : vector<16xf32>
    %add3A_416 = arith.constant 1.500000e+00 : f32
    %add3A_417 = vector.broadcast %add3A_416 : f32 to vector<16xf32>
    %add3A_418 = arith.addf %add3A_417, %mul3A_415 : vector<16xf32>
    %mul3A_419 = arith.mulf %mul3A_413, %add3A_418 : vector<16xf32>
    %mul3A_420 = arith.mulf %mul3A_407, %mul3A_419 : vector<16xf32>
    %mul3A_421 = arith.mulf %mul3A_420, %mul3A_419 : vector<16xf32>
    %add3A_422 = arith.constant 1.500000e+00 : f32
    %add3A_423 = vector.broadcast %add3A_422 : f32 to vector<16xf32>
    %add3A_424 = arith.addf %add3A_423, %mul3A_421 : vector<16xf32>
    %mul3A_425 = arith.mulf %mul3A_419, %add3A_424 : vector<16xf32>
    %swap3A_426 = arith.constant 160 : index
    %swap3A_427 = tpu.vector_load %arg4[%swap3A_426] {strides = array<i32>} : memref<320xf32, #tpu.memory_space<vmem>>, vector<16xf32>,
    tpu.vector_store %arg4[%swap3A_426], %mul3A_425 {strides = array<i32>} : memref<320xf32, #tpu.memory_space<vmem>>, vector<16xf32>,
    %get3A_428 = arith.constant 176 : index
    %get3A_429 = tpu.vector_load %arg4[%get3A_428] {strides = array<i32>} : memref<320xf32, #tpu.memory_space<vmem>>, vector<16xf32>,
    %get3A_430 = arith.constant 176 : index
    %get3A_431 = tpu.vector_load %arg5[%get3A_430] {strides = array<i32>} : memref<320xf32, #tpu.memory_space<vmem>>, vector<16xf32>,
    %add3A_432 = arith.addf %get3A_429, %get3A_431 : vector<16xf32>
    %add3A_433 = arith.constant 1.000000e+00 : f32
    %add3A_434 = vector.broadcast %add3A_433 : f32 to vector<16xf32>
    %add3A_435 = arith.addf %add3A_432, %add3A_434 : vector<16xf32>
    %bitcast3A_436 = vector.bitcast %add3A_435 : vector<16xf32> to vector<16xi32>
    %shift_right_arithmetic3A_437 = arith.constant 1 : i32
    %shift_right_arithmetic3A_438 = vector.broadcast %shift_right_arithmetic3A_437 : i32 to vector<16xi32>
    %shift_right_arithmetic3A_439 = arith.shrsi %bitcast3A_436, %shift_right_arithmetic3A_438 : vector<16xi32>
    %sub3A_440 = arith.constant 1597463007 : i32
    %sub3A_441 = vector.broadcast %sub3A_440 : i32 to vector<16xi32>
    %sub3A_442 = arith.subi %sub3A_441, %shift_right_arithmetic3A_439 : vector<16xi32>
    %bitcast3A_443 = vector.bitcast %sub3A_442 : vector<16xi32> to vector<16xf32>
    %mul3A_444 = arith.constant -5.000000e-01 : f32
    %mul3A_445 = vector.broadcast %mul3A_444 : f32 to vector<16xf32>
    %mul3A_446 = arith.mulf %mul3A_445, %add3A_435 : vector<16xf32>
    %mul3A_447 = arith.mulf %mul3A_446, %bitcast3A_443 : vector<16xf32>
    %mul3A_448 = arith.mulf %mul3A_447, %bitcast3A_443 : vector<16xf32>
    %add3A_449 = arith.constant 1.500000e+00 : f32
    %add3A_450 = vector.broadcast %add3A_449 : f32 to vector<16xf32>
    %add3A_451 = arith.addf %add3A_450, %mul3A_448 : vector<16xf32>
    %mul3A_452 = arith.mulf %bitcast3A_443, %add3A_451 : vector<16xf32>
    %mul3A_453 = arith.mulf %mul3A_446, %mul3A_452 : vector<16xf32>
    %mul3A_454 = arith.mulf %mul3A_453, %mul3A_452 : vector<16xf32>
    %add3A_455 = arith.constant 1.500000e+00 : f32
    %add3A_456 = vector.broadcast %add3A_455 : f32 to vector<16xf32>
    %add3A_457 = arith.addf %add3A_456, %mul3A_454 : vector<16xf32>
    %mul3A_458 = arith.mulf %mul3A_452, %add3A_457 : vector<16xf32>
    %mul3A_459 = arith.mulf %mul3A_446, %mul3A_458 : vector<16xf32>
    %mul3A_460 = arith.mulf %mul3A_459, %mul3A_458 : vector<16xf32>
    %add3A_461 = arith.constant 1.500000e+00 : f32
    %add3A_462 = vector.broadcast %add3A_461 : f32 to vector<16xf32>
    %add3A_463 = arith.addf %add3A_462, %mul3A_460 : vector<16xf32>
    %mul3A_464 = arith.mulf %mul3A_458, %add3A_463 : vector<16xf32>
    %swap3A_465 = arith.constant 176 : index
    %swap3A_466 = tpu.vector_load %arg4[%swap3A_465] {strides = array<i32>} : memref<320xf32, #tpu.memory_space<vmem>>, vector<16xf32>,
    tpu.vector_store %arg4[%swap3A_465], %mul3A_464 {strides = array<i32>} : memref<320xf32, #tpu.memory_space<vmem>>, vector<16xf32>,
    %get3A_467 = arith.constant 192 : index
    %get3A_468 = tpu.vector_load %arg4[%get3A_467] {strides = array<i32>} : memref<320xf32, #tpu.memory_space<vmem>>, vector<16xf32>,
    %get3A_469 = arith.constant 192 : index
    %get3A_470 = tpu.vector_load %arg5[%get3A_469] {strides = array<i32>} : memref<320xf32, #tpu.memory_space<vmem>>, vector<16xf32>,
    %add3A_471 = arith.addf %get3A_468, %get3A_470 : vector<16xf32>
    %add3A_472 = arith.constant 1.000000e+00 : f32
    %add3A_473 = vector.broadcast %add3A_472 : f32 to vector<16xf32>
    %add3A_474 = arith.addf %add3A_471, %add3A_473 : vector<16xf32>
    %bitcast3A_475 = vector.bitcast %add3A_474 : vector<16xf32> to vector<16xi32>
    %shift_right_arithmetic3A_476 = arith.constant 1 : i32
    %shift_right_arithmetic3A_477 = vector.broadcast %shift_right_arithmetic3A_476 : i32 to vector<16xi32>
    %shift_right_arithmetic3A_478 = arith.shrsi %bitcast3A_475, %shift_right_arithmetic3A_477 : vector<16xi32>
    %sub3A_479 = arith.constant 1597463007 : i32
    %sub3A_480 = vector.broadcast %sub3A_479 : i32 to vector<16xi32>
    %sub3A_481 = arith.subi %sub3A_480, %shift_right_arithmetic3A_478 : vector<16xi32>
    %bitcast3A_482 = vector.bitcast %sub3A_481 : vector<16xi32> to vector<16xf32>
    %mul3A_483 = arith.constant -5.000000e-01 : f32
    %mul3A_484 = vector.broadcast %mul3A_483 : f32 to vector<16xf32>
    %mul3A_485 = arith.mulf %mul3A_484, %add3A_474 : vector<16xf32>
    %mul3A_486 = arith.mulf %mul3A_485, %bitcast3A_482 : vector<16xf32>
    %mul3A_487 = arith.mulf %mul3A_486, %bitcast3A_482 : vector<16xf32>
    %add3A_488 = arith.constant 1.500000e+00 : f32
    %add3A_489 = vector.broadcast %add3A_488 : f32 to vector<16xf32>
    %add3A_490 = arith.addf %add3A_489, %mul3A_487 : vector<16xf32>
    %mul3A_491 = arith.mulf %bitcast3A_482, %add3A_490 : vector<16xf32>
    %mul3A_492 = arith.mulf %mul3A_485, %mul3A_491 : vector<16xf32>
    %mul3A_493 = arith.mulf %mul3A_492, %mul3A_491 : vector<16xf32>
    %add3A_494 = arith.constant 1.500000e+00 : f32
    %add3A_495 = vector.broadcast %add3A_494 : f32 to vector<16xf32>
    %add3A_496 = arith.addf %add3A_495, %mul3A_493 : vector<16xf32>
    %mul3A_497 = arith.mulf %mul3A_491, %add3A_496 : vector<16xf32>
    %mul3A_498 = arith.mulf %mul3A_485, %mul3A_497 : vector<16xf32>
    %mul3A_499 = arith.mulf %mul3A_498, %mul3A_497 : vector<16xf32>
    %add3A_500 = arith.constant 1.500000e+00 : f32
    %add3A_501 = vector.broadcast %add3A_500 : f32 to vector<16xf32>
    %add3A_502 = arith.addf %add3A_501, %mul3A_499 : vector<16xf32>
    %mul3A_503 = arith.mulf %mul3A_497, %add3A_502 : vector<16xf32>
    %swap3A_504 = arith.constant 192 : index
    %swap3A_505 = tpu.vector_load %arg4[%swap3A_504] {strides = array<i32>} : memref<320xf32, #tpu.memory_space<vmem>>, vector<16xf32>,
    tpu.vector_store %arg4[%swap3A_504], %mul3A_503 {strides = array<i32>} : memref<320xf32, #tpu.memory_space<vmem>>, vector<16xf32>,
    %get3A_506 = arith.constant 208 : index
    %get3A_507 = tpu.vector_load %arg4[%get3A_506] {strides = array<i32>} : memref<320xf32, #tpu.memory_space<vmem>>, vector<16xf32>,
    %get3A_508 = arith.constant 208 : index
    %get3A_509 = tpu.vector_load %arg5[%get3A_508] {strides = array<i32>} : memref<320xf32, #tpu.memory_space<vmem>>, vector<16xf32>,
    %add3A_510 = arith.addf %get3A_507, %get3A_509 : vector<16xf32>
    %add3A_511 = arith.constant 1.000000e+00 : f32
    %add3A_512 = vector.broadcast %add3A_511 : f32 to vector<16xf32>
    %add3A_513 = arith.addf %add3A_510, %add3A_512 : vector<16xf32>
    %bitcast3A_514 = vector.bitcast %add3A_513 : vector<16xf32> to vector<16xi32>
    %shift_right_arithmetic3A_515 = arith.constant 1 : i32
    %shift_right_arithmetic3A_516 = vector.broadcast %shift_right_arithmetic3A_515 : i32 to vector<16xi32>
    %shift_right_arithmetic3A_517 = arith.shrsi %bitcast3A_514, %shift_right_arithmetic3A_516 : vector<16xi32>
    %sub3A_518 = arith.constant 1597463007 : i32
    %sub3A_519 = vector.broadcast %sub3A_518 : i32 to vector<16xi32>
    %sub3A_520 = arith.subi %sub3A_519, %shift_right_arithmetic3A_517 : vector<16xi32>
    %bitcast3A_521 = vector.bitcast %sub3A_520 : vector<16xi32> to vector<16xf32>
    %mul3A_522 = arith.constant -5.000000e-01 : f32
    %mul3A_523 = vector.broadcast %mul3A_522 : f32 to vector<16xf32>
    %mul3A_524 = arith.mulf %mul3A_523, %add3A_513 : vector<16xf32>
    %mul3A_525 = arith.mulf %mul3A_524, %bitcast3A_521 : vector<16xf32>
    %mul3A_526 = arith.mulf %mul3A_525, %bitcast3A_521 : vector<16xf32>
    %add3A_527 = arith.constant 1.500000e+00 : f32
    %add3A_528 = vector.broadcast %add3A_527 : f32 to vector<16xf32>
    %add3A_529 = arith.addf %add3A_528, %mul3A_526 : vector<16xf32>
    %mul3A_530 = arith.mulf %bitcast3A_521, %add3A_529 : vector<16xf32>
    %mul3A_531 = arith.mulf %mul3A_524, %mul3A_530 : vector<16xf32>
    %mul3A_532 = arith.mulf %mul3A_531, %mul3A_530 : vector<16xf32>
    %add3A_533 = arith.constant 1.500000e+00 : f32
    %add3A_534 = vector.broadcast %add3A_533 : f32 to vector<16xf32>
    %add3A_535 = arith.addf %add3A_534, %mul3A_532 : vector<16xf32>
    %mul3A_536 = arith.mulf %mul3A_530, %add3A_535 : vector<16xf32>
    %mul3A_537 = arith.mulf %mul3A_524, %mul3A_536 : vector<16xf32>
    %mul3A_538 = arith.mulf %mul3A_537, %mul3A_536 : vector<16xf32>
    %add3A_539 = arith.constant 1.500000e+00 : f32
    %add3A_540 = vector.broadcast %add3A_539 : f32 to vector<16xf32>
    %add3A_541 = arith.addf %add3A_540, %mul3A_538 : vector<16xf32>
    %mul3A_542 = arith.mulf %mul3A_536, %add3A_541 : vector<16xf32>
    %swap3A_543 = arith.constant 208 : index
    %swap3A_544 = tpu.vector_load %arg4[%swap3A_543] {strides = array<i32>} : memref<320xf32, #tpu.memory_space<vmem>>, vector<16xf32>,
    tpu.vector_store %arg4[%swap3A_543], %mul3A_542 {strides = array<i32>} : memref<320xf32, #tpu.memory_space<vmem>>, vector<16xf32>,
    %get3A_545 = arith.constant 224 : index
    %get3A_546 = tpu.vector_load %arg4[%get3A_545] {strides = array<i32>} : memref<320xf32, #tpu.memory_space<vmem>>, vector<16xf32>,
    %get3A_547 = arith.constant 224 : index
    %get3A_548 = tpu.vector_load %arg5[%get3A_547] {strides = array<i32>} : memref<320xf32, #tpu.memory_space<vmem>>, vector<16xf32>,
    %add3A_549 = arith.addf %get3A_546, %get3A_548 : vector<16xf32>
    %add3A_550 = arith.constant 1.000000e+00 : f32
    %add3A_551 = vector.broadcast %add3A_550 : f32 to vector<16xf32>
    %add3A_552 = arith.addf %add3A_549, %add3A_551 : vector<16xf32>
    %bitcast3A_553 = vector.bitcast %add3A_552 : vector<16xf32> to vector<16xi32>
    %shift_right_arithmetic3A_554 = arith.constant 1 : i32
    %shift_right_arithmetic3A_555 = vector.broadcast %shift_right_arithmetic3A_554 : i32 to vector<16xi32>
    %shift_right_arithmetic3A_556 = arith.shrsi %bitcast3A_553, %shift_right_arithmetic3A_555 : vector<16xi32>
    %sub3A_557 = arith.constant 1597463007 : i32
    %sub3A_558 = vector.broadcast %sub3A_557 : i32 to vector<16xi32>
    %sub3A_559 = arith.subi %sub3A_558, %shift_right_arithmetic3A_556 : vector<16xi32>
    %bitcast3A_560 = vector.bitcast %sub3A_559 : vector<16xi32> to vector<16xf32>
    %mul3A_561 = arith.constant -5.000000e-01 : f32
    %mul3A_562 = vector.broadcast %mul3A_561 : f32 to vector<16xf32>
    %mul3A_563 = arith.mulf %mul3A_562, %add3A_552 : vector<16xf32>
    %mul3A_564 = arith.mulf %mul3A_563, %bitcast3A_560 : vector<16xf32>
    %mul3A_565 = arith.mulf %mul3A_564, %bitcast3A_560 : vector<16xf32>
    %add3A_566 = arith.constant 1.500000e+00 : f32
    %add3A_567 = vector.broadcast %add3A_566 : f32 to vector<16xf32>
    %add3A_568 = arith.addf %add3A_567, %mul3A_565 : vector<16xf32>
    %mul3A_569 = arith.mulf %bitcast3A_560, %add3A_568 : vector<16xf32>
    %mul3A_570 = arith.mulf %mul3A_563, %mul3A_569 : vector<16xf32>
    %mul3A_571 = arith.mulf %mul3A_570, %mul3A_569 : vector<16xf32>
    %add3A_572 = arith.constant 1.500000e+00 : f32
    %add3A_573 = vector.broadcast %add3A_572 : f32 to vector<16xf32>
    %add3A_574 = arith.addf %add3A_573, %mul3A_571 : vector<16xf32>
    %mul3A_575 = arith.mulf %mul3A_569, %add3A_574 : vector<16xf32>
    %mul3A_576 = arith.mulf %mul3A_563, %mul3A_575 : vector<16xf32>
    %mul3A_577 = arith.mulf %mul3A_576, %mul3A_575 : vector<16xf32>
    %add3A_578 = arith.constant 1.500000e+00 : f32
    %add3A_579 = vector.broadcast %add3A_578 : f32 to vector<16xf32>
    %add3A_580 = arith.addf %add3A_579, %mul3A_577 : vector<16xf32>
    %mul3A_581 = arith.mulf %mul3A_575, %add3A_580 : vector<16xf32>
    %swap3A_582 = arith.constant 224 : index
    %swap3A_583 = tpu.vector_load %arg4[%swap3A_582] {strides = array<i32>} : memref<320xf32, #tpu.memory_space<vmem>>, vector<16xf32>,
    tpu.vector_store %arg4[%swap3A_582], %mul3A_581 {strides = array<i32>} : memref<320xf32, #tpu.memory_space<vmem>>, vector<16xf32>,
    %get3A_584 = arith.constant 240 : index
    %get3A_585 = tpu.vector_load %arg4[%get3A_584] {strides = array<i32>} : memref<320xf32, #tpu.memory_space<vmem>>, vector<16xf32>,
    %get3A_586 = arith.constant 240 : index
    %get3A_587 = tpu.vector_load %arg5[%get3A_586] {strides = array<i32>} : memref<320xf32, #tpu.memory_space<vmem>>, vector<16xf32>,
    %add3A_588 = arith.addf %get3A_585, %get3A_587 : vector<16xf32>
    %add3A_589 = arith.constant 1.000000e+00 : f32
    %add3A_590 = vector.broadcast %add3A_589 : f32 to vector<16xf32>
    %add3A_591 = arith.addf %add3A_588, %add3A_590 : vector<16xf32>
    %bitcast3A_592 = vector.bitcast %add3A_591 : vector<16xf32> to vector<16xi32>
    %shift_right_arithmetic3A_593 = arith.constant 1 : i32
    %shift_right_arithmetic3A_594 = vector.broadcast %shift_right_arithmetic3A_593 : i32 to vector<16xi32>
    %shift_right_arithmetic3A_595 = arith.shrsi %bitcast3A_592, %shift_right_arithmetic3A_594 : vector<16xi32>
    %sub3A_596 = arith.constant 1597463007 : i32
    %sub3A_597 = vector.broadcast %sub3A_596 : i32 to vector<16xi32>
    %sub3A_598 = arith.subi %sub3A_597, %shift_right_arithmetic3A_595 : vector<16xi32>
    %bitcast3A_599 = vector.bitcast %sub3A_598 : vector<16xi32> to vector<16xf32>
    %mul3A_600 = arith.constant -5.000000e-01 : f32
    %mul3A_601 = vector.broadcast %mul3A_600 : f32 to vector<16xf32>
    %mul3A_602 = arith.mulf %mul3A_601, %add3A_591 : vector<16xf32>
    %mul3A_603 = arith.mulf %mul3A_602, %bitcast3A_599 : vector<16xf32>
    %mul3A_604 = arith.mulf %mul3A_603, %bitcast3A_599 : vector<16xf32>
    %add3A_605 = arith.constant 1.500000e+00 : f32
    %add3A_606 = vector.broadcast %add3A_605 : f32 to vector<16xf32>
    %add3A_607 = arith.addf %add3A_606, %mul3A_604 : vector<16xf32>
    %mul3A_608 = arith.mulf %bitcast3A_599, %add3A_607 : vector<16xf32>
    %mul3A_609 = arith.mulf %mul3A_602, %mul3A_608 : vector<16xf32>
    %mul3A_610 = arith.mulf %mul3A_609, %mul3A_608 : vector<16xf32>
    %add3A_611 = arith.constant 1.500000e+00 : f32
    %add3A_612 = vector.broadcast %add3A_611 : f32 to vector<16xf32>
    %add3A_613 = arith.addf %add3A_612, %mul3A_610 : vector<16xf32>
    %mul3A_614 = arith.mulf %mul3A_608, %add3A_613 : vector<16xf32>
    %mul3A_615 = arith.mulf %mul3A_602, %mul3A_614 : vector<16xf32>
    %mul3A_616 = arith.mulf %mul3A_615, %mul3A_614 : vector<16xf32>
    %add3A_617 = arith.constant 1.500000e+00 : f32
    %add3A_618 = vector.broadcast %add3A_617 : f32 to vector<16xf32>
    %add3A_619 = arith.addf %add3A_618, %mul3A_616 : vector<16xf32>
    %mul3A_620 = arith.mulf %mul3A_614, %add3A_619 : vector<16xf32>
    %swap3A_621 = arith.constant 240 : index
    %swap3A_622 = tpu.vector_load %arg4[%swap3A_621] {strides = array<i32>} : memref<320xf32, #tpu.memory_space<vmem>>, vector<16xf32>,
    tpu.vector_store %arg4[%swap3A_621], %mul3A_620 {strides = array<i32>} : memref<320xf32, #tpu.memory_space<vmem>>, vector<16xf32>,
    %get3A_623 = arith.constant 256 : index
    %get3A_624 = tpu.vector_load %arg4[%get3A_623] {strides = array<i32>} : memref<320xf32, #tpu.memory_space<vmem>>, vector<16xf32>,
    %get3A_625 = arith.constant 256 : index
    %get3A_626 = tpu.vector_load %arg5[%get3A_625] {strides = array<i32>} : memref<320xf32, #tpu.memory_space<vmem>>, vector<16xf32>,
    %add3A_627 = arith.addf %get3A_624, %get3A_626 : vector<16xf32>
    %add3A_628 = arith.constant 1.000000e+00 : f32
    %add3A_629 = vector.broadcast %add3A_628 : f32 to vector<16xf32>
    %add3A_630 = arith.addf %add3A_627, %add3A_629 : vector<16xf32>
    %bitcast3A_631 = vector.bitcast %add3A_630 : vector<16xf32> to vector<16xi32>
    %shift_right_arithmetic3A_632 = arith.constant 1 : i32
    %shift_right_arithmetic3A_633 = vector.broadcast %shift_right_arithmetic3A_632 : i32 to vector<16xi32>
    %shift_right_arithmetic3A_634 = arith.shrsi %bitcast3A_631, %shift_right_arithmetic3A_633 : vector<16xi32>
    %sub3A_635 = arith.constant 1597463007 : i32
    %sub3A_636 = vector.broadcast %sub3A_635 : i32 to vector<16xi32>
    %sub3A_637 = arith.subi %sub3A_636, %shift_right_arithmetic3A_634 : vector<16xi32>
    %bitcast3A_638 = vector.bitcast %sub3A_637 : vector<16xi32> to vector<16xf32>
    %mul3A_639 = arith.constant -5.000000e-01 : f32
    %mul3A_640 = vector.broadcast %mul3A_639 : f32 to vector<16xf32>
    %mul3A_641 = arith.mulf %mul3A_640, %add3A_630 : vector<16xf32>
    %mul3A_642 = arith.mulf %mul3A_641, %bitcast3A_638 : vector<16xf32>
    %mul3A_643 = arith.mulf %mul3A_642, %bitcast3A_638 : vector<16xf32>
    %add3A_644 = arith.constant 1.500000e+00 : f32
    %add3A_645 = vector.broadcast %add3A_644 : f32 to vector<16xf32>
    %add3A_646 = arith.addf %add3A_645, %mul3A_643 : vector<16xf32>
    %mul3A_647 = arith.mulf %bitcast3A_638, %add3A_646 : vector<16xf32>
    %mul3A_648 = arith.mulf %mul3A_641, %mul3A_647 : vector<16xf32>
    %mul3A_649 = arith.mulf %mul3A_648, %mul3A_647 : vector<16xf32>
    %add3A_650 = arith.constant 1.500000e+00 : f32
    %add3A_651 = vector.broadcast %add3A_650 : f32 to vector<16xf32>
    %add3A_652 = arith.addf %add3A_651, %mul3A_649 : vector<16xf32>
    %mul3A_653 = arith.mulf %mul3A_647, %add3A_652 : vector<16xf32>
    %mul3A_654 = arith.mulf %mul3A_641, %mul3A_653 : vector<16xf32>
    %mul3A_655 = arith.mulf %mul3A_654, %mul3A_653 : vector<16xf32>
    %add3A_656 = arith.constant 1.500000e+00 : f32
    %add3A_657 = vector.broadcast %add3A_656 : f32 to vector<16xf32>
    %add3A_658 = arith.addf %add3A_657, %mul3A_655 : vector<16xf32>
    %mul3A_659 = arith.mulf %mul3A_653, %add3A_658 : vector<16xf32>
    %swap3A_660 = arith.constant 256 : index
    %swap3A_661 = tpu.vector_load %arg4[%swap3A_660] {strides = array<i32>} : memref<320xf32, #tpu.memory_space<vmem>>, vector<16xf32>,
    tpu.vector_store %arg4[%swap3A_660], %mul3A_659 {strides = array<i32>} : memref<320xf32, #tpu.memory_space<vmem>>, vector<16xf32>,
    %get3A_662 = arith.constant 272 : index
    %get3A_663 = tpu.vector_load %arg4[%get3A_662] {strides = array<i32>} : memref<320xf32, #tpu.memory_space<vmem>>, vector<16xf32>,
    %get3A_664 = arith.constant 272 : index
    %get3A_665 = tpu.vector_load %arg5[%get3A_664] {strides = array<i32>} : memref<320xf32, #tpu.memory_space<vmem>>, vector<16xf32>,
    %add3A_666 = arith.addf %get3A_663, %get3A_665 : vector<16xf32>
    %add3A_667 = arith.constant 1.000000e+00 : f32
    %add3A_668 = vector.broadcast %add3A_667 : f32 to vector<16xf32>
    %add3A_669 = arith.addf %add3A_666, %add3A_668 : vector<16xf32>
    %bitcast3A_670 = vector.bitcast %add3A_669 : vector<16xf32> to vector<16xi32>
    %shift_right_arithmetic3A_671 = arith.constant 1 : i32
    %shift_right_arithmetic3A_672 = vector.broadcast %shift_right_arithmetic3A_671 : i32 to vector<16xi32>
    %shift_right_arithmetic3A_673 = arith.shrsi %bitcast3A_670, %shift_right_arithmetic3A_672 : vector<16xi32>
    %sub3A_674 = arith.constant 1597463007 : i32
    %sub3A_675 = vector.broadcast %sub3A_674 : i32 to vector<16xi32>
    %sub3A_676 = arith.subi %sub3A_675, %shift_right_arithmetic3A_673 : vector<16xi32>
    %bitcast3A_677 = vector.bitcast %sub3A_676 : vector<16xi32> to vector<16xf32>
    %mul3A_678 = arith.constant -5.000000e-01 : f32
    %mul3A_679 = vector.broadcast %mul3A_678 : f32 to vector<16xf32>
    %mul3A_680 = arith.mulf %mul3A_679, %add3A_669 : vector<16xf32>
    %mul3A_681 = arith.mulf %mul3A_680, %bitcast3A_677 : vector<16xf32>
    %mul3A_682 = arith.mulf %mul3A_681, %bitcast3A_677 : vector<16xf32>
    %add3A_683 = arith.constant 1.500000e+00 : f32
    %add3A_684 = vector.broadcast %add3A_683 : f32 to vector<16xf32>
    %add3A_685 = arith.addf %add3A_684, %mul3A_682 : vector<16xf32>
    %mul3A_686 = arith.mulf %bitcast3A_677, %add3A_685 : vector<16xf32>
    %mul3A_687 = arith.mulf %mul3A_680, %mul3A_686 : vector<16xf32>
    %mul3A_688 = arith.mulf %mul3A_687, %mul3A_686 : vector<16xf32>
    %add3A_689 = arith.constant 1.500000e+00 : f32
    %add3A_690 = vector.broadcast %add3A_689 : f32 to vector<16xf32>
    %add3A_691 = arith.addf %add3A_690, %mul3A_688 : vector<16xf32>
    %mul3A_692 = arith.mulf %mul3A_686, %add3A_691 : vector<16xf32>
    %mul3A_693 = arith.mulf %mul3A_680, %mul3A_692 : vector<16xf32>
    %mul3A_694 = arith.mulf %mul3A_693, %mul3A_692 : vector<16xf32>
    %add3A_695 = arith.constant 1.500000e+00 : f32
    %add3A_696 = vector.broadcast %add3A_695 : f32 to vector<16xf32>
    %add3A_697 = arith.addf %add3A_696, %mul3A_694 : vector<16xf32>
    %mul3A_698 = arith.mulf %mul3A_692, %add3A_697 : vector<16xf32>
    %swap3A_699 = arith.constant 272 : index
    %swap3A_700 = tpu.vector_load %arg4[%swap3A_699] {strides = array<i32>} : memref<320xf32, #tpu.memory_space<vmem>>, vector<16xf32>,
    tpu.vector_store %arg4[%swap3A_699], %mul3A_698 {strides = array<i32>} : memref<320xf32, #tpu.memory_space<vmem>>, vector<16xf32>,
    %get3A_701 = arith.constant 288 : index
    %get3A_702 = tpu.vector_load %arg4[%get3A_701] {strides = array<i32>} : memref<320xf32, #tpu.memory_space<vmem>>, vector<16xf32>,
    %get3A_703 = arith.constant 288 : index
    %get3A_704 = tpu.vector_load %arg5[%get3A_703] {strides = array<i32>} : memref<320xf32, #tpu.memory_space<vmem>>, vector<16xf32>,
    %add3A_705 = arith.addf %get3A_702, %get3A_704 : vector<16xf32>
    %add3A_706 = arith.constant 1.000000e+00 : f32
    %add3A_707 = vector.broadcast %add3A_706 : f32 to vector<16xf32>
    %add3A_708 = arith.addf %add3A_705, %add3A_707 : vector<16xf32>
    %bitcast3A_709 = vector.bitcast %add3A_708 : vector<16xf32> to vector<16xi32>
    %shift_right_arithmetic3A_710 = arith.constant 1 : i32
    %shift_right_arithmetic3A_711 = vector.broadcast %shift_right_arithmetic3A_710 : i32 to vector<16xi32>
    %shift_right_arithmetic3A_712 = arith.shrsi %bitcast3A_709, %shift_right_arithmetic3A_711 : vector<16xi32>
    %sub3A_713 = arith.constant 1597463007 : i32
    %sub3A_714 = vector.broadcast %sub3A_713 : i32 to vector<16xi32>
    %sub3A_715 = arith.subi %sub3A_714, %shift_right_arithmetic3A_712 : vector<16xi32>
    %bitcast3A_716 = vector.bitcast %sub3A_715 : vector<16xi32> to vector<16xf32>
    %mul3A_717 = arith.constant -5.000000e-01 : f32
    %mul3A_718 = vector.broadcast %mul3A_717 : f32 to vector<16xf32>
    %mul3A_719 = arith.mulf %mul3A_718, %add3A_708 : vector<16xf32>
    %mul3A_720 = arith.mulf %mul3A_719, %bitcast3A_716 : vector<16xf32>
    %mul3A_721 = arith.mulf %mul3A_720, %bitcast3A_716 : vector<16xf32>
    %add3A_722 = arith.constant 1.500000e+00 : f32
    %add3A_723 = vector.broadcast %add3A_722 : f32 to vector<16xf32>
    %add3A_724 = arith.addf %add3A_723, %mul3A_721 : vector<16xf32>
    %mul3A_725 = arith.mulf %bitcast3A_716, %add3A_724 : vector<16xf32>
    %mul3A_726 = arith.mulf %mul3A_719, %mul3A_725 : vector<16xf32>
    %mul3A_727 = arith.mulf %mul3A_726, %mul3A_725 : vector<16xf32>
    %add3A_728 = arith.constant 1.500000e+00 : f32
    %add3A_729 = vector.broadcast %add3A_728 : f32 to vector<16xf32>
    %add3A_730 = arith.addf %add3A_729, %mul3A_727 : vector<16xf32>
    %mul3A_731 = arith.mulf %mul3A_725, %add3A_730 : vector<16xf32>
    %mul3A_732 = arith.mulf %mul3A_719, %mul3A_731 : vector<16xf32>
    %mul3A_733 = arith.mulf %mul3A_732, %mul3A_731 : vector<16xf32>
    %add3A_734 = arith.constant 1.500000e+00 : f32
    %add3A_735 = vector.broadcast %add3A_734 : f32 to vector<16xf32>
    %add3A_736 = arith.addf %add3A_735, %mul3A_733 : vector<16xf32>
    %mul3A_737 = arith.mulf %mul3A_731, %add3A_736 : vector<16xf32>
    %swap3A_738 = arith.constant 288 : index
    %swap3A_739 = tpu.vector_load %arg4[%swap3A_738] {strides = array<i32>} : memref<320xf32, #tpu.memory_space<vmem>>, vector<16xf32>,
    tpu.vector_store %arg4[%swap3A_738], %mul3A_737 {strides = array<i32>} : memref<320xf32, #tpu.memory_space<vmem>>, vector<16xf32>,
    %get3A_740 = arith.constant 304 : index
    %get3A_741 = tpu.vector_load %arg4[%get3A_740] {strides = array<i32>} : memref<320xf32, #tpu.memory_space<vmem>>, vector<16xf32>,
    %get3A_742 = arith.constant 304 : index
    %get3A_743 = tpu.vector_load %arg5[%get3A_742] {strides = array<i32>} : memref<320xf32, #tpu.memory_space<vmem>>, vector<16xf32>,
    %add3A_744 = arith.addf %get3A_741, %get3A_743 : vector<16xf32>
    %add3A_745 = arith.constant 1.000000e+00 : f32
    %add3A_746 = vector.broadcast %add3A_745 : f32 to vector<16xf32>
    %add3A_747 = arith.addf %add3A_744, %add3A_746 : vector<16xf32>
    %bitcast3A_748 = vector.bitcast %add3A_747 : vector<16xf32> to vector<16xi32>
    %shift_right_arithmetic3A_749 = arith.constant 1 : i32
    %shift_right_arithmetic3A_750 = vector.broadcast %shift_right_arithmetic3A_749 : i32 to vector<16xi32>
    %shift_right_arithmetic3A_751 = arith.shrsi %bitcast3A_748, %shift_right_arithmetic3A_750 : vector<16xi32>
    %sub3A_752 = arith.constant 1597463007 : i32
    %sub3A_753 = vector.broadcast %sub3A_752 : i32 to vector<16xi32>
    %sub3A_754 = arith.subi %sub3A_753, %shift_right_arithmetic3A_751 : vector<16xi32>
    %bitcast3A_755 = vector.bitcast %sub3A_754 : vector<16xi32> to vector<16xf32>
    %mul3A_756 = arith.constant -5.000000e-01 : f32
    %mul3A_757 = vector.broadcast %mul3A_756 : f32 to vector<16xf32>
    %mul3A_758 = arith.mulf %mul3A_757, %add3A_747 : vector<16xf32>
    %mul3A_759 = arith.mulf %mul3A_758, %bitcast3A_755 : vector<16xf32>
    %mul3A_760 = arith.mulf %mul3A_759, %bitcast3A_755 : vector<16xf32>
    %add3A_761 = arith.constant 1.500000e+00 : f32
    %add3A_762 = vector.broadcast %add3A_761 : f32 to vector<16xf32>
    %add3A_763 = arith.addf %add3A_762, %mul3A_760 : vector<16xf32>
    %mul3A_764 = arith.mulf %bitcast3A_755, %add3A_763 : vector<16xf32>
    %mul3A_765 = arith.mulf %mul3A_758, %mul3A_764 : vector<16xf32>
    %mul3A_766 = arith.mulf %mul3A_765, %mul3A_764 : vector<16xf32>
    %add3A_767 = arith.constant 1.500000e+00 : f32
    %add3A_768 = vector.broadcast %add3A_767 : f32 to vector<16xf32>
    %add3A_769 = arith.addf %add3A_768, %mul3A_766 : vector<16xf32>
    %mul3A_770 = arith.mulf %mul3A_764, %add3A_769 : vector<16xf32>
    %mul3A_771 = arith.mulf %mul3A_758, %mul3A_770 : vector<16xf32>
    %mul3A_772 = arith.mulf %mul3A_771, %mul3A_770 : vector<16xf32>
    %add3A_773 = arith.constant 1.500000e+00 : f32
    %add3A_774 = vector.broadcast %add3A_773 : f32 to vector<16xf32>
    %add3A_775 = arith.addf %add3A_774, %mul3A_772 : vector<16xf32>
    %mul3A_776 = arith.mulf %mul3A_770, %add3A_775 : vector<16xf32>
    %swap3A_777 = arith.constant 304 : index
    %swap3A_778 = tpu.vector_load %arg4[%swap3A_777] {strides = array<i32>} : memref<320xf32, #tpu.memory_space<vmem>>, vector<16xf32>,
    tpu.vector_store %arg4[%swap3A_777], %mul3A_776 {strides = array<i32>} : memref<320xf32, #tpu.memory_space<vmem>>, vector<16xf32>,
    "tpu.region"() ({
      %run_scoped3A_779 = tpu.sem_alloc : memref<!tpu.dma_semaphore, #tpu.memory_space<semaphore_mem>>
      %dma_start3A = tpu.memref_slice %arg3[%mul3A_2] : memref<10240xf32, #tpu.memory_space<hbm>> -> memref<320xf32, #tpu.memory_space<hbm>>
      %dma_start3A_780 = tpu.memref_slice %arg3[%mul3A_2] : memref<10240xf32, #tpu.memory_space<hbm>> -> memref<320xf32, #tpu.memory_space<hbm>>
      tpu.enqueue_dma source(%arg4 : memref<320xf32, #tpu.memory_space<vmem>>) target(%dma_start3A_780 : memref<320xf32, #tpu.memory_space<hbm>>) target_semaphore(%run_scoped3A_779 : memref<!tpu.dma_semaphore, #tpu.memory_space<semaphore_mem>>)
      %dma_wait3A = tpu.memref_slice %arg3[%mul3A_2] : memref<10240xf32, #tpu.memory_space<hbm>> -> memref<320xf32, #tpu.memory_space<hbm>>
      %dma_wait3A_781 = tpu.memref_slice %arg3[%mul3A_2] : memref<10240xf32, #tpu.memory_space<hbm>> -> memref<320xf32, #tpu.memory_space<hbm>>
      tpu.wait_dma2 semaphore(%run_scoped3A_779 : memref<!tpu.dma_semaphore, #tpu.memory_space<semaphore_mem>>) src(%arg4 : memref<320xf32, #tpu.memory_space<vmem>>) dst(%dma_wait3A_781 : memref<320xf32, #tpu.memory_space<hbm>>)
      tpu.yield
    }) : () -> ()
    return
  }
}

#map = affine_map<(d0, d1) -> (0, 0, 0)>
#map1 = affine_map<(d0, d1) -> (0, 0)>
module attributes {stable_mosaic.version = 14 : i64} {
  func.func @_deg_kernel(%arg0: i32, %arg1: i32, %arg2: memref<2x2500x128xi32, #tpu.memory_space<hbm>>, %arg3: memref<2x10240xf32, #tpu.memory_space<hbm>>, %arg4: memref<79x128xi32, #tpu.memory_space<vmem>>, %arg5: memref<640xf32, #tpu.memory_space<vmem>>, %arg6: memref<128xf32, #tpu.memory_space<vmem>>, %arg7: memref<!tpu.dma_semaphore, #tpu.memory_space<semaphore_mem>>, %arg8: memref<!tpu.dma_semaphore, #tpu.memory_space<semaphore_mem>>, %arg9: memref<!tpu.dma_semaphore, #tpu.memory_space<semaphore_mem>>, %arg10: memref<!tpu.dma_semaphore, #tpu.memory_space<semaphore_mem>>, %arg11: memref<!tpu.dma_semaphore, #tpu.memory_space<semaphore_mem>>, %arg12: memref<!tpu.dma_semaphore, #tpu.memory_space<semaphore_mem>>, %arg13: memref<10240xf32, #tpu.memory_space<vmem_shared>>) attributes {dimension_semantics = [#tpu.dimension_semantics<core_parallel>, #tpu.dimension_semantics<subcore_parallel>], iteration_bounds = array<i64: 2, 16>, scalar_prefetch = 0 : i64, scratch_operands = 10 : i64, tpu.core_type = #tpu.core_type<sc_vector_subcore>, window_params = [{transform_indices = #map}, {transform_indices = #map1}]} {
    %mul3A = arith.constant 16 : i32
    %mul3A_0 = arith.muli %arg0, %mul3A : i32
    %add3A = arith.addi %mul3A_0, %arg1 : i32
    %mul3A_1 = arith.constant 640 : i32
    %mul3A_2 = arith.muli %arg1, %mul3A_1 : i32
    %broadcast_in_dim3A = arith.constant 0.000000e+00 : f32
    %broadcast_in_dim3A_3 = vector.broadcast %broadcast_in_dim3A : f32 to vector<16xf32>
    %swap3A = arith.constant 0 : index
    %swap3A_4 = tpu.vector_load %arg5[%swap3A] {strides = array<i32>} : memref<640xf32, #tpu.memory_space<vmem>>, vector<16xf32>,
    %swap3A_5 = vector.shape_cast %swap3A_4 : vector<16xf32> to vector<16xf32>
    %swap3A_6 = vector.shape_cast %broadcast_in_dim3A_3 : vector<16xf32> to vector<16xf32>
    tpu.vector_store %arg5[%swap3A], %swap3A_6 {strides = array<i32>} : memref<640xf32, #tpu.memory_space<vmem>>, vector<16xf32>,
    %broadcast_in_dim3A_7 = arith.constant 0.000000e+00 : f32
    %broadcast_in_dim3A_8 = vector.broadcast %broadcast_in_dim3A_7 : f32 to vector<16xf32>
    %swap3A_9 = arith.constant 16 : index
    %swap3A_10 = tpu.vector_load %arg5[%swap3A_9] {strides = array<i32>} : memref<640xf32, #tpu.memory_space<vmem>>, vector<16xf32>,
    %swap3A_11 = vector.shape_cast %swap3A_10 : vector<16xf32> to vector<16xf32>
    %swap3A_12 = vector.shape_cast %broadcast_in_dim3A_8 : vector<16xf32> to vector<16xf32>
    tpu.vector_store %arg5[%swap3A_9], %swap3A_12 {strides = array<i32>} : memref<640xf32, #tpu.memory_space<vmem>>, vector<16xf32>,
    %broadcast_in_dim3A_13 = arith.constant 0.000000e+00 : f32
    %broadcast_in_dim3A_14 = vector.broadcast %broadcast_in_dim3A_13 : f32 to vector<16xf32>
    %swap3A_15 = arith.constant 32 : index
    %swap3A_16 = tpu.vector_load %arg5[%swap3A_15] {strides = array<i32>} : memref<640xf32, #tpu.memory_space<vmem>>, vector<16xf32>,
    %swap3A_17 = vector.shape_cast %swap3A_16 : vector<16xf32> to vector<16xf32>
    %swap3A_18 = vector.shape_cast %broadcast_in_dim3A_14 : vector<16xf32> to vector<16xf32>
    tpu.vector_store %arg5[%swap3A_15], %swap3A_18 {strides = array<i32>} : memref<640xf32, #tpu.memory_space<vmem>>, vector<16xf32>,
    %broadcast_in_dim3A_19 = arith.constant 0.000000e+00 : f32
    %broadcast_in_dim3A_20 = vector.broadcast %broadcast_in_dim3A_19 : f32 to vector<16xf32>
    %swap3A_21 = arith.constant 48 : index
    %swap3A_22 = tpu.vector_load %arg5[%swap3A_21] {strides = array<i32>} : memref<640xf32, #tpu.memory_space<vmem>>, vector<16xf32>,
    %swap3A_23 = vector.shape_cast %swap3A_22 : vector<16xf32> to vector<16xf32>
    %swap3A_24 = vector.shape_cast %broadcast_in_dim3A_20 : vector<16xf32> to vector<16xf32>
    tpu.vector_store %arg5[%swap3A_21], %swap3A_24 {strides = array<i32>} : memref<640xf32, #tpu.memory_space<vmem>>, vector<16xf32>,
    %broadcast_in_dim3A_25 = arith.constant 0.000000e+00 : f32
    %broadcast_in_dim3A_26 = vector.broadcast %broadcast_in_dim3A_25 : f32 to vector<16xf32>
    %swap3A_27 = arith.constant 64 : index
    %swap3A_28 = tpu.vector_load %arg5[%swap3A_27] {strides = array<i32>} : memref<640xf32, #tpu.memory_space<vmem>>, vector<16xf32>,
    %swap3A_29 = vector.shape_cast %swap3A_28 : vector<16xf32> to vector<16xf32>
    %swap3A_30 = vector.shape_cast %broadcast_in_dim3A_26 : vector<16xf32> to vector<16xf32>
    tpu.vector_store %arg5[%swap3A_27], %swap3A_30 {strides = array<i32>} : memref<640xf32, #tpu.memory_space<vmem>>, vector<16xf32>,
    %broadcast_in_dim3A_31 = arith.constant 0.000000e+00 : f32
    %broadcast_in_dim3A_32 = vector.broadcast %broadcast_in_dim3A_31 : f32 to vector<16xf32>
    %swap3A_33 = arith.constant 80 : index
    %swap3A_34 = tpu.vector_load %arg5[%swap3A_33] {strides = array<i32>} : memref<640xf32, #tpu.memory_space<vmem>>, vector<16xf32>,
    %swap3A_35 = vector.shape_cast %swap3A_34 : vector<16xf32> to vector<16xf32>
    %swap3A_36 = vector.shape_cast %broadcast_in_dim3A_32 : vector<16xf32> to vector<16xf32>
    tpu.vector_store %arg5[%swap3A_33], %swap3A_36 {strides = array<i32>} : memref<640xf32, #tpu.memory_space<vmem>>, vector<16xf32>,
    %broadcast_in_dim3A_37 = arith.constant 0.000000e+00 : f32
    %broadcast_in_dim3A_38 = vector.broadcast %broadcast_in_dim3A_37 : f32 to vector<16xf32>
    %swap3A_39 = arith.constant 96 : index
    %swap3A_40 = tpu.vector_load %arg5[%swap3A_39] {strides = array<i32>} : memref<640xf32, #tpu.memory_space<vmem>>, vector<16xf32>,
    %swap3A_41 = vector.shape_cast %swap3A_40 : vector<16xf32> to vector<16xf32>
    %swap3A_42 = vector.shape_cast %broadcast_in_dim3A_38 : vector<16xf32> to vector<16xf32>
    tpu.vector_store %arg5[%swap3A_39], %swap3A_42 {strides = array<i32>} : memref<640xf32, #tpu.memory_space<vmem>>, vector<16xf32>,
    %broadcast_in_dim3A_43 = arith.constant 0.000000e+00 : f32
    %broadcast_in_dim3A_44 = vector.broadcast %broadcast_in_dim3A_43 : f32 to vector<16xf32>
    %swap3A_45 = arith.constant 112 : index
    %swap3A_46 = tpu.vector_load %arg5[%swap3A_45] {strides = array<i32>} : memref<640xf32, #tpu.memory_space<vmem>>, vector<16xf32>,
    %swap3A_47 = vector.shape_cast %swap3A_46 : vector<16xf32> to vector<16xf32>
    %swap3A_48 = vector.shape_cast %broadcast_in_dim3A_44 : vector<16xf32> to vector<16xf32>
    tpu.vector_store %arg5[%swap3A_45], %swap3A_48 {strides = array<i32>} : memref<640xf32, #tpu.memory_space<vmem>>, vector<16xf32>,
    %broadcast_in_dim3A_49 = arith.constant 0.000000e+00 : f32
    %broadcast_in_dim3A_50 = vector.broadcast %broadcast_in_dim3A_49 : f32 to vector<16xf32>
    %swap3A_51 = arith.constant 128 : index
    %swap3A_52 = tpu.vector_load %arg5[%swap3A_51] {strides = array<i32>} : memref<640xf32, #tpu.memory_space<vmem>>, vector<16xf32>,
    %swap3A_53 = vector.shape_cast %swap3A_52 : vector<16xf32> to vector<16xf32>
    %swap3A_54 = vector.shape_cast %broadcast_in_dim3A_50 : vector<16xf32> to vector<16xf32>
    tpu.vector_store %arg5[%swap3A_51], %swap3A_54 {strides = array<i32>} : memref<640xf32, #tpu.memory_space<vmem>>, vector<16xf32>,
    %broadcast_in_dim3A_55 = arith.constant 0.000000e+00 : f32
    %broadcast_in_dim3A_56 = vector.broadcast %broadcast_in_dim3A_55 : f32 to vector<16xf32>
    %swap3A_57 = arith.constant 144 : index
    %swap3A_58 = tpu.vector_load %arg5[%swap3A_57] {strides = array<i32>} : memref<640xf32, #tpu.memory_space<vmem>>, vector<16xf32>,
    %swap3A_59 = vector.shape_cast %swap3A_58 : vector<16xf32> to vector<16xf32>
    %swap3A_60 = vector.shape_cast %broadcast_in_dim3A_56 : vector<16xf32> to vector<16xf32>
    tpu.vector_store %arg5[%swap3A_57], %swap3A_60 {strides = array<i32>} : memref<640xf32, #tpu.memory_space<vmem>>, vector<16xf32>,
    %broadcast_in_dim3A_61 = arith.constant 0.000000e+00 : f32
    %broadcast_in_dim3A_62 = vector.broadcast %broadcast_in_dim3A_61 : f32 to vector<16xf32>
    %swap3A_63 = arith.constant 160 : index
    %swap3A_64 = tpu.vector_load %arg5[%swap3A_63] {strides = array<i32>} : memref<640xf32, #tpu.memory_space<vmem>>, vector<16xf32>,
    %swap3A_65 = vector.shape_cast %swap3A_64 : vector<16xf32> to vector<16xf32>
    %swap3A_66 = vector.shape_cast %broadcast_in_dim3A_62 : vector<16xf32> to vector<16xf32>
    tpu.vector_store %arg5[%swap3A_63], %swap3A_66 {strides = array<i32>} : memref<640xf32, #tpu.memory_space<vmem>>, vector<16xf32>,
    %broadcast_in_dim3A_67 = arith.constant 0.000000e+00 : f32
    %broadcast_in_dim3A_68 = vector.broadcast %broadcast_in_dim3A_67 : f32 to vector<16xf32>
    %swap3A_69 = arith.constant 176 : index
    %swap3A_70 = tpu.vector_load %arg5[%swap3A_69] {strides = array<i32>} : memref<640xf32, #tpu.memory_space<vmem>>, vector<16xf32>,
    %swap3A_71 = vector.shape_cast %swap3A_70 : vector<16xf32> to vector<16xf32>
    %swap3A_72 = vector.shape_cast %broadcast_in_dim3A_68 : vector<16xf32> to vector<16xf32>
    tpu.vector_store %arg5[%swap3A_69], %swap3A_72 {strides = array<i32>} : memref<640xf32, #tpu.memory_space<vmem>>, vector<16xf32>,
    %broadcast_in_dim3A_73 = arith.constant 0.000000e+00 : f32
    %broadcast_in_dim3A_74 = vector.broadcast %broadcast_in_dim3A_73 : f32 to vector<16xf32>
    %swap3A_75 = arith.constant 192 : index
    %swap3A_76 = tpu.vector_load %arg5[%swap3A_75] {strides = array<i32>} : memref<640xf32, #tpu.memory_space<vmem>>, vector<16xf32>,
    %swap3A_77 = vector.shape_cast %swap3A_76 : vector<16xf32> to vector<16xf32>
    %swap3A_78 = vector.shape_cast %broadcast_in_dim3A_74 : vector<16xf32> to vector<16xf32>
    tpu.vector_store %arg5[%swap3A_75], %swap3A_78 {strides = array<i32>} : memref<640xf32, #tpu.memory_space<vmem>>, vector<16xf32>,
    %broadcast_in_dim3A_79 = arith.constant 0.000000e+00 : f32
    %broadcast_in_dim3A_80 = vector.broadcast %broadcast_in_dim3A_79 : f32 to vector<16xf32>
    %swap3A_81 = arith.constant 208 : index
    %swap3A_82 = tpu.vector_load %arg5[%swap3A_81] {strides = array<i32>} : memref<640xf32, #tpu.memory_space<vmem>>, vector<16xf32>,
    %swap3A_83 = vector.shape_cast %swap3A_82 : vector<16xf32> to vector<16xf32>
    %swap3A_84 = vector.shape_cast %broadcast_in_dim3A_80 : vector<16xf32> to vector<16xf32>
    tpu.vector_store %arg5[%swap3A_81], %swap3A_84 {strides = array<i32>} : memref<640xf32, #tpu.memory_space<vmem>>, vector<16xf32>,
    %broadcast_in_dim3A_85 = arith.constant 0.000000e+00 : f32
    %broadcast_in_dim3A_86 = vector.broadcast %broadcast_in_dim3A_85 : f32 to vector<16xf32>
    %swap3A_87 = arith.constant 224 : index
    %swap3A_88 = tpu.vector_load %arg5[%swap3A_87] {strides = array<i32>} : memref<640xf32, #tpu.memory_space<vmem>>, vector<16xf32>,
    %swap3A_89 = vector.shape_cast %swap3A_88 : vector<16xf32> to vector<16xf32>
    %swap3A_90 = vector.shape_cast %broadcast_in_dim3A_86 : vector<16xf32> to vector<16xf32>
    tpu.vector_store %arg5[%swap3A_87], %swap3A_90 {strides = array<i32>} : memref<640xf32, #tpu.memory_space<vmem>>, vector<16xf32>,
    %broadcast_in_dim3A_91 = arith.constant 0.000000e+00 : f32
    %broadcast_in_dim3A_92 = vector.broadcast %broadcast_in_dim3A_91 : f32 to vector<16xf32>
    %swap3A_93 = arith.constant 240 : index
    %swap3A_94 = tpu.vector_load %arg5[%swap3A_93] {strides = array<i32>} : memref<640xf32, #tpu.memory_space<vmem>>, vector<16xf32>,
    %swap3A_95 = vector.shape_cast %swap3A_94 : vector<16xf32> to vector<16xf32>
    %swap3A_96 = vector.shape_cast %broadcast_in_dim3A_92 : vector<16xf32> to vector<16xf32>
    tpu.vector_store %arg5[%swap3A_93], %swap3A_96 {strides = array<i32>} : memref<640xf32, #tpu.memory_space<vmem>>, vector<16xf32>,
    %broadcast_in_dim3A_97 = arith.constant 0.000000e+00 : f32
    %broadcast_in_dim3A_98 = vector.broadcast %broadcast_in_dim3A_97 : f32 to vector<16xf32>
    %swap3A_99 = arith.constant 256 : index
    %swap3A_100 = tpu.vector_load %arg5[%swap3A_99] {strides = array<i32>} : memref<640xf32, #tpu.memory_space<vmem>>, vector<16xf32>,
    %swap3A_101 = vector.shape_cast %swap3A_100 : vector<16xf32> to vector<16xf32>
    %swap3A_102 = vector.shape_cast %broadcast_in_dim3A_98 : vector<16xf32> to vector<16xf32>
    tpu.vector_store %arg5[%swap3A_99], %swap3A_102 {strides = array<i32>} : memref<640xf32, #tpu.memory_space<vmem>>, vector<16xf32>,
    %broadcast_in_dim3A_103 = arith.constant 0.000000e+00 : f32
    %broadcast_in_dim3A_104 = vector.broadcast %broadcast_in_dim3A_103 : f32 to vector<16xf32>
    %swap3A_105 = arith.constant 272 : index
    %swap3A_106 = tpu.vector_load %arg5[%swap3A_105] {strides = array<i32>} : memref<640xf32, #tpu.memory_space<vmem>>, vector<16xf32>,
    %swap3A_107 = vector.shape_cast %swap3A_106 : vector<16xf32> to vector<16xf32>
    %swap3A_108 = vector.shape_cast %broadcast_in_dim3A_104 : vector<16xf32> to vector<16xf32>
    tpu.vector_store %arg5[%swap3A_105], %swap3A_108 {strides = array<i32>} : memref<640xf32, #tpu.memory_space<vmem>>, vector<16xf32>,
    %broadcast_in_dim3A_109 = arith.constant 0.000000e+00 : f32
    %broadcast_in_dim3A_110 = vector.broadcast %broadcast_in_dim3A_109 : f32 to vector<16xf32>
    %swap3A_111 = arith.constant 288 : index
    %swap3A_112 = tpu.vector_load %arg5[%swap3A_111] {strides = array<i32>} : memref<640xf32, #tpu.memory_space<vmem>>, vector<16xf32>,
    %swap3A_113 = vector.shape_cast %swap3A_112 : vector<16xf32> to vector<16xf32>
    %swap3A_114 = vector.shape_cast %broadcast_in_dim3A_110 : vector<16xf32> to vector<16xf32>
    tpu.vector_store %arg5[%swap3A_111], %swap3A_114 {strides = array<i32>} : memref<640xf32, #tpu.memory_space<vmem>>, vector<16xf32>,
    %broadcast_in_dim3A_115 = arith.constant 0.000000e+00 : f32
    %broadcast_in_dim3A_116 = vector.broadcast %broadcast_in_dim3A_115 : f32 to vector<16xf32>
    %swap3A_117 = arith.constant 304 : index
    %swap3A_118 = tpu.vector_load %arg5[%swap3A_117] {strides = array<i32>} : memref<640xf32, #tpu.memory_space<vmem>>, vector<16xf32>,
    %swap3A_119 = vector.shape_cast %swap3A_118 : vector<16xf32> to vector<16xf32>
    %swap3A_120 = vector.shape_cast %broadcast_in_dim3A_116 : vector<16xf32> to vector<16xf32>
    tpu.vector_store %arg5[%swap3A_117], %swap3A_120 {strides = array<i32>} : memref<640xf32, #tpu.memory_space<vmem>>, vector<16xf32>,
    %broadcast_in_dim3A_121 = arith.constant 0.000000e+00 : f32
    %broadcast_in_dim3A_122 = vector.broadcast %broadcast_in_dim3A_121 : f32 to vector<16xf32>
    %swap3A_123 = arith.constant 320 : index
    %swap3A_124 = tpu.vector_load %arg5[%swap3A_123] {strides = array<i32>} : memref<640xf32, #tpu.memory_space<vmem>>, vector<16xf32>,
    %swap3A_125 = vector.shape_cast %swap3A_124 : vector<16xf32> to vector<16xf32>
    %swap3A_126 = vector.shape_cast %broadcast_in_dim3A_122 : vector<16xf32> to vector<16xf32>
    tpu.vector_store %arg5[%swap3A_123], %swap3A_126 {strides = array<i32>} : memref<640xf32, #tpu.memory_space<vmem>>, vector<16xf32>,
    %broadcast_in_dim3A_127 = arith.constant 0.000000e+00 : f32
    %broadcast_in_dim3A_128 = vector.broadcast %broadcast_in_dim3A_127 : f32 to vector<16xf32>
    %swap3A_129 = arith.constant 336 : index
    %swap3A_130 = tpu.vector_load %arg5[%swap3A_129] {strides = array<i32>} : memref<640xf32, #tpu.memory_space<vmem>>, vector<16xf32>,
    %swap3A_131 = vector.shape_cast %swap3A_130 : vector<16xf32> to vector<16xf32>
    %swap3A_132 = vector.shape_cast %broadcast_in_dim3A_128 : vector<16xf32> to vector<16xf32>
    tpu.vector_store %arg5[%swap3A_129], %swap3A_132 {strides = array<i32>} : memref<640xf32, #tpu.memory_space<vmem>>, vector<16xf32>,
    %broadcast_in_dim3A_133 = arith.constant 0.000000e+00 : f32
    %broadcast_in_dim3A_134 = vector.broadcast %broadcast_in_dim3A_133 : f32 to vector<16xf32>
    %swap3A_135 = arith.constant 352 : index
    %swap3A_136 = tpu.vector_load %arg5[%swap3A_135] {strides = array<i32>} : memref<640xf32, #tpu.memory_space<vmem>>, vector<16xf32>,
    %swap3A_137 = vector.shape_cast %swap3A_136 : vector<16xf32> to vector<16xf32>
    %swap3A_138 = vector.shape_cast %broadcast_in_dim3A_134 : vector<16xf32> to vector<16xf32>
    tpu.vector_store %arg5[%swap3A_135], %swap3A_138 {strides = array<i32>} : memref<640xf32, #tpu.memory_space<vmem>>, vector<16xf32>,
    %broadcast_in_dim3A_139 = arith.constant 0.000000e+00 : f32
    %broadcast_in_dim3A_140 = vector.broadcast %broadcast_in_dim3A_139 : f32 to vector<16xf32>
    %swap3A_141 = arith.constant 368 : index
    %swap3A_142 = tpu.vector_load %arg5[%swap3A_141] {strides = array<i32>} : memref<640xf32, #tpu.memory_space<vmem>>, vector<16xf32>,
    %swap3A_143 = vector.shape_cast %swap3A_142 : vector<16xf32> to vector<16xf32>
    %swap3A_144 = vector.shape_cast %broadcast_in_dim3A_140 : vector<16xf32> to vector<16xf32>
    tpu.vector_store %arg5[%swap3A_141], %swap3A_144 {strides = array<i32>} : memref<640xf32, #tpu.memory_space<vmem>>, vector<16xf32>,
    %broadcast_in_dim3A_145 = arith.constant 0.000000e+00 : f32
    %broadcast_in_dim3A_146 = vector.broadcast %broadcast_in_dim3A_145 : f32 to vector<16xf32>
    %swap3A_147 = arith.constant 384 : index
    %swap3A_148 = tpu.vector_load %arg5[%swap3A_147] {strides = array<i32>} : memref<640xf32, #tpu.memory_space<vmem>>, vector<16xf32>,
    %swap3A_149 = vector.shape_cast %swap3A_148 : vector<16xf32> to vector<16xf32>
    %swap3A_150 = vector.shape_cast %broadcast_in_dim3A_146 : vector<16xf32> to vector<16xf32>
    tpu.vector_store %arg5[%swap3A_147], %swap3A_150 {strides = array<i32>} : memref<640xf32, #tpu.memory_space<vmem>>, vector<16xf32>,
    %broadcast_in_dim3A_151 = arith.constant 0.000000e+00 : f32
    %broadcast_in_dim3A_152 = vector.broadcast %broadcast_in_dim3A_151 : f32 to vector<16xf32>
    %swap3A_153 = arith.constant 400 : index
    %swap3A_154 = tpu.vector_load %arg5[%swap3A_153] {strides = array<i32>} : memref<640xf32, #tpu.memory_space<vmem>>, vector<16xf32>,
    %swap3A_155 = vector.shape_cast %swap3A_154 : vector<16xf32> to vector<16xf32>
    %swap3A_156 = vector.shape_cast %broadcast_in_dim3A_152 : vector<16xf32> to vector<16xf32>
    tpu.vector_store %arg5[%swap3A_153], %swap3A_156 {strides = array<i32>} : memref<640xf32, #tpu.memory_space<vmem>>, vector<16xf32>,
    %broadcast_in_dim3A_157 = arith.constant 0.000000e+00 : f32
    %broadcast_in_dim3A_158 = vector.broadcast %broadcast_in_dim3A_157 : f32 to vector<16xf32>
    %swap3A_159 = arith.constant 416 : index
    %swap3A_160 = tpu.vector_load %arg5[%swap3A_159] {strides = array<i32>} : memref<640xf32, #tpu.memory_space<vmem>>, vector<16xf32>,
    %swap3A_161 = vector.shape_cast %swap3A_160 : vector<16xf32> to vector<16xf32>
    %swap3A_162 = vector.shape_cast %broadcast_in_dim3A_158 : vector<16xf32> to vector<16xf32>
    tpu.vector_store %arg5[%swap3A_159], %swap3A_162 {strides = array<i32>} : memref<640xf32, #tpu.memory_space<vmem>>, vector<16xf32>,
    %broadcast_in_dim3A_163 = arith.constant 0.000000e+00 : f32
    %broadcast_in_dim3A_164 = vector.broadcast %broadcast_in_dim3A_163 : f32 to vector<16xf32>
    %swap3A_165 = arith.constant 432 : index
    %swap3A_166 = tpu.vector_load %arg5[%swap3A_165] {strides = array<i32>} : memref<640xf32, #tpu.memory_space<vmem>>, vector<16xf32>,
    %swap3A_167 = vector.shape_cast %swap3A_166 : vector<16xf32> to vector<16xf32>
    %swap3A_168 = vector.shape_cast %broadcast_in_dim3A_164 : vector<16xf32> to vector<16xf32>
    tpu.vector_store %arg5[%swap3A_165], %swap3A_168 {strides = array<i32>} : memref<640xf32, #tpu.memory_space<vmem>>, vector<16xf32>,
    %broadcast_in_dim3A_169 = arith.constant 0.000000e+00 : f32
    %broadcast_in_dim3A_170 = vector.broadcast %broadcast_in_dim3A_169 : f32 to vector<16xf32>
    %swap3A_171 = arith.constant 448 : index
    %swap3A_172 = tpu.vector_load %arg5[%swap3A_171] {strides = array<i32>} : memref<640xf32, #tpu.memory_space<vmem>>, vector<16xf32>,
    %swap3A_173 = vector.shape_cast %swap3A_172 : vector<16xf32> to vector<16xf32>
    %swap3A_174 = vector.shape_cast %broadcast_in_dim3A_170 : vector<16xf32> to vector<16xf32>
    tpu.vector_store %arg5[%swap3A_171], %swap3A_174 {strides = array<i32>} : memref<640xf32, #tpu.memory_space<vmem>>, vector<16xf32>,
    %broadcast_in_dim3A_175 = arith.constant 0.000000e+00 : f32
    %broadcast_in_dim3A_176 = vector.broadcast %broadcast_in_dim3A_175 : f32 to vector<16xf32>
    %swap3A_177 = arith.constant 464 : index
    %swap3A_178 = tpu.vector_load %arg5[%swap3A_177] {strides = array<i32>} : memref<640xf32, #tpu.memory_space<vmem>>, vector<16xf32>,
    %swap3A_179 = vector.shape_cast %swap3A_178 : vector<16xf32> to vector<16xf32>
    %swap3A_180 = vector.shape_cast %broadcast_in_dim3A_176 : vector<16xf32> to vector<16xf32>
    tpu.vector_store %arg5[%swap3A_177], %swap3A_180 {strides = array<i32>} : memref<640xf32, #tpu.memory_space<vmem>>, vector<16xf32>,
    %broadcast_in_dim3A_181 = arith.constant 0.000000e+00 : f32
    %broadcast_in_dim3A_182 = vector.broadcast %broadcast_in_dim3A_181 : f32 to vector<16xf32>
    %swap3A_183 = arith.constant 480 : index
    %swap3A_184 = tpu.vector_load %arg5[%swap3A_183] {strides = array<i32>} : memref<640xf32, #tpu.memory_space<vmem>>, vector<16xf32>,
    %swap3A_185 = vector.shape_cast %swap3A_184 : vector<16xf32> to vector<16xf32>
    %swap3A_186 = vector.shape_cast %broadcast_in_dim3A_182 : vector<16xf32> to vector<16xf32>
    tpu.vector_store %arg5[%swap3A_183], %swap3A_186 {strides = array<i32>} : memref<640xf32, #tpu.memory_space<vmem>>, vector<16xf32>,
    %broadcast_in_dim3A_187 = arith.constant 0.000000e+00 : f32
    %broadcast_in_dim3A_188 = vector.broadcast %broadcast_in_dim3A_187 : f32 to vector<16xf32>
    %swap3A_189 = arith.constant 496 : index
    %swap3A_190 = tpu.vector_load %arg5[%swap3A_189] {strides = array<i32>} : memref<640xf32, #tpu.memory_space<vmem>>, vector<16xf32>,
    %swap3A_191 = vector.shape_cast %swap3A_190 : vector<16xf32> to vector<16xf32>
    %swap3A_192 = vector.shape_cast %broadcast_in_dim3A_188 : vector<16xf32> to vector<16xf32>
    tpu.vector_store %arg5[%swap3A_189], %swap3A_192 {strides = array<i32>} : memref<640xf32, #tpu.memory_space<vmem>>, vector<16xf32>,
    %broadcast_in_dim3A_193 = arith.constant 0.000000e+00 : f32
    %broadcast_in_dim3A_194 = vector.broadcast %broadcast_in_dim3A_193 : f32 to vector<16xf32>
    %swap3A_195 = arith.constant 512 : index
    %swap3A_196 = tpu.vector_load %arg5[%swap3A_195] {strides = array<i32>} : memref<640xf32, #tpu.memory_space<vmem>>, vector<16xf32>,
    %swap3A_197 = vector.shape_cast %swap3A_196 : vector<16xf32> to vector<16xf32>
    %swap3A_198 = vector.shape_cast %broadcast_in_dim3A_194 : vector<16xf32> to vector<16xf32>
    tpu.vector_store %arg5[%swap3A_195], %swap3A_198 {strides = array<i32>} : memref<640xf32, #tpu.memory_space<vmem>>, vector<16xf32>,
    %broadcast_in_dim3A_199 = arith.constant 0.000000e+00 : f32
    %broadcast_in_dim3A_200 = vector.broadcast %broadcast_in_dim3A_199 : f32 to vector<16xf32>
    %swap3A_201 = arith.constant 528 : index
    %swap3A_202 = tpu.vector_load %arg5[%swap3A_201] {strides = array<i32>} : memref<640xf32, #tpu.memory_space<vmem>>, vector<16xf32>,
    %swap3A_203 = vector.shape_cast %swap3A_202 : vector<16xf32> to vector<16xf32>
    %swap3A_204 = vector.shape_cast %broadcast_in_dim3A_200 : vector<16xf32> to vector<16xf32>
    tpu.vector_store %arg5[%swap3A_201], %swap3A_204 {strides = array<i32>} : memref<640xf32, #tpu.memory_space<vmem>>, vector<16xf32>,
    %broadcast_in_dim3A_205 = arith.constant 0.000000e+00 : f32
    %broadcast_in_dim3A_206 = vector.broadcast %broadcast_in_dim3A_205 : f32 to vector<16xf32>
    %swap3A_207 = arith.constant 544 : index
    %swap3A_208 = tpu.vector_load %arg5[%swap3A_207] {strides = array<i32>} : memref<640xf32, #tpu.memory_space<vmem>>, vector<16xf32>,
    %swap3A_209 = vector.shape_cast %swap3A_208 : vector<16xf32> to vector<16xf32>
    %swap3A_210 = vector.shape_cast %broadcast_in_dim3A_206 : vector<16xf32> to vector<16xf32>
    tpu.vector_store %arg5[%swap3A_207], %swap3A_210 {strides = array<i32>} : memref<640xf32, #tpu.memory_space<vmem>>, vector<16xf32>,
    %broadcast_in_dim3A_211 = arith.constant 0.000000e+00 : f32
    %broadcast_in_dim3A_212 = vector.broadcast %broadcast_in_dim3A_211 : f32 to vector<16xf32>
    %swap3A_213 = arith.constant 560 : index
    %swap3A_214 = tpu.vector_load %arg5[%swap3A_213] {strides = array<i32>} : memref<640xf32, #tpu.memory_space<vmem>>, vector<16xf32>,
    %swap3A_215 = vector.shape_cast %swap3A_214 : vector<16xf32> to vector<16xf32>
    %swap3A_216 = vector.shape_cast %broadcast_in_dim3A_212 : vector<16xf32> to vector<16xf32>
    tpu.vector_store %arg5[%swap3A_213], %swap3A_216 {strides = array<i32>} : memref<640xf32, #tpu.memory_space<vmem>>, vector<16xf32>,
    %broadcast_in_dim3A_217 = arith.constant 0.000000e+00 : f32
    %broadcast_in_dim3A_218 = vector.broadcast %broadcast_in_dim3A_217 : f32 to vector<16xf32>
    %swap3A_219 = arith.constant 576 : index
    %swap3A_220 = tpu.vector_load %arg5[%swap3A_219] {strides = array<i32>} : memref<640xf32, #tpu.memory_space<vmem>>, vector<16xf32>,
    %swap3A_221 = vector.shape_cast %swap3A_220 : vector<16xf32> to vector<16xf32>
    %swap3A_222 = vector.shape_cast %broadcast_in_dim3A_218 : vector<16xf32> to vector<16xf32>
    tpu.vector_store %arg5[%swap3A_219], %swap3A_222 {strides = array<i32>} : memref<640xf32, #tpu.memory_space<vmem>>, vector<16xf32>,
    %broadcast_in_dim3A_223 = arith.constant 0.000000e+00 : f32
    %broadcast_in_dim3A_224 = vector.broadcast %broadcast_in_dim3A_223 : f32 to vector<16xf32>
    %swap3A_225 = arith.constant 592 : index
    %swap3A_226 = tpu.vector_load %arg5[%swap3A_225] {strides = array<i32>} : memref<640xf32, #tpu.memory_space<vmem>>, vector<16xf32>,
    %swap3A_227 = vector.shape_cast %swap3A_226 : vector<16xf32> to vector<16xf32>
    %swap3A_228 = vector.shape_cast %broadcast_in_dim3A_224 : vector<16xf32> to vector<16xf32>
    tpu.vector_store %arg5[%swap3A_225], %swap3A_228 {strides = array<i32>} : memref<640xf32, #tpu.memory_space<vmem>>, vector<16xf32>,
    %broadcast_in_dim3A_229 = arith.constant 0.000000e+00 : f32
    %broadcast_in_dim3A_230 = vector.broadcast %broadcast_in_dim3A_229 : f32 to vector<16xf32>
    %swap3A_231 = arith.constant 608 : index
    %swap3A_232 = tpu.vector_load %arg5[%swap3A_231] {strides = array<i32>} : memref<640xf32, #tpu.memory_space<vmem>>, vector<16xf32>,
    %swap3A_233 = vector.shape_cast %swap3A_232 : vector<16xf32> to vector<16xf32>
    %swap3A_234 = vector.shape_cast %broadcast_in_dim3A_230 : vector<16xf32> to vector<16xf32>
    tpu.vector_store %arg5[%swap3A_231], %swap3A_234 {strides = array<i32>} : memref<640xf32, #tpu.memory_space<vmem>>, vector<16xf32>,
    %broadcast_in_dim3A_235 = arith.constant 0.000000e+00 : f32
    %broadcast_in_dim3A_236 = vector.broadcast %broadcast_in_dim3A_235 : f32 to vector<16xf32>
    %swap3A_237 = arith.constant 624 : index
    %swap3A_238 = tpu.vector_load %arg5[%swap3A_237] {strides = array<i32>} : memref<640xf32, #tpu.memory_space<vmem>>, vector<16xf32>,
    %swap3A_239 = vector.shape_cast %swap3A_238 : vector<16xf32> to vector<16xf32>
    %swap3A_240 = vector.shape_cast %broadcast_in_dim3A_236 : vector<16xf32> to vector<16xf32>
    tpu.vector_store %arg5[%swap3A_237], %swap3A_240 {strides = array<i32>} : memref<640xf32, #tpu.memory_space<vmem>>, vector<16xf32>,
    %broadcast_in_dim3A_241 = arith.constant 1.000000e+00 : f32
    %broadcast_in_dim3A_242 = vector.broadcast %broadcast_in_dim3A_241 : f32 to vector<16xf32>
    %swap3A_243 = arith.constant 0 : index
    %swap3A_244 = tpu.vector_load %arg6[%swap3A_243] {strides = array<i32>} : memref<128xf32, #tpu.memory_space<vmem>>, vector<16xf32>,
    %swap3A_245 = vector.shape_cast %swap3A_244 : vector<16xf32> to vector<16xf32>
    %swap3A_246 = vector.shape_cast %broadcast_in_dim3A_242 : vector<16xf32> to vector<16xf32>
    tpu.vector_store %arg6[%swap3A_243], %swap3A_246 {strides = array<i32>} : memref<128xf32, #tpu.memory_space<vmem>>, vector<16xf32>,
    %broadcast_in_dim3A_247 = arith.constant 1.000000e+00 : f32
    %broadcast_in_dim3A_248 = vector.broadcast %broadcast_in_dim3A_247 : f32 to vector<16xf32>
    %swap3A_249 = arith.constant 16 : index
    %swap3A_250 = tpu.vector_load %arg6[%swap3A_249] {strides = array<i32>} : memref<128xf32, #tpu.memory_space<vmem>>, vector<16xf32>,
    %swap3A_251 = vector.shape_cast %swap3A_250 : vector<16xf32> to vector<16xf32>
    %swap3A_252 = vector.shape_cast %broadcast_in_dim3A_248 : vector<16xf32> to vector<16xf32>
    tpu.vector_store %arg6[%swap3A_249], %swap3A_252 {strides = array<i32>} : memref<128xf32, #tpu.memory_space<vmem>>, vector<16xf32>,
    %broadcast_in_dim3A_253 = arith.constant 1.000000e+00 : f32
    %broadcast_in_dim3A_254 = vector.broadcast %broadcast_in_dim3A_253 : f32 to vector<16xf32>
    %swap3A_255 = arith.constant 32 : index
    %swap3A_256 = tpu.vector_load %arg6[%swap3A_255] {strides = array<i32>} : memref<128xf32, #tpu.memory_space<vmem>>, vector<16xf32>,
    %swap3A_257 = vector.shape_cast %swap3A_256 : vector<16xf32> to vector<16xf32>
    %swap3A_258 = vector.shape_cast %broadcast_in_dim3A_254 : vector<16xf32> to vector<16xf32>
    tpu.vector_store %arg6[%swap3A_255], %swap3A_258 {strides = array<i32>} : memref<128xf32, #tpu.memory_space<vmem>>, vector<16xf32>,
    %broadcast_in_dim3A_259 = arith.constant 1.000000e+00 : f32
    %broadcast_in_dim3A_260 = vector.broadcast %broadcast_in_dim3A_259 : f32 to vector<16xf32>
    %swap3A_261 = arith.constant 48 : index
    %swap3A_262 = tpu.vector_load %arg6[%swap3A_261] {strides = array<i32>} : memref<128xf32, #tpu.memory_space<vmem>>, vector<16xf32>,
    %swap3A_263 = vector.shape_cast %swap3A_262 : vector<16xf32> to vector<16xf32>
    %swap3A_264 = vector.shape_cast %broadcast_in_dim3A_260 : vector<16xf32> to vector<16xf32>
    tpu.vector_store %arg6[%swap3A_261], %swap3A_264 {strides = array<i32>} : memref<128xf32, #tpu.memory_space<vmem>>, vector<16xf32>,
    %broadcast_in_dim3A_265 = arith.constant 1.000000e+00 : f32
    %broadcast_in_dim3A_266 = vector.broadcast %broadcast_in_dim3A_265 : f32 to vector<16xf32>
    %swap3A_267 = arith.constant 64 : index
    %swap3A_268 = tpu.vector_load %arg6[%swap3A_267] {strides = array<i32>} : memref<128xf32, #tpu.memory_space<vmem>>, vector<16xf32>,
    %swap3A_269 = vector.shape_cast %swap3A_268 : vector<16xf32> to vector<16xf32>
    %swap3A_270 = vector.shape_cast %broadcast_in_dim3A_266 : vector<16xf32> to vector<16xf32>
    tpu.vector_store %arg6[%swap3A_267], %swap3A_270 {strides = array<i32>} : memref<128xf32, #tpu.memory_space<vmem>>, vector<16xf32>,
    %broadcast_in_dim3A_271 = arith.constant 1.000000e+00 : f32
    %broadcast_in_dim3A_272 = vector.broadcast %broadcast_in_dim3A_271 : f32 to vector<16xf32>
    %swap3A_273 = arith.constant 80 : index
    %swap3A_274 = tpu.vector_load %arg6[%swap3A_273] {strides = array<i32>} : memref<128xf32, #tpu.memory_space<vmem>>, vector<16xf32>,
    %swap3A_275 = vector.shape_cast %swap3A_274 : vector<16xf32> to vector<16xf32>
    %swap3A_276 = vector.shape_cast %broadcast_in_dim3A_272 : vector<16xf32> to vector<16xf32>
    tpu.vector_store %arg6[%swap3A_273], %swap3A_276 {strides = array<i32>} : memref<128xf32, #tpu.memory_space<vmem>>, vector<16xf32>,
    %broadcast_in_dim3A_277 = arith.constant 1.000000e+00 : f32
    %broadcast_in_dim3A_278 = vector.broadcast %broadcast_in_dim3A_277 : f32 to vector<16xf32>
    %swap3A_279 = arith.constant 96 : index
    %swap3A_280 = tpu.vector_load %arg6[%swap3A_279] {strides = array<i32>} : memref<128xf32, #tpu.memory_space<vmem>>, vector<16xf32>,
    %swap3A_281 = vector.shape_cast %swap3A_280 : vector<16xf32> to vector<16xf32>
    %swap3A_282 = vector.shape_cast %broadcast_in_dim3A_278 : vector<16xf32> to vector<16xf32>
    tpu.vector_store %arg6[%swap3A_279], %swap3A_282 {strides = array<i32>} : memref<128xf32, #tpu.memory_space<vmem>>, vector<16xf32>,
    %broadcast_in_dim3A_283 = arith.constant 1.000000e+00 : f32
    %broadcast_in_dim3A_284 = vector.broadcast %broadcast_in_dim3A_283 : f32 to vector<16xf32>
    %swap3A_285 = arith.constant 112 : index
    %swap3A_286 = tpu.vector_load %arg6[%swap3A_285] {strides = array<i32>} : memref<128xf32, #tpu.memory_space<vmem>>, vector<16xf32>,
    %swap3A_287 = vector.shape_cast %swap3A_286 : vector<16xf32> to vector<16xf32>
    %swap3A_288 = vector.shape_cast %broadcast_in_dim3A_284 : vector<16xf32> to vector<16xf32>
    tpu.vector_store %arg6[%swap3A_285], %swap3A_288 {strides = array<i32>} : memref<128xf32, #tpu.memory_space<vmem>>, vector<16xf32>,
    "tpu.region"() ({
      %run_scoped3A_327 = tpu.sem_alloc : memref<!tpu.dma_semaphore, #tpu.memory_space<semaphore_mem>>
      %dma_start3A = tpu.memref_slice %arg13[%mul3A_2] : memref<10240xf32, #tpu.memory_space<vmem_shared>> -> memref<640xf32, #tpu.memory_space<vmem_shared>>
      %dma_start3A_328 = tpu.memref_slice %arg13[%mul3A_2] : memref<10240xf32, #tpu.memory_space<vmem_shared>> -> memref<640xf32, #tpu.memory_space<vmem_shared>>
      tpu.enqueue_dma source(%arg5 : memref<640xf32, #tpu.memory_space<vmem>>) target(%dma_start3A_328 : memref<640xf32, #tpu.memory_space<vmem_shared>>) target_semaphore(%run_scoped3A_327 : memref<!tpu.dma_semaphore, #tpu.memory_space<semaphore_mem>>)
      %dma_wait3A_329 = tpu.memref_slice %arg13[%mul3A_2] : memref<10240xf32, #tpu.memory_space<vmem_shared>> -> memref<640xf32, #tpu.memory_space<vmem_shared>>
      %dma_wait3A_330 = tpu.memref_slice %arg13[%mul3A_2] : memref<10240xf32, #tpu.memory_space<vmem_shared>> -> memref<640xf32, #tpu.memory_space<vmem_shared>>
      tpu.wait_dma2 semaphore(%run_scoped3A_327 : memref<!tpu.dma_semaphore, #tpu.memory_space<semaphore_mem>>) src(%arg5 : memref<640xf32, #tpu.memory_space<vmem>>) dst(%dma_wait3A_330 : memref<640xf32, #tpu.memory_space<vmem_shared>>)
      tpu.yield
    }) : () -> ()
    %mul3A_289 = arith.constant 78 : i32
    %mul3A_290 = arith.muli %add3A, %mul3A_289 : i32
    %run_scoped3A = arith.constant 1 : i32
    "tpu.region"() ({
      %run_scoped3A_327 = tpu.sem_alloc : memref<!tpu.dma_semaphore, #tpu.memory_space<semaphore_mem>>
      %dma_start3A = arith.constant 0 : i32
      %dma_start3A_328 = arith.constant 0 : i32
      %dma_start3A_329 = tpu.memref_slice %arg4[%dma_start3A, %dma_start3A_328] : memref<79x128xi32, #tpu.memory_space<vmem>> -> memref<78x128xi32, #tpu.memory_space<vmem>>
      %dma_start3A_330 = arith.constant 0 : i32
      %dma_start3A_331 = tpu.memref_slice %arg2[%run_scoped3A, %mul3A_290, %dma_start3A_330] : memref<2x2500x128xi32, #tpu.memory_space<hbm>> -> memref<1x78x128xi32, #tpu.memory_space<hbm>>
      %dma_start3A_332 = tpu.memref_squeeze %dma_start3A_331 : memref<1x78x128xi32, #tpu.memory_space<hbm>> -> memref<78x128xi32, #tpu.memory_space<hbm>>
      %dma_start3A_333 = arith.constant 0 : i32
      %dma_start3A_334 = arith.constant 0 : i32
      %dma_start3A_335 = tpu.memref_slice %arg4[%dma_start3A_333, %dma_start3A_334] : memref<79x128xi32, #tpu.memory_space<vmem>> -> memref<78x128xi32, #tpu.memory_space<vmem>>
      %dma_start3A_336 = arith.constant 0 : i32
      %dma_start3A_337 = tpu.memref_slice %arg2[%run_scoped3A, %mul3A_290, %dma_start3A_336] : memref<2x2500x128xi32, #tpu.memory_space<hbm>> -> memref<1x78x128xi32, #tpu.memory_space<hbm>>
      %dma_start3A_338 = tpu.memref_squeeze %dma_start3A_337 : memref<1x78x128xi32, #tpu.memory_space<hbm>> -> memref<78x128xi32, #tpu.memory_space<hbm>>
      tpu.enqueue_dma source(%dma_start3A_338 : memref<78x128xi32, #tpu.memory_space<hbm>>) target(%dma_start3A_335 : memref<78x128xi32, #tpu.memory_space<vmem>>) target_semaphore(%run_scoped3A_327 : memref<!tpu.dma_semaphore, #tpu.memory_space<semaphore_mem>>)
      %dma_wait3A_339 = arith.constant 0 : i32
      %dma_wait3A_340 = arith.constant 0 : i32
      %dma_wait3A_341 = tpu.memref_slice %arg4[%dma_wait3A_339, %dma_wait3A_340] : memref<79x128xi32, #tpu.memory_space<vmem>> -> memref<78x128xi32, #tpu.memory_space<vmem>>
      %dma_wait3A_342 = arith.constant 0 : i32
      %dma_wait3A_343 = tpu.memref_slice %arg2[%run_scoped3A, %mul3A_290, %dma_wait3A_342] : memref<2x2500x128xi32, #tpu.memory_space<hbm>> -> memref<1x78x128xi32, #tpu.memory_space<hbm>>
      %dma_wait3A_344 = tpu.memref_squeeze %dma_wait3A_343 : memref<1x78x128xi32, #tpu.memory_space<hbm>> -> memref<78x128xi32, #tpu.memory_space<hbm>>
      %dma_wait3A_345 = arith.constant 0 : i32
      %dma_wait3A_346 = arith.constant 0 : i32
      %dma_wait3A_347 = tpu.memref_slice %arg4[%dma_wait3A_345, %dma_wait3A_346] : memref<79x128xi32, #tpu.memory_space<vmem>> -> memref<78x128xi32, #tpu.memory_space<vmem>>
      %dma_wait3A_348 = arith.constant 0 : i32
      %dma_wait3A_349 = tpu.memref_slice %arg2[%run_scoped3A, %mul3A_290, %dma_wait3A_348] : memref<2x2500x128xi32, #tpu.memory_space<hbm>> -> memref<1x78x128xi32, #tpu.memory_space<hbm>>
      %dma_wait3A_350 = tpu.memref_squeeze %dma_wait3A_349 : memref<1x78x128xi32, #tpu.memory_space<hbm>> -> memref<78x128xi32, #tpu.memory_space<hbm>>
      tpu.wait_dma2 semaphore(%run_scoped3A_327 : memref<!tpu.dma_semaphore, #tpu.memory_space<semaphore_mem>>) src(%dma_wait3A_350 : memref<78x128xi32, #tpu.memory_space<hbm>>) dst(%dma_wait3A_347 : memref<78x128xi32, #tpu.memory_space<vmem>>)
      tpu.yield
    }) : () -> ()
    %lt3A = arith.constant 4 : i32
    %lt3A_291 = arith.cmpi slt, %add3A, %lt3A : i32
    %convert_element_type3A = arith.extui %lt3A_291 : i1 to i32
    %cond3A = arith.constant 0 : i32
    %cond3A_292 = arith.cmpi ne, %convert_element_type3A, %cond3A : i32
    scf.if %cond3A_292 {
      %add3A_327 = arith.constant 2496 : i32
      %add3A_328 = arith.addi %add3A_327, %add3A : i32
      %run_scoped3A_329 = arith.constant 1 : i32
      "tpu.region"() ({
        %run_scoped3A_330 = tpu.sem_alloc : memref<!tpu.dma_semaphore, #tpu.memory_space<semaphore_mem>>
        %dma_start3A = arith.constant 78 : i32
        %dma_start3A_331 = arith.constant 0 : i32
        %dma_start3A_332 = tpu.memref_slice %arg4[%dma_start3A, %dma_start3A_331] : memref<79x128xi32, #tpu.memory_space<vmem>> -> memref<1x128xi32, #tpu.memory_space<vmem>>
        %dma_start3A_333 = arith.constant 0 : i32
        %dma_start3A_334 = tpu.memref_slice %arg2[%run_scoped3A_329, %add3A_328, %dma_start3A_333] : memref<2x2500x128xi32, #tpu.memory_space<hbm>> -> memref<1x1x128xi32, #tpu.memory_space<hbm>>
        %dma_start3A_335 = tpu.memref_squeeze %dma_start3A_334 : memref<1x1x128xi32, #tpu.memory_space<hbm>> -> memref<1x128xi32, #tpu.memory_space<hbm>>
        %dma_start3A_336 = arith.constant 78 : i32
        %dma_start3A_337 = arith.constant 0 : i32
        %dma_start3A_338 = tpu.memref_slice %arg4[%dma_start3A_336, %dma_start3A_337] : memref<79x128xi32, #tpu.memory_space<vmem>> -> memref<1x128xi32, #tpu.memory_space<vmem>>
        %dma_start3A_339 = arith.constant 0 : i32
        %dma_start3A_340 = tpu.memref_slice %arg2[%run_scoped3A_329, %add3A_328, %dma_start3A_339] : memref<2x2500x128xi32, #tpu.memory_space<hbm>> -> memref<1x1x128xi32, #tpu.memory_space<hbm>>
        %dma_start3A_341 = tpu.memref_squeeze %dma_start3A_340 : memref<1x1x128xi32, #tpu.memory_space<hbm>> -> memref<1x128xi32, #tpu.memory_space<hbm>>
        tpu.enqueue_dma source(%dma_start3A_341 : memref<1x128xi32, #tpu.memory_space<hbm>>) target(%dma_start3A_338 : memref<1x128xi32, #tpu.memory_space<vmem>>) target_semaphore(%run_scoped3A_330 : memref<!tpu.dma_semaphore, #tpu.memory_space<semaphore_mem>>)
        %dma_wait3A_342 = arith.constant 78 : i32
        %dma_wait3A_343 = arith.constant 0 : i32
        %dma_wait3A_344 = tpu.memref_slice %arg4[%dma_wait3A_342, %dma_wait3A_343] : memref<79x128xi32, #tpu.memory_space<vmem>> -> memref<1x128xi32, #tpu.memory_space<vmem>>
        %dma_wait3A_345 = arith.constant 0 : i32
        %dma_wait3A_346 = tpu.memref_slice %arg2[%run_scoped3A_329, %add3A_328, %dma_wait3A_345] : memref<2x2500x128xi32, #tpu.memory_space<hbm>> -> memref<1x1x128xi32, #tpu.memory_space<hbm>>
        %dma_wait3A_347 = tpu.memref_squeeze %dma_wait3A_346 : memref<1x1x128xi32, #tpu.memory_space<hbm>> -> memref<1x128xi32, #tpu.memory_space<hbm>>
        %dma_wait3A_348 = arith.constant 78 : i32
        %dma_wait3A_349 = arith.constant 0 : i32
        %dma_wait3A_350 = tpu.memref_slice %arg4[%dma_wait3A_348, %dma_wait3A_349] : memref<79x128xi32, #tpu.memory_space<vmem>> -> memref<1x128xi32, #tpu.memory_space<vmem>>
        %dma_wait3A_351 = arith.constant 0 : i32
        %dma_wait3A_352 = tpu.memref_slice %arg2[%run_scoped3A_329, %add3A_328, %dma_wait3A_351] : memref<2x2500x128xi32, #tpu.memory_space<hbm>> -> memref<1x1x128xi32, #tpu.memory_space<hbm>>
        %dma_wait3A_353 = tpu.memref_squeeze %dma_wait3A_352 : memref<1x1x128xi32, #tpu.memory_space<hbm>> -> memref<1x128xi32, #tpu.memory_space<hbm>>
        tpu.wait_dma2 semaphore(%run_scoped3A_330 : memref<!tpu.dma_semaphore, #tpu.memory_space<semaphore_mem>>) src(%dma_wait3A_353 : memref<1x128xi32, #tpu.memory_space<hbm>>) dst(%dma_wait3A_350 : memref<1x128xi32, #tpu.memory_space<vmem>>)
        tpu.yield
      }) : () -> ()
    } else {
    }
    %barrier3A = arith.constant 0 : index
    tpu.barrier barrier_id(%barrier3A)
    %scan3A = arith.constant 0 : i32
    %scan3A_293 = arith.constant 0 : i32
    %scan3A_294 = arith.constant 13 : i32
    %scan3A_295 = arith.addi %scan3A_293, %scan3A_294 : i32
    %scan3A_296 = arith.constant 1 : i32
    scf.for %scan3A_327 = %scan3A_293 to %scan3A_295 step %scan3A_296  : i32 {
      %gt3A = arith.constant 0 : i32
      %gt3A_328 = arith.cmpi sgt, %scan3A_327, %gt3A : i32
      %convert_element_type3A_329 = arith.extui %gt3A_328 : i1 to i32
      %cond3A_330 = arith.constant 0 : i32
      %cond3A_331 = arith.cmpi ne, %convert_element_type3A_329, %cond3A_330 : i32
      scf.if %cond3A_331 {
        %dma_wait3A_410 = arith.constant 0 : i32
        %dma_wait3A_411 = tpu.memref_slice %arg13[%dma_wait3A_410] : memref<10240xf32, #tpu.memory_space<vmem_shared>> -> memref<128xf32, #tpu.memory_space<vmem_shared>>
        %dma_wait3A_412 = arith.constant 0 : i32
        %dma_wait3A_413 = tpu.memref_slice %arg13[%dma_wait3A_412] : memref<10240xf32, #tpu.memory_space<vmem_shared>> -> memref<128xf32, #tpu.memory_space<vmem_shared>>
        tpu.wait_dma2 semaphore(%arg7 : memref<!tpu.dma_semaphore, #tpu.memory_space<semaphore_mem>>) src(%arg6 : memref<128xf32, #tpu.memory_space<vmem>>) dst(%dma_wait3A_413 : memref<128xf32, #tpu.memory_space<vmem_shared>>)
      } else {
      }
      %mul3A_332 = arith.constant 6 : i32
      %mul3A_333 = arith.muli %scan3A_327, %mul3A_332 : i32
      %add3A_334 = arith.constant 0 : i32
      %add3A_335 = arith.addi %mul3A_333, %add3A_334 : i32
      %dma_start3A = arith.constant 0 : i32
      %dma_start3A_336 = tpu.memref_slice %arg4[%add3A_335, %dma_start3A] : memref<79x128xi32, #tpu.memory_space<vmem>> -> memref<1x128xi32, #tpu.memory_space<vmem>>
      %dma_start3A_337 = tpu.memref_squeeze %dma_start3A_336 : memref<1x128xi32, #tpu.memory_space<vmem>> -> memref<128xi32, #tpu.memory_space<vmem>>
      %dma_start3A_338 = arith.constant 0 : i32
      %dma_start3A_339 = tpu.memref_slice %arg13[%dma_start3A_338] : memref<10240xf32, #tpu.memory_space<vmem_shared>> -> memref<10240xf32, #tpu.memory_space<vmem_shared>>
      tpu.enqueue_indirect_dma source(%arg6 : memref<128xf32, #tpu.memory_space<vmem>>) target(%dma_start3A_339 : memref<10240xf32, #tpu.memory_space<vmem_shared>>) offsets(%dma_start3A_337 : memref<128xi32, #tpu.memory_space<vmem>>) semaphore(%arg7 : memref<!tpu.dma_semaphore, #tpu.memory_space<semaphore_mem>>) {add = true}
      %gt3A_340 = arith.constant 0 : i32
      %gt3A_341 = arith.cmpi sgt, %scan3A_327, %gt3A_340 : i32
      %convert_element_type3A_342 = arith.extui %gt3A_341 : i1 to i32
      %cond3A_343 = arith.constant 0 : i32
      %cond3A_344 = arith.cmpi ne, %convert_element_type3A_342, %cond3A_343 : i32
      scf.if %cond3A_344 {
        %dma_wait3A_410 = arith.constant 0 : i32
        %dma_wait3A_411 = tpu.memref_slice %arg13[%dma_wait3A_410] : memref<10240xf32, #tpu.memory_space<vmem_shared>> -> memref<128xf32, #tpu.memory_space<vmem_shared>>
        %dma_wait3A_412 = arith.constant 0 : i32
        %dma_wait3A_413 = tpu.memref_slice %arg13[%dma_wait3A_412] : memref<10240xf32, #tpu.memory_space<vmem_shared>> -> memref<128xf32, #tpu.memory_space<vmem_shared>>
        tpu.wait_dma2 semaphore(%arg8 : memref<!tpu.dma_semaphore, #tpu.memory_space<semaphore_mem>>) src(%arg6 : memref<128xf32, #tpu.memory_space<vmem>>) dst(%dma_wait3A_413 : memref<128xf32, #tpu.memory_space<vmem_shared>>)
      } else {
      }
      %mul3A_345 = arith.constant 6 : i32
      %mul3A_346 = arith.muli %scan3A_327, %mul3A_345 : i32
      %add3A_347 = arith.constant 1 : i32
      %add3A_348 = arith.addi %mul3A_346, %add3A_347 : i32
      %dma_start3A_349 = arith.constant 0 : i32
      %dma_start3A_350 = tpu.memref_slice %arg4[%add3A_348, %dma_start3A_349] : memref<79x128xi32, #tpu.memory_space<vmem>> -> memref<1x128xi32, #tpu.memory_space<vmem>>
      %dma_start3A_351 = tpu.memref_squeeze %dma_start3A_350 : memref<1x128xi32, #tpu.memory_space<vmem>> -> memref<128xi32, #tpu.memory_space<vmem>>
      %dma_start3A_352 = arith.constant 0 : i32
      %dma_start3A_353 = tpu.memref_slice %arg13[%dma_start3A_352] : memref<10240xf32, #tpu.memory_space<vmem_shared>> -> memref<10240xf32, #tpu.memory_space<vmem_shared>>
      tpu.enqueue_indirect_dma source(%arg6 : memref<128xf32, #tpu.memory_space<vmem>>) target(%dma_start3A_353 : memref<10240xf32, #tpu.memory_space<vmem_shared>>) offsets(%dma_start3A_351 : memref<128xi32, #tpu.memory_space<vmem>>) semaphore(%arg8 : memref<!tpu.dma_semaphore, #tpu.memory_space<semaphore_mem>>) {add = true}
      %gt3A_354 = arith.constant 0 : i32
      %gt3A_355 = arith.cmpi sgt, %scan3A_327, %gt3A_354 : i32
      %convert_element_type3A_356 = arith.extui %gt3A_355 : i1 to i32
      %cond3A_357 = arith.constant 0 : i32
      %cond3A_358 = arith.cmpi ne, %convert_element_type3A_356, %cond3A_357 : i32
      scf.if %cond3A_358 {
        %dma_wait3A_410 = arith.constant 0 : i32
        %dma_wait3A_411 = tpu.memref_slice %arg13[%dma_wait3A_410] : memref<10240xf32, #tpu.memory_space<vmem_shared>> -> memref<128xf32, #tpu.memory_space<vmem_shared>>
        %dma_wait3A_412 = arith.constant 0 : i32
        %dma_wait3A_413 = tpu.memref_slice %arg13[%dma_wait3A_412] : memref<10240xf32, #tpu.memory_space<vmem_shared>> -> memref<128xf32, #tpu.memory_space<vmem_shared>>
        tpu.wait_dma2 semaphore(%arg9 : memref<!tpu.dma_semaphore, #tpu.memory_space<semaphore_mem>>) src(%arg6 : memref<128xf32, #tpu.memory_space<vmem>>) dst(%dma_wait3A_413 : memref<128xf32, #tpu.memory_space<vmem_shared>>)
      } else {
      }
      %mul3A_359 = arith.constant 6 : i32
      %mul3A_360 = arith.muli %scan3A_327, %mul3A_359 : i32
      %add3A_361 = arith.constant 2 : i32
      %add3A_362 = arith.addi %mul3A_360, %add3A_361 : i32
      %dma_start3A_363 = arith.constant 0 : i32
      %dma_start3A_364 = tpu.memref_slice %arg4[%add3A_362, %dma_start3A_363] : memref<79x128xi32, #tpu.memory_space<vmem>> -> memref<1x128xi32, #tpu.memory_space<vmem>>
      %dma_start3A_365 = tpu.memref_squeeze %dma_start3A_364 : memref<1x128xi32, #tpu.memory_space<vmem>> -> memref<128xi32, #tpu.memory_space<vmem>>
      %dma_start3A_366 = arith.constant 0 : i32
      %dma_start3A_367 = tpu.memref_slice %arg13[%dma_start3A_366] : memref<10240xf32, #tpu.memory_space<vmem_shared>> -> memref<10240xf32, #tpu.memory_space<vmem_shared>>
      tpu.enqueue_indirect_dma source(%arg6 : memref<128xf32, #tpu.memory_space<vmem>>) target(%dma_start3A_367 : memref<10240xf32, #tpu.memory_space<vmem_shared>>) offsets(%dma_start3A_365 : memref<128xi32, #tpu.memory_space<vmem>>) semaphore(%arg9 : memref<!tpu.dma_semaphore, #tpu.memory_space<semaphore_mem>>) {add = true}
      %gt3A_368 = arith.constant 0 : i32
      %gt3A_369 = arith.cmpi sgt, %scan3A_327, %gt3A_368 : i32
      %convert_element_type3A_370 = arith.extui %gt3A_369 : i1 to i32
      %cond3A_371 = arith.constant 0 : i32
      %cond3A_372 = arith.cmpi ne, %convert_element_type3A_370, %cond3A_371 : i32
      scf.if %cond3A_372 {
        %dma_wait3A_410 = arith.constant 0 : i32
        %dma_wait3A_411 = tpu.memref_slice %arg13[%dma_wait3A_410] : memref<10240xf32, #tpu.memory_space<vmem_shared>> -> memref<128xf32, #tpu.memory_space<vmem_shared>>
        %dma_wait3A_412 = arith.constant 0 : i32
        %dma_wait3A_413 = tpu.memref_slice %arg13[%dma_wait3A_412] : memref<10240xf32, #tpu.memory_space<vmem_shared>> -> memref<128xf32, #tpu.memory_space<vmem_shared>>
        tpu.wait_dma2 semaphore(%arg10 : memref<!tpu.dma_semaphore, #tpu.memory_space<semaphore_mem>>) src(%arg6 : memref<128xf32, #tpu.memory_space<vmem>>) dst(%dma_wait3A_413 : memref<128xf32, #tpu.memory_space<vmem_shared>>)
      } else {
      }
      %mul3A_373 = arith.constant 6 : i32
      %mul3A_374 = arith.muli %scan3A_327, %mul3A_373 : i32
      %add3A_375 = arith.constant 3 : i32
      %add3A_376 = arith.addi %mul3A_374, %add3A_375 : i32
      %dma_start3A_377 = arith.constant 0 : i32
      %dma_start3A_378 = tpu.memref_slice %arg4[%add3A_376, %dma_start3A_377] : memref<79x128xi32, #tpu.memory_space<vmem>> -> memref<1x128xi32, #tpu.memory_space<vmem>>
      %dma_start3A_379 = tpu.memref_squeeze %dma_start3A_378 : memref<1x128xi32, #tpu.memory_space<vmem>> -> memref<128xi32, #tpu.memory_space<vmem>>
      %dma_start3A_380 = arith.constant 0 : i32
      %dma_start3A_381 = tpu.memref_slice %arg13[%dma_start3A_380] : memref<10240xf32, #tpu.memory_space<vmem_shared>> -> memref<10240xf32, #tpu.memory_space<vmem_shared>>
      tpu.enqueue_indirect_dma source(%arg6 : memref<128xf32, #tpu.memory_space<vmem>>) target(%dma_start3A_381 : memref<10240xf32, #tpu.memory_space<vmem_shared>>) offsets(%dma_start3A_379 : memref<128xi32, #tpu.memory_space<vmem>>) semaphore(%arg10 : memref<!tpu.dma_semaphore, #tpu.memory_space<semaphore_mem>>) {add = true}
      %gt3A_382 = arith.constant 0 : i32
      %gt3A_383 = arith.cmpi sgt, %scan3A_327, %gt3A_382 : i32
      %convert_element_type3A_384 = arith.extui %gt3A_383 : i1 to i32
      %cond3A_385 = arith.constant 0 : i32
      %cond3A_386 = arith.cmpi ne, %convert_element_type3A_384, %cond3A_385 : i32
      scf.if %cond3A_386 {
        %dma_wait3A_410 = arith.constant 0 : i32
        %dma_wait3A_411 = tpu.memref_slice %arg13[%dma_wait3A_410] : memref<10240xf32, #tpu.memory_space<vmem_shared>> -> memref<128xf32, #tpu.memory_space<vmem_shared>>
        %dma_wait3A_412 = arith.constant 0 : i32
        %dma_wait3A_413 = tpu.memref_slice %arg13[%dma_wait3A_412] : memref<10240xf32, #tpu.memory_space<vmem_shared>> -> memref<128xf32, #tpu.memory_space<vmem_shared>>
        tpu.wait_dma2 semaphore(%arg11 : memref<!tpu.dma_semaphore, #tpu.memory_space<semaphore_mem>>) src(%arg6 : memref<128xf32, #tpu.memory_space<vmem>>) dst(%dma_wait3A_413 : memref<128xf32, #tpu.memory_space<vmem_shared>>)
      } else {
      }
      %mul3A_387 = arith.constant 6 : i32
      %mul3A_388 = arith.muli %scan3A_327, %mul3A_387 : i32
      %add3A_389 = arith.constant 4 : i32
      %add3A_390 = arith.addi %mul3A_388, %add3A_389 : i32
      %dma_start3A_391 = arith.constant 0 : i32
      %dma_start3A_392 = tpu.memref_slice %arg4[%add3A_390, %dma_start3A_391] : memref<79x128xi32, #tpu.memory_space<vmem>> -> memref<1x128xi32, #tpu.memory_space<vmem>>
      %dma_start3A_393 = tpu.memref_squeeze %dma_start3A_392 : memref<1x128xi32, #tpu.memory_space<vmem>> -> memref<128xi32, #tpu.memory_space<vmem>>
      %dma_start3A_394 = arith.constant 0 : i32
      %dma_start3A_395 = tpu.memref_slice %arg13[%dma_start3A_394] : memref<10240xf32, #tpu.memory_space<vmem_shared>> -> memref<10240xf32, #tpu.memory_space<vmem_shared>>
      tpu.enqueue_indirect_dma source(%arg6 : memref<128xf32, #tpu.memory_space<vmem>>) target(%dma_start3A_395 : memref<10240xf32, #tpu.memory_space<vmem_shared>>) offsets(%dma_start3A_393 : memref<128xi32, #tpu.memory_space<vmem>>) semaphore(%arg11 : memref<!tpu.dma_semaphore, #tpu.memory_space<semaphore_mem>>) {add = true}
      %gt3A_396 = arith.constant 0 : i32
      %gt3A_397 = arith.cmpi sgt, %scan3A_327, %gt3A_396 : i32
      %convert_element_type3A_398 = arith.extui %gt3A_397 : i1 to i32
      %cond3A_399 = arith.constant 0 : i32
      %cond3A_400 = arith.cmpi ne, %convert_element_type3A_398, %cond3A_399 : i32
      scf.if %cond3A_400 {
        %dma_wait3A_410 = arith.constant 0 : i32
        %dma_wait3A_411 = tpu.memref_slice %arg13[%dma_wait3A_410] : memref<10240xf32, #tpu.memory_space<vmem_shared>> -> memref<128xf32, #tpu.memory_space<vmem_shared>>
        %dma_wait3A_412 = arith.constant 0 : i32
        %dma_wait3A_413 = tpu.memref_slice %arg13[%dma_wait3A_412] : memref<10240xf32, #tpu.memory_space<vmem_shared>> -> memref<128xf32, #tpu.memory_space<vmem_shared>>
        tpu.wait_dma2 semaphore(%arg12 : memref<!tpu.dma_semaphore, #tpu.memory_space<semaphore_mem>>) src(%arg6 : memref<128xf32, #tpu.memory_space<vmem>>) dst(%dma_wait3A_413 : memref<128xf32, #tpu.memory_space<vmem_shared>>)
      } else {
      }
      %mul3A_401 = arith.constant 6 : i32
      %mul3A_402 = arith.muli %scan3A_327, %mul3A_401 : i32
      %add3A_403 = arith.constant 5 : i32
      %add3A_404 = arith.addi %mul3A_402, %add3A_403 : i32
      %dma_start3A_405 = arith.constant 0 : i32
      %dma_start3A_406 = tpu.memref_slice %arg4[%add3A_404, %dma_start3A_405] : memref<79x128xi32, #tpu.memory_space<vmem>> -> memref<1x128xi32, #tpu.memory_space<vmem>>
      %dma_start3A_407 = tpu.memref_squeeze %dma_start3A_406 : memref<1x128xi32, #tpu.memory_space<vmem>> -> memref<128xi32, #tpu.memory_space<vmem>>
      %dma_start3A_408 = arith.constant 0 : i32
      %dma_start3A_409 = tpu.memref_slice %arg13[%dma_start3A_408] : memref<10240xf32, #tpu.memory_space<vmem_shared>> -> memref<10240xf32, #tpu.memory_space<vmem_shared>>
      tpu.enqueue_indirect_dma source(%arg6 : memref<128xf32, #tpu.memory_space<vmem>>) target(%dma_start3A_409 : memref<10240xf32, #tpu.memory_space<vmem_shared>>) offsets(%dma_start3A_407 : memref<128xi32, #tpu.memory_space<vmem>>) semaphore(%arg12 : memref<!tpu.dma_semaphore, #tpu.memory_space<semaphore_mem>>) {add = true}
    }
    %scan3A_297 = arith.constant 13 : i32
    %dma_wait3A = arith.constant 0 : i32
    %dma_wait3A_298 = tpu.memref_slice %arg13[%dma_wait3A] : memref<10240xf32, #tpu.memory_space<vmem_shared>> -> memref<128xf32, #tpu.memory_space<vmem_shared>>
    %dma_wait3A_299 = arith.constant 0 : i32
    %dma_wait3A_300 = tpu.memref_slice %arg13[%dma_wait3A_299] : memref<10240xf32, #tpu.memory_space<vmem_shared>> -> memref<128xf32, #tpu.memory_space<vmem_shared>>
    tpu.wait_dma2 semaphore(%arg7 : memref<!tpu.dma_semaphore, #tpu.memory_space<semaphore_mem>>) src(%arg6 : memref<128xf32, #tpu.memory_space<vmem>>) dst(%dma_wait3A_300 : memref<128xf32, #tpu.memory_space<vmem_shared>>)
    %dma_wait3A_301 = arith.constant 0 : i32
    %dma_wait3A_302 = tpu.memref_slice %arg13[%dma_wait3A_301] : memref<10240xf32, #tpu.memory_space<vmem_shared>> -> memref<128xf32, #tpu.memory_space<vmem_shared>>
    %dma_wait3A_303 = arith.constant 0 : i32
    %dma_wait3A_304 = tpu.memref_slice %arg13[%dma_wait3A_303] : memref<10240xf32, #tpu.memory_space<vmem_shared>> -> memref<128xf32, #tpu.memory_space<vmem_shared>>
    tpu.wait_dma2 semaphore(%arg8 : memref<!tpu.dma_semaphore, #tpu.memory_space<semaphore_mem>>) src(%arg6 : memref<128xf32, #tpu.memory_space<vmem>>) dst(%dma_wait3A_304 : memref<128xf32, #tpu.memory_space<vmem_shared>>)
    %dma_wait3A_305 = arith.constant 0 : i32
    %dma_wait3A_306 = tpu.memref_slice %arg13[%dma_wait3A_305] : memref<10240xf32, #tpu.memory_space<vmem_shared>> -> memref<128xf32, #tpu.memory_space<vmem_shared>>
    %dma_wait3A_307 = arith.constant 0 : i32
    %dma_wait3A_308 = tpu.memref_slice %arg13[%dma_wait3A_307] : memref<10240xf32, #tpu.memory_space<vmem_shared>> -> memref<128xf32, #tpu.memory_space<vmem_shared>>
    tpu.wait_dma2 semaphore(%arg9 : memref<!tpu.dma_semaphore, #tpu.memory_space<semaphore_mem>>) src(%arg6 : memref<128xf32, #tpu.memory_space<vmem>>) dst(%dma_wait3A_308 : memref<128xf32, #tpu.memory_space<vmem_shared>>)
    %dma_wait3A_309 = arith.constant 0 : i32
    %dma_wait3A_310 = tpu.memref_slice %arg13[%dma_wait3A_309] : memref<10240xf32, #tpu.memory_space<vmem_shared>> -> memref<128xf32, #tpu.memory_space<vmem_shared>>
    %dma_wait3A_311 = arith.constant 0 : i32
    %dma_wait3A_312 = tpu.memref_slice %arg13[%dma_wait3A_311] : memref<10240xf32, #tpu.memory_space<vmem_shared>> -> memref<128xf32, #tpu.memory_space<vmem_shared>>
    tpu.wait_dma2 semaphore(%arg10 : memref<!tpu.dma_semaphore, #tpu.memory_space<semaphore_mem>>) src(%arg6 : memref<128xf32, #tpu.memory_space<vmem>>) dst(%dma_wait3A_312 : memref<128xf32, #tpu.memory_space<vmem_shared>>)
    %dma_wait3A_313 = arith.constant 0 : i32
    %dma_wait3A_314 = tpu.memref_slice %arg13[%dma_wait3A_313] : memref<10240xf32, #tpu.memory_space<vmem_shared>> -> memref<128xf32, #tpu.memory_space<vmem_shared>>
    %dma_wait3A_315 = arith.constant 0 : i32
    %dma_wait3A_316 = tpu.memref_slice %arg13[%dma_wait3A_315] : memref<10240xf32, #tpu.memory_space<vmem_shared>> -> memref<128xf32, #tpu.memory_space<vmem_shared>>
    tpu.wait_dma2 semaphore(%arg11 : memref<!tpu.dma_semaphore, #tpu.memory_space<semaphore_mem>>) src(%arg6 : memref<128xf32, #tpu.memory_space<vmem>>) dst(%dma_wait3A_316 : memref<128xf32, #tpu.memory_space<vmem_shared>>)
    %dma_wait3A_317 = arith.constant 0 : i32
    %dma_wait3A_318 = tpu.memref_slice %arg13[%dma_wait3A_317] : memref<10240xf32, #tpu.memory_space<vmem_shared>> -> memref<128xf32, #tpu.memory_space<vmem_shared>>
    %dma_wait3A_319 = arith.constant 0 : i32
    %dma_wait3A_320 = tpu.memref_slice %arg13[%dma_wait3A_319] : memref<10240xf32, #tpu.memory_space<vmem_shared>> -> memref<128xf32, #tpu.memory_space<vmem_shared>>
    tpu.wait_dma2 semaphore(%arg12 : memref<!tpu.dma_semaphore, #tpu.memory_space<semaphore_mem>>) src(%arg6 : memref<128xf32, #tpu.memory_space<vmem>>) dst(%dma_wait3A_320 : memref<128xf32, #tpu.memory_space<vmem_shared>>)
    %lt3A_321 = arith.constant 4 : i32
    %lt3A_322 = arith.cmpi slt, %add3A, %lt3A_321 : i32
    %convert_element_type3A_323 = arith.extui %lt3A_322 : i1 to i32
    %cond3A_324 = arith.constant 0 : i32
    %cond3A_325 = arith.cmpi ne, %convert_element_type3A_323, %cond3A_324 : i32
    scf.if %cond3A_325 {
      %run_scoped3A_327 = arith.constant 78 : i32
      "tpu.region"() ({
        %run_scoped3A_328 = tpu.sem_alloc : memref<!tpu.dma_semaphore, #tpu.memory_space<semaphore_mem>>
        %dma_start3A = arith.constant 0 : i32
        %dma_start3A_329 = tpu.memref_slice %arg4[%run_scoped3A_327, %dma_start3A] : memref<79x128xi32, #tpu.memory_space<vmem>> -> memref<1x128xi32, #tpu.memory_space<vmem>>
        %dma_start3A_330 = tpu.memref_squeeze %dma_start3A_329 : memref<1x128xi32, #tpu.memory_space<vmem>> -> memref<128xi32, #tpu.memory_space<vmem>>
        %dma_start3A_331 = arith.constant 0 : i32
        %dma_start3A_332 = tpu.memref_slice %arg13[%dma_start3A_331] : memref<10240xf32, #tpu.memory_space<vmem_shared>> -> memref<10240xf32, #tpu.memory_space<vmem_shared>>
        tpu.enqueue_indirect_dma source(%arg6 : memref<128xf32, #tpu.memory_space<vmem>>) target(%dma_start3A_332 : memref<10240xf32, #tpu.memory_space<vmem_shared>>) offsets(%dma_start3A_330 : memref<128xi32, #tpu.memory_space<vmem>>) semaphore(%run_scoped3A_328 : memref<!tpu.dma_semaphore, #tpu.memory_space<semaphore_mem>>) {add = true}
        %dma_wait3A_333 = arith.constant 0 : i32
        %dma_wait3A_334 = tpu.memref_slice %arg4[%run_scoped3A_327, %dma_wait3A_333] : memref<79x128xi32, #tpu.memory_space<vmem>> -> memref<1x128xi32, #tpu.memory_space<vmem>>
        %dma_wait3A_335 = tpu.memref_squeeze %dma_wait3A_334 : memref<1x128xi32, #tpu.memory_space<vmem>> -> memref<128xi32, #tpu.memory_space<vmem>>
        %dma_wait3A_336 = arith.constant 0 : i32
        %dma_wait3A_337 = tpu.memref_slice %arg13[%dma_wait3A_336] : memref<10240xf32, #tpu.memory_space<vmem_shared>> -> memref<10240xf32, #tpu.memory_space<vmem_shared>>
        tpu.wait_indirect_dma semaphore(%run_scoped3A_328 : memref<!tpu.dma_semaphore, #tpu.memory_space<semaphore_mem>>) src(%arg6 : memref<128xf32, #tpu.memory_space<vmem>>) dst(%dma_wait3A_337 : memref<10240xf32, #tpu.memory_space<vmem_shared>>)
        tpu.yield
      }) : () -> ()
    } else {
    }
    %barrier3A_326 = arith.constant 0 : index
    tpu.barrier barrier_id(%barrier3A_326)
    "tpu.region"() ({
      %run_scoped3A_327 = tpu.sem_alloc : memref<!tpu.dma_semaphore, #tpu.memory_space<semaphore_mem>>
      %dma_start3A = tpu.memref_slice %arg13[%mul3A_2] : memref<10240xf32, #tpu.memory_space<vmem_shared>> -> memref<640xf32, #tpu.memory_space<vmem_shared>>
      %dma_start3A_328 = tpu.memref_slice %arg13[%mul3A_2] : memref<10240xf32, #tpu.memory_space<vmem_shared>> -> memref<640xf32, #tpu.memory_space<vmem_shared>>
      tpu.enqueue_dma source(%dma_start3A_328 : memref<640xf32, #tpu.memory_space<vmem_shared>>) target(%arg5 : memref<640xf32, #tpu.memory_space<vmem>>) target_semaphore(%run_scoped3A_327 : memref<!tpu.dma_semaphore, #tpu.memory_space<semaphore_mem>>)
      %dma_wait3A_329 = tpu.memref_slice %arg13[%mul3A_2] : memref<10240xf32, #tpu.memory_space<vmem_shared>> -> memref<640xf32, #tpu.memory_space<vmem_shared>>
      %dma_wait3A_330 = tpu.memref_slice %arg13[%mul3A_2] : memref<10240xf32, #tpu.memory_space<vmem_shared>> -> memref<640xf32, #tpu.memory_space<vmem_shared>>
      tpu.wait_dma2 semaphore(%run_scoped3A_327 : memref<!tpu.dma_semaphore, #tpu.memory_space<semaphore_mem>>) src(%dma_wait3A_330 : memref<640xf32, #tpu.memory_space<vmem_shared>>) dst(%arg5 : memref<640xf32, #tpu.memory_space<vmem>>)
      tpu.yield
    }) : () -> ()
    "tpu.region"() ({
      %run_scoped3A_327 = tpu.sem_alloc : memref<!tpu.dma_semaphore, #tpu.memory_space<semaphore_mem>>
      %dma_start3A = tpu.memref_slice %arg3[%arg0, %mul3A_2] : memref<2x10240xf32, #tpu.memory_space<hbm>> -> memref<1x640xf32, #tpu.memory_space<hbm>>
      %dma_start3A_328 = tpu.memref_squeeze %dma_start3A : memref<1x640xf32, #tpu.memory_space<hbm>> -> memref<640xf32, #tpu.memory_space<hbm>>
      %dma_start3A_329 = tpu.memref_slice %arg3[%arg0, %mul3A_2] : memref<2x10240xf32, #tpu.memory_space<hbm>> -> memref<1x640xf32, #tpu.memory_space<hbm>>
      %dma_start3A_330 = tpu.memref_squeeze %dma_start3A_329 : memref<1x640xf32, #tpu.memory_space<hbm>> -> memref<640xf32, #tpu.memory_space<hbm>>
      tpu.enqueue_dma source(%arg5 : memref<640xf32, #tpu.memory_space<vmem>>) target(%dma_start3A_330 : memref<640xf32, #tpu.memory_space<hbm>>) target_semaphore(%run_scoped3A_327 : memref<!tpu.dma_semaphore, #tpu.memory_space<semaphore_mem>>)
      %dma_wait3A_331 = tpu.memref_slice %arg3[%arg0, %mul3A_2] : memref<2x10240xf32, #tpu.memory_space<hbm>> -> memref<1x640xf32, #tpu.memory_space<hbm>>
      %dma_wait3A_332 = tpu.memref_squeeze %dma_wait3A_331 : memref<1x640xf32, #tpu.memory_space<hbm>> -> memref<640xf32, #tpu.memory_space<hbm>>
      %dma_wait3A_333 = tpu.memref_slice %arg3[%arg0, %mul3A_2] : memref<2x10240xf32, #tpu.memory_space<hbm>> -> memref<1x640xf32, #tpu.memory_space<hbm>>
      %dma_wait3A_334 = tpu.memref_squeeze %dma_wait3A_333 : memref<1x640xf32, #tpu.memory_space<hbm>> -> memref<640xf32, #tpu.memory_space<hbm>>
      tpu.wait_dma2 semaphore(%run_scoped3A_327 : memref<!tpu.dma_semaphore, #tpu.memory_space<semaphore_mem>>) src(%arg5 : memref<640xf32, #tpu.memory_space<vmem>>) dst(%dma_wait3A_334 : memref<640xf32, #tpu.memory_space<hbm>>)
      tpu.yield
    }) : () -> ()
    return
  }
}

#map = affine_map<(d0, d1) -> (0, 0, 0)>
#map1 = affine_map<(d0, d1) -> (0, 0)>
module attributes {stable_mosaic.version = 14 : i64} {
  func.func @_agg_kernel(%arg0: i32, %arg1: i32, %arg2: memref<2x2500x128xi32, #tpu.memory_space<hbm>>, %arg3: memref<10000x64xf32, #tpu.memory_space<hbm>>, %arg4: memref<10240x64xf32, #tpu.memory_space<hbm>>, %arg5: memref<10240x64xf32, #tpu.memory_space<hbm>>, %arg6: memref<79x128xi32, #tpu.memory_space<vmem>>, %arg7: memref<79x128xi32, #tpu.memory_space<vmem>>, %arg8: memref<128x64xf32, #tpu.memory_space<vmem>>, %arg9: memref<128x64xf32, #tpu.memory_space<vmem>>, %arg10: memref<128x64xf32, #tpu.memory_space<vmem>>, %arg11: memref<128x64xf32, #tpu.memory_space<vmem>>, %arg12: memref<128x64xf32, #tpu.memory_space<vmem>>, %arg13: memref<128x64xf32, #tpu.memory_space<vmem>>, %arg14: memref<!tpu.dma_semaphore, #tpu.memory_space<semaphore_mem>>, %arg15: memref<!tpu.dma_semaphore, #tpu.memory_space<semaphore_mem>>, %arg16: memref<!tpu.dma_semaphore, #tpu.memory_space<semaphore_mem>>, %arg17: memref<!tpu.dma_semaphore, #tpu.memory_space<semaphore_mem>>, %arg18: memref<!tpu.dma_semaphore, #tpu.memory_space<semaphore_mem>>, %arg19: memref<!tpu.dma_semaphore, #tpu.memory_space<semaphore_mem>>, %arg20: memref<10240x64xf32, #tpu.memory_space<vmem_shared>>) attributes {dimension_semantics = [#tpu.dimension_semantics<core_parallel>, #tpu.dimension_semantics<subcore_parallel>], iteration_bounds = array<i64: 2, 16>, scalar_prefetch = 0 : i64, scratch_operands = 15 : i64, tpu.core_type = #tpu.core_type<sc_vector_subcore>, window_params = [{transform_indices = #map}, {transform_indices = #map1}, {transform_indices = #map1}, {transform_indices = #map1}]} {
    %mul3A = arith.constant 16 : i32
    %mul3A_0 = arith.muli %arg0, %mul3A : i32
    %add3A = arith.addi %mul3A_0, %arg1 : i32
    %mul3A_1 = arith.constant 640 : i32
    %mul3A_2 = arith.muli %arg1, %mul3A_1 : i32
    %scan3A = arith.constant 0 : i32
    %scan3A_3 = arith.constant 0 : i32
    %scan3A_4 = arith.constant 128 : i32
    %scan3A_5 = arith.addi %scan3A_3, %scan3A_4 : i32
    %scan3A_6 = arith.constant 1 : i32
    scf.for %scan3A_178 = %scan3A_3 to %scan3A_5 step %scan3A_6  : i32 {
      %broadcast_in_dim3A = arith.constant 0.000000e+00 : f32
      %broadcast_in_dim3A_179 = vector.broadcast %broadcast_in_dim3A : f32 to vector<16xf32>
      %swap3A = arith.index_cast %scan3A_178 : i32 to index
      %swap3A_180 = arith.constant 0 : index
      %swap3A_181 = tpu.vector_load %arg8[%swap3A, %swap3A_180] {strides = array<i32>} : memref<128x64xf32, #tpu.memory_space<vmem>>, vector<1x16xf32>,
      %swap3A_182 = vector.shape_cast %swap3A_181 : vector<1x16xf32> to vector<16xf32>
      %swap3A_183 = vector.shape_cast %broadcast_in_dim3A_179 : vector<16xf32> to vector<1x16xf32>
      tpu.vector_store %arg8[%swap3A, %swap3A_180], %swap3A_183 {strides = array<i32>} : memref<128x64xf32, #tpu.memory_space<vmem>>, vector<1x16xf32>,
      %broadcast_in_dim3A_184 = arith.constant 0.000000e+00 : f32
      %broadcast_in_dim3A_185 = vector.broadcast %broadcast_in_dim3A_184 : f32 to vector<16xf32>
      %swap3A_186 = arith.index_cast %scan3A_178 : i32 to index
      %swap3A_187 = arith.constant 16 : index
      %swap3A_188 = tpu.vector_load %arg8[%swap3A_186, %swap3A_187] {strides = array<i32>} : memref<128x64xf32, #tpu.memory_space<vmem>>, vector<1x16xf32>,
      %swap3A_189 = vector.shape_cast %swap3A_188 : vector<1x16xf32> to vector<16xf32>
      %swap3A_190 = vector.shape_cast %broadcast_in_dim3A_185 : vector<16xf32> to vector<1x16xf32>
      tpu.vector_store %arg8[%swap3A_186, %swap3A_187], %swap3A_190 {strides = array<i32>} : memref<128x64xf32, #tpu.memory_space<vmem>>, vector<1x16xf32>,
      %broadcast_in_dim3A_191 = arith.constant 0.000000e+00 : f32
      %broadcast_in_dim3A_192 = vector.broadcast %broadcast_in_dim3A_191 : f32 to vector<16xf32>
      %swap3A_193 = arith.index_cast %scan3A_178 : i32 to index
      %swap3A_194 = arith.constant 32 : index
      %swap3A_195 = tpu.vector_load %arg8[%swap3A_193, %swap3A_194] {strides = array<i32>} : memref<128x64xf32, #tpu.memory_space<vmem>>, vector<1x16xf32>,
      %swap3A_196 = vector.shape_cast %swap3A_195 : vector<1x16xf32> to vector<16xf32>
      %swap3A_197 = vector.shape_cast %broadcast_in_dim3A_192 : vector<16xf32> to vector<1x16xf32>
      tpu.vector_store %arg8[%swap3A_193, %swap3A_194], %swap3A_197 {strides = array<i32>} : memref<128x64xf32, #tpu.memory_space<vmem>>, vector<1x16xf32>,
      %broadcast_in_dim3A_198 = arith.constant 0.000000e+00 : f32
      %broadcast_in_dim3A_199 = vector.broadcast %broadcast_in_dim3A_198 : f32 to vector<16xf32>
      %swap3A_200 = arith.index_cast %scan3A_178 : i32 to index
      %swap3A_201 = arith.constant 48 : index
      %swap3A_202 = tpu.vector_load %arg8[%swap3A_200, %swap3A_201] {strides = array<i32>} : memref<128x64xf32, #tpu.memory_space<vmem>>, vector<1x16xf32>,
      %swap3A_203 = vector.shape_cast %swap3A_202 : vector<1x16xf32> to vector<16xf32>
      %swap3A_204 = vector.shape_cast %broadcast_in_dim3A_199 : vector<16xf32> to vector<1x16xf32>
      tpu.vector_store %arg8[%swap3A_200, %swap3A_201], %swap3A_204 {strides = array<i32>} : memref<128x64xf32, #tpu.memory_space<vmem>>, vector<1x16xf32>,
    }
    %scan3A_7 = arith.constant 128 : i32
    %add3A_8 = arith.constant 0 : i32
    %add3A_9 = arith.addi %mul3A_2, %add3A_8 : i32
    "tpu.region"() ({
      %run_scoped3A_178 = tpu.sem_alloc : memref<!tpu.dma_semaphore, #tpu.memory_space<semaphore_mem>>
      %dma_start3A_179 = arith.constant 0 : i32
      %dma_start3A_180 = tpu.memref_slice %arg20[%add3A_9, %dma_start3A_179] : memref<10240x64xf32, #tpu.memory_space<vmem_shared>> -> memref<128x64xf32, #tpu.memory_space<vmem_shared>>
      %dma_start3A_181 = arith.constant 0 : i32
      %dma_start3A_182 = tpu.memref_slice %arg20[%add3A_9, %dma_start3A_181] : memref<10240x64xf32, #tpu.memory_space<vmem_shared>> -> memref<128x64xf32, #tpu.memory_space<vmem_shared>>
      tpu.enqueue_dma source(%arg8 : memref<128x64xf32, #tpu.memory_space<vmem>>) target(%dma_start3A_182 : memref<128x64xf32, #tpu.memory_space<vmem_shared>>) target_semaphore(%run_scoped3A_178 : memref<!tpu.dma_semaphore, #tpu.memory_space<semaphore_mem>>)
      %dma_wait3A_183 = arith.constant 0 : i32
      %dma_wait3A_184 = tpu.memref_slice %arg20[%add3A_9, %dma_wait3A_183] : memref<10240x64xf32, #tpu.memory_space<vmem_shared>> -> memref<128x64xf32, #tpu.memory_space<vmem_shared>>
      %dma_wait3A_185 = arith.constant 0 : i32
      %dma_wait3A_186 = tpu.memref_slice %arg20[%add3A_9, %dma_wait3A_185] : memref<10240x64xf32, #tpu.memory_space<vmem_shared>> -> memref<128x64xf32, #tpu.memory_space<vmem_shared>>
      tpu.wait_dma2 semaphore(%run_scoped3A_178 : memref<!tpu.dma_semaphore, #tpu.memory_space<semaphore_mem>>) src(%arg8 : memref<128x64xf32, #tpu.memory_space<vmem>>) dst(%dma_wait3A_186 : memref<128x64xf32, #tpu.memory_space<vmem_shared>>)
      tpu.yield
    }) : () -> ()
    %add3A_10 = arith.constant 128 : i32
    %add3A_11 = arith.addi %mul3A_2, %add3A_10 : i32
    "tpu.region"() ({
      %run_scoped3A_178 = tpu.sem_alloc : memref<!tpu.dma_semaphore, #tpu.memory_space<semaphore_mem>>
      %dma_start3A_179 = arith.constant 0 : i32
      %dma_start3A_180 = tpu.memref_slice %arg20[%add3A_11, %dma_start3A_179] : memref<10240x64xf32, #tpu.memory_space<vmem_shared>> -> memref<128x64xf32, #tpu.memory_space<vmem_shared>>
      %dma_start3A_181 = arith.constant 0 : i32
      %dma_start3A_182 = tpu.memref_slice %arg20[%add3A_11, %dma_start3A_181] : memref<10240x64xf32, #tpu.memory_space<vmem_shared>> -> memref<128x64xf32, #tpu.memory_space<vmem_shared>>
      tpu.enqueue_dma source(%arg8 : memref<128x64xf32, #tpu.memory_space<vmem>>) target(%dma_start3A_182 : memref<128x64xf32, #tpu.memory_space<vmem_shared>>) target_semaphore(%run_scoped3A_178 : memref<!tpu.dma_semaphore, #tpu.memory_space<semaphore_mem>>)
      %dma_wait3A_183 = arith.constant 0 : i32
      %dma_wait3A_184 = tpu.memref_slice %arg20[%add3A_11, %dma_wait3A_183] : memref<10240x64xf32, #tpu.memory_space<vmem_shared>> -> memref<128x64xf32, #tpu.memory_space<vmem_shared>>
      %dma_wait3A_185 = arith.constant 0 : i32
      %dma_wait3A_186 = tpu.memref_slice %arg20[%add3A_11, %dma_wait3A_185] : memref<10240x64xf32, #tpu.memory_space<vmem_shared>> -> memref<128x64xf32, #tpu.memory_space<vmem_shared>>
      tpu.wait_dma2 semaphore(%run_scoped3A_178 : memref<!tpu.dma_semaphore, #tpu.memory_space<semaphore_mem>>) src(%arg8 : memref<128x64xf32, #tpu.memory_space<vmem>>) dst(%dma_wait3A_186 : memref<128x64xf32, #tpu.memory_space<vmem_shared>>)
      tpu.yield
    }) : () -> ()
    %add3A_12 = arith.constant 256 : i32
    %add3A_13 = arith.addi %mul3A_2, %add3A_12 : i32
    "tpu.region"() ({
      %run_scoped3A_178 = tpu.sem_alloc : memref<!tpu.dma_semaphore, #tpu.memory_space<semaphore_mem>>
      %dma_start3A_179 = arith.constant 0 : i32
      %dma_start3A_180 = tpu.memref_slice %arg20[%add3A_13, %dma_start3A_179] : memref<10240x64xf32, #tpu.memory_space<vmem_shared>> -> memref<128x64xf32, #tpu.memory_space<vmem_shared>>
      %dma_start3A_181 = arith.constant 0 : i32
      %dma_start3A_182 = tpu.memref_slice %arg20[%add3A_13, %dma_start3A_181] : memref<10240x64xf32, #tpu.memory_space<vmem_shared>> -> memref<128x64xf32, #tpu.memory_space<vmem_shared>>
      tpu.enqueue_dma source(%arg8 : memref<128x64xf32, #tpu.memory_space<vmem>>) target(%dma_start3A_182 : memref<128x64xf32, #tpu.memory_space<vmem_shared>>) target_semaphore(%run_scoped3A_178 : memref<!tpu.dma_semaphore, #tpu.memory_space<semaphore_mem>>)
      %dma_wait3A_183 = arith.constant 0 : i32
      %dma_wait3A_184 = tpu.memref_slice %arg20[%add3A_13, %dma_wait3A_183] : memref<10240x64xf32, #tpu.memory_space<vmem_shared>> -> memref<128x64xf32, #tpu.memory_space<vmem_shared>>
      %dma_wait3A_185 = arith.constant 0 : i32
      %dma_wait3A_186 = tpu.memref_slice %arg20[%add3A_13, %dma_wait3A_185] : memref<10240x64xf32, #tpu.memory_space<vmem_shared>> -> memref<128x64xf32, #tpu.memory_space<vmem_shared>>
      tpu.wait_dma2 semaphore(%run_scoped3A_178 : memref<!tpu.dma_semaphore, #tpu.memory_space<semaphore_mem>>) src(%arg8 : memref<128x64xf32, #tpu.memory_space<vmem>>) dst(%dma_wait3A_186 : memref<128x64xf32, #tpu.memory_space<vmem_shared>>)
      tpu.yield
    }) : () -> ()
    %add3A_14 = arith.constant 384 : i32
    %add3A_15 = arith.addi %mul3A_2, %add3A_14 : i32
    "tpu.region"() ({
      %run_scoped3A_178 = tpu.sem_alloc : memref<!tpu.dma_semaphore, #tpu.memory_space<semaphore_mem>>
      %dma_start3A_179 = arith.constant 0 : i32
      %dma_start3A_180 = tpu.memref_slice %arg20[%add3A_15, %dma_start3A_179] : memref<10240x64xf32, #tpu.memory_space<vmem_shared>> -> memref<128x64xf32, #tpu.memory_space<vmem_shared>>
      %dma_start3A_181 = arith.constant 0 : i32
      %dma_start3A_182 = tpu.memref_slice %arg20[%add3A_15, %dma_start3A_181] : memref<10240x64xf32, #tpu.memory_space<vmem_shared>> -> memref<128x64xf32, #tpu.memory_space<vmem_shared>>
      tpu.enqueue_dma source(%arg8 : memref<128x64xf32, #tpu.memory_space<vmem>>) target(%dma_start3A_182 : memref<128x64xf32, #tpu.memory_space<vmem_shared>>) target_semaphore(%run_scoped3A_178 : memref<!tpu.dma_semaphore, #tpu.memory_space<semaphore_mem>>)
      %dma_wait3A_183 = arith.constant 0 : i32
      %dma_wait3A_184 = tpu.memref_slice %arg20[%add3A_15, %dma_wait3A_183] : memref<10240x64xf32, #tpu.memory_space<vmem_shared>> -> memref<128x64xf32, #tpu.memory_space<vmem_shared>>
      %dma_wait3A_185 = arith.constant 0 : i32
      %dma_wait3A_186 = tpu.memref_slice %arg20[%add3A_15, %dma_wait3A_185] : memref<10240x64xf32, #tpu.memory_space<vmem_shared>> -> memref<128x64xf32, #tpu.memory_space<vmem_shared>>
      tpu.wait_dma2 semaphore(%run_scoped3A_178 : memref<!tpu.dma_semaphore, #tpu.memory_space<semaphore_mem>>) src(%arg8 : memref<128x64xf32, #tpu.memory_space<vmem>>) dst(%dma_wait3A_186 : memref<128x64xf32, #tpu.memory_space<vmem_shared>>)
      tpu.yield
    }) : () -> ()
    %add3A_16 = arith.constant 512 : i32
    %add3A_17 = arith.addi %mul3A_2, %add3A_16 : i32
    "tpu.region"() ({
      %run_scoped3A_178 = tpu.sem_alloc : memref<!tpu.dma_semaphore, #tpu.memory_space<semaphore_mem>>
      %dma_start3A_179 = arith.constant 0 : i32
      %dma_start3A_180 = tpu.memref_slice %arg20[%add3A_17, %dma_start3A_179] : memref<10240x64xf32, #tpu.memory_space<vmem_shared>> -> memref<128x64xf32, #tpu.memory_space<vmem_shared>>
      %dma_start3A_181 = arith.constant 0 : i32
      %dma_start3A_182 = tpu.memref_slice %arg20[%add3A_17, %dma_start3A_181] : memref<10240x64xf32, #tpu.memory_space<vmem_shared>> -> memref<128x64xf32, #tpu.memory_space<vmem_shared>>
      tpu.enqueue_dma source(%arg8 : memref<128x64xf32, #tpu.memory_space<vmem>>) target(%dma_start3A_182 : memref<128x64xf32, #tpu.memory_space<vmem_shared>>) target_semaphore(%run_scoped3A_178 : memref<!tpu.dma_semaphore, #tpu.memory_space<semaphore_mem>>)
      %dma_wait3A_183 = arith.constant 0 : i32
      %dma_wait3A_184 = tpu.memref_slice %arg20[%add3A_17, %dma_wait3A_183] : memref<10240x64xf32, #tpu.memory_space<vmem_shared>> -> memref<128x64xf32, #tpu.memory_space<vmem_shared>>
      %dma_wait3A_185 = arith.constant 0 : i32
      %dma_wait3A_186 = tpu.memref_slice %arg20[%add3A_17, %dma_wait3A_185] : memref<10240x64xf32, #tpu.memory_space<vmem_shared>> -> memref<128x64xf32, #tpu.memory_space<vmem_shared>>
      tpu.wait_dma2 semaphore(%run_scoped3A_178 : memref<!tpu.dma_semaphore, #tpu.memory_space<semaphore_mem>>) src(%arg8 : memref<128x64xf32, #tpu.memory_space<vmem>>) dst(%dma_wait3A_186 : memref<128x64xf32, #tpu.memory_space<vmem_shared>>)
      tpu.yield
    }) : () -> ()
    %mul3A_18 = arith.constant 78 : i32
    %mul3A_19 = arith.muli %add3A, %mul3A_18 : i32
    %run_scoped3A = arith.constant 0 : i32
    "tpu.region"() ({
      %run_scoped3A_178 = tpu.sem_alloc : memref<!tpu.dma_semaphore, #tpu.memory_space<semaphore_mem>>
      %dma_start3A_179 = arith.constant 0 : i32
      %dma_start3A_180 = arith.constant 0 : i32
      %dma_start3A_181 = tpu.memref_slice %arg6[%dma_start3A_179, %dma_start3A_180] : memref<79x128xi32, #tpu.memory_space<vmem>> -> memref<78x128xi32, #tpu.memory_space<vmem>>
      %dma_start3A_182 = arith.constant 0 : i32
      %dma_start3A_183 = tpu.memref_slice %arg2[%run_scoped3A, %mul3A_19, %dma_start3A_182] : memref<2x2500x128xi32, #tpu.memory_space<hbm>> -> memref<1x78x128xi32, #tpu.memory_space<hbm>>
      %dma_start3A_184 = tpu.memref_squeeze %dma_start3A_183 : memref<1x78x128xi32, #tpu.memory_space<hbm>> -> memref<78x128xi32, #tpu.memory_space<hbm>>
      %dma_start3A_185 = arith.constant 0 : i32
      %dma_start3A_186 = arith.constant 0 : i32
      %dma_start3A_187 = tpu.memref_slice %arg6[%dma_start3A_185, %dma_start3A_186] : memref<79x128xi32, #tpu.memory_space<vmem>> -> memref<78x128xi32, #tpu.memory_space<vmem>>
      %dma_start3A_188 = arith.constant 0 : i32
      %dma_start3A_189 = tpu.memref_slice %arg2[%run_scoped3A, %mul3A_19, %dma_start3A_188] : memref<2x2500x128xi32, #tpu.memory_space<hbm>> -> memref<1x78x128xi32, #tpu.memory_space<hbm>>
      %dma_start3A_190 = tpu.memref_squeeze %dma_start3A_189 : memref<1x78x128xi32, #tpu.memory_space<hbm>> -> memref<78x128xi32, #tpu.memory_space<hbm>>
      tpu.enqueue_dma source(%dma_start3A_190 : memref<78x128xi32, #tpu.memory_space<hbm>>) target(%dma_start3A_187 : memref<78x128xi32, #tpu.memory_space<vmem>>) target_semaphore(%run_scoped3A_178 : memref<!tpu.dma_semaphore, #tpu.memory_space<semaphore_mem>>)
      %dma_wait3A_191 = arith.constant 0 : i32
      %dma_wait3A_192 = arith.constant 0 : i32
      %dma_wait3A_193 = tpu.memref_slice %arg6[%dma_wait3A_191, %dma_wait3A_192] : memref<79x128xi32, #tpu.memory_space<vmem>> -> memref<78x128xi32, #tpu.memory_space<vmem>>
      %dma_wait3A_194 = arith.constant 0 : i32
      %dma_wait3A_195 = tpu.memref_slice %arg2[%run_scoped3A, %mul3A_19, %dma_wait3A_194] : memref<2x2500x128xi32, #tpu.memory_space<hbm>> -> memref<1x78x128xi32, #tpu.memory_space<hbm>>
      %dma_wait3A_196 = tpu.memref_squeeze %dma_wait3A_195 : memref<1x78x128xi32, #tpu.memory_space<hbm>> -> memref<78x128xi32, #tpu.memory_space<hbm>>
      %dma_wait3A_197 = arith.constant 0 : i32
      %dma_wait3A_198 = arith.constant 0 : i32
      %dma_wait3A_199 = tpu.memref_slice %arg6[%dma_wait3A_197, %dma_wait3A_198] : memref<79x128xi32, #tpu.memory_space<vmem>> -> memref<78x128xi32, #tpu.memory_space<vmem>>
      %dma_wait3A_200 = arith.constant 0 : i32
      %dma_wait3A_201 = tpu.memref_slice %arg2[%run_scoped3A, %mul3A_19, %dma_wait3A_200] : memref<2x2500x128xi32, #tpu.memory_space<hbm>> -> memref<1x78x128xi32, #tpu.memory_space<hbm>>
      %dma_wait3A_202 = tpu.memref_squeeze %dma_wait3A_201 : memref<1x78x128xi32, #tpu.memory_space<hbm>> -> memref<78x128xi32, #tpu.memory_space<hbm>>
      tpu.wait_dma2 semaphore(%run_scoped3A_178 : memref<!tpu.dma_semaphore, #tpu.memory_space<semaphore_mem>>) src(%dma_wait3A_202 : memref<78x128xi32, #tpu.memory_space<hbm>>) dst(%dma_wait3A_199 : memref<78x128xi32, #tpu.memory_space<vmem>>)
      tpu.yield
    }) : () -> ()
    %mul3A_20 = arith.constant 78 : i32
    %mul3A_21 = arith.muli %add3A, %mul3A_20 : i32
    %run_scoped3A_22 = arith.constant 1 : i32
    "tpu.region"() ({
      %run_scoped3A_178 = tpu.sem_alloc : memref<!tpu.dma_semaphore, #tpu.memory_space<semaphore_mem>>
      %dma_start3A_179 = arith.constant 0 : i32
      %dma_start3A_180 = arith.constant 0 : i32
      %dma_start3A_181 = tpu.memref_slice %arg7[%dma_start3A_179, %dma_start3A_180] : memref<79x128xi32, #tpu.memory_space<vmem>> -> memref<78x128xi32, #tpu.memory_space<vmem>>
      %dma_start3A_182 = arith.constant 0 : i32
      %dma_start3A_183 = tpu.memref_slice %arg2[%run_scoped3A_22, %mul3A_21, %dma_start3A_182] : memref<2x2500x128xi32, #tpu.memory_space<hbm>> -> memref<1x78x128xi32, #tpu.memory_space<hbm>>
      %dma_start3A_184 = tpu.memref_squeeze %dma_start3A_183 : memref<1x78x128xi32, #tpu.memory_space<hbm>> -> memref<78x128xi32, #tpu.memory_space<hbm>>
      %dma_start3A_185 = arith.constant 0 : i32
      %dma_start3A_186 = arith.constant 0 : i32
      %dma_start3A_187 = tpu.memref_slice %arg7[%dma_start3A_185, %dma_start3A_186] : memref<79x128xi32, #tpu.memory_space<vmem>> -> memref<78x128xi32, #tpu.memory_space<vmem>>
      %dma_start3A_188 = arith.constant 0 : i32
      %dma_start3A_189 = tpu.memref_slice %arg2[%run_scoped3A_22, %mul3A_21, %dma_start3A_188] : memref<2x2500x128xi32, #tpu.memory_space<hbm>> -> memref<1x78x128xi32, #tpu.memory_space<hbm>>
      %dma_start3A_190 = tpu.memref_squeeze %dma_start3A_189 : memref<1x78x128xi32, #tpu.memory_space<hbm>> -> memref<78x128xi32, #tpu.memory_space<hbm>>
      tpu.enqueue_dma source(%dma_start3A_190 : memref<78x128xi32, #tpu.memory_space<hbm>>) target(%dma_start3A_187 : memref<78x128xi32, #tpu.memory_space<vmem>>) target_semaphore(%run_scoped3A_178 : memref<!tpu.dma_semaphore, #tpu.memory_space<semaphore_mem>>)
      %dma_wait3A_191 = arith.constant 0 : i32
      %dma_wait3A_192 = arith.constant 0 : i32
      %dma_wait3A_193 = tpu.memref_slice %arg7[%dma_wait3A_191, %dma_wait3A_192] : memref<79x128xi32, #tpu.memory_space<vmem>> -> memref<78x128xi32, #tpu.memory_space<vmem>>
      %dma_wait3A_194 = arith.constant 0 : i32
      %dma_wait3A_195 = tpu.memref_slice %arg2[%run_scoped3A_22, %mul3A_21, %dma_wait3A_194] : memref<2x2500x128xi32, #tpu.memory_space<hbm>> -> memref<1x78x128xi32, #tpu.memory_space<hbm>>
      %dma_wait3A_196 = tpu.memref_squeeze %dma_wait3A_195 : memref<1x78x128xi32, #tpu.memory_space<hbm>> -> memref<78x128xi32, #tpu.memory_space<hbm>>
      %dma_wait3A_197 = arith.constant 0 : i32
      %dma_wait3A_198 = arith.constant 0 : i32
      %dma_wait3A_199 = tpu.memref_slice %arg7[%dma_wait3A_197, %dma_wait3A_198] : memref<79x128xi32, #tpu.memory_space<vmem>> -> memref<78x128xi32, #tpu.memory_space<vmem>>
      %dma_wait3A_200 = arith.constant 0 : i32
      %dma_wait3A_201 = tpu.memref_slice %arg2[%run_scoped3A_22, %mul3A_21, %dma_wait3A_200] : memref<2x2500x128xi32, #tpu.memory_space<hbm>> -> memref<1x78x128xi32, #tpu.memory_space<hbm>>
      %dma_wait3A_202 = tpu.memref_squeeze %dma_wait3A_201 : memref<1x78x128xi32, #tpu.memory_space<hbm>> -> memref<78x128xi32, #tpu.memory_space<hbm>>
      tpu.wait_dma2 semaphore(%run_scoped3A_178 : memref<!tpu.dma_semaphore, #tpu.memory_space<semaphore_mem>>) src(%dma_wait3A_202 : memref<78x128xi32, #tpu.memory_space<hbm>>) dst(%dma_wait3A_199 : memref<78x128xi32, #tpu.memory_space<vmem>>)
      tpu.yield
    }) : () -> ()
    %lt3A = arith.constant 4 : i32
    %lt3A_23 = arith.cmpi slt, %add3A, %lt3A : i32
    %convert_element_type3A = arith.extui %lt3A_23 : i1 to i32
    %cond3A = arith.constant 0 : i32
    %cond3A_24 = arith.cmpi ne, %convert_element_type3A, %cond3A : i32
    scf.if %cond3A_24 {
      %add3A_178 = arith.constant 2496 : i32
      %add3A_179 = arith.addi %add3A_178, %add3A : i32
      %run_scoped3A_180 = arith.constant 0 : i32
      "tpu.region"() ({
        %run_scoped3A_184 = tpu.sem_alloc : memref<!tpu.dma_semaphore, #tpu.memory_space<semaphore_mem>>
        %dma_start3A_185 = arith.constant 78 : i32
        %dma_start3A_186 = arith.constant 0 : i32
        %dma_start3A_187 = tpu.memref_slice %arg6[%dma_start3A_185, %dma_start3A_186] : memref<79x128xi32, #tpu.memory_space<vmem>> -> memref<1x128xi32, #tpu.memory_space<vmem>>
        %dma_start3A_188 = arith.constant 0 : i32
        %dma_start3A_189 = tpu.memref_slice %arg2[%run_scoped3A_180, %add3A_179, %dma_start3A_188] : memref<2x2500x128xi32, #tpu.memory_space<hbm>> -> memref<1x1x128xi32, #tpu.memory_space<hbm>>
        %dma_start3A_190 = tpu.memref_squeeze %dma_start3A_189 : memref<1x1x128xi32, #tpu.memory_space<hbm>> -> memref<1x128xi32, #tpu.memory_space<hbm>>
        %dma_start3A_191 = arith.constant 78 : i32
        %dma_start3A_192 = arith.constant 0 : i32
        %dma_start3A_193 = tpu.memref_slice %arg6[%dma_start3A_191, %dma_start3A_192] : memref<79x128xi32, #tpu.memory_space<vmem>> -> memref<1x128xi32, #tpu.memory_space<vmem>>
        %dma_start3A_194 = arith.constant 0 : i32
        %dma_start3A_195 = tpu.memref_slice %arg2[%run_scoped3A_180, %add3A_179, %dma_start3A_194] : memref<2x2500x128xi32, #tpu.memory_space<hbm>> -> memref<1x1x128xi32, #tpu.memory_space<hbm>>
        %dma_start3A_196 = tpu.memref_squeeze %dma_start3A_195 : memref<1x1x128xi32, #tpu.memory_space<hbm>> -> memref<1x128xi32, #tpu.memory_space<hbm>>
        tpu.enqueue_dma source(%dma_start3A_196 : memref<1x128xi32, #tpu.memory_space<hbm>>) target(%dma_start3A_193 : memref<1x128xi32, #tpu.memory_space<vmem>>) target_semaphore(%run_scoped3A_184 : memref<!tpu.dma_semaphore, #tpu.memory_space<semaphore_mem>>)
        %dma_wait3A_197 = arith.constant 78 : i32
        %dma_wait3A_198 = arith.constant 0 : i32
        %dma_wait3A_199 = tpu.memref_slice %arg6[%dma_wait3A_197, %dma_wait3A_198] : memref<79x128xi32, #tpu.memory_space<vmem>> -> memref<1x128xi32, #tpu.memory_space<vmem>>
        %dma_wait3A_200 = arith.constant 0 : i32
        %dma_wait3A_201 = tpu.memref_slice %arg2[%run_scoped3A_180, %add3A_179, %dma_wait3A_200] : memref<2x2500x128xi32, #tpu.memory_space<hbm>> -> memref<1x1x128xi32, #tpu.memory_space<hbm>>
        %dma_wait3A_202 = tpu.memref_squeeze %dma_wait3A_201 : memref<1x1x128xi32, #tpu.memory_space<hbm>> -> memref<1x128xi32, #tpu.memory_space<hbm>>
        %dma_wait3A_203 = arith.constant 78 : i32
        %dma_wait3A_204 = arith.constant 0 : i32
        %dma_wait3A_205 = tpu.memref_slice %arg6[%dma_wait3A_203, %dma_wait3A_204] : memref<79x128xi32, #tpu.memory_space<vmem>> -> memref<1x128xi32, #tpu.memory_space<vmem>>
        %dma_wait3A_206 = arith.constant 0 : i32
        %dma_wait3A_207 = tpu.memref_slice %arg2[%run_scoped3A_180, %add3A_179, %dma_wait3A_206] : memref<2x2500x128xi32, #tpu.memory_space<hbm>> -> memref<1x1x128xi32, #tpu.memory_space<hbm>>
        %dma_wait3A_208 = tpu.memref_squeeze %dma_wait3A_207 : memref<1x1x128xi32, #tpu.memory_space<hbm>> -> memref<1x128xi32, #tpu.memory_space<hbm>>
        tpu.wait_dma2 semaphore(%run_scoped3A_184 : memref<!tpu.dma_semaphore, #tpu.memory_space<semaphore_mem>>) src(%dma_wait3A_208 : memref<1x128xi32, #tpu.memory_space<hbm>>) dst(%dma_wait3A_205 : memref<1x128xi32, #tpu.memory_space<vmem>>)
        tpu.yield
      }) : () -> ()
      %add3A_181 = arith.constant 2496 : i32
      %add3A_182 = arith.addi %add3A_181, %add3A : i32
      %run_scoped3A_183 = arith.constant 1 : i32
      "tpu.region"() ({
        %run_scoped3A_184 = tpu.sem_alloc : memref<!tpu.dma_semaphore, #tpu.memory_space<semaphore_mem>>
        %dma_start3A_185 = arith.constant 78 : i32
        %dma_start3A_186 = arith.constant 0 : i32
        %dma_start3A_187 = tpu.memref_slice %arg7[%dma_start3A_185, %dma_start3A_186] : memref<79x128xi32, #tpu.memory_space<vmem>> -> memref<1x128xi32, #tpu.memory_space<vmem>>
        %dma_start3A_188 = arith.constant 0 : i32
        %dma_start3A_189 = tpu.memref_slice %arg2[%run_scoped3A_183, %add3A_182, %dma_start3A_188] : memref<2x2500x128xi32, #tpu.memory_space<hbm>> -> memref<1x1x128xi32, #tpu.memory_space<hbm>>
        %dma_start3A_190 = tpu.memref_squeeze %dma_start3A_189 : memref<1x1x128xi32, #tpu.memory_space<hbm>> -> memref<1x128xi32, #tpu.memory_space<hbm>>
        %dma_start3A_191 = arith.constant 78 : i32
        %dma_start3A_192 = arith.constant 0 : i32
        %dma_start3A_193 = tpu.memref_slice %arg7[%dma_start3A_191, %dma_start3A_192] : memref<79x128xi32, #tpu.memory_space<vmem>> -> memref<1x128xi32, #tpu.memory_space<vmem>>
        %dma_start3A_194 = arith.constant 0 : i32
        %dma_start3A_195 = tpu.memref_slice %arg2[%run_scoped3A_183, %add3A_182, %dma_start3A_194] : memref<2x2500x128xi32, #tpu.memory_space<hbm>> -> memref<1x1x128xi32, #tpu.memory_space<hbm>>
        %dma_start3A_196 = tpu.memref_squeeze %dma_start3A_195 : memref<1x1x128xi32, #tpu.memory_space<hbm>> -> memref<1x128xi32, #tpu.memory_space<hbm>>
        tpu.enqueue_dma source(%dma_start3A_196 : memref<1x128xi32, #tpu.memory_space<hbm>>) target(%dma_start3A_193 : memref<1x128xi32, #tpu.memory_space<vmem>>) target_semaphore(%run_scoped3A_184 : memref<!tpu.dma_semaphore, #tpu.memory_space<semaphore_mem>>)
        %dma_wait3A_197 = arith.constant 78 : i32
        %dma_wait3A_198 = arith.constant 0 : i32
        %dma_wait3A_199 = tpu.memref_slice %arg7[%dma_wait3A_197, %dma_wait3A_198] : memref<79x128xi32, #tpu.memory_space<vmem>> -> memref<1x128xi32, #tpu.memory_space<vmem>>
        %dma_wait3A_200 = arith.constant 0 : i32
        %dma_wait3A_201 = tpu.memref_slice %arg2[%run_scoped3A_183, %add3A_182, %dma_wait3A_200] : memref<2x2500x128xi32, #tpu.memory_space<hbm>> -> memref<1x1x128xi32, #tpu.memory_space<hbm>>
        %dma_wait3A_202 = tpu.memref_squeeze %dma_wait3A_201 : memref<1x1x128xi32, #tpu.memory_space<hbm>> -> memref<1x128xi32, #tpu.memory_space<hbm>>
        %dma_wait3A_203 = arith.constant 78 : i32
        %dma_wait3A_204 = arith.constant 0 : i32
        %dma_wait3A_205 = tpu.memref_slice %arg7[%dma_wait3A_203, %dma_wait3A_204] : memref<79x128xi32, #tpu.memory_space<vmem>> -> memref<1x128xi32, #tpu.memory_space<vmem>>
        %dma_wait3A_206 = arith.constant 0 : i32
        %dma_wait3A_207 = tpu.memref_slice %arg2[%run_scoped3A_183, %add3A_182, %dma_wait3A_206] : memref<2x2500x128xi32, #tpu.memory_space<hbm>> -> memref<1x1x128xi32, #tpu.memory_space<hbm>>
        %dma_wait3A_208 = tpu.memref_squeeze %dma_wait3A_207 : memref<1x1x128xi32, #tpu.memory_space<hbm>> -> memref<1x128xi32, #tpu.memory_space<hbm>>
        tpu.wait_dma2 semaphore(%run_scoped3A_184 : memref<!tpu.dma_semaphore, #tpu.memory_space<semaphore_mem>>) src(%dma_wait3A_208 : memref<1x128xi32, #tpu.memory_space<hbm>>) dst(%dma_wait3A_205 : memref<1x128xi32, #tpu.memory_space<vmem>>)
        tpu.yield
      }) : () -> ()
    } else {
    }
    %barrier3A = arith.constant 0 : index
    tpu.barrier barrier_id(%barrier3A)
    %dma_start3A = arith.constant 0 : i32
    %dma_start3A_25 = arith.constant 0 : i32
    %dma_start3A_26 = tpu.memref_slice %arg6[%dma_start3A, %dma_start3A_25] : memref<79x128xi32, #tpu.memory_space<vmem>> -> memref<1x128xi32, #tpu.memory_space<vmem>>
    %dma_start3A_27 = tpu.memref_squeeze %dma_start3A_26 : memref<1x128xi32, #tpu.memory_space<vmem>> -> memref<128xi32, #tpu.memory_space<vmem>>
    %dma_start3A_28 = arith.constant 0 : i32
    %dma_start3A_29 = arith.constant 0 : i32
    %dma_start3A_30 = tpu.memref_slice %arg3[%dma_start3A_28, %dma_start3A_29] : memref<10000x64xf32, #tpu.memory_space<hbm>> -> memref<10000x64xf32, #tpu.memory_space<hbm>>
    tpu.enqueue_indirect_dma source(%dma_start3A_30 : memref<10000x64xf32, #tpu.memory_space<hbm>>) target(%arg8 : memref<128x64xf32, #tpu.memory_space<vmem>>) offsets(%dma_start3A_27 : memref<128xi32, #tpu.memory_space<vmem>>) semaphore(%arg14 : memref<!tpu.dma_semaphore, #tpu.memory_space<semaphore_mem>>)
    %dma_start3A_31 = arith.constant 1 : i32
    %dma_start3A_32 = arith.constant 0 : i32
    %dma_start3A_33 = tpu.memref_slice %arg6[%dma_start3A_31, %dma_start3A_32] : memref<79x128xi32, #tpu.memory_space<vmem>> -> memref<1x128xi32, #tpu.memory_space<vmem>>
    %dma_start3A_34 = tpu.memref_squeeze %dma_start3A_33 : memref<1x128xi32, #tpu.memory_space<vmem>> -> memref<128xi32, #tpu.memory_space<vmem>>
    %dma_start3A_35 = arith.constant 0 : i32
    %dma_start3A_36 = arith.constant 0 : i32
    %dma_start3A_37 = tpu.memref_slice %arg3[%dma_start3A_35, %dma_start3A_36] : memref<10000x64xf32, #tpu.memory_space<hbm>> -> memref<10000x64xf32, #tpu.memory_space<hbm>>
    tpu.enqueue_indirect_dma source(%dma_start3A_37 : memref<10000x64xf32, #tpu.memory_space<hbm>>) target(%arg9 : memref<128x64xf32, #tpu.memory_space<vmem>>) offsets(%dma_start3A_34 : memref<128xi32, #tpu.memory_space<vmem>>) semaphore(%arg15 : memref<!tpu.dma_semaphore, #tpu.memory_space<semaphore_mem>>)
    %dma_start3A_38 = arith.constant 2 : i32
    %dma_start3A_39 = arith.constant 0 : i32
    %dma_start3A_40 = tpu.memref_slice %arg6[%dma_start3A_38, %dma_start3A_39] : memref<79x128xi32, #tpu.memory_space<vmem>> -> memref<1x128xi32, #tpu.memory_space<vmem>>
    %dma_start3A_41 = tpu.memref_squeeze %dma_start3A_40 : memref<1x128xi32, #tpu.memory_space<vmem>> -> memref<128xi32, #tpu.memory_space<vmem>>
    %dma_start3A_42 = arith.constant 0 : i32
    %dma_start3A_43 = arith.constant 0 : i32
    %dma_start3A_44 = tpu.memref_slice %arg3[%dma_start3A_42, %dma_start3A_43] : memref<10000x64xf32, #tpu.memory_space<hbm>> -> memref<10000x64xf32, #tpu.memory_space<hbm>>
    tpu.enqueue_indirect_dma source(%dma_start3A_44 : memref<10000x64xf32, #tpu.memory_space<hbm>>) target(%arg10 : memref<128x64xf32, #tpu.memory_space<vmem>>) offsets(%dma_start3A_41 : memref<128xi32, #tpu.memory_space<vmem>>) semaphore(%arg16 : memref<!tpu.dma_semaphore, #tpu.memory_space<semaphore_mem>>)
    %dma_start3A_45 = arith.constant 3 : i32
    %dma_start3A_46 = arith.constant 0 : i32
    %dma_start3A_47 = tpu.memref_slice %arg6[%dma_start3A_45, %dma_start3A_46] : memref<79x128xi32, #tpu.memory_space<vmem>> -> memref<1x128xi32, #tpu.memory_space<vmem>>
    %dma_start3A_48 = tpu.memref_squeeze %dma_start3A_47 : memref<1x128xi32, #tpu.memory_space<vmem>> -> memref<128xi32, #tpu.memory_space<vmem>>
    %dma_start3A_49 = arith.constant 0 : i32
    %dma_start3A_50 = arith.constant 0 : i32
    %dma_start3A_51 = tpu.memref_slice %arg3[%dma_start3A_49, %dma_start3A_50] : memref<10000x64xf32, #tpu.memory_space<hbm>> -> memref<10000x64xf32, #tpu.memory_space<hbm>>
    tpu.enqueue_indirect_dma source(%dma_start3A_51 : memref<10000x64xf32, #tpu.memory_space<hbm>>) target(%arg11 : memref<128x64xf32, #tpu.memory_space<vmem>>) offsets(%dma_start3A_48 : memref<128xi32, #tpu.memory_space<vmem>>) semaphore(%arg17 : memref<!tpu.dma_semaphore, #tpu.memory_space<semaphore_mem>>)
    %dma_start3A_52 = arith.constant 4 : i32
    %dma_start3A_53 = arith.constant 0 : i32
    %dma_start3A_54 = tpu.memref_slice %arg6[%dma_start3A_52, %dma_start3A_53] : memref<79x128xi32, #tpu.memory_space<vmem>> -> memref<1x128xi32, #tpu.memory_space<vmem>>
    %dma_start3A_55 = tpu.memref_squeeze %dma_start3A_54 : memref<1x128xi32, #tpu.memory_space<vmem>> -> memref<128xi32, #tpu.memory_space<vmem>>
    %dma_start3A_56 = arith.constant 0 : i32
    %dma_start3A_57 = arith.constant 0 : i32
    %dma_start3A_58 = tpu.memref_slice %arg3[%dma_start3A_56, %dma_start3A_57] : memref<10000x64xf32, #tpu.memory_space<hbm>> -> memref<10000x64xf32, #tpu.memory_space<hbm>>
    tpu.enqueue_indirect_dma source(%dma_start3A_58 : memref<10000x64xf32, #tpu.memory_space<hbm>>) target(%arg12 : memref<128x64xf32, #tpu.memory_space<vmem>>) offsets(%dma_start3A_55 : memref<128xi32, #tpu.memory_space<vmem>>) semaphore(%arg18 : memref<!tpu.dma_semaphore, #tpu.memory_space<semaphore_mem>>)
    %dma_start3A_59 = arith.constant 5 : i32
    %dma_start3A_60 = arith.constant 0 : i32
    %dma_start3A_61 = tpu.memref_slice %arg6[%dma_start3A_59, %dma_start3A_60] : memref<79x128xi32, #tpu.memory_space<vmem>> -> memref<1x128xi32, #tpu.memory_space<vmem>>
    %dma_start3A_62 = tpu.memref_squeeze %dma_start3A_61 : memref<1x128xi32, #tpu.memory_space<vmem>> -> memref<128xi32, #tpu.memory_space<vmem>>
    %dma_start3A_63 = arith.constant 0 : i32
    %dma_start3A_64 = arith.constant 0 : i32
    %dma_start3A_65 = tpu.memref_slice %arg3[%dma_start3A_63, %dma_start3A_64] : memref<10000x64xf32, #tpu.memory_space<hbm>> -> memref<10000x64xf32, #tpu.memory_space<hbm>>
    tpu.enqueue_indirect_dma source(%dma_start3A_65 : memref<10000x64xf32, #tpu.memory_space<hbm>>) target(%arg13 : memref<128x64xf32, #tpu.memory_space<vmem>>) offsets(%dma_start3A_62 : memref<128xi32, #tpu.memory_space<vmem>>) semaphore(%arg19 : memref<!tpu.dma_semaphore, #tpu.memory_space<semaphore_mem>>)
    %scan3A_66 = arith.constant 0 : i32
    %scan3A_67 = arith.constant 0 : i32
    %scan3A_68 = arith.constant 12 : i32
    %scan3A_69 = arith.addi %scan3A_67, %scan3A_68 : i32
    %scan3A_70 = arith.constant 1 : i32
    scf.for %scan3A_178 = %scan3A_67 to %scan3A_69 step %scan3A_70  : i32 {
      %mul3A_179 = arith.constant 6 : i32
      %mul3A_180 = arith.muli %scan3A_178, %mul3A_179 : i32
      %add3A_181 = arith.constant 0 : i32
      %add3A_182 = arith.addi %mul3A_180, %add3A_181 : i32
      %dma_wait3A_183 = arith.constant 0 : i32
      %dma_wait3A_184 = arith.constant 0 : i32
      %dma_wait3A_185 = tpu.memref_slice %arg3[%dma_wait3A_183, %dma_wait3A_184] : memref<10000x64xf32, #tpu.memory_space<hbm>> -> memref<128x64xf32, #tpu.memory_space<hbm>>
      %dma_wait3A_186 = arith.constant 0 : i32
      %dma_wait3A_187 = arith.constant 0 : i32
      %dma_wait3A_188 = tpu.memref_slice %arg3[%dma_wait3A_186, %dma_wait3A_187] : memref<10000x64xf32, #tpu.memory_space<hbm>> -> memref<128x64xf32, #tpu.memory_space<hbm>>
      tpu.wait_dma2 semaphore(%arg14 : memref<!tpu.dma_semaphore, #tpu.memory_space<semaphore_mem>>) src(%dma_wait3A_188 : memref<128x64xf32, #tpu.memory_space<hbm>>) dst(%arg8 : memref<128x64xf32, #tpu.memory_space<vmem>>)
      "tpu.region"() ({
        %run_scoped3A_287 = tpu.sem_alloc : memref<!tpu.dma_semaphore, #tpu.memory_space<semaphore_mem>>
        %dma_start3A_288 = arith.constant 0 : i32
        %dma_start3A_289 = tpu.memref_slice %arg7[%add3A_182, %dma_start3A_288] : memref<79x128xi32, #tpu.memory_space<vmem>> -> memref<1x128xi32, #tpu.memory_space<vmem>>
        %dma_start3A_290 = tpu.memref_squeeze %dma_start3A_289 : memref<1x128xi32, #tpu.memory_space<vmem>> -> memref<128xi32, #tpu.memory_space<vmem>>
        %dma_start3A_291 = arith.constant 0 : i32
        %dma_start3A_292 = arith.constant 0 : i32
        %dma_start3A_293 = tpu.memref_slice %arg20[%dma_start3A_291, %dma_start3A_292] : memref<10240x64xf32, #tpu.memory_space<vmem_shared>> -> memref<10240x64xf32, #tpu.memory_space<vmem_shared>>
        tpu.enqueue_indirect_dma source(%arg8 : memref<128x64xf32, #tpu.memory_space<vmem>>) target(%dma_start3A_293 : memref<10240x64xf32, #tpu.memory_space<vmem_shared>>) offsets(%dma_start3A_290 : memref<128xi32, #tpu.memory_space<vmem>>) semaphore(%run_scoped3A_287 : memref<!tpu.dma_semaphore, #tpu.memory_space<semaphore_mem>>) {add = true}
        %dma_wait3A_294 = arith.constant 0 : i32
        %dma_wait3A_295 = tpu.memref_slice %arg7[%add3A_182, %dma_wait3A_294] : memref<79x128xi32, #tpu.memory_space<vmem>> -> memref<1x128xi32, #tpu.memory_space<vmem>>
        %dma_wait3A_296 = tpu.memref_squeeze %dma_wait3A_295 : memref<1x128xi32, #tpu.memory_space<vmem>> -> memref<128xi32, #tpu.memory_space<vmem>>
        %dma_wait3A_297 = arith.constant 0 : i32
        %dma_wait3A_298 = arith.constant 0 : i32
        %dma_wait3A_299 = tpu.memref_slice %arg20[%dma_wait3A_297, %dma_wait3A_298] : memref<10240x64xf32, #tpu.memory_space<vmem_shared>> -> memref<10240x64xf32, #tpu.memory_space<vmem_shared>>
        tpu.wait_indirect_dma semaphore(%run_scoped3A_287 : memref<!tpu.dma_semaphore, #tpu.memory_space<semaphore_mem>>) src(%arg8 : memref<128x64xf32, #tpu.memory_space<vmem>>) dst(%dma_wait3A_299 : memref<10240x64xf32, #tpu.memory_space<vmem_shared>>)
        tpu.yield
      }) : () -> ()
      %add3A_189 = arith.constant 6 : i32
      %add3A_190 = arith.addi %add3A_182, %add3A_189 : i32
      %dma_start3A_191 = arith.constant 0 : i32
      %dma_start3A_192 = tpu.memref_slice %arg6[%add3A_190, %dma_start3A_191] : memref<79x128xi32, #tpu.memory_space<vmem>> -> memref<1x128xi32, #tpu.memory_space<vmem>>
      %dma_start3A_193 = tpu.memref_squeeze %dma_start3A_192 : memref<1x128xi32, #tpu.memory_space<vmem>> -> memref<128xi32, #tpu.memory_space<vmem>>
      %dma_start3A_194 = arith.constant 0 : i32
      %dma_start3A_195 = arith.constant 0 : i32
      %dma_start3A_196 = tpu.memref_slice %arg3[%dma_start3A_194, %dma_start3A_195] : memref<10000x64xf32, #tpu.memory_space<hbm>> -> memref<10000x64xf32, #tpu.memory_space<hbm>>
      tpu.enqueue_indirect_dma source(%dma_start3A_196 : memref<10000x64xf32, #tpu.memory_space<hbm>>) target(%arg8 : memref<128x64xf32, #tpu.memory_space<vmem>>) offsets(%dma_start3A_193 : memref<128xi32, #tpu.memory_space<vmem>>) semaphore(%arg14 : memref<!tpu.dma_semaphore, #tpu.memory_space<semaphore_mem>>)
      %mul3A_197 = arith.constant 6 : i32
      %mul3A_198 = arith.muli %scan3A_178, %mul3A_197 : i32
      %add3A_199 = arith.constant 1 : i32
      %add3A_200 = arith.addi %mul3A_198, %add3A_199 : i32
      %dma_wait3A_201 = arith.constant 0 : i32
      %dma_wait3A_202 = arith.constant 0 : i32
      %dma_wait3A_203 = tpu.memref_slice %arg3[%dma_wait3A_201, %dma_wait3A_202] : memref<10000x64xf32, #tpu.memory_space<hbm>> -> memref<128x64xf32, #tpu.memory_space<hbm>>
      %dma_wait3A_204 = arith.constant 0 : i32
      %dma_wait3A_205 = arith.constant 0 : i32
      %dma_wait3A_206 = tpu.memref_slice %arg3[%dma_wait3A_204, %dma_wait3A_205] : memref<10000x64xf32, #tpu.memory_space<hbm>> -> memref<128x64xf32, #tpu.memory_space<hbm>>
      tpu.wait_dma2 semaphore(%arg15 : memref<!tpu.dma_semaphore, #tpu.memory_space<semaphore_mem>>) src(%dma_wait3A_206 : memref<128x64xf32, #tpu.memory_space<hbm>>) dst(%arg9 : memref<128x64xf32, #tpu.memory_space<vmem>>)
      "tpu.region"() ({
        %run_scoped3A_287 = tpu.sem_alloc : memref<!tpu.dma_semaphore, #tpu.memory_space<semaphore_mem>>
        %dma_start3A_288 = arith.constant 0 : i32
        %dma_start3A_289 = tpu.memref_slice %arg7[%add3A_200, %dma_start3A_288] : memref<79x128xi32, #tpu.memory_space<vmem>> -> memref<1x128xi32, #tpu.memory_space<vmem>>
        %dma_start3A_290 = tpu.memref_squeeze %dma_start3A_289 : memref<1x128xi32, #tpu.memory_space<vmem>> -> memref<128xi32, #tpu.memory_space<vmem>>
        %dma_start3A_291 = arith.constant 0 : i32
        %dma_start3A_292 = arith.constant 0 : i32
        %dma_start3A_293 = tpu.memref_slice %arg20[%dma_start3A_291, %dma_start3A_292] : memref<10240x64xf32, #tpu.memory_space<vmem_shared>> -> memref<10240x64xf32, #tpu.memory_space<vmem_shared>>
        tpu.enqueue_indirect_dma source(%arg9 : memref<128x64xf32, #tpu.memory_space<vmem>>) target(%dma_start3A_293 : memref<10240x64xf32, #tpu.memory_space<vmem_shared>>) offsets(%dma_start3A_290 : memref<128xi32, #tpu.memory_space<vmem>>) semaphore(%run_scoped3A_287 : memref<!tpu.dma_semaphore, #tpu.memory_space<semaphore_mem>>) {add = true}
        %dma_wait3A_294 = arith.constant 0 : i32
        %dma_wait3A_295 = tpu.memref_slice %arg7[%add3A_200, %dma_wait3A_294] : memref<79x128xi32, #tpu.memory_space<vmem>> -> memref<1x128xi32, #tpu.memory_space<vmem>>
        %dma_wait3A_296 = tpu.memref_squeeze %dma_wait3A_295 : memref<1x128xi32, #tpu.memory_space<vmem>> -> memref<128xi32, #tpu.memory_space<vmem>>
        %dma_wait3A_297 = arith.constant 0 : i32
        %dma_wait3A_298 = arith.constant 0 : i32
        %dma_wait3A_299 = tpu.memref_slice %arg20[%dma_wait3A_297, %dma_wait3A_298] : memref<10240x64xf32, #tpu.memory_space<vmem_shared>> -> memref<10240x64xf32, #tpu.memory_space<vmem_shared>>
        tpu.wait_indirect_dma semaphore(%run_scoped3A_287 : memref<!tpu.dma_semaphore, #tpu.memory_space<semaphore_mem>>) src(%arg9 : memref<128x64xf32, #tpu.memory_space<vmem>>) dst(%dma_wait3A_299 : memref<10240x64xf32, #tpu.memory_space<vmem_shared>>)
        tpu.yield
      }) : () -> ()
      %add3A_207 = arith.constant 6 : i32
      %add3A_208 = arith.addi %add3A_200, %add3A_207 : i32
      %dma_start3A_209 = arith.constant 0 : i32
      %dma_start3A_210 = tpu.memref_slice %arg6[%add3A_208, %dma_start3A_209] : memref<79x128xi32, #tpu.memory_space<vmem>> -> memref<1x128xi32, #tpu.memory_space<vmem>>
      %dma_start3A_211 = tpu.memref_squeeze %dma_start3A_210 : memref<1x128xi32, #tpu.memory_space<vmem>> -> memref<128xi32, #tpu.memory_space<vmem>>
      %dma_start3A_212 = arith.constant 0 : i32
      %dma_start3A_213 = arith.constant 0 : i32
      %dma_start3A_214 = tpu.memref_slice %arg3[%dma_start3A_212, %dma_start3A_213] : memref<10000x64xf32, #tpu.memory_space<hbm>> -> memref<10000x64xf32, #tpu.memory_space<hbm>>
      tpu.enqueue_indirect_dma source(%dma_start3A_214 : memref<10000x64xf32, #tpu.memory_space<hbm>>) target(%arg9 : memref<128x64xf32, #tpu.memory_space<vmem>>) offsets(%dma_start3A_211 : memref<128xi32, #tpu.memory_space<vmem>>) semaphore(%arg15 : memref<!tpu.dma_semaphore, #tpu.memory_space<semaphore_mem>>)
      %mul3A_215 = arith.constant 6 : i32
      %mul3A_216 = arith.muli %scan3A_178, %mul3A_215 : i32
      %add3A_217 = arith.constant 2 : i32
      %add3A_218 = arith.addi %mul3A_216, %add3A_217 : i32
      %dma_wait3A_219 = arith.constant 0 : i32
      %dma_wait3A_220 = arith.constant 0 : i32
      %dma_wait3A_221 = tpu.memref_slice %arg3[%dma_wait3A_219, %dma_wait3A_220] : memref<10000x64xf32, #tpu.memory_space<hbm>> -> memref<128x64xf32, #tpu.memory_space<hbm>>
      %dma_wait3A_222 = arith.constant 0 : i32
      %dma_wait3A_223 = arith.constant 0 : i32
      %dma_wait3A_224 = tpu.memref_slice %arg3[%dma_wait3A_222, %dma_wait3A_223] : memref<10000x64xf32, #tpu.memory_space<hbm>> -> memref<128x64xf32, #tpu.memory_space<hbm>>
      tpu.wait_dma2 semaphore(%arg16 : memref<!tpu.dma_semaphore, #tpu.memory_space<semaphore_mem>>) src(%dma_wait3A_224 : memref<128x64xf32, #tpu.memory_space<hbm>>) dst(%arg10 : memref<128x64xf32, #tpu.memory_space<vmem>>)
      "tpu.region"() ({
        %run_scoped3A_287 = tpu.sem_alloc : memref<!tpu.dma_semaphore, #tpu.memory_space<semaphore_mem>>
        %dma_start3A_288 = arith.constant 0 : i32
        %dma_start3A_289 = tpu.memref_slice %arg7[%add3A_218, %dma_start3A_288] : memref<79x128xi32, #tpu.memory_space<vmem>> -> memref<1x128xi32, #tpu.memory_space<vmem>>
        %dma_start3A_290 = tpu.memref_squeeze %dma_start3A_289 : memref<1x128xi32, #tpu.memory_space<vmem>> -> memref<128xi32, #tpu.memory_space<vmem>>
        %dma_start3A_291 = arith.constant 0 : i32
        %dma_start3A_292 = arith.constant 0 : i32
        %dma_start3A_293 = tpu.memref_slice %arg20[%dma_start3A_291, %dma_start3A_292] : memref<10240x64xf32, #tpu.memory_space<vmem_shared>> -> memref<10240x64xf32, #tpu.memory_space<vmem_shared>>
        tpu.enqueue_indirect_dma source(%arg10 : memref<128x64xf32, #tpu.memory_space<vmem>>) target(%dma_start3A_293 : memref<10240x64xf32, #tpu.memory_space<vmem_shared>>) offsets(%dma_start3A_290 : memref<128xi32, #tpu.memory_space<vmem>>) semaphore(%run_scoped3A_287 : memref<!tpu.dma_semaphore, #tpu.memory_space<semaphore_mem>>) {add = true}
        %dma_wait3A_294 = arith.constant 0 : i32
        %dma_wait3A_295 = tpu.memref_slice %arg7[%add3A_218, %dma_wait3A_294] : memref<79x128xi32, #tpu.memory_space<vmem>> -> memref<1x128xi32, #tpu.memory_space<vmem>>
        %dma_wait3A_296 = tpu.memref_squeeze %dma_wait3A_295 : memref<1x128xi32, #tpu.memory_space<vmem>> -> memref<128xi32, #tpu.memory_space<vmem>>
        %dma_wait3A_297 = arith.constant 0 : i32
        %dma_wait3A_298 = arith.constant 0 : i32
        %dma_wait3A_299 = tpu.memref_slice %arg20[%dma_wait3A_297, %dma_wait3A_298] : memref<10240x64xf32, #tpu.memory_space<vmem_shared>> -> memref<10240x64xf32, #tpu.memory_space<vmem_shared>>
        tpu.wait_indirect_dma semaphore(%run_scoped3A_287 : memref<!tpu.dma_semaphore, #tpu.memory_space<semaphore_mem>>) src(%arg10 : memref<128x64xf32, #tpu.memory_space<vmem>>) dst(%dma_wait3A_299 : memref<10240x64xf32, #tpu.memory_space<vmem_shared>>)
        tpu.yield
      }) : () -> ()
      %add3A_225 = arith.constant 6 : i32
      %add3A_226 = arith.addi %add3A_218, %add3A_225 : i32
      %dma_start3A_227 = arith.constant 0 : i32
      %dma_start3A_228 = tpu.memref_slice %arg6[%add3A_226, %dma_start3A_227] : memref<79x128xi32, #tpu.memory_space<vmem>> -> memref<1x128xi32, #tpu.memory_space<vmem>>
      %dma_start3A_229 = tpu.memref_squeeze %dma_start3A_228 : memref<1x128xi32, #tpu.memory_space<vmem>> -> memref<128xi32, #tpu.memory_space<vmem>>
      %dma_start3A_230 = arith.constant 0 : i32
      %dma_start3A_231 = arith.constant 0 : i32
      %dma_start3A_232 = tpu.memref_slice %arg3[%dma_start3A_230, %dma_start3A_231] : memref<10000x64xf32, #tpu.memory_space<hbm>> -> memref<10000x64xf32, #tpu.memory_space<hbm>>
      tpu.enqueue_indirect_dma source(%dma_start3A_232 : memref<10000x64xf32, #tpu.memory_space<hbm>>) target(%arg10 : memref<128x64xf32, #tpu.memory_space<vmem>>) offsets(%dma_start3A_229 : memref<128xi32, #tpu.memory_space<vmem>>) semaphore(%arg16 : memref<!tpu.dma_semaphore, #tpu.memory_space<semaphore_mem>>)
      %mul3A_233 = arith.constant 6 : i32
      %mul3A_234 = arith.muli %scan3A_178, %mul3A_233 : i32
      %add3A_235 = arith.constant 3 : i32
      %add3A_236 = arith.addi %mul3A_234, %add3A_235 : i32
      %dma_wait3A_237 = arith.constant 0 : i32
      %dma_wait3A_238 = arith.constant 0 : i32
      %dma_wait3A_239 = tpu.memref_slice %arg3[%dma_wait3A_237, %dma_wait3A_238] : memref<10000x64xf32, #tpu.memory_space<hbm>> -> memref<128x64xf32, #tpu.memory_space<hbm>>
      %dma_wait3A_240 = arith.constant 0 : i32
      %dma_wait3A_241 = arith.constant 0 : i32
      %dma_wait3A_242 = tpu.memref_slice %arg3[%dma_wait3A_240, %dma_wait3A_241] : memref<10000x64xf32, #tpu.memory_space<hbm>> -> memref<128x64xf32, #tpu.memory_space<hbm>>
      tpu.wait_dma2 semaphore(%arg17 : memref<!tpu.dma_semaphore, #tpu.memory_space<semaphore_mem>>) src(%dma_wait3A_242 : memref<128x64xf32, #tpu.memory_space<hbm>>) dst(%arg11 : memref<128x64xf32, #tpu.memory_space<vmem>>)
      "tpu.region"() ({
        %run_scoped3A_287 = tpu.sem_alloc : memref<!tpu.dma_semaphore, #tpu.memory_space<semaphore_mem>>
        %dma_start3A_288 = arith.constant 0 : i32
        %dma_start3A_289 = tpu.memref_slice %arg7[%add3A_236, %dma_start3A_288] : memref<79x128xi32, #tpu.memory_space<vmem>> -> memref<1x128xi32, #tpu.memory_space<vmem>>
        %dma_start3A_290 = tpu.memref_squeeze %dma_start3A_289 : memref<1x128xi32, #tpu.memory_space<vmem>> -> memref<128xi32, #tpu.memory_space<vmem>>
        %dma_start3A_291 = arith.constant 0 : i32
        %dma_start3A_292 = arith.constant 0 : i32
        %dma_start3A_293 = tpu.memref_slice %arg20[%dma_start3A_291, %dma_start3A_292] : memref<10240x64xf32, #tpu.memory_space<vmem_shared>> -> memref<10240x64xf32, #tpu.memory_space<vmem_shared>>
        tpu.enqueue_indirect_dma source(%arg11 : memref<128x64xf32, #tpu.memory_space<vmem>>) target(%dma_start3A_293 : memref<10240x64xf32, #tpu.memory_space<vmem_shared>>) offsets(%dma_start3A_290 : memref<128xi32, #tpu.memory_space<vmem>>) semaphore(%run_scoped3A_287 : memref<!tpu.dma_semaphore, #tpu.memory_space<semaphore_mem>>) {add = true}
        %dma_wait3A_294 = arith.constant 0 : i32
        %dma_wait3A_295 = tpu.memref_slice %arg7[%add3A_236, %dma_wait3A_294] : memref<79x128xi32, #tpu.memory_space<vmem>> -> memref<1x128xi32, #tpu.memory_space<vmem>>
        %dma_wait3A_296 = tpu.memref_squeeze %dma_wait3A_295 : memref<1x128xi32, #tpu.memory_space<vmem>> -> memref<128xi32, #tpu.memory_space<vmem>>
        %dma_wait3A_297 = arith.constant 0 : i32
        %dma_wait3A_298 = arith.constant 0 : i32
        %dma_wait3A_299 = tpu.memref_slice %arg20[%dma_wait3A_297, %dma_wait3A_298] : memref<10240x64xf32, #tpu.memory_space<vmem_shared>> -> memref<10240x64xf32, #tpu.memory_space<vmem_shared>>
        tpu.wait_indirect_dma semaphore(%run_scoped3A_287 : memref<!tpu.dma_semaphore, #tpu.memory_space<semaphore_mem>>) src(%arg11 : memref<128x64xf32, #tpu.memory_space<vmem>>) dst(%dma_wait3A_299 : memref<10240x64xf32, #tpu.memory_space<vmem_shared>>)
        tpu.yield
      }) : () -> ()
      %add3A_243 = arith.constant 6 : i32
      %add3A_244 = arith.addi %add3A_236, %add3A_243 : i32
      %dma_start3A_245 = arith.constant 0 : i32
      %dma_start3A_246 = tpu.memref_slice %arg6[%add3A_244, %dma_start3A_245] : memref<79x128xi32, #tpu.memory_space<vmem>> -> memref<1x128xi32, #tpu.memory_space<vmem>>
      %dma_start3A_247 = tpu.memref_squeeze %dma_start3A_246 : memref<1x128xi32, #tpu.memory_space<vmem>> -> memref<128xi32, #tpu.memory_space<vmem>>
      %dma_start3A_248 = arith.constant 0 : i32
      %dma_start3A_249 = arith.constant 0 : i32
      %dma_start3A_250 = tpu.memref_slice %arg3[%dma_start3A_248, %dma_start3A_249] : memref<10000x64xf32, #tpu.memory_space<hbm>> -> memref<10000x64xf32, #tpu.memory_space<hbm>>
      tpu.enqueue_indirect_dma source(%dma_start3A_250 : memref<10000x64xf32, #tpu.memory_space<hbm>>) target(%arg11 : memref<128x64xf32, #tpu.memory_space<vmem>>) offsets(%dma_start3A_247 : memref<128xi32, #tpu.memory_space<vmem>>) semaphore(%arg17 : memref<!tpu.dma_semaphore, #tpu.memory_space<semaphore_mem>>)
      %mul3A_251 = arith.constant 6 : i32
      %mul3A_252 = arith.muli %scan3A_178, %mul3A_251 : i32
      %add3A_253 = arith.constant 4 : i32
      %add3A_254 = arith.addi %mul3A_252, %add3A_253 : i32
      %dma_wait3A_255 = arith.constant 0 : i32
      %dma_wait3A_256 = arith.constant 0 : i32
      %dma_wait3A_257 = tpu.memref_slice %arg3[%dma_wait3A_255, %dma_wait3A_256] : memref<10000x64xf32, #tpu.memory_space<hbm>> -> memref<128x64xf32, #tpu.memory_space<hbm>>
      %dma_wait3A_258 = arith.constant 0 : i32
      %dma_wait3A_259 = arith.constant 0 : i32
      %dma_wait3A_260 = tpu.memref_slice %arg3[%dma_wait3A_258, %dma_wait3A_259] : memref<10000x64xf32, #tpu.memory_space<hbm>> -> memref<128x64xf32, #tpu.memory_space<hbm>>
      tpu.wait_dma2 semaphore(%arg18 : memref<!tpu.dma_semaphore, #tpu.memory_space<semaphore_mem>>) src(%dma_wait3A_260 : memref<128x64xf32, #tpu.memory_space<hbm>>) dst(%arg12 : memref<128x64xf32, #tpu.memory_space<vmem>>)
      "tpu.region"() ({
        %run_scoped3A_287 = tpu.sem_alloc : memref<!tpu.dma_semaphore, #tpu.memory_space<semaphore_mem>>
        %dma_start3A_288 = arith.constant 0 : i32
        %dma_start3A_289 = tpu.memref_slice %arg7[%add3A_254, %dma_start3A_288] : memref<79x128xi32, #tpu.memory_space<vmem>> -> memref<1x128xi32, #tpu.memory_space<vmem>>
        %dma_start3A_290 = tpu.memref_squeeze %dma_start3A_289 : memref<1x128xi32, #tpu.memory_space<vmem>> -> memref<128xi32, #tpu.memory_space<vmem>>
        %dma_start3A_291 = arith.constant 0 : i32
        %dma_start3A_292 = arith.constant 0 : i32
        %dma_start3A_293 = tpu.memref_slice %arg20[%dma_start3A_291, %dma_start3A_292] : memref<10240x64xf32, #tpu.memory_space<vmem_shared>> -> memref<10240x64xf32, #tpu.memory_space<vmem_shared>>
        tpu.enqueue_indirect_dma source(%arg12 : memref<128x64xf32, #tpu.memory_space<vmem>>) target(%dma_start3A_293 : memref<10240x64xf32, #tpu.memory_space<vmem_shared>>) offsets(%dma_start3A_290 : memref<128xi32, #tpu.memory_space<vmem>>) semaphore(%run_scoped3A_287 : memref<!tpu.dma_semaphore, #tpu.memory_space<semaphore_mem>>) {add = true}
        %dma_wait3A_294 = arith.constant 0 : i32
        %dma_wait3A_295 = tpu.memref_slice %arg7[%add3A_254, %dma_wait3A_294] : memref<79x128xi32, #tpu.memory_space<vmem>> -> memref<1x128xi32, #tpu.memory_space<vmem>>
        %dma_wait3A_296 = tpu.memref_squeeze %dma_wait3A_295 : memref<1x128xi32, #tpu.memory_space<vmem>> -> memref<128xi32, #tpu.memory_space<vmem>>
        %dma_wait3A_297 = arith.constant 0 : i32
        %dma_wait3A_298 = arith.constant 0 : i32
        %dma_wait3A_299 = tpu.memref_slice %arg20[%dma_wait3A_297, %dma_wait3A_298] : memref<10240x64xf32, #tpu.memory_space<vmem_shared>> -> memref<10240x64xf32, #tpu.memory_space<vmem_shared>>
        tpu.wait_indirect_dma semaphore(%run_scoped3A_287 : memref<!tpu.dma_semaphore, #tpu.memory_space<semaphore_mem>>) src(%arg12 : memref<128x64xf32, #tpu.memory_space<vmem>>) dst(%dma_wait3A_299 : memref<10240x64xf32, #tpu.memory_space<vmem_shared>>)
        tpu.yield
      }) : () -> ()
      %add3A_261 = arith.constant 6 : i32
      %add3A_262 = arith.addi %add3A_254, %add3A_261 : i32
      %dma_start3A_263 = arith.constant 0 : i32
      %dma_start3A_264 = tpu.memref_slice %arg6[%add3A_262, %dma_start3A_263] : memref<79x128xi32, #tpu.memory_space<vmem>> -> memref<1x128xi32, #tpu.memory_space<vmem>>
      %dma_start3A_265 = tpu.memref_squeeze %dma_start3A_264 : memref<1x128xi32, #tpu.memory_space<vmem>> -> memref<128xi32, #tpu.memory_space<vmem>>
      %dma_start3A_266 = arith.constant 0 : i32
      %dma_start3A_267 = arith.constant 0 : i32
      %dma_start3A_268 = tpu.memref_slice %arg3[%dma_start3A_266, %dma_start3A_267] : memref<10000x64xf32, #tpu.memory_space<hbm>> -> memref<10000x64xf32, #tpu.memory_space<hbm>>
      tpu.enqueue_indirect_dma source(%dma_start3A_268 : memref<10000x64xf32, #tpu.memory_space<hbm>>) target(%arg12 : memref<128x64xf32, #tpu.memory_space<vmem>>) offsets(%dma_start3A_265 : memref<128xi32, #tpu.memory_space<vmem>>) semaphore(%arg18 : memref<!tpu.dma_semaphore, #tpu.memory_space<semaphore_mem>>)
      %mul3A_269 = arith.constant 6 : i32
      %mul3A_270 = arith.muli %scan3A_178, %mul3A_269 : i32
      %add3A_271 = arith.constant 5 : i32
      %add3A_272 = arith.addi %mul3A_270, %add3A_271 : i32
      %dma_wait3A_273 = arith.constant 0 : i32
      %dma_wait3A_274 = arith.constant 0 : i32
      %dma_wait3A_275 = tpu.memref_slice %arg3[%dma_wait3A_273, %dma_wait3A_274] : memref<10000x64xf32, #tpu.memory_space<hbm>> -> memref<128x64xf32, #tpu.memory_space<hbm>>
      %dma_wait3A_276 = arith.constant 0 : i32
      %dma_wait3A_277 = arith.constant 0 : i32
      %dma_wait3A_278 = tpu.memref_slice %arg3[%dma_wait3A_276, %dma_wait3A_277] : memref<10000x64xf32, #tpu.memory_space<hbm>> -> memref<128x64xf32, #tpu.memory_space<hbm>>
      tpu.wait_dma2 semaphore(%arg19 : memref<!tpu.dma_semaphore, #tpu.memory_space<semaphore_mem>>) src(%dma_wait3A_278 : memref<128x64xf32, #tpu.memory_space<hbm>>) dst(%arg13 : memref<128x64xf32, #tpu.memory_space<vmem>>)
      "tpu.region"() ({
        %run_scoped3A_287 = tpu.sem_alloc : memref<!tpu.dma_semaphore, #tpu.memory_space<semaphore_mem>>
        %dma_start3A_288 = arith.constant 0 : i32
        %dma_start3A_289 = tpu.memref_slice %arg7[%add3A_272, %dma_start3A_288] : memref<79x128xi32, #tpu.memory_space<vmem>> -> memref<1x128xi32, #tpu.memory_space<vmem>>
        %dma_start3A_290 = tpu.memref_squeeze %dma_start3A_289 : memref<1x128xi32, #tpu.memory_space<vmem>> -> memref<128xi32, #tpu.memory_space<vmem>>
        %dma_start3A_291 = arith.constant 0 : i32
        %dma_start3A_292 = arith.constant 0 : i32
        %dma_start3A_293 = tpu.memref_slice %arg20[%dma_start3A_291, %dma_start3A_292] : memref<10240x64xf32, #tpu.memory_space<vmem_shared>> -> memref<10240x64xf32, #tpu.memory_space<vmem_shared>>
        tpu.enqueue_indirect_dma source(%arg13 : memref<128x64xf32, #tpu.memory_space<vmem>>) target(%dma_start3A_293 : memref<10240x64xf32, #tpu.memory_space<vmem_shared>>) offsets(%dma_start3A_290 : memref<128xi32, #tpu.memory_space<vmem>>) semaphore(%run_scoped3A_287 : memref<!tpu.dma_semaphore, #tpu.memory_space<semaphore_mem>>) {add = true}
        %dma_wait3A_294 = arith.constant 0 : i32
        %dma_wait3A_295 = tpu.memref_slice %arg7[%add3A_272, %dma_wait3A_294] : memref<79x128xi32, #tpu.memory_space<vmem>> -> memref<1x128xi32, #tpu.memory_space<vmem>>
        %dma_wait3A_296 = tpu.memref_squeeze %dma_wait3A_295 : memref<1x128xi32, #tpu.memory_space<vmem>> -> memref<128xi32, #tpu.memory_space<vmem>>
        %dma_wait3A_297 = arith.constant 0 : i32
        %dma_wait3A_298 = arith.constant 0 : i32
        %dma_wait3A_299 = tpu.memref_slice %arg20[%dma_wait3A_297, %dma_wait3A_298] : memref<10240x64xf32, #tpu.memory_space<vmem_shared>> -> memref<10240x64xf32, #tpu.memory_space<vmem_shared>>
        tpu.wait_indirect_dma semaphore(%run_scoped3A_287 : memref<!tpu.dma_semaphore, #tpu.memory_space<semaphore_mem>>) src(%arg13 : memref<128x64xf32, #tpu.memory_space<vmem>>) dst(%dma_wait3A_299 : memref<10240x64xf32, #tpu.memory_space<vmem_shared>>)
        tpu.yield
      }) : () -> ()
      %add3A_279 = arith.constant 6 : i32
      %add3A_280 = arith.addi %add3A_272, %add3A_279 : i32
      %dma_start3A_281 = arith.constant 0 : i32
      %dma_start3A_282 = tpu.memref_slice %arg6[%add3A_280, %dma_start3A_281] : memref<79x128xi32, #tpu.memory_space<vmem>> -> memref<1x128xi32, #tpu.memory_space<vmem>>
      %dma_start3A_283 = tpu.memref_squeeze %dma_start3A_282 : memref<1x128xi32, #tpu.memory_space<vmem>> -> memref<128xi32, #tpu.memory_space<vmem>>
      %dma_start3A_284 = arith.constant 0 : i32
      %dma_start3A_285 = arith.constant 0 : i32
      %dma_start3A_286 = tpu.memref_slice %arg3[%dma_start3A_284, %dma_start3A_285] : memref<10000x64xf32, #tpu.memory_space<hbm>> -> memref<10000x64xf32, #tpu.memory_space<hbm>>
      tpu.enqueue_indirect_dma source(%dma_start3A_286 : memref<10000x64xf32, #tpu.memory_space<hbm>>) target(%arg13 : memref<128x64xf32, #tpu.memory_space<vmem>>) offsets(%dma_start3A_283 : memref<128xi32, #tpu.memory_space<vmem>>) semaphore(%arg19 : memref<!tpu.dma_semaphore, #tpu.memory_space<semaphore_mem>>)
    }
    %scan3A_71 = arith.constant 12 : i32
    %dma_wait3A = arith.constant 0 : i32
    %dma_wait3A_72 = arith.constant 0 : i32
    %dma_wait3A_73 = tpu.memref_slice %arg3[%dma_wait3A, %dma_wait3A_72] : memref<10000x64xf32, #tpu.memory_space<hbm>> -> memref<128x64xf32, #tpu.memory_space<hbm>>
    %dma_wait3A_74 = arith.constant 0 : i32
    %dma_wait3A_75 = arith.constant 0 : i32
    %dma_wait3A_76 = tpu.memref_slice %arg3[%dma_wait3A_74, %dma_wait3A_75] : memref<10000x64xf32, #tpu.memory_space<hbm>> -> memref<128x64xf32, #tpu.memory_space<hbm>>
    tpu.wait_dma2 semaphore(%arg14 : memref<!tpu.dma_semaphore, #tpu.memory_space<semaphore_mem>>) src(%dma_wait3A_76 : memref<128x64xf32, #tpu.memory_space<hbm>>) dst(%arg8 : memref<128x64xf32, #tpu.memory_space<vmem>>)
    %run_scoped3A_77 = arith.constant 72 : i32
    "tpu.region"() ({
      %run_scoped3A_178 = tpu.sem_alloc : memref<!tpu.dma_semaphore, #tpu.memory_space<semaphore_mem>>
      %dma_start3A_179 = arith.constant 0 : i32
      %dma_start3A_180 = tpu.memref_slice %arg7[%run_scoped3A_77, %dma_start3A_179] : memref<79x128xi32, #tpu.memory_space<vmem>> -> memref<1x128xi32, #tpu.memory_space<vmem>>
      %dma_start3A_181 = tpu.memref_squeeze %dma_start3A_180 : memref<1x128xi32, #tpu.memory_space<vmem>> -> memref<128xi32, #tpu.memory_space<vmem>>
      %dma_start3A_182 = arith.constant 0 : i32
      %dma_start3A_183 = arith.constant 0 : i32
      %dma_start3A_184 = tpu.memref_slice %arg20[%dma_start3A_182, %dma_start3A_183] : memref<10240x64xf32, #tpu.memory_space<vmem_shared>> -> memref<10240x64xf32, #tpu.memory_space<vmem_shared>>
      tpu.enqueue_indirect_dma source(%arg8 : memref<128x64xf32, #tpu.memory_space<vmem>>) target(%dma_start3A_184 : memref<10240x64xf32, #tpu.memory_space<vmem_shared>>) offsets(%dma_start3A_181 : memref<128xi32, #tpu.memory_space<vmem>>) semaphore(%run_scoped3A_178 : memref<!tpu.dma_semaphore, #tpu.memory_space<semaphore_mem>>) {add = true}
      %dma_wait3A_185 = arith.constant 0 : i32
      %dma_wait3A_186 = tpu.memref_slice %arg7[%run_scoped3A_77, %dma_wait3A_185] : memref<79x128xi32, #tpu.memory_space<vmem>> -> memref<1x128xi32, #tpu.memory_space<vmem>>
      %dma_wait3A_187 = tpu.memref_squeeze %dma_wait3A_186 : memref<1x128xi32, #tpu.memory_space<vmem>> -> memref<128xi32, #tpu.memory_space<vmem>>
      %dma_wait3A_188 = arith.constant 0 : i32
      %dma_wait3A_189 = arith.constant 0 : i32
      %dma_wait3A_190 = tpu.memref_slice %arg20[%dma_wait3A_188, %dma_wait3A_189] : memref<10240x64xf32, #tpu.memory_space<vmem_shared>> -> memref<10240x64xf32, #tpu.memory_space<vmem_shared>>
      tpu.wait_indirect_dma semaphore(%run_scoped3A_178 : memref<!tpu.dma_semaphore, #tpu.memory_space<semaphore_mem>>) src(%arg8 : memref<128x64xf32, #tpu.memory_space<vmem>>) dst(%dma_wait3A_190 : memref<10240x64xf32, #tpu.memory_space<vmem_shared>>)
      tpu.yield
    }) : () -> ()
    %dma_wait3A_78 = arith.constant 0 : i32
    %dma_wait3A_79 = arith.constant 0 : i32
    %dma_wait3A_80 = tpu.memref_slice %arg3[%dma_wait3A_78, %dma_wait3A_79] : memref<10000x64xf32, #tpu.memory_space<hbm>> -> memref<128x64xf32, #tpu.memory_space<hbm>>
    %dma_wait3A_81 = arith.constant 0 : i32
    %dma_wait3A_82 = arith.constant 0 : i32
    %dma_wait3A_83 = tpu.memref_slice %arg3[%dma_wait3A_81, %dma_wait3A_82] : memref<10000x64xf32, #tpu.memory_space<hbm>> -> memref<128x64xf32, #tpu.memory_space<hbm>>
    tpu.wait_dma2 semaphore(%arg15 : memref<!tpu.dma_semaphore, #tpu.memory_space<semaphore_mem>>) src(%dma_wait3A_83 : memref<128x64xf32, #tpu.memory_space<hbm>>) dst(%arg9 : memref<128x64xf32, #tpu.memory_space<vmem>>)
    %run_scoped3A_84 = arith.constant 73 : i32
    "tpu.region"() ({
      %run_scoped3A_178 = tpu.sem_alloc : memref<!tpu.dma_semaphore, #tpu.memory_space<semaphore_mem>>
      %dma_start3A_179 = arith.constant 0 : i32
      %dma_start3A_180 = tpu.memref_slice %arg7[%run_scoped3A_84, %dma_start3A_179] : memref<79x128xi32, #tpu.memory_space<vmem>> -> memref<1x128xi32, #tpu.memory_space<vmem>>
      %dma_start3A_181 = tpu.memref_squeeze %dma_start3A_180 : memref<1x128xi32, #tpu.memory_space<vmem>> -> memref<128xi32, #tpu.memory_space<vmem>>
      %dma_start3A_182 = arith.constant 0 : i32
      %dma_start3A_183 = arith.constant 0 : i32
      %dma_start3A_184 = tpu.memref_slice %arg20[%dma_start3A_182, %dma_start3A_183] : memref<10240x64xf32, #tpu.memory_space<vmem_shared>> -> memref<10240x64xf32, #tpu.memory_space<vmem_shared>>
      tpu.enqueue_indirect_dma source(%arg9 : memref<128x64xf32, #tpu.memory_space<vmem>>) target(%dma_start3A_184 : memref<10240x64xf32, #tpu.memory_space<vmem_shared>>) offsets(%dma_start3A_181 : memref<128xi32, #tpu.memory_space<vmem>>) semaphore(%run_scoped3A_178 : memref<!tpu.dma_semaphore, #tpu.memory_space<semaphore_mem>>) {add = true}
      %dma_wait3A_185 = arith.constant 0 : i32
      %dma_wait3A_186 = tpu.memref_slice %arg7[%run_scoped3A_84, %dma_wait3A_185] : memref<79x128xi32, #tpu.memory_space<vmem>> -> memref<1x128xi32, #tpu.memory_space<vmem>>
      %dma_wait3A_187 = tpu.memref_squeeze %dma_wait3A_186 : memref<1x128xi32, #tpu.memory_space<vmem>> -> memref<128xi32, #tpu.memory_space<vmem>>
      %dma_wait3A_188 = arith.constant 0 : i32
      %dma_wait3A_189 = arith.constant 0 : i32
      %dma_wait3A_190 = tpu.memref_slice %arg20[%dma_wait3A_188, %dma_wait3A_189] : memref<10240x64xf32, #tpu.memory_space<vmem_shared>> -> memref<10240x64xf32, #tpu.memory_space<vmem_shared>>
      tpu.wait_indirect_dma semaphore(%run_scoped3A_178 : memref<!tpu.dma_semaphore, #tpu.memory_space<semaphore_mem>>) src(%arg9 : memref<128x64xf32, #tpu.memory_space<vmem>>) dst(%dma_wait3A_190 : memref<10240x64xf32, #tpu.memory_space<vmem_shared>>)
      tpu.yield
    }) : () -> ()
    %dma_wait3A_85 = arith.constant 0 : i32
    %dma_wait3A_86 = arith.constant 0 : i32
    %dma_wait3A_87 = tpu.memref_slice %arg3[%dma_wait3A_85, %dma_wait3A_86] : memref<10000x64xf32, #tpu.memory_space<hbm>> -> memref<128x64xf32, #tpu.memory_space<hbm>>
    %dma_wait3A_88 = arith.constant 0 : i32
    %dma_wait3A_89 = arith.constant 0 : i32
    %dma_wait3A_90 = tpu.memref_slice %arg3[%dma_wait3A_88, %dma_wait3A_89] : memref<10000x64xf32, #tpu.memory_space<hbm>> -> memref<128x64xf32, #tpu.memory_space<hbm>>
    tpu.wait_dma2 semaphore(%arg16 : memref<!tpu.dma_semaphore, #tpu.memory_space<semaphore_mem>>) src(%dma_wait3A_90 : memref<128x64xf32, #tpu.memory_space<hbm>>) dst(%arg10 : memref<128x64xf32, #tpu.memory_space<vmem>>)
    %run_scoped3A_91 = arith.constant 74 : i32
    "tpu.region"() ({
      %run_scoped3A_178 = tpu.sem_alloc : memref<!tpu.dma_semaphore, #tpu.memory_space<semaphore_mem>>
      %dma_start3A_179 = arith.constant 0 : i32
      %dma_start3A_180 = tpu.memref_slice %arg7[%run_scoped3A_91, %dma_start3A_179] : memref<79x128xi32, #tpu.memory_space<vmem>> -> memref<1x128xi32, #tpu.memory_space<vmem>>
      %dma_start3A_181 = tpu.memref_squeeze %dma_start3A_180 : memref<1x128xi32, #tpu.memory_space<vmem>> -> memref<128xi32, #tpu.memory_space<vmem>>
      %dma_start3A_182 = arith.constant 0 : i32
      %dma_start3A_183 = arith.constant 0 : i32
      %dma_start3A_184 = tpu.memref_slice %arg20[%dma_start3A_182, %dma_start3A_183] : memref<10240x64xf32, #tpu.memory_space<vmem_shared>> -> memref<10240x64xf32, #tpu.memory_space<vmem_shared>>
      tpu.enqueue_indirect_dma source(%arg10 : memref<128x64xf32, #tpu.memory_space<vmem>>) target(%dma_start3A_184 : memref<10240x64xf32, #tpu.memory_space<vmem_shared>>) offsets(%dma_start3A_181 : memref<128xi32, #tpu.memory_space<vmem>>) semaphore(%run_scoped3A_178 : memref<!tpu.dma_semaphore, #tpu.memory_space<semaphore_mem>>) {add = true}
      %dma_wait3A_185 = arith.constant 0 : i32
      %dma_wait3A_186 = tpu.memref_slice %arg7[%run_scoped3A_91, %dma_wait3A_185] : memref<79x128xi32, #tpu.memory_space<vmem>> -> memref<1x128xi32, #tpu.memory_space<vmem>>
      %dma_wait3A_187 = tpu.memref_squeeze %dma_wait3A_186 : memref<1x128xi32, #tpu.memory_space<vmem>> -> memref<128xi32, #tpu.memory_space<vmem>>
      %dma_wait3A_188 = arith.constant 0 : i32
      %dma_wait3A_189 = arith.constant 0 : i32
      %dma_wait3A_190 = tpu.memref_slice %arg20[%dma_wait3A_188, %dma_wait3A_189] : memref<10240x64xf32, #tpu.memory_space<vmem_shared>> -> memref<10240x64xf32, #tpu.memory_space<vmem_shared>>
      tpu.wait_indirect_dma semaphore(%run_scoped3A_178 : memref<!tpu.dma_semaphore, #tpu.memory_space<semaphore_mem>>) src(%arg10 : memref<128x64xf32, #tpu.memory_space<vmem>>) dst(%dma_wait3A_190 : memref<10240x64xf32, #tpu.memory_space<vmem_shared>>)
      tpu.yield
    }) : () -> ()
    %dma_wait3A_92 = arith.constant 0 : i32
    %dma_wait3A_93 = arith.constant 0 : i32
    %dma_wait3A_94 = tpu.memref_slice %arg3[%dma_wait3A_92, %dma_wait3A_93] : memref<10000x64xf32, #tpu.memory_space<hbm>> -> memref<128x64xf32, #tpu.memory_space<hbm>>
    %dma_wait3A_95 = arith.constant 0 : i32
    %dma_wait3A_96 = arith.constant 0 : i32
    %dma_wait3A_97 = tpu.memref_slice %arg3[%dma_wait3A_95, %dma_wait3A_96] : memref<10000x64xf32, #tpu.memory_space<hbm>> -> memref<128x64xf32, #tpu.memory_space<hbm>>
    tpu.wait_dma2 semaphore(%arg17 : memref<!tpu.dma_semaphore, #tpu.memory_space<semaphore_mem>>) src(%dma_wait3A_97 : memref<128x64xf32, #tpu.memory_space<hbm>>) dst(%arg11 : memref<128x64xf32, #tpu.memory_space<vmem>>)
    %run_scoped3A_98 = arith.constant 75 : i32
    "tpu.region"() ({
      %run_scoped3A_178 = tpu.sem_alloc : memref<!tpu.dma_semaphore, #tpu.memory_space<semaphore_mem>>
      %dma_start3A_179 = arith.constant 0 : i32
      %dma_start3A_180 = tpu.memref_slice %arg7[%run_scoped3A_98, %dma_start3A_179] : memref<79x128xi32, #tpu.memory_space<vmem>> -> memref<1x128xi32, #tpu.memory_space<vmem>>
      %dma_start3A_181 = tpu.memref_squeeze %dma_start3A_180 : memref<1x128xi32, #tpu.memory_space<vmem>> -> memref<128xi32, #tpu.memory_space<vmem>>
      %dma_start3A_182 = arith.constant 0 : i32
      %dma_start3A_183 = arith.constant 0 : i32
      %dma_start3A_184 = tpu.memref_slice %arg20[%dma_start3A_182, %dma_start3A_183] : memref<10240x64xf32, #tpu.memory_space<vmem_shared>> -> memref<10240x64xf32, #tpu.memory_space<vmem_shared>>
      tpu.enqueue_indirect_dma source(%arg11 : memref<128x64xf32, #tpu.memory_space<vmem>>) target(%dma_start3A_184 : memref<10240x64xf32, #tpu.memory_space<vmem_shared>>) offsets(%dma_start3A_181 : memref<128xi32, #tpu.memory_space<vmem>>) semaphore(%run_scoped3A_178 : memref<!tpu.dma_semaphore, #tpu.memory_space<semaphore_mem>>) {add = true}
      %dma_wait3A_185 = arith.constant 0 : i32
      %dma_wait3A_186 = tpu.memref_slice %arg7[%run_scoped3A_98, %dma_wait3A_185] : memref<79x128xi32, #tpu.memory_space<vmem>> -> memref<1x128xi32, #tpu.memory_space<vmem>>
      %dma_wait3A_187 = tpu.memref_squeeze %dma_wait3A_186 : memref<1x128xi32, #tpu.memory_space<vmem>> -> memref<128xi32, #tpu.memory_space<vmem>>
      %dma_wait3A_188 = arith.constant 0 : i32
      %dma_wait3A_189 = arith.constant 0 : i32
      %dma_wait3A_190 = tpu.memref_slice %arg20[%dma_wait3A_188, %dma_wait3A_189] : memref<10240x64xf32, #tpu.memory_space<vmem_shared>> -> memref<10240x64xf32, #tpu.memory_space<vmem_shared>>
      tpu.wait_indirect_dma semaphore(%run_scoped3A_178 : memref<!tpu.dma_semaphore, #tpu.memory_space<semaphore_mem>>) src(%arg11 : memref<128x64xf32, #tpu.memory_space<vmem>>) dst(%dma_wait3A_190 : memref<10240x64xf32, #tpu.memory_space<vmem_shared>>)
      tpu.yield
    }) : () -> ()
    %dma_wait3A_99 = arith.constant 0 : i32
    %dma_wait3A_100 = arith.constant 0 : i32
    %dma_wait3A_101 = tpu.memref_slice %arg3[%dma_wait3A_99, %dma_wait3A_100] : memref<10000x64xf32, #tpu.memory_space<hbm>> -> memref<128x64xf32, #tpu.memory_space<hbm>>
    %dma_wait3A_102 = arith.constant 0 : i32
    %dma_wait3A_103 = arith.constant 0 : i32
    %dma_wait3A_104 = tpu.memref_slice %arg3[%dma_wait3A_102, %dma_wait3A_103] : memref<10000x64xf32, #tpu.memory_space<hbm>> -> memref<128x64xf32, #tpu.memory_space<hbm>>
    tpu.wait_dma2 semaphore(%arg18 : memref<!tpu.dma_semaphore, #tpu.memory_space<semaphore_mem>>) src(%dma_wait3A_104 : memref<128x64xf32, #tpu.memory_space<hbm>>) dst(%arg12 : memref<128x64xf32, #tpu.memory_space<vmem>>)
    %run_scoped3A_105 = arith.constant 76 : i32
    "tpu.region"() ({
      %run_scoped3A_178 = tpu.sem_alloc : memref<!tpu.dma_semaphore, #tpu.memory_space<semaphore_mem>>
      %dma_start3A_179 = arith.constant 0 : i32
      %dma_start3A_180 = tpu.memref_slice %arg7[%run_scoped3A_105, %dma_start3A_179] : memref<79x128xi32, #tpu.memory_space<vmem>> -> memref<1x128xi32, #tpu.memory_space<vmem>>
      %dma_start3A_181 = tpu.memref_squeeze %dma_start3A_180 : memref<1x128xi32, #tpu.memory_space<vmem>> -> memref<128xi32, #tpu.memory_space<vmem>>
      %dma_start3A_182 = arith.constant 0 : i32
      %dma_start3A_183 = arith.constant 0 : i32
      %dma_start3A_184 = tpu.memref_slice %arg20[%dma_start3A_182, %dma_start3A_183] : memref<10240x64xf32, #tpu.memory_space<vmem_shared>> -> memref<10240x64xf32, #tpu.memory_space<vmem_shared>>
      tpu.enqueue_indirect_dma source(%arg12 : memref<128x64xf32, #tpu.memory_space<vmem>>) target(%dma_start3A_184 : memref<10240x64xf32, #tpu.memory_space<vmem_shared>>) offsets(%dma_start3A_181 : memref<128xi32, #tpu.memory_space<vmem>>) semaphore(%run_scoped3A_178 : memref<!tpu.dma_semaphore, #tpu.memory_space<semaphore_mem>>) {add = true}
      %dma_wait3A_185 = arith.constant 0 : i32
      %dma_wait3A_186 = tpu.memref_slice %arg7[%run_scoped3A_105, %dma_wait3A_185] : memref<79x128xi32, #tpu.memory_space<vmem>> -> memref<1x128xi32, #tpu.memory_space<vmem>>
      %dma_wait3A_187 = tpu.memref_squeeze %dma_wait3A_186 : memref<1x128xi32, #tpu.memory_space<vmem>> -> memref<128xi32, #tpu.memory_space<vmem>>
      %dma_wait3A_188 = arith.constant 0 : i32
      %dma_wait3A_189 = arith.constant 0 : i32
      %dma_wait3A_190 = tpu.memref_slice %arg20[%dma_wait3A_188, %dma_wait3A_189] : memref<10240x64xf32, #tpu.memory_space<vmem_shared>> -> memref<10240x64xf32, #tpu.memory_space<vmem_shared>>
      tpu.wait_indirect_dma semaphore(%run_scoped3A_178 : memref<!tpu.dma_semaphore, #tpu.memory_space<semaphore_mem>>) src(%arg12 : memref<128x64xf32, #tpu.memory_space<vmem>>) dst(%dma_wait3A_190 : memref<10240x64xf32, #tpu.memory_space<vmem_shared>>)
      tpu.yield
    }) : () -> ()
    %dma_wait3A_106 = arith.constant 0 : i32
    %dma_wait3A_107 = arith.constant 0 : i32
    %dma_wait3A_108 = tpu.memref_slice %arg3[%dma_wait3A_106, %dma_wait3A_107] : memref<10000x64xf32, #tpu.memory_space<hbm>> -> memref<128x64xf32, #tpu.memory_space<hbm>>
    %dma_wait3A_109 = arith.constant 0 : i32
    %dma_wait3A_110 = arith.constant 0 : i32
    %dma_wait3A_111 = tpu.memref_slice %arg3[%dma_wait3A_109, %dma_wait3A_110] : memref<10000x64xf32, #tpu.memory_space<hbm>> -> memref<128x64xf32, #tpu.memory_space<hbm>>
    tpu.wait_dma2 semaphore(%arg19 : memref<!tpu.dma_semaphore, #tpu.memory_space<semaphore_mem>>) src(%dma_wait3A_111 : memref<128x64xf32, #tpu.memory_space<hbm>>) dst(%arg13 : memref<128x64xf32, #tpu.memory_space<vmem>>)
    %run_scoped3A_112 = arith.constant 77 : i32
    "tpu.region"() ({
      %run_scoped3A_178 = tpu.sem_alloc : memref<!tpu.dma_semaphore, #tpu.memory_space<semaphore_mem>>
      %dma_start3A_179 = arith.constant 0 : i32
      %dma_start3A_180 = tpu.memref_slice %arg7[%run_scoped3A_112, %dma_start3A_179] : memref<79x128xi32, #tpu.memory_space<vmem>> -> memref<1x128xi32, #tpu.memory_space<vmem>>
      %dma_start3A_181 = tpu.memref_squeeze %dma_start3A_180 : memref<1x128xi32, #tpu.memory_space<vmem>> -> memref<128xi32, #tpu.memory_space<vmem>>
      %dma_start3A_182 = arith.constant 0 : i32
      %dma_start3A_183 = arith.constant 0 : i32
      %dma_start3A_184 = tpu.memref_slice %arg20[%dma_start3A_182, %dma_start3A_183] : memref<10240x64xf32, #tpu.memory_space<vmem_shared>> -> memref<10240x64xf32, #tpu.memory_space<vmem_shared>>
      tpu.enqueue_indirect_dma source(%arg13 : memref<128x64xf32, #tpu.memory_space<vmem>>) target(%dma_start3A_184 : memref<10240x64xf32, #tpu.memory_space<vmem_shared>>) offsets(%dma_start3A_181 : memref<128xi32, #tpu.memory_space<vmem>>) semaphore(%run_scoped3A_178 : memref<!tpu.dma_semaphore, #tpu.memory_space<semaphore_mem>>) {add = true}
      %dma_wait3A_185 = arith.constant 0 : i32
      %dma_wait3A_186 = tpu.memref_slice %arg7[%run_scoped3A_112, %dma_wait3A_185] : memref<79x128xi32, #tpu.memory_space<vmem>> -> memref<1x128xi32, #tpu.memory_space<vmem>>
      %dma_wait3A_187 = tpu.memref_squeeze %dma_wait3A_186 : memref<1x128xi32, #tpu.memory_space<vmem>> -> memref<128xi32, #tpu.memory_space<vmem>>
      %dma_wait3A_188 = arith.constant 0 : i32
      %dma_wait3A_189 = arith.constant 0 : i32
      %dma_wait3A_190 = tpu.memref_slice %arg20[%dma_wait3A_188, %dma_wait3A_189] : memref<10240x64xf32, #tpu.memory_space<vmem_shared>> -> memref<10240x64xf32, #tpu.memory_space<vmem_shared>>
      tpu.wait_indirect_dma semaphore(%run_scoped3A_178 : memref<!tpu.dma_semaphore, #tpu.memory_space<semaphore_mem>>) src(%arg13 : memref<128x64xf32, #tpu.memory_space<vmem>>) dst(%dma_wait3A_190 : memref<10240x64xf32, #tpu.memory_space<vmem_shared>>)
      tpu.yield
    }) : () -> ()
    %lt3A_113 = arith.constant 4 : i32
    %lt3A_114 = arith.cmpi slt, %add3A, %lt3A_113 : i32
    %convert_element_type3A_115 = arith.extui %lt3A_114 : i1 to i32
    %cond3A_116 = arith.constant 0 : i32
    %cond3A_117 = arith.cmpi ne, %convert_element_type3A_115, %cond3A_116 : i32
    scf.if %cond3A_117 {
      %dma_start3A_178 = arith.constant 78 : i32
      %dma_start3A_179 = arith.constant 0 : i32
      %dma_start3A_180 = tpu.memref_slice %arg6[%dma_start3A_178, %dma_start3A_179] : memref<79x128xi32, #tpu.memory_space<vmem>> -> memref<1x128xi32, #tpu.memory_space<vmem>>
      %dma_start3A_181 = tpu.memref_squeeze %dma_start3A_180 : memref<1x128xi32, #tpu.memory_space<vmem>> -> memref<128xi32, #tpu.memory_space<vmem>>
      %dma_start3A_182 = arith.constant 0 : i32
      %dma_start3A_183 = arith.constant 0 : i32
      %dma_start3A_184 = tpu.memref_slice %arg3[%dma_start3A_182, %dma_start3A_183] : memref<10000x64xf32, #tpu.memory_space<hbm>> -> memref<10000x64xf32, #tpu.memory_space<hbm>>
      tpu.enqueue_indirect_dma source(%dma_start3A_184 : memref<10000x64xf32, #tpu.memory_space<hbm>>) target(%arg8 : memref<128x64xf32, #tpu.memory_space<vmem>>) offsets(%dma_start3A_181 : memref<128xi32, #tpu.memory_space<vmem>>) semaphore(%arg14 : memref<!tpu.dma_semaphore, #tpu.memory_space<semaphore_mem>>)
      %dma_wait3A_185 = arith.constant 0 : i32
      %dma_wait3A_186 = arith.constant 0 : i32
      %dma_wait3A_187 = tpu.memref_slice %arg3[%dma_wait3A_185, %dma_wait3A_186] : memref<10000x64xf32, #tpu.memory_space<hbm>> -> memref<128x64xf32, #tpu.memory_space<hbm>>
      %dma_wait3A_188 = arith.constant 0 : i32
      %dma_wait3A_189 = arith.constant 0 : i32
      %dma_wait3A_190 = tpu.memref_slice %arg3[%dma_wait3A_188, %dma_wait3A_189] : memref<10000x64xf32, #tpu.memory_space<hbm>> -> memref<128x64xf32, #tpu.memory_space<hbm>>
      tpu.wait_dma2 semaphore(%arg14 : memref<!tpu.dma_semaphore, #tpu.memory_space<semaphore_mem>>) src(%dma_wait3A_190 : memref<128x64xf32, #tpu.memory_space<hbm>>) dst(%arg8 : memref<128x64xf32, #tpu.memory_space<vmem>>)
      %run_scoped3A_191 = arith.constant 78 : i32
      "tpu.region"() ({
        %run_scoped3A_192 = tpu.sem_alloc : memref<!tpu.dma_semaphore, #tpu.memory_space<semaphore_mem>>
        %dma_start3A_193 = arith.constant 0 : i32
        %dma_start3A_194 = tpu.memref_slice %arg7[%run_scoped3A_191, %dma_start3A_193] : memref<79x128xi32, #tpu.memory_space<vmem>> -> memref<1x128xi32, #tpu.memory_space<vmem>>
        %dma_start3A_195 = tpu.memref_squeeze %dma_start3A_194 : memref<1x128xi32, #tpu.memory_space<vmem>> -> memref<128xi32, #tpu.memory_space<vmem>>
        %dma_start3A_196 = arith.constant 0 : i32
        %dma_start3A_197 = arith.constant 0 : i32
        %dma_start3A_198 = tpu.memref_slice %arg20[%dma_start3A_196, %dma_start3A_197] : memref<10240x64xf32, #tpu.memory_space<vmem_shared>> -> memref<10240x64xf32, #tpu.memory_space<vmem_shared>>
        tpu.enqueue_indirect_dma source(%arg8 : memref<128x64xf32, #tpu.memory_space<vmem>>) target(%dma_start3A_198 : memref<10240x64xf32, #tpu.memory_space<vmem_shared>>) offsets(%dma_start3A_195 : memref<128xi32, #tpu.memory_space<vmem>>) semaphore(%run_scoped3A_192 : memref<!tpu.dma_semaphore, #tpu.memory_space<semaphore_mem>>) {add = true}
        %dma_wait3A_199 = arith.constant 0 : i32
        %dma_wait3A_200 = tpu.memref_slice %arg7[%run_scoped3A_191, %dma_wait3A_199] : memref<79x128xi32, #tpu.memory_space<vmem>> -> memref<1x128xi32, #tpu.memory_space<vmem>>
        %dma_wait3A_201 = tpu.memref_squeeze %dma_wait3A_200 : memref<1x128xi32, #tpu.memory_space<vmem>> -> memref<128xi32, #tpu.memory_space<vmem>>
        %dma_wait3A_202 = arith.constant 0 : i32
        %dma_wait3A_203 = arith.constant 0 : i32
        %dma_wait3A_204 = tpu.memref_slice %arg20[%dma_wait3A_202, %dma_wait3A_203] : memref<10240x64xf32, #tpu.memory_space<vmem_shared>> -> memref<10240x64xf32, #tpu.memory_space<vmem_shared>>
        tpu.wait_indirect_dma semaphore(%run_scoped3A_192 : memref<!tpu.dma_semaphore, #tpu.memory_space<semaphore_mem>>) src(%arg8 : memref<128x64xf32, #tpu.memory_space<vmem>>) dst(%dma_wait3A_204 : memref<10240x64xf32, #tpu.memory_space<vmem_shared>>)
        tpu.yield
      }) : () -> ()
    } else {
    }
    %barrier3A_118 = arith.constant 0 : index
    tpu.barrier barrier_id(%barrier3A_118)
    %add3A_119 = arith.constant 0 : i32
    %add3A_120 = arith.addi %mul3A_2, %add3A_119 : i32
    "tpu.region"() ({
      %run_scoped3A_178 = tpu.sem_alloc : memref<!tpu.dma_semaphore, #tpu.memory_space<semaphore_mem>>
      %dma_start3A_179 = arith.constant 0 : i32
      %dma_start3A_180 = tpu.memref_slice %arg20[%add3A_120, %dma_start3A_179] : memref<10240x64xf32, #tpu.memory_space<vmem_shared>> -> memref<128x64xf32, #tpu.memory_space<vmem_shared>>
      %dma_start3A_181 = arith.constant 0 : i32
      %dma_start3A_182 = tpu.memref_slice %arg20[%add3A_120, %dma_start3A_181] : memref<10240x64xf32, #tpu.memory_space<vmem_shared>> -> memref<128x64xf32, #tpu.memory_space<vmem_shared>>
      tpu.enqueue_dma source(%dma_start3A_182 : memref<128x64xf32, #tpu.memory_space<vmem_shared>>) target(%arg8 : memref<128x64xf32, #tpu.memory_space<vmem>>) target_semaphore(%run_scoped3A_178 : memref<!tpu.dma_semaphore, #tpu.memory_space<semaphore_mem>>)
      %dma_wait3A_183 = arith.constant 0 : i32
      %dma_wait3A_184 = tpu.memref_slice %arg20[%add3A_120, %dma_wait3A_183] : memref<10240x64xf32, #tpu.memory_space<vmem_shared>> -> memref<128x64xf32, #tpu.memory_space<vmem_shared>>
      %dma_wait3A_185 = arith.constant 0 : i32
      %dma_wait3A_186 = tpu.memref_slice %arg20[%add3A_120, %dma_wait3A_185] : memref<10240x64xf32, #tpu.memory_space<vmem_shared>> -> memref<128x64xf32, #tpu.memory_space<vmem_shared>>
      tpu.wait_dma2 semaphore(%run_scoped3A_178 : memref<!tpu.dma_semaphore, #tpu.memory_space<semaphore_mem>>) src(%dma_wait3A_186 : memref<128x64xf32, #tpu.memory_space<vmem_shared>>) dst(%arg8 : memref<128x64xf32, #tpu.memory_space<vmem>>)
      tpu.yield
    }) : () -> ()
    %eq3A = arith.constant 0 : i32
    %eq3A_121 = arith.cmpi eq, %arg0, %eq3A : i32
    %convert_element_type3A_122 = arith.extui %eq3A_121 : i1 to i32
    %cond3A_123 = arith.constant 0 : i32
    %cond3A_124 = arith.cmpi ne, %convert_element_type3A_122, %cond3A_123 : i32
    scf.if %cond3A_124 {
      %add3A_178 = arith.constant 0 : i32
      %add3A_179 = arith.addi %mul3A_2, %add3A_178 : i32
      "tpu.region"() ({
        %run_scoped3A_180 = tpu.sem_alloc : memref<!tpu.dma_semaphore, #tpu.memory_space<semaphore_mem>>
        %dma_start3A_181 = arith.constant 0 : i32
        %dma_start3A_182 = tpu.memref_slice %arg4[%add3A_179, %dma_start3A_181] : memref<10240x64xf32, #tpu.memory_space<hbm>> -> memref<128x64xf32, #tpu.memory_space<hbm>>
        %dma_start3A_183 = arith.constant 0 : i32
        %dma_start3A_184 = tpu.memref_slice %arg4[%add3A_179, %dma_start3A_183] : memref<10240x64xf32, #tpu.memory_space<hbm>> -> memref<128x64xf32, #tpu.memory_space<hbm>>
        tpu.enqueue_dma source(%arg8 : memref<128x64xf32, #tpu.memory_space<vmem>>) target(%dma_start3A_184 : memref<128x64xf32, #tpu.memory_space<hbm>>) target_semaphore(%run_scoped3A_180 : memref<!tpu.dma_semaphore, #tpu.memory_space<semaphore_mem>>)
        %dma_wait3A_185 = arith.constant 0 : i32
        %dma_wait3A_186 = tpu.memref_slice %arg4[%add3A_179, %dma_wait3A_185] : memref<10240x64xf32, #tpu.memory_space<hbm>> -> memref<128x64xf32, #tpu.memory_space<hbm>>
        %dma_wait3A_187 = arith.constant 0 : i32
        %dma_wait3A_188 = tpu.memref_slice %arg4[%add3A_179, %dma_wait3A_187] : memref<10240x64xf32, #tpu.memory_space<hbm>> -> memref<128x64xf32, #tpu.memory_space<hbm>>
        tpu.wait_dma2 semaphore(%run_scoped3A_180 : memref<!tpu.dma_semaphore, #tpu.memory_space<semaphore_mem>>) src(%arg8 : memref<128x64xf32, #tpu.memory_space<vmem>>) dst(%dma_wait3A_188 : memref<128x64xf32, #tpu.memory_space<hbm>>)
        tpu.yield
      }) : () -> ()
    } else {
    }
    %eq3A_125 = arith.constant 1 : i32
    %eq3A_126 = arith.cmpi eq, %arg0, %eq3A_125 : i32
    %convert_element_type3A_127 = arith.extui %eq3A_126 : i1 to i32
    %cond3A_128 = arith.constant 0 : i32
    %cond3A_129 = arith.cmpi ne, %convert_element_type3A_127, %cond3A_128 : i32
    scf.if %cond3A_129 {
      %add3A_178 = arith.constant 0 : i32
      %add3A_179 = arith.addi %mul3A_2, %add3A_178 : i32
      "tpu.region"() ({
        %run_scoped3A_180 = tpu.sem_alloc : memref<!tpu.dma_semaphore, #tpu.memory_space<semaphore_mem>>
        %dma_start3A_181 = arith.constant 0 : i32
        %dma_start3A_182 = tpu.memref_slice %arg5[%add3A_179, %dma_start3A_181] : memref<10240x64xf32, #tpu.memory_space<hbm>> -> memref<128x64xf32, #tpu.memory_space<hbm>>
        %dma_start3A_183 = arith.constant 0 : i32
        %dma_start3A_184 = tpu.memref_slice %arg5[%add3A_179, %dma_start3A_183] : memref<10240x64xf32, #tpu.memory_space<hbm>> -> memref<128x64xf32, #tpu.memory_space<hbm>>
        tpu.enqueue_dma source(%arg8 : memref<128x64xf32, #tpu.memory_space<vmem>>) target(%dma_start3A_184 : memref<128x64xf32, #tpu.memory_space<hbm>>) target_semaphore(%run_scoped3A_180 : memref<!tpu.dma_semaphore, #tpu.memory_space<semaphore_mem>>)
        %dma_wait3A_185 = arith.constant 0 : i32
        %dma_wait3A_186 = tpu.memref_slice %arg5[%add3A_179, %dma_wait3A_185] : memref<10240x64xf32, #tpu.memory_space<hbm>> -> memref<128x64xf32, #tpu.memory_space<hbm>>
        %dma_wait3A_187 = arith.constant 0 : i32
        %dma_wait3A_188 = tpu.memref_slice %arg5[%add3A_179, %dma_wait3A_187] : memref<10240x64xf32, #tpu.memory_space<hbm>> -> memref<128x64xf32, #tpu.memory_space<hbm>>
        tpu.wait_dma2 semaphore(%run_scoped3A_180 : memref<!tpu.dma_semaphore, #tpu.memory_space<semaphore_mem>>) src(%arg8 : memref<128x64xf32, #tpu.memory_space<vmem>>) dst(%dma_wait3A_188 : memref<128x64xf32, #tpu.memory_space<hbm>>)
        tpu.yield
      }) : () -> ()
    } else {
    }
    %add3A_130 = arith.constant 128 : i32
    %add3A_131 = arith.addi %mul3A_2, %add3A_130 : i32
    "tpu.region"() ({
      %run_scoped3A_178 = tpu.sem_alloc : memref<!tpu.dma_semaphore, #tpu.memory_space<semaphore_mem>>
      %dma_start3A_179 = arith.constant 0 : i32
      %dma_start3A_180 = tpu.memref_slice %arg20[%add3A_131, %dma_start3A_179] : memref<10240x64xf32, #tpu.memory_space<vmem_shared>> -> memref<128x64xf32, #tpu.memory_space<vmem_shared>>
      %dma_start3A_181 = arith.constant 0 : i32
      %dma_start3A_182 = tpu.memref_slice %arg20[%add3A_131, %dma_start3A_181] : memref<10240x64xf32, #tpu.memory_space<vmem_shared>> -> memref<128x64xf32, #tpu.memory_space<vmem_shared>>
      tpu.enqueue_dma source(%dma_start3A_182 : memref<128x64xf32, #tpu.memory_space<vmem_shared>>) target(%arg9 : memref<128x64xf32, #tpu.memory_space<vmem>>) target_semaphore(%run_scoped3A_178 : memref<!tpu.dma_semaphore, #tpu.memory_space<semaphore_mem>>)
      %dma_wait3A_183 = arith.constant 0 : i32
      %dma_wait3A_184 = tpu.memref_slice %arg20[%add3A_131, %dma_wait3A_183] : memref<10240x64xf32, #tpu.memory_space<vmem_shared>> -> memref<128x64xf32, #tpu.memory_space<vmem_shared>>
      %dma_wait3A_185 = arith.constant 0 : i32
      %dma_wait3A_186 = tpu.memref_slice %arg20[%add3A_131, %dma_wait3A_185] : memref<10240x64xf32, #tpu.memory_space<vmem_shared>> -> memref<128x64xf32, #tpu.memory_space<vmem_shared>>
      tpu.wait_dma2 semaphore(%run_scoped3A_178 : memref<!tpu.dma_semaphore, #tpu.memory_space<semaphore_mem>>) src(%dma_wait3A_186 : memref<128x64xf32, #tpu.memory_space<vmem_shared>>) dst(%arg9 : memref<128x64xf32, #tpu.memory_space<vmem>>)
      tpu.yield
    }) : () -> ()
    %eq3A_132 = arith.constant 0 : i32
    %eq3A_133 = arith.cmpi eq, %arg0, %eq3A_132 : i32
    %convert_element_type3A_134 = arith.extui %eq3A_133 : i1 to i32
    %cond3A_135 = arith.constant 0 : i32
    %cond3A_136 = arith.cmpi ne, %convert_element_type3A_134, %cond3A_135 : i32
    scf.if %cond3A_136 {
      %add3A_178 = arith.constant 128 : i32
      %add3A_179 = arith.addi %mul3A_2, %add3A_178 : i32
      "tpu.region"() ({
        %run_scoped3A_180 = tpu.sem_alloc : memref<!tpu.dma_semaphore, #tpu.memory_space<semaphore_mem>>
        %dma_start3A_181 = arith.constant 0 : i32
        %dma_start3A_182 = tpu.memref_slice %arg4[%add3A_179, %dma_start3A_181] : memref<10240x64xf32, #tpu.memory_space<hbm>> -> memref<128x64xf32, #tpu.memory_space<hbm>>
        %dma_start3A_183 = arith.constant 0 : i32
        %dma_start3A_184 = tpu.memref_slice %arg4[%add3A_179, %dma_start3A_183] : memref<10240x64xf32, #tpu.memory_space<hbm>> -> memref<128x64xf32, #tpu.memory_space<hbm>>
        tpu.enqueue_dma source(%arg9 : memref<128x64xf32, #tpu.memory_space<vmem>>) target(%dma_start3A_184 : memref<128x64xf32, #tpu.memory_space<hbm>>) target_semaphore(%run_scoped3A_180 : memref<!tpu.dma_semaphore, #tpu.memory_space<semaphore_mem>>)
        %dma_wait3A_185 = arith.constant 0 : i32
        %dma_wait3A_186 = tpu.memref_slice %arg4[%add3A_179, %dma_wait3A_185] : memref<10240x64xf32, #tpu.memory_space<hbm>> -> memref<128x64xf32, #tpu.memory_space<hbm>>
        %dma_wait3A_187 = arith.constant 0 : i32
        %dma_wait3A_188 = tpu.memref_slice %arg4[%add3A_179, %dma_wait3A_187] : memref<10240x64xf32, #tpu.memory_space<hbm>> -> memref<128x64xf32, #tpu.memory_space<hbm>>
        tpu.wait_dma2 semaphore(%run_scoped3A_180 : memref<!tpu.dma_semaphore, #tpu.memory_space<semaphore_mem>>) src(%arg9 : memref<128x64xf32, #tpu.memory_space<vmem>>) dst(%dma_wait3A_188 : memref<128x64xf32, #tpu.memory_space<hbm>>)
        tpu.yield
      }) : () -> ()
    } else {
    }
    %eq3A_137 = arith.constant 1 : i32
    %eq3A_138 = arith.cmpi eq, %arg0, %eq3A_137 : i32
    %convert_element_type3A_139 = arith.extui %eq3A_138 : i1 to i32
    %cond3A_140 = arith.constant 0 : i32
    %cond3A_141 = arith.cmpi ne, %convert_element_type3A_139, %cond3A_140 : i32
    scf.if %cond3A_141 {
      %add3A_178 = arith.constant 128 : i32
      %add3A_179 = arith.addi %mul3A_2, %add3A_178 : i32
      "tpu.region"() ({
        %run_scoped3A_180 = tpu.sem_alloc : memref<!tpu.dma_semaphore, #tpu.memory_space<semaphore_mem>>
        %dma_start3A_181 = arith.constant 0 : i32
        %dma_start3A_182 = tpu.memref_slice %arg5[%add3A_179, %dma_start3A_181] : memref<10240x64xf32, #tpu.memory_space<hbm>> -> memref<128x64xf32, #tpu.memory_space<hbm>>
        %dma_start3A_183 = arith.constant 0 : i32
        %dma_start3A_184 = tpu.memref_slice %arg5[%add3A_179, %dma_start3A_183] : memref<10240x64xf32, #tpu.memory_space<hbm>> -> memref<128x64xf32, #tpu.memory_space<hbm>>
        tpu.enqueue_dma source(%arg9 : memref<128x64xf32, #tpu.memory_space<vmem>>) target(%dma_start3A_184 : memref<128x64xf32, #tpu.memory_space<hbm>>) target_semaphore(%run_scoped3A_180 : memref<!tpu.dma_semaphore, #tpu.memory_space<semaphore_mem>>)
        %dma_wait3A_185 = arith.constant 0 : i32
        %dma_wait3A_186 = tpu.memref_slice %arg5[%add3A_179, %dma_wait3A_185] : memref<10240x64xf32, #tpu.memory_space<hbm>> -> memref<128x64xf32, #tpu.memory_space<hbm>>
        %dma_wait3A_187 = arith.constant 0 : i32
        %dma_wait3A_188 = tpu.memref_slice %arg5[%add3A_179, %dma_wait3A_187] : memref<10240x64xf32, #tpu.memory_space<hbm>> -> memref<128x64xf32, #tpu.memory_space<hbm>>
        tpu.wait_dma2 semaphore(%run_scoped3A_180 : memref<!tpu.dma_semaphore, #tpu.memory_space<semaphore_mem>>) src(%arg9 : memref<128x64xf32, #tpu.memory_space<vmem>>) dst(%dma_wait3A_188 : memref<128x64xf32, #tpu.memory_space<hbm>>)
        tpu.yield
      }) : () -> ()
    } else {
    }
    %add3A_142 = arith.constant 256 : i32
    %add3A_143 = arith.addi %mul3A_2, %add3A_142 : i32
    "tpu.region"() ({
      %run_scoped3A_178 = tpu.sem_alloc : memref<!tpu.dma_semaphore, #tpu.memory_space<semaphore_mem>>
      %dma_start3A_179 = arith.constant 0 : i32
      %dma_start3A_180 = tpu.memref_slice %arg20[%add3A_143, %dma_start3A_179] : memref<10240x64xf32, #tpu.memory_space<vmem_shared>> -> memref<128x64xf32, #tpu.memory_space<vmem_shared>>
      %dma_start3A_181 = arith.constant 0 : i32
      %dma_start3A_182 = tpu.memref_slice %arg20[%add3A_143, %dma_start3A_181] : memref<10240x64xf32, #tpu.memory_space<vmem_shared>> -> memref<128x64xf32, #tpu.memory_space<vmem_shared>>
      tpu.enqueue_dma source(%dma_start3A_182 : memref<128x64xf32, #tpu.memory_space<vmem_shared>>) target(%arg10 : memref<128x64xf32, #tpu.memory_space<vmem>>) target_semaphore(%run_scoped3A_178 : memref<!tpu.dma_semaphore, #tpu.memory_space<semaphore_mem>>)
      %dma_wait3A_183 = arith.constant 0 : i32
      %dma_wait3A_184 = tpu.memref_slice %arg20[%add3A_143, %dma_wait3A_183] : memref<10240x64xf32, #tpu.memory_space<vmem_shared>> -> memref<128x64xf32, #tpu.memory_space<vmem_shared>>
      %dma_wait3A_185 = arith.constant 0 : i32
      %dma_wait3A_186 = tpu.memref_slice %arg20[%add3A_143, %dma_wait3A_185] : memref<10240x64xf32, #tpu.memory_space<vmem_shared>> -> memref<128x64xf32, #tpu.memory_space<vmem_shared>>
      tpu.wait_dma2 semaphore(%run_scoped3A_178 : memref<!tpu.dma_semaphore, #tpu.memory_space<semaphore_mem>>) src(%dma_wait3A_186 : memref<128x64xf32, #tpu.memory_space<vmem_shared>>) dst(%arg10 : memref<128x64xf32, #tpu.memory_space<vmem>>)
      tpu.yield
    }) : () -> ()
    %eq3A_144 = arith.constant 0 : i32
    %eq3A_145 = arith.cmpi eq, %arg0, %eq3A_144 : i32
    %convert_element_type3A_146 = arith.extui %eq3A_145 : i1 to i32
    %cond3A_147 = arith.constant 0 : i32
    %cond3A_148 = arith.cmpi ne, %convert_element_type3A_146, %cond3A_147 : i32
    scf.if %cond3A_148 {
      %add3A_178 = arith.constant 256 : i32
      %add3A_179 = arith.addi %mul3A_2, %add3A_178 : i32
      "tpu.region"() ({
        %run_scoped3A_180 = tpu.sem_alloc : memref<!tpu.dma_semaphore, #tpu.memory_space<semaphore_mem>>
        %dma_start3A_181 = arith.constant 0 : i32
        %dma_start3A_182 = tpu.memref_slice %arg4[%add3A_179, %dma_start3A_181] : memref<10240x64xf32, #tpu.memory_space<hbm>> -> memref<128x64xf32, #tpu.memory_space<hbm>>
        %dma_start3A_183 = arith.constant 0 : i32
        %dma_start3A_184 = tpu.memref_slice %arg4[%add3A_179, %dma_start3A_183] : memref<10240x64xf32, #tpu.memory_space<hbm>> -> memref<128x64xf32, #tpu.memory_space<hbm>>
        tpu.enqueue_dma source(%arg10 : memref<128x64xf32, #tpu.memory_space<vmem>>) target(%dma_start3A_184 : memref<128x64xf32, #tpu.memory_space<hbm>>) target_semaphore(%run_scoped3A_180 : memref<!tpu.dma_semaphore, #tpu.memory_space<semaphore_mem>>)
        %dma_wait3A_185 = arith.constant 0 : i32
        %dma_wait3A_186 = tpu.memref_slice %arg4[%add3A_179, %dma_wait3A_185] : memref<10240x64xf32, #tpu.memory_space<hbm>> -> memref<128x64xf32, #tpu.memory_space<hbm>>
        %dma_wait3A_187 = arith.constant 0 : i32
        %dma_wait3A_188 = tpu.memref_slice %arg4[%add3A_179, %dma_wait3A_187] : memref<10240x64xf32, #tpu.memory_space<hbm>> -> memref<128x64xf32, #tpu.memory_space<hbm>>
        tpu.wait_dma2 semaphore(%run_scoped3A_180 : memref<!tpu.dma_semaphore, #tpu.memory_space<semaphore_mem>>) src(%arg10 : memref<128x64xf32, #tpu.memory_space<vmem>>) dst(%dma_wait3A_188 : memref<128x64xf32, #tpu.memory_space<hbm>>)
        tpu.yield
      }) : () -> ()
    } else {
    }
    %eq3A_149 = arith.constant 1 : i32
    %eq3A_150 = arith.cmpi eq, %arg0, %eq3A_149 : i32
    %convert_element_type3A_151 = arith.extui %eq3A_150 : i1 to i32
    %cond3A_152 = arith.constant 0 : i32
    %cond3A_153 = arith.cmpi ne, %convert_element_type3A_151, %cond3A_152 : i32
    scf.if %cond3A_153 {
      %add3A_178 = arith.constant 256 : i32
      %add3A_179 = arith.addi %mul3A_2, %add3A_178 : i32
      "tpu.region"() ({
        %run_scoped3A_180 = tpu.sem_alloc : memref<!tpu.dma_semaphore, #tpu.memory_space<semaphore_mem>>
        %dma_start3A_181 = arith.constant 0 : i32
        %dma_start3A_182 = tpu.memref_slice %arg5[%add3A_179, %dma_start3A_181] : memref<10240x64xf32, #tpu.memory_space<hbm>> -> memref<128x64xf32, #tpu.memory_space<hbm>>
        %dma_start3A_183 = arith.constant 0 : i32
        %dma_start3A_184 = tpu.memref_slice %arg5[%add3A_179, %dma_start3A_183] : memref<10240x64xf32, #tpu.memory_space<hbm>> -> memref<128x64xf32, #tpu.memory_space<hbm>>
        tpu.enqueue_dma source(%arg10 : memref<128x64xf32, #tpu.memory_space<vmem>>) target(%dma_start3A_184 : memref<128x64xf32, #tpu.memory_space<hbm>>) target_semaphore(%run_scoped3A_180 : memref<!tpu.dma_semaphore, #tpu.memory_space<semaphore_mem>>)
        %dma_wait3A_185 = arith.constant 0 : i32
        %dma_wait3A_186 = tpu.memref_slice %arg5[%add3A_179, %dma_wait3A_185] : memref<10240x64xf32, #tpu.memory_space<hbm>> -> memref<128x64xf32, #tpu.memory_space<hbm>>
        %dma_wait3A_187 = arith.constant 0 : i32
        %dma_wait3A_188 = tpu.memref_slice %arg5[%add3A_179, %dma_wait3A_187] : memref<10240x64xf32, #tpu.memory_space<hbm>> -> memref<128x64xf32, #tpu.memory_space<hbm>>
        tpu.wait_dma2 semaphore(%run_scoped3A_180 : memref<!tpu.dma_semaphore, #tpu.memory_space<semaphore_mem>>) src(%arg10 : memref<128x64xf32, #tpu.memory_space<vmem>>) dst(%dma_wait3A_188 : memref<128x64xf32, #tpu.memory_space<hbm>>)
        tpu.yield
      }) : () -> ()
    } else {
    }
    %add3A_154 = arith.constant 384 : i32
    %add3A_155 = arith.addi %mul3A_2, %add3A_154 : i32
    "tpu.region"() ({
      %run_scoped3A_178 = tpu.sem_alloc : memref<!tpu.dma_semaphore, #tpu.memory_space<semaphore_mem>>
      %dma_start3A_179 = arith.constant 0 : i32
      %dma_start3A_180 = tpu.memref_slice %arg20[%add3A_155, %dma_start3A_179] : memref<10240x64xf32, #tpu.memory_space<vmem_shared>> -> memref<128x64xf32, #tpu.memory_space<vmem_shared>>
      %dma_start3A_181 = arith.constant 0 : i32
      %dma_start3A_182 = tpu.memref_slice %arg20[%add3A_155, %dma_start3A_181] : memref<10240x64xf32, #tpu.memory_space<vmem_shared>> -> memref<128x64xf32, #tpu.memory_space<vmem_shared>>
      tpu.enqueue_dma source(%dma_start3A_182 : memref<128x64xf32, #tpu.memory_space<vmem_shared>>) target(%arg11 : memref<128x64xf32, #tpu.memory_space<vmem>>) target_semaphore(%run_scoped3A_178 : memref<!tpu.dma_semaphore, #tpu.memory_space<semaphore_mem>>)
      %dma_wait3A_183 = arith.constant 0 : i32
      %dma_wait3A_184 = tpu.memref_slice %arg20[%add3A_155, %dma_wait3A_183] : memref<10240x64xf32, #tpu.memory_space<vmem_shared>> -> memref<128x64xf32, #tpu.memory_space<vmem_shared>>
      %dma_wait3A_185 = arith.constant 0 : i32
      %dma_wait3A_186 = tpu.memref_slice %arg20[%add3A_155, %dma_wait3A_185] : memref<10240x64xf32, #tpu.memory_space<vmem_shared>> -> memref<128x64xf32, #tpu.memory_space<vmem_shared>>
      tpu.wait_dma2 semaphore(%run_scoped3A_178 : memref<!tpu.dma_semaphore, #tpu.memory_space<semaphore_mem>>) src(%dma_wait3A_186 : memref<128x64xf32, #tpu.memory_space<vmem_shared>>) dst(%arg11 : memref<128x64xf32, #tpu.memory_space<vmem>>)
      tpu.yield
    }) : () -> ()
    %eq3A_156 = arith.constant 0 : i32
    %eq3A_157 = arith.cmpi eq, %arg0, %eq3A_156 : i32
    %convert_element_type3A_158 = arith.extui %eq3A_157 : i1 to i32
    %cond3A_159 = arith.constant 0 : i32
    %cond3A_160 = arith.cmpi ne, %convert_element_type3A_158, %cond3A_159 : i32
    scf.if %cond3A_160 {
      %add3A_178 = arith.constant 384 : i32
      %add3A_179 = arith.addi %mul3A_2, %add3A_178 : i32
      "tpu.region"() ({
        %run_scoped3A_180 = tpu.sem_alloc : memref<!tpu.dma_semaphore, #tpu.memory_space<semaphore_mem>>
        %dma_start3A_181 = arith.constant 0 : i32
        %dma_start3A_182 = tpu.memref_slice %arg4[%add3A_179, %dma_start3A_181] : memref<10240x64xf32, #tpu.memory_space<hbm>> -> memref<128x64xf32, #tpu.memory_space<hbm>>
        %dma_start3A_183 = arith.constant 0 : i32
        %dma_start3A_184 = tpu.memref_slice %arg4[%add3A_179, %dma_start3A_183] : memref<10240x64xf32, #tpu.memory_space<hbm>> -> memref<128x64xf32, #tpu.memory_space<hbm>>
        tpu.enqueue_dma source(%arg11 : memref<128x64xf32, #tpu.memory_space<vmem>>) target(%dma_start3A_184 : memref<128x64xf32, #tpu.memory_space<hbm>>) target_semaphore(%run_scoped3A_180 : memref<!tpu.dma_semaphore, #tpu.memory_space<semaphore_mem>>)
        %dma_wait3A_185 = arith.constant 0 : i32
        %dma_wait3A_186 = tpu.memref_slice %arg4[%add3A_179, %dma_wait3A_185] : memref<10240x64xf32, #tpu.memory_space<hbm>> -> memref<128x64xf32, #tpu.memory_space<hbm>>
        %dma_wait3A_187 = arith.constant 0 : i32
        %dma_wait3A_188 = tpu.memref_slice %arg4[%add3A_179, %dma_wait3A_187] : memref<10240x64xf32, #tpu.memory_space<hbm>> -> memref<128x64xf32, #tpu.memory_space<hbm>>
        tpu.wait_dma2 semaphore(%run_scoped3A_180 : memref<!tpu.dma_semaphore, #tpu.memory_space<semaphore_mem>>) src(%arg11 : memref<128x64xf32, #tpu.memory_space<vmem>>) dst(%dma_wait3A_188 : memref<128x64xf32, #tpu.memory_space<hbm>>)
        tpu.yield
      }) : () -> ()
    } else {
    }
    %eq3A_161 = arith.constant 1 : i32
    %eq3A_162 = arith.cmpi eq, %arg0, %eq3A_161 : i32
    %convert_element_type3A_163 = arith.extui %eq3A_162 : i1 to i32
    %cond3A_164 = arith.constant 0 : i32
    %cond3A_165 = arith.cmpi ne, %convert_element_type3A_163, %cond3A_164 : i32
    scf.if %cond3A_165 {
      %add3A_178 = arith.constant 384 : i32
      %add3A_179 = arith.addi %mul3A_2, %add3A_178 : i32
      "tpu.region"() ({
        %run_scoped3A_180 = tpu.sem_alloc : memref<!tpu.dma_semaphore, #tpu.memory_space<semaphore_mem>>
        %dma_start3A_181 = arith.constant 0 : i32
        %dma_start3A_182 = tpu.memref_slice %arg5[%add3A_179, %dma_start3A_181] : memref<10240x64xf32, #tpu.memory_space<hbm>> -> memref<128x64xf32, #tpu.memory_space<hbm>>
        %dma_start3A_183 = arith.constant 0 : i32
        %dma_start3A_184 = tpu.memref_slice %arg5[%add3A_179, %dma_start3A_183] : memref<10240x64xf32, #tpu.memory_space<hbm>> -> memref<128x64xf32, #tpu.memory_space<hbm>>
        tpu.enqueue_dma source(%arg11 : memref<128x64xf32, #tpu.memory_space<vmem>>) target(%dma_start3A_184 : memref<128x64xf32, #tpu.memory_space<hbm>>) target_semaphore(%run_scoped3A_180 : memref<!tpu.dma_semaphore, #tpu.memory_space<semaphore_mem>>)
        %dma_wait3A_185 = arith.constant 0 : i32
        %dma_wait3A_186 = tpu.memref_slice %arg5[%add3A_179, %dma_wait3A_185] : memref<10240x64xf32, #tpu.memory_space<hbm>> -> memref<128x64xf32, #tpu.memory_space<hbm>>
        %dma_wait3A_187 = arith.constant 0 : i32
        %dma_wait3A_188 = tpu.memref_slice %arg5[%add3A_179, %dma_wait3A_187] : memref<10240x64xf32, #tpu.memory_space<hbm>> -> memref<128x64xf32, #tpu.memory_space<hbm>>
        tpu.wait_dma2 semaphore(%run_scoped3A_180 : memref<!tpu.dma_semaphore, #tpu.memory_space<semaphore_mem>>) src(%arg11 : memref<128x64xf32, #tpu.memory_space<vmem>>) dst(%dma_wait3A_188 : memref<128x64xf32, #tpu.memory_space<hbm>>)
        tpu.yield
      }) : () -> ()
    } else {
    }
    %add3A_166 = arith.constant 512 : i32
    %add3A_167 = arith.addi %mul3A_2, %add3A_166 : i32
    "tpu.region"() ({
      %run_scoped3A_178 = tpu.sem_alloc : memref<!tpu.dma_semaphore, #tpu.memory_space<semaphore_mem>>
      %dma_start3A_179 = arith.constant 0 : i32
      %dma_start3A_180 = tpu.memref_slice %arg20[%add3A_167, %dma_start3A_179] : memref<10240x64xf32, #tpu.memory_space<vmem_shared>> -> memref<128x64xf32, #tpu.memory_space<vmem_shared>>
      %dma_start3A_181 = arith.constant 0 : i32
      %dma_start3A_182 = tpu.memref_slice %arg20[%add3A_167, %dma_start3A_181] : memref<10240x64xf32, #tpu.memory_space<vmem_shared>> -> memref<128x64xf32, #tpu.memory_space<vmem_shared>>
      tpu.enqueue_dma source(%dma_start3A_182 : memref<128x64xf32, #tpu.memory_space<vmem_shared>>) target(%arg12 : memref<128x64xf32, #tpu.memory_space<vmem>>) target_semaphore(%run_scoped3A_178 : memref<!tpu.dma_semaphore, #tpu.memory_space<semaphore_mem>>)
      %dma_wait3A_183 = arith.constant 0 : i32
      %dma_wait3A_184 = tpu.memref_slice %arg20[%add3A_167, %dma_wait3A_183] : memref<10240x64xf32, #tpu.memory_space<vmem_shared>> -> memref<128x64xf32, #tpu.memory_space<vmem_shared>>
      %dma_wait3A_185 = arith.constant 0 : i32
      %dma_wait3A_186 = tpu.memref_slice %arg20[%add3A_167, %dma_wait3A_185] : memref<10240x64xf32, #tpu.memory_space<vmem_shared>> -> memref<128x64xf32, #tpu.memory_space<vmem_shared>>
      tpu.wait_dma2 semaphore(%run_scoped3A_178 : memref<!tpu.dma_semaphore, #tpu.memory_space<semaphore_mem>>) src(%dma_wait3A_186 : memref<128x64xf32, #tpu.memory_space<vmem_shared>>) dst(%arg12 : memref<128x64xf32, #tpu.memory_space<vmem>>)
      tpu.yield
    }) : () -> ()
    %eq3A_168 = arith.constant 0 : i32
    %eq3A_169 = arith.cmpi eq, %arg0, %eq3A_168 : i32
    %convert_element_type3A_170 = arith.extui %eq3A_169 : i1 to i32
    %cond3A_171 = arith.constant 0 : i32
    %cond3A_172 = arith.cmpi ne, %convert_element_type3A_170, %cond3A_171 : i32
    scf.if %cond3A_172 {
      %add3A_178 = arith.constant 512 : i32
      %add3A_179 = arith.addi %mul3A_2, %add3A_178 : i32
      "tpu.region"() ({
        %run_scoped3A_180 = tpu.sem_alloc : memref<!tpu.dma_semaphore, #tpu.memory_space<semaphore_mem>>
        %dma_start3A_181 = arith.constant 0 : i32
        %dma_start3A_182 = tpu.memref_slice %arg4[%add3A_179, %dma_start3A_181] : memref<10240x64xf32, #tpu.memory_space<hbm>> -> memref<128x64xf32, #tpu.memory_space<hbm>>
        %dma_start3A_183 = arith.constant 0 : i32
        %dma_start3A_184 = tpu.memref_slice %arg4[%add3A_179, %dma_start3A_183] : memref<10240x64xf32, #tpu.memory_space<hbm>> -> memref<128x64xf32, #tpu.memory_space<hbm>>
        tpu.enqueue_dma source(%arg12 : memref<128x64xf32, #tpu.memory_space<vmem>>) target(%dma_start3A_184 : memref<128x64xf32, #tpu.memory_space<hbm>>) target_semaphore(%run_scoped3A_180 : memref<!tpu.dma_semaphore, #tpu.memory_space<semaphore_mem>>)
        %dma_wait3A_185 = arith.constant 0 : i32
        %dma_wait3A_186 = tpu.memref_slice %arg4[%add3A_179, %dma_wait3A_185] : memref<10240x64xf32, #tpu.memory_space<hbm>> -> memref<128x64xf32, #tpu.memory_space<hbm>>
        %dma_wait3A_187 = arith.constant 0 : i32
        %dma_wait3A_188 = tpu.memref_slice %arg4[%add3A_179, %dma_wait3A_187] : memref<10240x64xf32, #tpu.memory_space<hbm>> -> memref<128x64xf32, #tpu.memory_space<hbm>>
        tpu.wait_dma2 semaphore(%run_scoped3A_180 : memref<!tpu.dma_semaphore, #tpu.memory_space<semaphore_mem>>) src(%arg12 : memref<128x64xf32, #tpu.memory_space<vmem>>) dst(%dma_wait3A_188 : memref<128x64xf32, #tpu.memory_space<hbm>>)
        tpu.yield
      }) : () -> ()
    } else {
    }
    %eq3A_173 = arith.constant 1 : i32
    %eq3A_174 = arith.cmpi eq, %arg0, %eq3A_173 : i32
    %convert_element_type3A_175 = arith.extui %eq3A_174 : i1 to i32
    %cond3A_176 = arith.constant 0 : i32
    %cond3A_177 = arith.cmpi ne, %convert_element_type3A_175, %cond3A_176 : i32
    scf.if %cond3A_177 {
      %add3A_178 = arith.constant 512 : i32
      %add3A_179 = arith.addi %mul3A_2, %add3A_178 : i32
      "tpu.region"() ({
        %run_scoped3A_180 = tpu.sem_alloc : memref<!tpu.dma_semaphore, #tpu.memory_space<semaphore_mem>>
        %dma_start3A_181 = arith.constant 0 : i32
        %dma_start3A_182 = tpu.memref_slice %arg5[%add3A_179, %dma_start3A_181] : memref<10240x64xf32, #tpu.memory_space<hbm>> -> memref<128x64xf32, #tpu.memory_space<hbm>>
        %dma_start3A_183 = arith.constant 0 : i32
        %dma_start3A_184 = tpu.memref_slice %arg5[%add3A_179, %dma_start3A_183] : memref<10240x64xf32, #tpu.memory_space<hbm>> -> memref<128x64xf32, #tpu.memory_space<hbm>>
        tpu.enqueue_dma source(%arg12 : memref<128x64xf32, #tpu.memory_space<vmem>>) target(%dma_start3A_184 : memref<128x64xf32, #tpu.memory_space<hbm>>) target_semaphore(%run_scoped3A_180 : memref<!tpu.dma_semaphore, #tpu.memory_space<semaphore_mem>>)
        %dma_wait3A_185 = arith.constant 0 : i32
        %dma_wait3A_186 = tpu.memref_slice %arg5[%add3A_179, %dma_wait3A_185] : memref<10240x64xf32, #tpu.memory_space<hbm>> -> memref<128x64xf32, #tpu.memory_space<hbm>>
        %dma_wait3A_187 = arith.constant 0 : i32
        %dma_wait3A_188 = tpu.memref_slice %arg5[%add3A_179, %dma_wait3A_187] : memref<10240x64xf32, #tpu.memory_space<hbm>> -> memref<128x64xf32, #tpu.memory_space<hbm>>
        tpu.wait_dma2 semaphore(%run_scoped3A_180 : memref<!tpu.dma_semaphore, #tpu.memory_space<semaphore_mem>>) src(%arg12 : memref<128x64xf32, #tpu.memory_space<vmem>>) dst(%dma_wait3A_188 : memref<128x64xf32, #tpu.memory_space<hbm>>)
        tpu.yield
      }) : () -> ()
    } else {
    }
    return
  }
}

#map = affine_map<(d0, d1) -> (0, 0, 0)>
#map1 = affine_map<(d0, d1) -> (0, 0)>
module attributes {stable_mosaic.version = 14 : i64} {
  func.func @_agg_kernel(%arg0: i32, %arg1: i32, %arg2: memref<2x2500x128xi32, #tpu.memory_space<hbm>>, %arg3: memref<10000x64xf32, #tpu.memory_space<hbm>>, %arg4: memref<10240x64xf32, #tpu.memory_space<hbm>>, %arg5: memref<10240x64xf32, #tpu.memory_space<hbm>>, %arg6: memref<79x128xi32, #tpu.memory_space<vmem>>, %arg7: memref<79x128xi32, #tpu.memory_space<vmem>>, %arg8: memref<128x64xf32, #tpu.memory_space<vmem>>, %arg9: memref<128x64xf32, #tpu.memory_space<vmem>>, %arg10: memref<128x64xf32, #tpu.memory_space<vmem>>, %arg11: memref<128x64xf32, #tpu.memory_space<vmem>>, %arg12: memref<128x64xf32, #tpu.memory_space<vmem>>, %arg13: memref<128x64xf32, #tpu.memory_space<vmem>>, %arg14: memref<!tpu.dma_semaphore, #tpu.memory_space<semaphore_mem>>, %arg15: memref<!tpu.dma_semaphore, #tpu.memory_space<semaphore_mem>>, %arg16: memref<!tpu.dma_semaphore, #tpu.memory_space<semaphore_mem>>, %arg17: memref<!tpu.dma_semaphore, #tpu.memory_space<semaphore_mem>>, %arg18: memref<!tpu.dma_semaphore, #tpu.memory_space<semaphore_mem>>, %arg19: memref<!tpu.dma_semaphore, #tpu.memory_space<semaphore_mem>>, %arg20: memref<10240x64xf32, #tpu.memory_space<vmem_shared>>) attributes {dimension_semantics = [#tpu.dimension_semantics<core_parallel>, #tpu.dimension_semantics<subcore_parallel>], iteration_bounds = array<i64: 2, 16>, scalar_prefetch = 0 : i64, scratch_operands = 15 : i64, tpu.core_type = #tpu.core_type<sc_vector_subcore>, window_params = [{transform_indices = #map}, {transform_indices = #map1}, {transform_indices = #map1}, {transform_indices = #map1}]} {
    %mul3A = arith.constant 16 : i32
    %mul3A_0 = arith.muli %arg0, %mul3A : i32
    %add3A = arith.addi %mul3A_0, %arg1 : i32
    %mul3A_1 = arith.constant 640 : i32
    %mul3A_2 = arith.muli %arg1, %mul3A_1 : i32
    %scan3A = arith.constant 0 : i32
    %scan3A_3 = arith.constant 0 : i32
    %scan3A_4 = arith.constant 128 : i32
    %scan3A_5 = arith.addi %scan3A_3, %scan3A_4 : i32
    %scan3A_6 = arith.constant 1 : i32
    scf.for %scan3A_178 = %scan3A_3 to %scan3A_5 step %scan3A_6  : i32 {
      %broadcast_in_dim3A = arith.constant 0.000000e+00 : f32
      %broadcast_in_dim3A_179 = vector.broadcast %broadcast_in_dim3A : f32 to vector<16xf32>
      %swap3A = arith.index_cast %scan3A_178 : i32 to index
      %swap3A_180 = arith.constant 0 : index
      %swap3A_181 = tpu.vector_load %arg8[%swap3A, %swap3A_180] {strides = array<i32>} : memref<128x64xf32, #tpu.memory_space<vmem>>, vector<1x16xf32>,
      %swap3A_182 = vector.shape_cast %swap3A_181 : vector<1x16xf32> to vector<16xf32>
      %swap3A_183 = vector.shape_cast %broadcast_in_dim3A_179 : vector<16xf32> to vector<1x16xf32>
      tpu.vector_store %arg8[%swap3A, %swap3A_180], %swap3A_183 {strides = array<i32>} : memref<128x64xf32, #tpu.memory_space<vmem>>, vector<1x16xf32>,
      %broadcast_in_dim3A_184 = arith.constant 0.000000e+00 : f32
      %broadcast_in_dim3A_185 = vector.broadcast %broadcast_in_dim3A_184 : f32 to vector<16xf32>
      %swap3A_186 = arith.index_cast %scan3A_178 : i32 to index
      %swap3A_187 = arith.constant 16 : index
      %swap3A_188 = tpu.vector_load %arg8[%swap3A_186, %swap3A_187] {strides = array<i32>} : memref<128x64xf32, #tpu.memory_space<vmem>>, vector<1x16xf32>,
      %swap3A_189 = vector.shape_cast %swap3A_188 : vector<1x16xf32> to vector<16xf32>
      %swap3A_190 = vector.shape_cast %broadcast_in_dim3A_185 : vector<16xf32> to vector<1x16xf32>
      tpu.vector_store %arg8[%swap3A_186, %swap3A_187], %swap3A_190 {strides = array<i32>} : memref<128x64xf32, #tpu.memory_space<vmem>>, vector<1x16xf32>,
      %broadcast_in_dim3A_191 = arith.constant 0.000000e+00 : f32
      %broadcast_in_dim3A_192 = vector.broadcast %broadcast_in_dim3A_191 : f32 to vector<16xf32>
      %swap3A_193 = arith.index_cast %scan3A_178 : i32 to index
      %swap3A_194 = arith.constant 32 : index
      %swap3A_195 = tpu.vector_load %arg8[%swap3A_193, %swap3A_194] {strides = array<i32>} : memref<128x64xf32, #tpu.memory_space<vmem>>, vector<1x16xf32>,
      %swap3A_196 = vector.shape_cast %swap3A_195 : vector<1x16xf32> to vector<16xf32>
      %swap3A_197 = vector.shape_cast %broadcast_in_dim3A_192 : vector<16xf32> to vector<1x16xf32>
      tpu.vector_store %arg8[%swap3A_193, %swap3A_194], %swap3A_197 {strides = array<i32>} : memref<128x64xf32, #tpu.memory_space<vmem>>, vector<1x16xf32>,
      %broadcast_in_dim3A_198 = arith.constant 0.000000e+00 : f32
      %broadcast_in_dim3A_199 = vector.broadcast %broadcast_in_dim3A_198 : f32 to vector<16xf32>
      %swap3A_200 = arith.index_cast %scan3A_178 : i32 to index
      %swap3A_201 = arith.constant 48 : index
      %swap3A_202 = tpu.vector_load %arg8[%swap3A_200, %swap3A_201] {strides = array<i32>} : memref<128x64xf32, #tpu.memory_space<vmem>>, vector<1x16xf32>,
      %swap3A_203 = vector.shape_cast %swap3A_202 : vector<1x16xf32> to vector<16xf32>
      %swap3A_204 = vector.shape_cast %broadcast_in_dim3A_199 : vector<16xf32> to vector<1x16xf32>
      tpu.vector_store %arg8[%swap3A_200, %swap3A_201], %swap3A_204 {strides = array<i32>} : memref<128x64xf32, #tpu.memory_space<vmem>>, vector<1x16xf32>,
    }
    %scan3A_7 = arith.constant 128 : i32
    %add3A_8 = arith.constant 0 : i32
    %add3A_9 = arith.addi %mul3A_2, %add3A_8 : i32
    "tpu.region"() ({
      %run_scoped3A_178 = tpu.sem_alloc : memref<!tpu.dma_semaphore, #tpu.memory_space<semaphore_mem>>
      %dma_start3A_179 = arith.constant 0 : i32
      %dma_start3A_180 = tpu.memref_slice %arg20[%add3A_9, %dma_start3A_179] : memref<10240x64xf32, #tpu.memory_space<vmem_shared>> -> memref<128x64xf32, #tpu.memory_space<vmem_shared>>
      %dma_start3A_181 = arith.constant 0 : i32
      %dma_start3A_182 = tpu.memref_slice %arg20[%add3A_9, %dma_start3A_181] : memref<10240x64xf32, #tpu.memory_space<vmem_shared>> -> memref<128x64xf32, #tpu.memory_space<vmem_shared>>
      tpu.enqueue_dma source(%arg8 : memref<128x64xf32, #tpu.memory_space<vmem>>) target(%dma_start3A_182 : memref<128x64xf32, #tpu.memory_space<vmem_shared>>) target_semaphore(%run_scoped3A_178 : memref<!tpu.dma_semaphore, #tpu.memory_space<semaphore_mem>>)
      %dma_wait3A_183 = arith.constant 0 : i32
      %dma_wait3A_184 = tpu.memref_slice %arg20[%add3A_9, %dma_wait3A_183] : memref<10240x64xf32, #tpu.memory_space<vmem_shared>> -> memref<128x64xf32, #tpu.memory_space<vmem_shared>>
      %dma_wait3A_185 = arith.constant 0 : i32
      %dma_wait3A_186 = tpu.memref_slice %arg20[%add3A_9, %dma_wait3A_185] : memref<10240x64xf32, #tpu.memory_space<vmem_shared>> -> memref<128x64xf32, #tpu.memory_space<vmem_shared>>
      tpu.wait_dma2 semaphore(%run_scoped3A_178 : memref<!tpu.dma_semaphore, #tpu.memory_space<semaphore_mem>>) src(%arg8 : memref<128x64xf32, #tpu.memory_space<vmem>>) dst(%dma_wait3A_186 : memref<128x64xf32, #tpu.memory_space<vmem_shared>>)
      tpu.yield
    }) : () -> ()
    %add3A_10 = arith.constant 128 : i32
    %add3A_11 = arith.addi %mul3A_2, %add3A_10 : i32
    "tpu.region"() ({
      %run_scoped3A_178 = tpu.sem_alloc : memref<!tpu.dma_semaphore, #tpu.memory_space<semaphore_mem>>
      %dma_start3A_179 = arith.constant 0 : i32
      %dma_start3A_180 = tpu.memref_slice %arg20[%add3A_11, %dma_start3A_179] : memref<10240x64xf32, #tpu.memory_space<vmem_shared>> -> memref<128x64xf32, #tpu.memory_space<vmem_shared>>
      %dma_start3A_181 = arith.constant 0 : i32
      %dma_start3A_182 = tpu.memref_slice %arg20[%add3A_11, %dma_start3A_181] : memref<10240x64xf32, #tpu.memory_space<vmem_shared>> -> memref<128x64xf32, #tpu.memory_space<vmem_shared>>
      tpu.enqueue_dma source(%arg8 : memref<128x64xf32, #tpu.memory_space<vmem>>) target(%dma_start3A_182 : memref<128x64xf32, #tpu.memory_space<vmem_shared>>) target_semaphore(%run_scoped3A_178 : memref<!tpu.dma_semaphore, #tpu.memory_space<semaphore_mem>>)
      %dma_wait3A_183 = arith.constant 0 : i32
      %dma_wait3A_184 = tpu.memref_slice %arg20[%add3A_11, %dma_wait3A_183] : memref<10240x64xf32, #tpu.memory_space<vmem_shared>> -> memref<128x64xf32, #tpu.memory_space<vmem_shared>>
      %dma_wait3A_185 = arith.constant 0 : i32
      %dma_wait3A_186 = tpu.memref_slice %arg20[%add3A_11, %dma_wait3A_185] : memref<10240x64xf32, #tpu.memory_space<vmem_shared>> -> memref<128x64xf32, #tpu.memory_space<vmem_shared>>
      tpu.wait_dma2 semaphore(%run_scoped3A_178 : memref<!tpu.dma_semaphore, #tpu.memory_space<semaphore_mem>>) src(%arg8 : memref<128x64xf32, #tpu.memory_space<vmem>>) dst(%dma_wait3A_186 : memref<128x64xf32, #tpu.memory_space<vmem_shared>>)
      tpu.yield
    }) : () -> ()
    %add3A_12 = arith.constant 256 : i32
    %add3A_13 = arith.addi %mul3A_2, %add3A_12 : i32
    "tpu.region"() ({
      %run_scoped3A_178 = tpu.sem_alloc : memref<!tpu.dma_semaphore, #tpu.memory_space<semaphore_mem>>
      %dma_start3A_179 = arith.constant 0 : i32
      %dma_start3A_180 = tpu.memref_slice %arg20[%add3A_13, %dma_start3A_179] : memref<10240x64xf32, #tpu.memory_space<vmem_shared>> -> memref<128x64xf32, #tpu.memory_space<vmem_shared>>
      %dma_start3A_181 = arith.constant 0 : i32
      %dma_start3A_182 = tpu.memref_slice %arg20[%add3A_13, %dma_start3A_181] : memref<10240x64xf32, #tpu.memory_space<vmem_shared>> -> memref<128x64xf32, #tpu.memory_space<vmem_shared>>
      tpu.enqueue_dma source(%arg8 : memref<128x64xf32, #tpu.memory_space<vmem>>) target(%dma_start3A_182 : memref<128x64xf32, #tpu.memory_space<vmem_shared>>) target_semaphore(%run_scoped3A_178 : memref<!tpu.dma_semaphore, #tpu.memory_space<semaphore_mem>>)
      %dma_wait3A_183 = arith.constant 0 : i32
      %dma_wait3A_184 = tpu.memref_slice %arg20[%add3A_13, %dma_wait3A_183] : memref<10240x64xf32, #tpu.memory_space<vmem_shared>> -> memref<128x64xf32, #tpu.memory_space<vmem_shared>>
      %dma_wait3A_185 = arith.constant 0 : i32
      %dma_wait3A_186 = tpu.memref_slice %arg20[%add3A_13, %dma_wait3A_185] : memref<10240x64xf32, #tpu.memory_space<vmem_shared>> -> memref<128x64xf32, #tpu.memory_space<vmem_shared>>
      tpu.wait_dma2 semaphore(%run_scoped3A_178 : memref<!tpu.dma_semaphore, #tpu.memory_space<semaphore_mem>>) src(%arg8 : memref<128x64xf32, #tpu.memory_space<vmem>>) dst(%dma_wait3A_186 : memref<128x64xf32, #tpu.memory_space<vmem_shared>>)
      tpu.yield
    }) : () -> ()
    %add3A_14 = arith.constant 384 : i32
    %add3A_15 = arith.addi %mul3A_2, %add3A_14 : i32
    "tpu.region"() ({
      %run_scoped3A_178 = tpu.sem_alloc : memref<!tpu.dma_semaphore, #tpu.memory_space<semaphore_mem>>
      %dma_start3A_179 = arith.constant 0 : i32
      %dma_start3A_180 = tpu.memref_slice %arg20[%add3A_15, %dma_start3A_179] : memref<10240x64xf32, #tpu.memory_space<vmem_shared>> -> memref<128x64xf32, #tpu.memory_space<vmem_shared>>
      %dma_start3A_181 = arith.constant 0 : i32
      %dma_start3A_182 = tpu.memref_slice %arg20[%add3A_15, %dma_start3A_181] : memref<10240x64xf32, #tpu.memory_space<vmem_shared>> -> memref<128x64xf32, #tpu.memory_space<vmem_shared>>
      tpu.enqueue_dma source(%arg8 : memref<128x64xf32, #tpu.memory_space<vmem>>) target(%dma_start3A_182 : memref<128x64xf32, #tpu.memory_space<vmem_shared>>) target_semaphore(%run_scoped3A_178 : memref<!tpu.dma_semaphore, #tpu.memory_space<semaphore_mem>>)
      %dma_wait3A_183 = arith.constant 0 : i32
      %dma_wait3A_184 = tpu.memref_slice %arg20[%add3A_15, %dma_wait3A_183] : memref<10240x64xf32, #tpu.memory_space<vmem_shared>> -> memref<128x64xf32, #tpu.memory_space<vmem_shared>>
      %dma_wait3A_185 = arith.constant 0 : i32
      %dma_wait3A_186 = tpu.memref_slice %arg20[%add3A_15, %dma_wait3A_185] : memref<10240x64xf32, #tpu.memory_space<vmem_shared>> -> memref<128x64xf32, #tpu.memory_space<vmem_shared>>
      tpu.wait_dma2 semaphore(%run_scoped3A_178 : memref<!tpu.dma_semaphore, #tpu.memory_space<semaphore_mem>>) src(%arg8 : memref<128x64xf32, #tpu.memory_space<vmem>>) dst(%dma_wait3A_186 : memref<128x64xf32, #tpu.memory_space<vmem_shared>>)
      tpu.yield
    }) : () -> ()
    %add3A_16 = arith.constant 512 : i32
    %add3A_17 = arith.addi %mul3A_2, %add3A_16 : i32
    "tpu.region"() ({
      %run_scoped3A_178 = tpu.sem_alloc : memref<!tpu.dma_semaphore, #tpu.memory_space<semaphore_mem>>
      %dma_start3A_179 = arith.constant 0 : i32
      %dma_start3A_180 = tpu.memref_slice %arg20[%add3A_17, %dma_start3A_179] : memref<10240x64xf32, #tpu.memory_space<vmem_shared>> -> memref<128x64xf32, #tpu.memory_space<vmem_shared>>
      %dma_start3A_181 = arith.constant 0 : i32
      %dma_start3A_182 = tpu.memref_slice %arg20[%add3A_17, %dma_start3A_181] : memref<10240x64xf32, #tpu.memory_space<vmem_shared>> -> memref<128x64xf32, #tpu.memory_space<vmem_shared>>
      tpu.enqueue_dma source(%arg8 : memref<128x64xf32, #tpu.memory_space<vmem>>) target(%dma_start3A_182 : memref<128x64xf32, #tpu.memory_space<vmem_shared>>) target_semaphore(%run_scoped3A_178 : memref<!tpu.dma_semaphore, #tpu.memory_space<semaphore_mem>>)
      %dma_wait3A_183 = arith.constant 0 : i32
      %dma_wait3A_184 = tpu.memref_slice %arg20[%add3A_17, %dma_wait3A_183] : memref<10240x64xf32, #tpu.memory_space<vmem_shared>> -> memref<128x64xf32, #tpu.memory_space<vmem_shared>>
      %dma_wait3A_185 = arith.constant 0 : i32
      %dma_wait3A_186 = tpu.memref_slice %arg20[%add3A_17, %dma_wait3A_185] : memref<10240x64xf32, #tpu.memory_space<vmem_shared>> -> memref<128x64xf32, #tpu.memory_space<vmem_shared>>
      tpu.wait_dma2 semaphore(%run_scoped3A_178 : memref<!tpu.dma_semaphore, #tpu.memory_space<semaphore_mem>>) src(%arg8 : memref<128x64xf32, #tpu.memory_space<vmem>>) dst(%dma_wait3A_186 : memref<128x64xf32, #tpu.memory_space<vmem_shared>>)
      tpu.yield
    }) : () -> ()
    %mul3A_18 = arith.constant 78 : i32
    %mul3A_19 = arith.muli %add3A, %mul3A_18 : i32
    %run_scoped3A = arith.constant 0 : i32
    "tpu.region"() ({
      %run_scoped3A_178 = tpu.sem_alloc : memref<!tpu.dma_semaphore, #tpu.memory_space<semaphore_mem>>
      %dma_start3A_179 = arith.constant 0 : i32
      %dma_start3A_180 = arith.constant 0 : i32
      %dma_start3A_181 = tpu.memref_slice %arg6[%dma_start3A_179, %dma_start3A_180] : memref<79x128xi32, #tpu.memory_space<vmem>> -> memref<78x128xi32, #tpu.memory_space<vmem>>
      %dma_start3A_182 = arith.constant 0 : i32
      %dma_start3A_183 = tpu.memref_slice %arg2[%run_scoped3A, %mul3A_19, %dma_start3A_182] : memref<2x2500x128xi32, #tpu.memory_space<hbm>> -> memref<1x78x128xi32, #tpu.memory_space<hbm>>
      %dma_start3A_184 = tpu.memref_squeeze %dma_start3A_183 : memref<1x78x128xi32, #tpu.memory_space<hbm>> -> memref<78x128xi32, #tpu.memory_space<hbm>>
      %dma_start3A_185 = arith.constant 0 : i32
      %dma_start3A_186 = arith.constant 0 : i32
      %dma_start3A_187 = tpu.memref_slice %arg6[%dma_start3A_185, %dma_start3A_186] : memref<79x128xi32, #tpu.memory_space<vmem>> -> memref<78x128xi32, #tpu.memory_space<vmem>>
      %dma_start3A_188 = arith.constant 0 : i32
      %dma_start3A_189 = tpu.memref_slice %arg2[%run_scoped3A, %mul3A_19, %dma_start3A_188] : memref<2x2500x128xi32, #tpu.memory_space<hbm>> -> memref<1x78x128xi32, #tpu.memory_space<hbm>>
      %dma_start3A_190 = tpu.memref_squeeze %dma_start3A_189 : memref<1x78x128xi32, #tpu.memory_space<hbm>> -> memref<78x128xi32, #tpu.memory_space<hbm>>
      tpu.enqueue_dma source(%dma_start3A_190 : memref<78x128xi32, #tpu.memory_space<hbm>>) target(%dma_start3A_187 : memref<78x128xi32, #tpu.memory_space<vmem>>) target_semaphore(%run_scoped3A_178 : memref<!tpu.dma_semaphore, #tpu.memory_space<semaphore_mem>>)
      %dma_wait3A_191 = arith.constant 0 : i32
      %dma_wait3A_192 = arith.constant 0 : i32
      %dma_wait3A_193 = tpu.memref_slice %arg6[%dma_wait3A_191, %dma_wait3A_192] : memref<79x128xi32, #tpu.memory_space<vmem>> -> memref<78x128xi32, #tpu.memory_space<vmem>>
      %dma_wait3A_194 = arith.constant 0 : i32
      %dma_wait3A_195 = tpu.memref_slice %arg2[%run_scoped3A, %mul3A_19, %dma_wait3A_194] : memref<2x2500x128xi32, #tpu.memory_space<hbm>> -> memref<1x78x128xi32, #tpu.memory_space<hbm>>
      %dma_wait3A_196 = tpu.memref_squeeze %dma_wait3A_195 : memref<1x78x128xi32, #tpu.memory_space<hbm>> -> memref<78x128xi32, #tpu.memory_space<hbm>>
      %dma_wait3A_197 = arith.constant 0 : i32
      %dma_wait3A_198 = arith.constant 0 : i32
      %dma_wait3A_199 = tpu.memref_slice %arg6[%dma_wait3A_197, %dma_wait3A_198] : memref<79x128xi32, #tpu.memory_space<vmem>> -> memref<78x128xi32, #tpu.memory_space<vmem>>
      %dma_wait3A_200 = arith.constant 0 : i32
      %dma_wait3A_201 = tpu.memref_slice %arg2[%run_scoped3A, %mul3A_19, %dma_wait3A_200] : memref<2x2500x128xi32, #tpu.memory_space<hbm>> -> memref<1x78x128xi32, #tpu.memory_space<hbm>>
      %dma_wait3A_202 = tpu.memref_squeeze %dma_wait3A_201 : memref<1x78x128xi32, #tpu.memory_space<hbm>> -> memref<78x128xi32, #tpu.memory_space<hbm>>
      tpu.wait_dma2 semaphore(%run_scoped3A_178 : memref<!tpu.dma_semaphore, #tpu.memory_space<semaphore_mem>>) src(%dma_wait3A_202 : memref<78x128xi32, #tpu.memory_space<hbm>>) dst(%dma_wait3A_199 : memref<78x128xi32, #tpu.memory_space<vmem>>)
      tpu.yield
    }) : () -> ()
    %mul3A_20 = arith.constant 78 : i32
    %mul3A_21 = arith.muli %add3A, %mul3A_20 : i32
    %run_scoped3A_22 = arith.constant 1 : i32
    "tpu.region"() ({
      %run_scoped3A_178 = tpu.sem_alloc : memref<!tpu.dma_semaphore, #tpu.memory_space<semaphore_mem>>
      %dma_start3A_179 = arith.constant 0 : i32
      %dma_start3A_180 = arith.constant 0 : i32
      %dma_start3A_181 = tpu.memref_slice %arg7[%dma_start3A_179, %dma_start3A_180] : memref<79x128xi32, #tpu.memory_space<vmem>> -> memref<78x128xi32, #tpu.memory_space<vmem>>
      %dma_start3A_182 = arith.constant 0 : i32
      %dma_start3A_183 = tpu.memref_slice %arg2[%run_scoped3A_22, %mul3A_21, %dma_start3A_182] : memref<2x2500x128xi32, #tpu.memory_space<hbm>> -> memref<1x78x128xi32, #tpu.memory_space<hbm>>
      %dma_start3A_184 = tpu.memref_squeeze %dma_start3A_183 : memref<1x78x128xi32, #tpu.memory_space<hbm>> -> memref<78x128xi32, #tpu.memory_space<hbm>>
      %dma_start3A_185 = arith.constant 0 : i32
      %dma_start3A_186 = arith.constant 0 : i32
      %dma_start3A_187 = tpu.memref_slice %arg7[%dma_start3A_185, %dma_start3A_186] : memref<79x128xi32, #tpu.memory_space<vmem>> -> memref<78x128xi32, #tpu.memory_space<vmem>>
      %dma_start3A_188 = arith.constant 0 : i32
      %dma_start3A_189 = tpu.memref_slice %arg2[%run_scoped3A_22, %mul3A_21, %dma_start3A_188] : memref<2x2500x128xi32, #tpu.memory_space<hbm>> -> memref<1x78x128xi32, #tpu.memory_space<hbm>>
      %dma_start3A_190 = tpu.memref_squeeze %dma_start3A_189 : memref<1x78x128xi32, #tpu.memory_space<hbm>> -> memref<78x128xi32, #tpu.memory_space<hbm>>
      tpu.enqueue_dma source(%dma_start3A_190 : memref<78x128xi32, #tpu.memory_space<hbm>>) target(%dma_start3A_187 : memref<78x128xi32, #tpu.memory_space<vmem>>) target_semaphore(%run_scoped3A_178 : memref<!tpu.dma_semaphore, #tpu.memory_space<semaphore_mem>>)
      %dma_wait3A_191 = arith.constant 0 : i32
      %dma_wait3A_192 = arith.constant 0 : i32
      %dma_wait3A_193 = tpu.memref_slice %arg7[%dma_wait3A_191, %dma_wait3A_192] : memref<79x128xi32, #tpu.memory_space<vmem>> -> memref<78x128xi32, #tpu.memory_space<vmem>>
      %dma_wait3A_194 = arith.constant 0 : i32
      %dma_wait3A_195 = tpu.memref_slice %arg2[%run_scoped3A_22, %mul3A_21, %dma_wait3A_194] : memref<2x2500x128xi32, #tpu.memory_space<hbm>> -> memref<1x78x128xi32, #tpu.memory_space<hbm>>
      %dma_wait3A_196 = tpu.memref_squeeze %dma_wait3A_195 : memref<1x78x128xi32, #tpu.memory_space<hbm>> -> memref<78x128xi32, #tpu.memory_space<hbm>>
      %dma_wait3A_197 = arith.constant 0 : i32
      %dma_wait3A_198 = arith.constant 0 : i32
      %dma_wait3A_199 = tpu.memref_slice %arg7[%dma_wait3A_197, %dma_wait3A_198] : memref<79x128xi32, #tpu.memory_space<vmem>> -> memref<78x128xi32, #tpu.memory_space<vmem>>
      %dma_wait3A_200 = arith.constant 0 : i32
      %dma_wait3A_201 = tpu.memref_slice %arg2[%run_scoped3A_22, %mul3A_21, %dma_wait3A_200] : memref<2x2500x128xi32, #tpu.memory_space<hbm>> -> memref<1x78x128xi32, #tpu.memory_space<hbm>>
      %dma_wait3A_202 = tpu.memref_squeeze %dma_wait3A_201 : memref<1x78x128xi32, #tpu.memory_space<hbm>> -> memref<78x128xi32, #tpu.memory_space<hbm>>
      tpu.wait_dma2 semaphore(%run_scoped3A_178 : memref<!tpu.dma_semaphore, #tpu.memory_space<semaphore_mem>>) src(%dma_wait3A_202 : memref<78x128xi32, #tpu.memory_space<hbm>>) dst(%dma_wait3A_199 : memref<78x128xi32, #tpu.memory_space<vmem>>)
      tpu.yield
    }) : () -> ()
    %lt3A = arith.constant 4 : i32
    %lt3A_23 = arith.cmpi slt, %add3A, %lt3A : i32
    %convert_element_type3A = arith.extui %lt3A_23 : i1 to i32
    %cond3A = arith.constant 0 : i32
    %cond3A_24 = arith.cmpi ne, %convert_element_type3A, %cond3A : i32
    scf.if %cond3A_24 {
      %add3A_178 = arith.constant 2496 : i32
      %add3A_179 = arith.addi %add3A_178, %add3A : i32
      %run_scoped3A_180 = arith.constant 0 : i32
      "tpu.region"() ({
        %run_scoped3A_184 = tpu.sem_alloc : memref<!tpu.dma_semaphore, #tpu.memory_space<semaphore_mem>>
        %dma_start3A_185 = arith.constant 78 : i32
        %dma_start3A_186 = arith.constant 0 : i32
        %dma_start3A_187 = tpu.memref_slice %arg6[%dma_start3A_185, %dma_start3A_186] : memref<79x128xi32, #tpu.memory_space<vmem>> -> memref<1x128xi32, #tpu.memory_space<vmem>>
        %dma_start3A_188 = arith.constant 0 : i32
        %dma_start3A_189 = tpu.memref_slice %arg2[%run_scoped3A_180, %add3A_179, %dma_start3A_188] : memref<2x2500x128xi32, #tpu.memory_space<hbm>> -> memref<1x1x128xi32, #tpu.memory_space<hbm>>
        %dma_start3A_190 = tpu.memref_squeeze %dma_start3A_189 : memref<1x1x128xi32, #tpu.memory_space<hbm>> -> memref<1x128xi32, #tpu.memory_space<hbm>>
        %dma_start3A_191 = arith.constant 78 : i32
        %dma_start3A_192 = arith.constant 0 : i32
        %dma_start3A_193 = tpu.memref_slice %arg6[%dma_start3A_191, %dma_start3A_192] : memref<79x128xi32, #tpu.memory_space<vmem>> -> memref<1x128xi32, #tpu.memory_space<vmem>>
        %dma_start3A_194 = arith.constant 0 : i32
        %dma_start3A_195 = tpu.memref_slice %arg2[%run_scoped3A_180, %add3A_179, %dma_start3A_194] : memref<2x2500x128xi32, #tpu.memory_space<hbm>> -> memref<1x1x128xi32, #tpu.memory_space<hbm>>
        %dma_start3A_196 = tpu.memref_squeeze %dma_start3A_195 : memref<1x1x128xi32, #tpu.memory_space<hbm>> -> memref<1x128xi32, #tpu.memory_space<hbm>>
        tpu.enqueue_dma source(%dma_start3A_196 : memref<1x128xi32, #tpu.memory_space<hbm>>) target(%dma_start3A_193 : memref<1x128xi32, #tpu.memory_space<vmem>>) target_semaphore(%run_scoped3A_184 : memref<!tpu.dma_semaphore, #tpu.memory_space<semaphore_mem>>)
        %dma_wait3A_197 = arith.constant 78 : i32
        %dma_wait3A_198 = arith.constant 0 : i32
        %dma_wait3A_199 = tpu.memref_slice %arg6[%dma_wait3A_197, %dma_wait3A_198] : memref<79x128xi32, #tpu.memory_space<vmem>> -> memref<1x128xi32, #tpu.memory_space<vmem>>
        %dma_wait3A_200 = arith.constant 0 : i32
        %dma_wait3A_201 = tpu.memref_slice %arg2[%run_scoped3A_180, %add3A_179, %dma_wait3A_200] : memref<2x2500x128xi32, #tpu.memory_space<hbm>> -> memref<1x1x128xi32, #tpu.memory_space<hbm>>
        %dma_wait3A_202 = tpu.memref_squeeze %dma_wait3A_201 : memref<1x1x128xi32, #tpu.memory_space<hbm>> -> memref<1x128xi32, #tpu.memory_space<hbm>>
        %dma_wait3A_203 = arith.constant 78 : i32
        %dma_wait3A_204 = arith.constant 0 : i32
        %dma_wait3A_205 = tpu.memref_slice %arg6[%dma_wait3A_203, %dma_wait3A_204] : memref<79x128xi32, #tpu.memory_space<vmem>> -> memref<1x128xi32, #tpu.memory_space<vmem>>
        %dma_wait3A_206 = arith.constant 0 : i32
        %dma_wait3A_207 = tpu.memref_slice %arg2[%run_scoped3A_180, %add3A_179, %dma_wait3A_206] : memref<2x2500x128xi32, #tpu.memory_space<hbm>> -> memref<1x1x128xi32, #tpu.memory_space<hbm>>
        %dma_wait3A_208 = tpu.memref_squeeze %dma_wait3A_207 : memref<1x1x128xi32, #tpu.memory_space<hbm>> -> memref<1x128xi32, #tpu.memory_space<hbm>>
        tpu.wait_dma2 semaphore(%run_scoped3A_184 : memref<!tpu.dma_semaphore, #tpu.memory_space<semaphore_mem>>) src(%dma_wait3A_208 : memref<1x128xi32, #tpu.memory_space<hbm>>) dst(%dma_wait3A_205 : memref<1x128xi32, #tpu.memory_space<vmem>>)
        tpu.yield
      }) : () -> ()
      %add3A_181 = arith.constant 2496 : i32
      %add3A_182 = arith.addi %add3A_181, %add3A : i32
      %run_scoped3A_183 = arith.constant 1 : i32
      "tpu.region"() ({
        %run_scoped3A_184 = tpu.sem_alloc : memref<!tpu.dma_semaphore, #tpu.memory_space<semaphore_mem>>
        %dma_start3A_185 = arith.constant 78 : i32
        %dma_start3A_186 = arith.constant 0 : i32
        %dma_start3A_187 = tpu.memref_slice %arg7[%dma_start3A_185, %dma_start3A_186] : memref<79x128xi32, #tpu.memory_space<vmem>> -> memref<1x128xi32, #tpu.memory_space<vmem>>
        %dma_start3A_188 = arith.constant 0 : i32
        %dma_start3A_189 = tpu.memref_slice %arg2[%run_scoped3A_183, %add3A_182, %dma_start3A_188] : memref<2x2500x128xi32, #tpu.memory_space<hbm>> -> memref<1x1x128xi32, #tpu.memory_space<hbm>>
        %dma_start3A_190 = tpu.memref_squeeze %dma_start3A_189 : memref<1x1x128xi32, #tpu.memory_space<hbm>> -> memref<1x128xi32, #tpu.memory_space<hbm>>
        %dma_start3A_191 = arith.constant 78 : i32
        %dma_start3A_192 = arith.constant 0 : i32
        %dma_start3A_193 = tpu.memref_slice %arg7[%dma_start3A_191, %dma_start3A_192] : memref<79x128xi32, #tpu.memory_space<vmem>> -> memref<1x128xi32, #tpu.memory_space<vmem>>
        %dma_start3A_194 = arith.constant 0 : i32
        %dma_start3A_195 = tpu.memref_slice %arg2[%run_scoped3A_183, %add3A_182, %dma_start3A_194] : memref<2x2500x128xi32, #tpu.memory_space<hbm>> -> memref<1x1x128xi32, #tpu.memory_space<hbm>>
        %dma_start3A_196 = tpu.memref_squeeze %dma_start3A_195 : memref<1x1x128xi32, #tpu.memory_space<hbm>> -> memref<1x128xi32, #tpu.memory_space<hbm>>
        tpu.enqueue_dma source(%dma_start3A_196 : memref<1x128xi32, #tpu.memory_space<hbm>>) target(%dma_start3A_193 : memref<1x128xi32, #tpu.memory_space<vmem>>) target_semaphore(%run_scoped3A_184 : memref<!tpu.dma_semaphore, #tpu.memory_space<semaphore_mem>>)
        %dma_wait3A_197 = arith.constant 78 : i32
        %dma_wait3A_198 = arith.constant 0 : i32
        %dma_wait3A_199 = tpu.memref_slice %arg7[%dma_wait3A_197, %dma_wait3A_198] : memref<79x128xi32, #tpu.memory_space<vmem>> -> memref<1x128xi32, #tpu.memory_space<vmem>>
        %dma_wait3A_200 = arith.constant 0 : i32
        %dma_wait3A_201 = tpu.memref_slice %arg2[%run_scoped3A_183, %add3A_182, %dma_wait3A_200] : memref<2x2500x128xi32, #tpu.memory_space<hbm>> -> memref<1x1x128xi32, #tpu.memory_space<hbm>>
        %dma_wait3A_202 = tpu.memref_squeeze %dma_wait3A_201 : memref<1x1x128xi32, #tpu.memory_space<hbm>> -> memref<1x128xi32, #tpu.memory_space<hbm>>
        %dma_wait3A_203 = arith.constant 78 : i32
        %dma_wait3A_204 = arith.constant 0 : i32
        %dma_wait3A_205 = tpu.memref_slice %arg7[%dma_wait3A_203, %dma_wait3A_204] : memref<79x128xi32, #tpu.memory_space<vmem>> -> memref<1x128xi32, #tpu.memory_space<vmem>>
        %dma_wait3A_206 = arith.constant 0 : i32
        %dma_wait3A_207 = tpu.memref_slice %arg2[%run_scoped3A_183, %add3A_182, %dma_wait3A_206] : memref<2x2500x128xi32, #tpu.memory_space<hbm>> -> memref<1x1x128xi32, #tpu.memory_space<hbm>>
        %dma_wait3A_208 = tpu.memref_squeeze %dma_wait3A_207 : memref<1x1x128xi32, #tpu.memory_space<hbm>> -> memref<1x128xi32, #tpu.memory_space<hbm>>
        tpu.wait_dma2 semaphore(%run_scoped3A_184 : memref<!tpu.dma_semaphore, #tpu.memory_space<semaphore_mem>>) src(%dma_wait3A_208 : memref<1x128xi32, #tpu.memory_space<hbm>>) dst(%dma_wait3A_205 : memref<1x128xi32, #tpu.memory_space<vmem>>)
        tpu.yield
      }) : () -> ()
    } else {
    }
    %barrier3A = arith.constant 0 : index
    tpu.barrier barrier_id(%barrier3A)
    %dma_start3A = arith.constant 0 : i32
    %dma_start3A_25 = arith.constant 0 : i32
    %dma_start3A_26 = tpu.memref_slice %arg6[%dma_start3A, %dma_start3A_25] : memref<79x128xi32, #tpu.memory_space<vmem>> -> memref<1x128xi32, #tpu.memory_space<vmem>>
    %dma_start3A_27 = tpu.memref_squeeze %dma_start3A_26 : memref<1x128xi32, #tpu.memory_space<vmem>> -> memref<128xi32, #tpu.memory_space<vmem>>
    %dma_start3A_28 = arith.constant 0 : i32
    %dma_start3A_29 = arith.constant 0 : i32
    %dma_start3A_30 = tpu.memref_slice %arg3[%dma_start3A_28, %dma_start3A_29] : memref<10000x64xf32, #tpu.memory_space<hbm>> -> memref<10000x64xf32, #tpu.memory_space<hbm>>
    tpu.enqueue_indirect_dma source(%dma_start3A_30 : memref<10000x64xf32, #tpu.memory_space<hbm>>) target(%arg8 : memref<128x64xf32, #tpu.memory_space<vmem>>) offsets(%dma_start3A_27 : memref<128xi32, #tpu.memory_space<vmem>>) semaphore(%arg14 : memref<!tpu.dma_semaphore, #tpu.memory_space<semaphore_mem>>)
    %dma_start3A_31 = arith.constant 1 : i32
    %dma_start3A_32 = arith.constant 0 : i32
    %dma_start3A_33 = tpu.memref_slice %arg6[%dma_start3A_31, %dma_start3A_32] : memref<79x128xi32, #tpu.memory_space<vmem>> -> memref<1x128xi32, #tpu.memory_space<vmem>>
    %dma_start3A_34 = tpu.memref_squeeze %dma_start3A_33 : memref<1x128xi32, #tpu.memory_space<vmem>> -> memref<128xi32, #tpu.memory_space<vmem>>
    %dma_start3A_35 = arith.constant 0 : i32
    %dma_start3A_36 = arith.constant 0 : i32
    %dma_start3A_37 = tpu.memref_slice %arg3[%dma_start3A_35, %dma_start3A_36] : memref<10000x64xf32, #tpu.memory_space<hbm>> -> memref<10000x64xf32, #tpu.memory_space<hbm>>
    tpu.enqueue_indirect_dma source(%dma_start3A_37 : memref<10000x64xf32, #tpu.memory_space<hbm>>) target(%arg9 : memref<128x64xf32, #tpu.memory_space<vmem>>) offsets(%dma_start3A_34 : memref<128xi32, #tpu.memory_space<vmem>>) semaphore(%arg15 : memref<!tpu.dma_semaphore, #tpu.memory_space<semaphore_mem>>)
    %dma_start3A_38 = arith.constant 2 : i32
    %dma_start3A_39 = arith.constant 0 : i32
    %dma_start3A_40 = tpu.memref_slice %arg6[%dma_start3A_38, %dma_start3A_39] : memref<79x128xi32, #tpu.memory_space<vmem>> -> memref<1x128xi32, #tpu.memory_space<vmem>>
    %dma_start3A_41 = tpu.memref_squeeze %dma_start3A_40 : memref<1x128xi32, #tpu.memory_space<vmem>> -> memref<128xi32, #tpu.memory_space<vmem>>
    %dma_start3A_42 = arith.constant 0 : i32
    %dma_start3A_43 = arith.constant 0 : i32
    %dma_start3A_44 = tpu.memref_slice %arg3[%dma_start3A_42, %dma_start3A_43] : memref<10000x64xf32, #tpu.memory_space<hbm>> -> memref<10000x64xf32, #tpu.memory_space<hbm>>
    tpu.enqueue_indirect_dma source(%dma_start3A_44 : memref<10000x64xf32, #tpu.memory_space<hbm>>) target(%arg10 : memref<128x64xf32, #tpu.memory_space<vmem>>) offsets(%dma_start3A_41 : memref<128xi32, #tpu.memory_space<vmem>>) semaphore(%arg16 : memref<!tpu.dma_semaphore, #tpu.memory_space<semaphore_mem>>)
    %dma_start3A_45 = arith.constant 3 : i32
    %dma_start3A_46 = arith.constant 0 : i32
    %dma_start3A_47 = tpu.memref_slice %arg6[%dma_start3A_45, %dma_start3A_46] : memref<79x128xi32, #tpu.memory_space<vmem>> -> memref<1x128xi32, #tpu.memory_space<vmem>>
    %dma_start3A_48 = tpu.memref_squeeze %dma_start3A_47 : memref<1x128xi32, #tpu.memory_space<vmem>> -> memref<128xi32, #tpu.memory_space<vmem>>
    %dma_start3A_49 = arith.constant 0 : i32
    %dma_start3A_50 = arith.constant 0 : i32
    %dma_start3A_51 = tpu.memref_slice %arg3[%dma_start3A_49, %dma_start3A_50] : memref<10000x64xf32, #tpu.memory_space<hbm>> -> memref<10000x64xf32, #tpu.memory_space<hbm>>
    tpu.enqueue_indirect_dma source(%dma_start3A_51 : memref<10000x64xf32, #tpu.memory_space<hbm>>) target(%arg11 : memref<128x64xf32, #tpu.memory_space<vmem>>) offsets(%dma_start3A_48 : memref<128xi32, #tpu.memory_space<vmem>>) semaphore(%arg17 : memref<!tpu.dma_semaphore, #tpu.memory_space<semaphore_mem>>)
    %dma_start3A_52 = arith.constant 4 : i32
    %dma_start3A_53 = arith.constant 0 : i32
    %dma_start3A_54 = tpu.memref_slice %arg6[%dma_start3A_52, %dma_start3A_53] : memref<79x128xi32, #tpu.memory_space<vmem>> -> memref<1x128xi32, #tpu.memory_space<vmem>>
    %dma_start3A_55 = tpu.memref_squeeze %dma_start3A_54 : memref<1x128xi32, #tpu.memory_space<vmem>> -> memref<128xi32, #tpu.memory_space<vmem>>
    %dma_start3A_56 = arith.constant 0 : i32
    %dma_start3A_57 = arith.constant 0 : i32
    %dma_start3A_58 = tpu.memref_slice %arg3[%dma_start3A_56, %dma_start3A_57] : memref<10000x64xf32, #tpu.memory_space<hbm>> -> memref<10000x64xf32, #tpu.memory_space<hbm>>
    tpu.enqueue_indirect_dma source(%dma_start3A_58 : memref<10000x64xf32, #tpu.memory_space<hbm>>) target(%arg12 : memref<128x64xf32, #tpu.memory_space<vmem>>) offsets(%dma_start3A_55 : memref<128xi32, #tpu.memory_space<vmem>>) semaphore(%arg18 : memref<!tpu.dma_semaphore, #tpu.memory_space<semaphore_mem>>)
    %dma_start3A_59 = arith.constant 5 : i32
    %dma_start3A_60 = arith.constant 0 : i32
    %dma_start3A_61 = tpu.memref_slice %arg6[%dma_start3A_59, %dma_start3A_60] : memref<79x128xi32, #tpu.memory_space<vmem>> -> memref<1x128xi32, #tpu.memory_space<vmem>>
    %dma_start3A_62 = tpu.memref_squeeze %dma_start3A_61 : memref<1x128xi32, #tpu.memory_space<vmem>> -> memref<128xi32, #tpu.memory_space<vmem>>
    %dma_start3A_63 = arith.constant 0 : i32
    %dma_start3A_64 = arith.constant 0 : i32
    %dma_start3A_65 = tpu.memref_slice %arg3[%dma_start3A_63, %dma_start3A_64] : memref<10000x64xf32, #tpu.memory_space<hbm>> -> memref<10000x64xf32, #tpu.memory_space<hbm>>
    tpu.enqueue_indirect_dma source(%dma_start3A_65 : memref<10000x64xf32, #tpu.memory_space<hbm>>) target(%arg13 : memref<128x64xf32, #tpu.memory_space<vmem>>) offsets(%dma_start3A_62 : memref<128xi32, #tpu.memory_space<vmem>>) semaphore(%arg19 : memref<!tpu.dma_semaphore, #tpu.memory_space<semaphore_mem>>)
    %scan3A_66 = arith.constant 0 : i32
    %scan3A_67 = arith.constant 0 : i32
    %scan3A_68 = arith.constant 12 : i32
    %scan3A_69 = arith.addi %scan3A_67, %scan3A_68 : i32
    %scan3A_70 = arith.constant 1 : i32
    scf.for %scan3A_178 = %scan3A_67 to %scan3A_69 step %scan3A_70  : i32 {
      %mul3A_179 = arith.constant 6 : i32
      %mul3A_180 = arith.muli %scan3A_178, %mul3A_179 : i32
      %add3A_181 = arith.constant 0 : i32
      %add3A_182 = arith.addi %mul3A_180, %add3A_181 : i32
      %dma_wait3A_183 = arith.constant 0 : i32
      %dma_wait3A_184 = arith.constant 0 : i32
      %dma_wait3A_185 = tpu.memref_slice %arg3[%dma_wait3A_183, %dma_wait3A_184] : memref<10000x64xf32, #tpu.memory_space<hbm>> -> memref<128x64xf32, #tpu.memory_space<hbm>>
      %dma_wait3A_186 = arith.constant 0 : i32
      %dma_wait3A_187 = arith.constant 0 : i32
      %dma_wait3A_188 = tpu.memref_slice %arg3[%dma_wait3A_186, %dma_wait3A_187] : memref<10000x64xf32, #tpu.memory_space<hbm>> -> memref<128x64xf32, #tpu.memory_space<hbm>>
      tpu.wait_dma2 semaphore(%arg14 : memref<!tpu.dma_semaphore, #tpu.memory_space<semaphore_mem>>) src(%dma_wait3A_188 : memref<128x64xf32, #tpu.memory_space<hbm>>) dst(%arg8 : memref<128x64xf32, #tpu.memory_space<vmem>>)
      "tpu.region"() ({
        %run_scoped3A_287 = tpu.sem_alloc : memref<!tpu.dma_semaphore, #tpu.memory_space<semaphore_mem>>
        %dma_start3A_288 = arith.constant 0 : i32
        %dma_start3A_289 = tpu.memref_slice %arg7[%add3A_182, %dma_start3A_288] : memref<79x128xi32, #tpu.memory_space<vmem>> -> memref<1x128xi32, #tpu.memory_space<vmem>>
        %dma_start3A_290 = tpu.memref_squeeze %dma_start3A_289 : memref<1x128xi32, #tpu.memory_space<vmem>> -> memref<128xi32, #tpu.memory_space<vmem>>
        %dma_start3A_291 = arith.constant 0 : i32
        %dma_start3A_292 = arith.constant 0 : i32
        %dma_start3A_293 = tpu.memref_slice %arg20[%dma_start3A_291, %dma_start3A_292] : memref<10240x64xf32, #tpu.memory_space<vmem_shared>> -> memref<10240x64xf32, #tpu.memory_space<vmem_shared>>
        tpu.enqueue_indirect_dma source(%arg8 : memref<128x64xf32, #tpu.memory_space<vmem>>) target(%dma_start3A_293 : memref<10240x64xf32, #tpu.memory_space<vmem_shared>>) offsets(%dma_start3A_290 : memref<128xi32, #tpu.memory_space<vmem>>) semaphore(%run_scoped3A_287 : memref<!tpu.dma_semaphore, #tpu.memory_space<semaphore_mem>>) {add = true}
        %dma_wait3A_294 = arith.constant 0 : i32
        %dma_wait3A_295 = tpu.memref_slice %arg7[%add3A_182, %dma_wait3A_294] : memref<79x128xi32, #tpu.memory_space<vmem>> -> memref<1x128xi32, #tpu.memory_space<vmem>>
        %dma_wait3A_296 = tpu.memref_squeeze %dma_wait3A_295 : memref<1x128xi32, #tpu.memory_space<vmem>> -> memref<128xi32, #tpu.memory_space<vmem>>
        %dma_wait3A_297 = arith.constant 0 : i32
        %dma_wait3A_298 = arith.constant 0 : i32
        %dma_wait3A_299 = tpu.memref_slice %arg20[%dma_wait3A_297, %dma_wait3A_298] : memref<10240x64xf32, #tpu.memory_space<vmem_shared>> -> memref<10240x64xf32, #tpu.memory_space<vmem_shared>>
        tpu.wait_indirect_dma semaphore(%run_scoped3A_287 : memref<!tpu.dma_semaphore, #tpu.memory_space<semaphore_mem>>) src(%arg8 : memref<128x64xf32, #tpu.memory_space<vmem>>) dst(%dma_wait3A_299 : memref<10240x64xf32, #tpu.memory_space<vmem_shared>>)
        tpu.yield
      }) : () -> ()
      %add3A_189 = arith.constant 6 : i32
      %add3A_190 = arith.addi %add3A_182, %add3A_189 : i32
      %dma_start3A_191 = arith.constant 0 : i32
      %dma_start3A_192 = tpu.memref_slice %arg6[%add3A_190, %dma_start3A_191] : memref<79x128xi32, #tpu.memory_space<vmem>> -> memref<1x128xi32, #tpu.memory_space<vmem>>
      %dma_start3A_193 = tpu.memref_squeeze %dma_start3A_192 : memref<1x128xi32, #tpu.memory_space<vmem>> -> memref<128xi32, #tpu.memory_space<vmem>>
      %dma_start3A_194 = arith.constant 0 : i32
      %dma_start3A_195 = arith.constant 0 : i32
      %dma_start3A_196 = tpu.memref_slice %arg3[%dma_start3A_194, %dma_start3A_195] : memref<10000x64xf32, #tpu.memory_space<hbm>> -> memref<10000x64xf32, #tpu.memory_space<hbm>>
      tpu.enqueue_indirect_dma source(%dma_start3A_196 : memref<10000x64xf32, #tpu.memory_space<hbm>>) target(%arg8 : memref<128x64xf32, #tpu.memory_space<vmem>>) offsets(%dma_start3A_193 : memref<128xi32, #tpu.memory_space<vmem>>) semaphore(%arg14 : memref<!tpu.dma_semaphore, #tpu.memory_space<semaphore_mem>>)
      %mul3A_197 = arith.constant 6 : i32
      %mul3A_198 = arith.muli %scan3A_178, %mul3A_197 : i32
      %add3A_199 = arith.constant 1 : i32
      %add3A_200 = arith.addi %mul3A_198, %add3A_199 : i32
      %dma_wait3A_201 = arith.constant 0 : i32
      %dma_wait3A_202 = arith.constant 0 : i32
      %dma_wait3A_203 = tpu.memref_slice %arg3[%dma_wait3A_201, %dma_wait3A_202] : memref<10000x64xf32, #tpu.memory_space<hbm>> -> memref<128x64xf32, #tpu.memory_space<hbm>>
      %dma_wait3A_204 = arith.constant 0 : i32
      %dma_wait3A_205 = arith.constant 0 : i32
      %dma_wait3A_206 = tpu.memref_slice %arg3[%dma_wait3A_204, %dma_wait3A_205] : memref<10000x64xf32, #tpu.memory_space<hbm>> -> memref<128x64xf32, #tpu.memory_space<hbm>>
      tpu.wait_dma2 semaphore(%arg15 : memref<!tpu.dma_semaphore, #tpu.memory_space<semaphore_mem>>) src(%dma_wait3A_206 : memref<128x64xf32, #tpu.memory_space<hbm>>) dst(%arg9 : memref<128x64xf32, #tpu.memory_space<vmem>>)
      "tpu.region"() ({
        %run_scoped3A_287 = tpu.sem_alloc : memref<!tpu.dma_semaphore, #tpu.memory_space<semaphore_mem>>
        %dma_start3A_288 = arith.constant 0 : i32
        %dma_start3A_289 = tpu.memref_slice %arg7[%add3A_200, %dma_start3A_288] : memref<79x128xi32, #tpu.memory_space<vmem>> -> memref<1x128xi32, #tpu.memory_space<vmem>>
        %dma_start3A_290 = tpu.memref_squeeze %dma_start3A_289 : memref<1x128xi32, #tpu.memory_space<vmem>> -> memref<128xi32, #tpu.memory_space<vmem>>
        %dma_start3A_291 = arith.constant 0 : i32
        %dma_start3A_292 = arith.constant 0 : i32
        %dma_start3A_293 = tpu.memref_slice %arg20[%dma_start3A_291, %dma_start3A_292] : memref<10240x64xf32, #tpu.memory_space<vmem_shared>> -> memref<10240x64xf32, #tpu.memory_space<vmem_shared>>
        tpu.enqueue_indirect_dma source(%arg9 : memref<128x64xf32, #tpu.memory_space<vmem>>) target(%dma_start3A_293 : memref<10240x64xf32, #tpu.memory_space<vmem_shared>>) offsets(%dma_start3A_290 : memref<128xi32, #tpu.memory_space<vmem>>) semaphore(%run_scoped3A_287 : memref<!tpu.dma_semaphore, #tpu.memory_space<semaphore_mem>>) {add = true}
        %dma_wait3A_294 = arith.constant 0 : i32
        %dma_wait3A_295 = tpu.memref_slice %arg7[%add3A_200, %dma_wait3A_294] : memref<79x128xi32, #tpu.memory_space<vmem>> -> memref<1x128xi32, #tpu.memory_space<vmem>>
        %dma_wait3A_296 = tpu.memref_squeeze %dma_wait3A_295 : memref<1x128xi32, #tpu.memory_space<vmem>> -> memref<128xi32, #tpu.memory_space<vmem>>
        %dma_wait3A_297 = arith.constant 0 : i32
        %dma_wait3A_298 = arith.constant 0 : i32
        %dma_wait3A_299 = tpu.memref_slice %arg20[%dma_wait3A_297, %dma_wait3A_298] : memref<10240x64xf32, #tpu.memory_space<vmem_shared>> -> memref<10240x64xf32, #tpu.memory_space<vmem_shared>>
        tpu.wait_indirect_dma semaphore(%run_scoped3A_287 : memref<!tpu.dma_semaphore, #tpu.memory_space<semaphore_mem>>) src(%arg9 : memref<128x64xf32, #tpu.memory_space<vmem>>) dst(%dma_wait3A_299 : memref<10240x64xf32, #tpu.memory_space<vmem_shared>>)
        tpu.yield
      }) : () -> ()
      %add3A_207 = arith.constant 6 : i32
      %add3A_208 = arith.addi %add3A_200, %add3A_207 : i32
      %dma_start3A_209 = arith.constant 0 : i32
      %dma_start3A_210 = tpu.memref_slice %arg6[%add3A_208, %dma_start3A_209] : memref<79x128xi32, #tpu.memory_space<vmem>> -> memref<1x128xi32, #tpu.memory_space<vmem>>
      %dma_start3A_211 = tpu.memref_squeeze %dma_start3A_210 : memref<1x128xi32, #tpu.memory_space<vmem>> -> memref<128xi32, #tpu.memory_space<vmem>>
      %dma_start3A_212 = arith.constant 0 : i32
      %dma_start3A_213 = arith.constant 0 : i32
      %dma_start3A_214 = tpu.memref_slice %arg3[%dma_start3A_212, %dma_start3A_213] : memref<10000x64xf32, #tpu.memory_space<hbm>> -> memref<10000x64xf32, #tpu.memory_space<hbm>>
      tpu.enqueue_indirect_dma source(%dma_start3A_214 : memref<10000x64xf32, #tpu.memory_space<hbm>>) target(%arg9 : memref<128x64xf32, #tpu.memory_space<vmem>>) offsets(%dma_start3A_211 : memref<128xi32, #tpu.memory_space<vmem>>) semaphore(%arg15 : memref<!tpu.dma_semaphore, #tpu.memory_space<semaphore_mem>>)
      %mul3A_215 = arith.constant 6 : i32
      %mul3A_216 = arith.muli %scan3A_178, %mul3A_215 : i32
      %add3A_217 = arith.constant 2 : i32
      %add3A_218 = arith.addi %mul3A_216, %add3A_217 : i32
      %dma_wait3A_219 = arith.constant 0 : i32
      %dma_wait3A_220 = arith.constant 0 : i32
      %dma_wait3A_221 = tpu.memref_slice %arg3[%dma_wait3A_219, %dma_wait3A_220] : memref<10000x64xf32, #tpu.memory_space<hbm>> -> memref<128x64xf32, #tpu.memory_space<hbm>>
      %dma_wait3A_222 = arith.constant 0 : i32
      %dma_wait3A_223 = arith.constant 0 : i32
      %dma_wait3A_224 = tpu.memref_slice %arg3[%dma_wait3A_222, %dma_wait3A_223] : memref<10000x64xf32, #tpu.memory_space<hbm>> -> memref<128x64xf32, #tpu.memory_space<hbm>>
      tpu.wait_dma2 semaphore(%arg16 : memref<!tpu.dma_semaphore, #tpu.memory_space<semaphore_mem>>) src(%dma_wait3A_224 : memref<128x64xf32, #tpu.memory_space<hbm>>) dst(%arg10 : memref<128x64xf32, #tpu.memory_space<vmem>>)
      "tpu.region"() ({
        %run_scoped3A_287 = tpu.sem_alloc : memref<!tpu.dma_semaphore, #tpu.memory_space<semaphore_mem>>
        %dma_start3A_288 = arith.constant 0 : i32
        %dma_start3A_289 = tpu.memref_slice %arg7[%add3A_218, %dma_start3A_288] : memref<79x128xi32, #tpu.memory_space<vmem>> -> memref<1x128xi32, #tpu.memory_space<vmem>>
        %dma_start3A_290 = tpu.memref_squeeze %dma_start3A_289 : memref<1x128xi32, #tpu.memory_space<vmem>> -> memref<128xi32, #tpu.memory_space<vmem>>
        %dma_start3A_291 = arith.constant 0 : i32
        %dma_start3A_292 = arith.constant 0 : i32
        %dma_start3A_293 = tpu.memref_slice %arg20[%dma_start3A_291, %dma_start3A_292] : memref<10240x64xf32, #tpu.memory_space<vmem_shared>> -> memref<10240x64xf32, #tpu.memory_space<vmem_shared>>
        tpu.enqueue_indirect_dma source(%arg10 : memref<128x64xf32, #tpu.memory_space<vmem>>) target(%dma_start3A_293 : memref<10240x64xf32, #tpu.memory_space<vmem_shared>>) offsets(%dma_start3A_290 : memref<128xi32, #tpu.memory_space<vmem>>) semaphore(%run_scoped3A_287 : memref<!tpu.dma_semaphore, #tpu.memory_space<semaphore_mem>>) {add = true}
        %dma_wait3A_294 = arith.constant 0 : i32
        %dma_wait3A_295 = tpu.memref_slice %arg7[%add3A_218, %dma_wait3A_294] : memref<79x128xi32, #tpu.memory_space<vmem>> -> memref<1x128xi32, #tpu.memory_space<vmem>>
        %dma_wait3A_296 = tpu.memref_squeeze %dma_wait3A_295 : memref<1x128xi32, #tpu.memory_space<vmem>> -> memref<128xi32, #tpu.memory_space<vmem>>
        %dma_wait3A_297 = arith.constant 0 : i32
        %dma_wait3A_298 = arith.constant 0 : i32
        %dma_wait3A_299 = tpu.memref_slice %arg20[%dma_wait3A_297, %dma_wait3A_298] : memref<10240x64xf32, #tpu.memory_space<vmem_shared>> -> memref<10240x64xf32, #tpu.memory_space<vmem_shared>>
        tpu.wait_indirect_dma semaphore(%run_scoped3A_287 : memref<!tpu.dma_semaphore, #tpu.memory_space<semaphore_mem>>) src(%arg10 : memref<128x64xf32, #tpu.memory_space<vmem>>) dst(%dma_wait3A_299 : memref<10240x64xf32, #tpu.memory_space<vmem_shared>>)
        tpu.yield
      }) : () -> ()
      %add3A_225 = arith.constant 6 : i32
      %add3A_226 = arith.addi %add3A_218, %add3A_225 : i32
      %dma_start3A_227 = arith.constant 0 : i32
      %dma_start3A_228 = tpu.memref_slice %arg6[%add3A_226, %dma_start3A_227] : memref<79x128xi32, #tpu.memory_space<vmem>> -> memref<1x128xi32, #tpu.memory_space<vmem>>
      %dma_start3A_229 = tpu.memref_squeeze %dma_start3A_228 : memref<1x128xi32, #tpu.memory_space<vmem>> -> memref<128xi32, #tpu.memory_space<vmem>>
      %dma_start3A_230 = arith.constant 0 : i32
      %dma_start3A_231 = arith.constant 0 : i32
      %dma_start3A_232 = tpu.memref_slice %arg3[%dma_start3A_230, %dma_start3A_231] : memref<10000x64xf32, #tpu.memory_space<hbm>> -> memref<10000x64xf32, #tpu.memory_space<hbm>>
      tpu.enqueue_indirect_dma source(%dma_start3A_232 : memref<10000x64xf32, #tpu.memory_space<hbm>>) target(%arg10 : memref<128x64xf32, #tpu.memory_space<vmem>>) offsets(%dma_start3A_229 : memref<128xi32, #tpu.memory_space<vmem>>) semaphore(%arg16 : memref<!tpu.dma_semaphore, #tpu.memory_space<semaphore_mem>>)
      %mul3A_233 = arith.constant 6 : i32
      %mul3A_234 = arith.muli %scan3A_178, %mul3A_233 : i32
      %add3A_235 = arith.constant 3 : i32
      %add3A_236 = arith.addi %mul3A_234, %add3A_235 : i32
      %dma_wait3A_237 = arith.constant 0 : i32
      %dma_wait3A_238 = arith.constant 0 : i32
      %dma_wait3A_239 = tpu.memref_slice %arg3[%dma_wait3A_237, %dma_wait3A_238] : memref<10000x64xf32, #tpu.memory_space<hbm>> -> memref<128x64xf32, #tpu.memory_space<hbm>>
      %dma_wait3A_240 = arith.constant 0 : i32
      %dma_wait3A_241 = arith.constant 0 : i32
      %dma_wait3A_242 = tpu.memref_slice %arg3[%dma_wait3A_240, %dma_wait3A_241] : memref<10000x64xf32, #tpu.memory_space<hbm>> -> memref<128x64xf32, #tpu.memory_space<hbm>>
      tpu.wait_dma2 semaphore(%arg17 : memref<!tpu.dma_semaphore, #tpu.memory_space<semaphore_mem>>) src(%dma_wait3A_242 : memref<128x64xf32, #tpu.memory_space<hbm>>) dst(%arg11 : memref<128x64xf32, #tpu.memory_space<vmem>>)
      "tpu.region"() ({
        %run_scoped3A_287 = tpu.sem_alloc : memref<!tpu.dma_semaphore, #tpu.memory_space<semaphore_mem>>
        %dma_start3A_288 = arith.constant 0 : i32
        %dma_start3A_289 = tpu.memref_slice %arg7[%add3A_236, %dma_start3A_288] : memref<79x128xi32, #tpu.memory_space<vmem>> -> memref<1x128xi32, #tpu.memory_space<vmem>>
        %dma_start3A_290 = tpu.memref_squeeze %dma_start3A_289 : memref<1x128xi32, #tpu.memory_space<vmem>> -> memref<128xi32, #tpu.memory_space<vmem>>
        %dma_start3A_291 = arith.constant 0 : i32
        %dma_start3A_292 = arith.constant 0 : i32
        %dma_start3A_293 = tpu.memref_slice %arg20[%dma_start3A_291, %dma_start3A_292] : memref<10240x64xf32, #tpu.memory_space<vmem_shared>> -> memref<10240x64xf32, #tpu.memory_space<vmem_shared>>
        tpu.enqueue_indirect_dma source(%arg11 : memref<128x64xf32, #tpu.memory_space<vmem>>) target(%dma_start3A_293 : memref<10240x64xf32, #tpu.memory_space<vmem_shared>>) offsets(%dma_start3A_290 : memref<128xi32, #tpu.memory_space<vmem>>) semaphore(%run_scoped3A_287 : memref<!tpu.dma_semaphore, #tpu.memory_space<semaphore_mem>>) {add = true}
        %dma_wait3A_294 = arith.constant 0 : i32
        %dma_wait3A_295 = tpu.memref_slice %arg7[%add3A_236, %dma_wait3A_294] : memref<79x128xi32, #tpu.memory_space<vmem>> -> memref<1x128xi32, #tpu.memory_space<vmem>>
        %dma_wait3A_296 = tpu.memref_squeeze %dma_wait3A_295 : memref<1x128xi32, #tpu.memory_space<vmem>> -> memref<128xi32, #tpu.memory_space<vmem>>
        %dma_wait3A_297 = arith.constant 0 : i32
        %dma_wait3A_298 = arith.constant 0 : i32
        %dma_wait3A_299 = tpu.memref_slice %arg20[%dma_wait3A_297, %dma_wait3A_298] : memref<10240x64xf32, #tpu.memory_space<vmem_shared>> -> memref<10240x64xf32, #tpu.memory_space<vmem_shared>>
        tpu.wait_indirect_dma semaphore(%run_scoped3A_287 : memref<!tpu.dma_semaphore, #tpu.memory_space<semaphore_mem>>) src(%arg11 : memref<128x64xf32, #tpu.memory_space<vmem>>) dst(%dma_wait3A_299 : memref<10240x64xf32, #tpu.memory_space<vmem_shared>>)
        tpu.yield
      }) : () -> ()
      %add3A_243 = arith.constant 6 : i32
      %add3A_244 = arith.addi %add3A_236, %add3A_243 : i32
      %dma_start3A_245 = arith.constant 0 : i32
      %dma_start3A_246 = tpu.memref_slice %arg6[%add3A_244, %dma_start3A_245] : memref<79x128xi32, #tpu.memory_space<vmem>> -> memref<1x128xi32, #tpu.memory_space<vmem>>
      %dma_start3A_247 = tpu.memref_squeeze %dma_start3A_246 : memref<1x128xi32, #tpu.memory_space<vmem>> -> memref<128xi32, #tpu.memory_space<vmem>>
      %dma_start3A_248 = arith.constant 0 : i32
      %dma_start3A_249 = arith.constant 0 : i32
      %dma_start3A_250 = tpu.memref_slice %arg3[%dma_start3A_248, %dma_start3A_249] : memref<10000x64xf32, #tpu.memory_space<hbm>> -> memref<10000x64xf32, #tpu.memory_space<hbm>>
      tpu.enqueue_indirect_dma source(%dma_start3A_250 : memref<10000x64xf32, #tpu.memory_space<hbm>>) target(%arg11 : memref<128x64xf32, #tpu.memory_space<vmem>>) offsets(%dma_start3A_247 : memref<128xi32, #tpu.memory_space<vmem>>) semaphore(%arg17 : memref<!tpu.dma_semaphore, #tpu.memory_space<semaphore_mem>>)
      %mul3A_251 = arith.constant 6 : i32
      %mul3A_252 = arith.muli %scan3A_178, %mul3A_251 : i32
      %add3A_253 = arith.constant 4 : i32
      %add3A_254 = arith.addi %mul3A_252, %add3A_253 : i32
      %dma_wait3A_255 = arith.constant 0 : i32
      %dma_wait3A_256 = arith.constant 0 : i32
      %dma_wait3A_257 = tpu.memref_slice %arg3[%dma_wait3A_255, %dma_wait3A_256] : memref<10000x64xf32, #tpu.memory_space<hbm>> -> memref<128x64xf32, #tpu.memory_space<hbm>>
      %dma_wait3A_258 = arith.constant 0 : i32
      %dma_wait3A_259 = arith.constant 0 : i32
      %dma_wait3A_260 = tpu.memref_slice %arg3[%dma_wait3A_258, %dma_wait3A_259] : memref<10000x64xf32, #tpu.memory_space<hbm>> -> memref<128x64xf32, #tpu.memory_space<hbm>>
      tpu.wait_dma2 semaphore(%arg18 : memref<!tpu.dma_semaphore, #tpu.memory_space<semaphore_mem>>) src(%dma_wait3A_260 : memref<128x64xf32, #tpu.memory_space<hbm>>) dst(%arg12 : memref<128x64xf32, #tpu.memory_space<vmem>>)
      "tpu.region"() ({
        %run_scoped3A_287 = tpu.sem_alloc : memref<!tpu.dma_semaphore, #tpu.memory_space<semaphore_mem>>
        %dma_start3A_288 = arith.constant 0 : i32
        %dma_start3A_289 = tpu.memref_slice %arg7[%add3A_254, %dma_start3A_288] : memref<79x128xi32, #tpu.memory_space<vmem>> -> memref<1x128xi32, #tpu.memory_space<vmem>>
        %dma_start3A_290 = tpu.memref_squeeze %dma_start3A_289 : memref<1x128xi32, #tpu.memory_space<vmem>> -> memref<128xi32, #tpu.memory_space<vmem>>
        %dma_start3A_291 = arith.constant 0 : i32
        %dma_start3A_292 = arith.constant 0 : i32
        %dma_start3A_293 = tpu.memref_slice %arg20[%dma_start3A_291, %dma_start3A_292] : memref<10240x64xf32, #tpu.memory_space<vmem_shared>> -> memref<10240x64xf32, #tpu.memory_space<vmem_shared>>
        tpu.enqueue_indirect_dma source(%arg12 : memref<128x64xf32, #tpu.memory_space<vmem>>) target(%dma_start3A_293 : memref<10240x64xf32, #tpu.memory_space<vmem_shared>>) offsets(%dma_start3A_290 : memref<128xi32, #tpu.memory_space<vmem>>) semaphore(%run_scoped3A_287 : memref<!tpu.dma_semaphore, #tpu.memory_space<semaphore_mem>>) {add = true}
        %dma_wait3A_294 = arith.constant 0 : i32
        %dma_wait3A_295 = tpu.memref_slice %arg7[%add3A_254, %dma_wait3A_294] : memref<79x128xi32, #tpu.memory_space<vmem>> -> memref<1x128xi32, #tpu.memory_space<vmem>>
        %dma_wait3A_296 = tpu.memref_squeeze %dma_wait3A_295 : memref<1x128xi32, #tpu.memory_space<vmem>> -> memref<128xi32, #tpu.memory_space<vmem>>
        %dma_wait3A_297 = arith.constant 0 : i32
        %dma_wait3A_298 = arith.constant 0 : i32
        %dma_wait3A_299 = tpu.memref_slice %arg20[%dma_wait3A_297, %dma_wait3A_298] : memref<10240x64xf32, #tpu.memory_space<vmem_shared>> -> memref<10240x64xf32, #tpu.memory_space<vmem_shared>>
        tpu.wait_indirect_dma semaphore(%run_scoped3A_287 : memref<!tpu.dma_semaphore, #tpu.memory_space<semaphore_mem>>) src(%arg12 : memref<128x64xf32, #tpu.memory_space<vmem>>) dst(%dma_wait3A_299 : memref<10240x64xf32, #tpu.memory_space<vmem_shared>>)
        tpu.yield
      }) : () -> ()
      %add3A_261 = arith.constant 6 : i32
      %add3A_262 = arith.addi %add3A_254, %add3A_261 : i32
      %dma_start3A_263 = arith.constant 0 : i32
      %dma_start3A_264 = tpu.memref_slice %arg6[%add3A_262, %dma_start3A_263] : memref<79x128xi32, #tpu.memory_space<vmem>> -> memref<1x128xi32, #tpu.memory_space<vmem>>
      %dma_start3A_265 = tpu.memref_squeeze %dma_start3A_264 : memref<1x128xi32, #tpu.memory_space<vmem>> -> memref<128xi32, #tpu.memory_space<vmem>>
      %dma_start3A_266 = arith.constant 0 : i32
      %dma_start3A_267 = arith.constant 0 : i32
      %dma_start3A_268 = tpu.memref_slice %arg3[%dma_start3A_266, %dma_start3A_267] : memref<10000x64xf32, #tpu.memory_space<hbm>> -> memref<10000x64xf32, #tpu.memory_space<hbm>>
      tpu.enqueue_indirect_dma source(%dma_start3A_268 : memref<10000x64xf32, #tpu.memory_space<hbm>>) target(%arg12 : memref<128x64xf32, #tpu.memory_space<vmem>>) offsets(%dma_start3A_265 : memref<128xi32, #tpu.memory_space<vmem>>) semaphore(%arg18 : memref<!tpu.dma_semaphore, #tpu.memory_space<semaphore_mem>>)
      %mul3A_269 = arith.constant 6 : i32
      %mul3A_270 = arith.muli %scan3A_178, %mul3A_269 : i32
      %add3A_271 = arith.constant 5 : i32
      %add3A_272 = arith.addi %mul3A_270, %add3A_271 : i32
      %dma_wait3A_273 = arith.constant 0 : i32
      %dma_wait3A_274 = arith.constant 0 : i32
      %dma_wait3A_275 = tpu.memref_slice %arg3[%dma_wait3A_273, %dma_wait3A_274] : memref<10000x64xf32, #tpu.memory_space<hbm>> -> memref<128x64xf32, #tpu.memory_space<hbm>>
      %dma_wait3A_276 = arith.constant 0 : i32
      %dma_wait3A_277 = arith.constant 0 : i32
      %dma_wait3A_278 = tpu.memref_slice %arg3[%dma_wait3A_276, %dma_wait3A_277] : memref<10000x64xf32, #tpu.memory_space<hbm>> -> memref<128x64xf32, #tpu.memory_space<hbm>>
      tpu.wait_dma2 semaphore(%arg19 : memref<!tpu.dma_semaphore, #tpu.memory_space<semaphore_mem>>) src(%dma_wait3A_278 : memref<128x64xf32, #tpu.memory_space<hbm>>) dst(%arg13 : memref<128x64xf32, #tpu.memory_space<vmem>>)
      "tpu.region"() ({
        %run_scoped3A_287 = tpu.sem_alloc : memref<!tpu.dma_semaphore, #tpu.memory_space<semaphore_mem>>
        %dma_start3A_288 = arith.constant 0 : i32
        %dma_start3A_289 = tpu.memref_slice %arg7[%add3A_272, %dma_start3A_288] : memref<79x128xi32, #tpu.memory_space<vmem>> -> memref<1x128xi32, #tpu.memory_space<vmem>>
        %dma_start3A_290 = tpu.memref_squeeze %dma_start3A_289 : memref<1x128xi32, #tpu.memory_space<vmem>> -> memref<128xi32, #tpu.memory_space<vmem>>
        %dma_start3A_291 = arith.constant 0 : i32
        %dma_start3A_292 = arith.constant 0 : i32
        %dma_start3A_293 = tpu.memref_slice %arg20[%dma_start3A_291, %dma_start3A_292] : memref<10240x64xf32, #tpu.memory_space<vmem_shared>> -> memref<10240x64xf32, #tpu.memory_space<vmem_shared>>
        tpu.enqueue_indirect_dma source(%arg13 : memref<128x64xf32, #tpu.memory_space<vmem>>) target(%dma_start3A_293 : memref<10240x64xf32, #tpu.memory_space<vmem_shared>>) offsets(%dma_start3A_290 : memref<128xi32, #tpu.memory_space<vmem>>) semaphore(%run_scoped3A_287 : memref<!tpu.dma_semaphore, #tpu.memory_space<semaphore_mem>>) {add = true}
        %dma_wait3A_294 = arith.constant 0 : i32
        %dma_wait3A_295 = tpu.memref_slice %arg7[%add3A_272, %dma_wait3A_294] : memref<79x128xi32, #tpu.memory_space<vmem>> -> memref<1x128xi32, #tpu.memory_space<vmem>>
        %dma_wait3A_296 = tpu.memref_squeeze %dma_wait3A_295 : memref<1x128xi32, #tpu.memory_space<vmem>> -> memref<128xi32, #tpu.memory_space<vmem>>
        %dma_wait3A_297 = arith.constant 0 : i32
        %dma_wait3A_298 = arith.constant 0 : i32
        %dma_wait3A_299 = tpu.memref_slice %arg20[%dma_wait3A_297, %dma_wait3A_298] : memref<10240x64xf32, #tpu.memory_space<vmem_shared>> -> memref<10240x64xf32, #tpu.memory_space<vmem_shared>>
        tpu.wait_indirect_dma semaphore(%run_scoped3A_287 : memref<!tpu.dma_semaphore, #tpu.memory_space<semaphore_mem>>) src(%arg13 : memref<128x64xf32, #tpu.memory_space<vmem>>) dst(%dma_wait3A_299 : memref<10240x64xf32, #tpu.memory_space<vmem_shared>>)
        tpu.yield
      }) : () -> ()
      %add3A_279 = arith.constant 6 : i32
      %add3A_280 = arith.addi %add3A_272, %add3A_279 : i32
      %dma_start3A_281 = arith.constant 0 : i32
      %dma_start3A_282 = tpu.memref_slice %arg6[%add3A_280, %dma_start3A_281] : memref<79x128xi32, #tpu.memory_space<vmem>> -> memref<1x128xi32, #tpu.memory_space<vmem>>
      %dma_start3A_283 = tpu.memref_squeeze %dma_start3A_282 : memref<1x128xi32, #tpu.memory_space<vmem>> -> memref<128xi32, #tpu.memory_space<vmem>>
      %dma_start3A_284 = arith.constant 0 : i32
      %dma_start3A_285 = arith.constant 0 : i32
      %dma_start3A_286 = tpu.memref_slice %arg3[%dma_start3A_284, %dma_start3A_285] : memref<10000x64xf32, #tpu.memory_space<hbm>> -> memref<10000x64xf32, #tpu.memory_space<hbm>>
      tpu.enqueue_indirect_dma source(%dma_start3A_286 : memref<10000x64xf32, #tpu.memory_space<hbm>>) target(%arg13 : memref<128x64xf32, #tpu.memory_space<vmem>>) offsets(%dma_start3A_283 : memref<128xi32, #tpu.memory_space<vmem>>) semaphore(%arg19 : memref<!tpu.dma_semaphore, #tpu.memory_space<semaphore_mem>>)
    }
    %scan3A_71 = arith.constant 12 : i32
    %dma_wait3A = arith.constant 0 : i32
    %dma_wait3A_72 = arith.constant 0 : i32
    %dma_wait3A_73 = tpu.memref_slice %arg3[%dma_wait3A, %dma_wait3A_72] : memref<10000x64xf32, #tpu.memory_space<hbm>> -> memref<128x64xf32, #tpu.memory_space<hbm>>
    %dma_wait3A_74 = arith.constant 0 : i32
    %dma_wait3A_75 = arith.constant 0 : i32
    %dma_wait3A_76 = tpu.memref_slice %arg3[%dma_wait3A_74, %dma_wait3A_75] : memref<10000x64xf32, #tpu.memory_space<hbm>> -> memref<128x64xf32, #tpu.memory_space<hbm>>
    tpu.wait_dma2 semaphore(%arg14 : memref<!tpu.dma_semaphore, #tpu.memory_space<semaphore_mem>>) src(%dma_wait3A_76 : memref<128x64xf32, #tpu.memory_space<hbm>>) dst(%arg8 : memref<128x64xf32, #tpu.memory_space<vmem>>)
    %run_scoped3A_77 = arith.constant 72 : i32
    "tpu.region"() ({
      %run_scoped3A_178 = tpu.sem_alloc : memref<!tpu.dma_semaphore, #tpu.memory_space<semaphore_mem>>
      %dma_start3A_179 = arith.constant 0 : i32
      %dma_start3A_180 = tpu.memref_slice %arg7[%run_scoped3A_77, %dma_start3A_179] : memref<79x128xi32, #tpu.memory_space<vmem>> -> memref<1x128xi32, #tpu.memory_space<vmem>>
      %dma_start3A_181 = tpu.memref_squeeze %dma_start3A_180 : memref<1x128xi32, #tpu.memory_space<vmem>> -> memref<128xi32, #tpu.memory_space<vmem>>
      %dma_start3A_182 = arith.constant 0 : i32
      %dma_start3A_183 = arith.constant 0 : i32
      %dma_start3A_184 = tpu.memref_slice %arg20[%dma_start3A_182, %dma_start3A_183] : memref<10240x64xf32, #tpu.memory_space<vmem_shared>> -> memref<10240x64xf32, #tpu.memory_space<vmem_shared>>
      tpu.enqueue_indirect_dma source(%arg8 : memref<128x64xf32, #tpu.memory_space<vmem>>) target(%dma_start3A_184 : memref<10240x64xf32, #tpu.memory_space<vmem_shared>>) offsets(%dma_start3A_181 : memref<128xi32, #tpu.memory_space<vmem>>) semaphore(%run_scoped3A_178 : memref<!tpu.dma_semaphore, #tpu.memory_space<semaphore_mem>>) {add = true}
      %dma_wait3A_185 = arith.constant 0 : i32
      %dma_wait3A_186 = tpu.memref_slice %arg7[%run_scoped3A_77, %dma_wait3A_185] : memref<79x128xi32, #tpu.memory_space<vmem>> -> memref<1x128xi32, #tpu.memory_space<vmem>>
      %dma_wait3A_187 = tpu.memref_squeeze %dma_wait3A_186 : memref<1x128xi32, #tpu.memory_space<vmem>> -> memref<128xi32, #tpu.memory_space<vmem>>
      %dma_wait3A_188 = arith.constant 0 : i32
      %dma_wait3A_189 = arith.constant 0 : i32
      %dma_wait3A_190 = tpu.memref_slice %arg20[%dma_wait3A_188, %dma_wait3A_189] : memref<10240x64xf32, #tpu.memory_space<vmem_shared>> -> memref<10240x64xf32, #tpu.memory_space<vmem_shared>>
      tpu.wait_indirect_dma semaphore(%run_scoped3A_178 : memref<!tpu.dma_semaphore, #tpu.memory_space<semaphore_mem>>) src(%arg8 : memref<128x64xf32, #tpu.memory_space<vmem>>) dst(%dma_wait3A_190 : memref<10240x64xf32, #tpu.memory_space<vmem_shared>>)
      tpu.yield
    }) : () -> ()
    %dma_wait3A_78 = arith.constant 0 : i32
    %dma_wait3A_79 = arith.constant 0 : i32
    %dma_wait3A_80 = tpu.memref_slice %arg3[%dma_wait3A_78, %dma_wait3A_79] : memref<10000x64xf32, #tpu.memory_space<hbm>> -> memref<128x64xf32, #tpu.memory_space<hbm>>
    %dma_wait3A_81 = arith.constant 0 : i32
    %dma_wait3A_82 = arith.constant 0 : i32
    %dma_wait3A_83 = tpu.memref_slice %arg3[%dma_wait3A_81, %dma_wait3A_82] : memref<10000x64xf32, #tpu.memory_space<hbm>> -> memref<128x64xf32, #tpu.memory_space<hbm>>
    tpu.wait_dma2 semaphore(%arg15 : memref<!tpu.dma_semaphore, #tpu.memory_space<semaphore_mem>>) src(%dma_wait3A_83 : memref<128x64xf32, #tpu.memory_space<hbm>>) dst(%arg9 : memref<128x64xf32, #tpu.memory_space<vmem>>)
    %run_scoped3A_84 = arith.constant 73 : i32
    "tpu.region"() ({
      %run_scoped3A_178 = tpu.sem_alloc : memref<!tpu.dma_semaphore, #tpu.memory_space<semaphore_mem>>
      %dma_start3A_179 = arith.constant 0 : i32
      %dma_start3A_180 = tpu.memref_slice %arg7[%run_scoped3A_84, %dma_start3A_179] : memref<79x128xi32, #tpu.memory_space<vmem>> -> memref<1x128xi32, #tpu.memory_space<vmem>>
      %dma_start3A_181 = tpu.memref_squeeze %dma_start3A_180 : memref<1x128xi32, #tpu.memory_space<vmem>> -> memref<128xi32, #tpu.memory_space<vmem>>
      %dma_start3A_182 = arith.constant 0 : i32
      %dma_start3A_183 = arith.constant 0 : i32
      %dma_start3A_184 = tpu.memref_slice %arg20[%dma_start3A_182, %dma_start3A_183] : memref<10240x64xf32, #tpu.memory_space<vmem_shared>> -> memref<10240x64xf32, #tpu.memory_space<vmem_shared>>
      tpu.enqueue_indirect_dma source(%arg9 : memref<128x64xf32, #tpu.memory_space<vmem>>) target(%dma_start3A_184 : memref<10240x64xf32, #tpu.memory_space<vmem_shared>>) offsets(%dma_start3A_181 : memref<128xi32, #tpu.memory_space<vmem>>) semaphore(%run_scoped3A_178 : memref<!tpu.dma_semaphore, #tpu.memory_space<semaphore_mem>>) {add = true}
      %dma_wait3A_185 = arith.constant 0 : i32
      %dma_wait3A_186 = tpu.memref_slice %arg7[%run_scoped3A_84, %dma_wait3A_185] : memref<79x128xi32, #tpu.memory_space<vmem>> -> memref<1x128xi32, #tpu.memory_space<vmem>>
      %dma_wait3A_187 = tpu.memref_squeeze %dma_wait3A_186 : memref<1x128xi32, #tpu.memory_space<vmem>> -> memref<128xi32, #tpu.memory_space<vmem>>
      %dma_wait3A_188 = arith.constant 0 : i32
      %dma_wait3A_189 = arith.constant 0 : i32
      %dma_wait3A_190 = tpu.memref_slice %arg20[%dma_wait3A_188, %dma_wait3A_189] : memref<10240x64xf32, #tpu.memory_space<vmem_shared>> -> memref<10240x64xf32, #tpu.memory_space<vmem_shared>>
      tpu.wait_indirect_dma semaphore(%run_scoped3A_178 : memref<!tpu.dma_semaphore, #tpu.memory_space<semaphore_mem>>) src(%arg9 : memref<128x64xf32, #tpu.memory_space<vmem>>) dst(%dma_wait3A_190 : memref<10240x64xf32, #tpu.memory_space<vmem_shared>>)
      tpu.yield
    }) : () -> ()
    %dma_wait3A_85 = arith.constant 0 : i32
    %dma_wait3A_86 = arith.constant 0 : i32
    %dma_wait3A_87 = tpu.memref_slice %arg3[%dma_wait3A_85, %dma_wait3A_86] : memref<10000x64xf32, #tpu.memory_space<hbm>> -> memref<128x64xf32, #tpu.memory_space<hbm>>
    %dma_wait3A_88 = arith.constant 0 : i32
    %dma_wait3A_89 = arith.constant 0 : i32
    %dma_wait3A_90 = tpu.memref_slice %arg3[%dma_wait3A_88, %dma_wait3A_89] : memref<10000x64xf32, #tpu.memory_space<hbm>> -> memref<128x64xf32, #tpu.memory_space<hbm>>
    tpu.wait_dma2 semaphore(%arg16 : memref<!tpu.dma_semaphore, #tpu.memory_space<semaphore_mem>>) src(%dma_wait3A_90 : memref<128x64xf32, #tpu.memory_space<hbm>>) dst(%arg10 : memref<128x64xf32, #tpu.memory_space<vmem>>)
    %run_scoped3A_91 = arith.constant 74 : i32
    "tpu.region"() ({
      %run_scoped3A_178 = tpu.sem_alloc : memref<!tpu.dma_semaphore, #tpu.memory_space<semaphore_mem>>
      %dma_start3A_179 = arith.constant 0 : i32
      %dma_start3A_180 = tpu.memref_slice %arg7[%run_scoped3A_91, %dma_start3A_179] : memref<79x128xi32, #tpu.memory_space<vmem>> -> memref<1x128xi32, #tpu.memory_space<vmem>>
      %dma_start3A_181 = tpu.memref_squeeze %dma_start3A_180 : memref<1x128xi32, #tpu.memory_space<vmem>> -> memref<128xi32, #tpu.memory_space<vmem>>
      %dma_start3A_182 = arith.constant 0 : i32
      %dma_start3A_183 = arith.constant 0 : i32
      %dma_start3A_184 = tpu.memref_slice %arg20[%dma_start3A_182, %dma_start3A_183] : memref<10240x64xf32, #tpu.memory_space<vmem_shared>> -> memref<10240x64xf32, #tpu.memory_space<vmem_shared>>
      tpu.enqueue_indirect_dma source(%arg10 : memref<128x64xf32, #tpu.memory_space<vmem>>) target(%dma_start3A_184 : memref<10240x64xf32, #tpu.memory_space<vmem_shared>>) offsets(%dma_start3A_181 : memref<128xi32, #tpu.memory_space<vmem>>) semaphore(%run_scoped3A_178 : memref<!tpu.dma_semaphore, #tpu.memory_space<semaphore_mem>>) {add = true}
      %dma_wait3A_185 = arith.constant 0 : i32
      %dma_wait3A_186 = tpu.memref_slice %arg7[%run_scoped3A_91, %dma_wait3A_185] : memref<79x128xi32, #tpu.memory_space<vmem>> -> memref<1x128xi32, #tpu.memory_space<vmem>>
      %dma_wait3A_187 = tpu.memref_squeeze %dma_wait3A_186 : memref<1x128xi32, #tpu.memory_space<vmem>> -> memref<128xi32, #tpu.memory_space<vmem>>
      %dma_wait3A_188 = arith.constant 0 : i32
      %dma_wait3A_189 = arith.constant 0 : i32
      %dma_wait3A_190 = tpu.memref_slice %arg20[%dma_wait3A_188, %dma_wait3A_189] : memref<10240x64xf32, #tpu.memory_space<vmem_shared>> -> memref<10240x64xf32, #tpu.memory_space<vmem_shared>>
      tpu.wait_indirect_dma semaphore(%run_scoped3A_178 : memref<!tpu.dma_semaphore, #tpu.memory_space<semaphore_mem>>) src(%arg10 : memref<128x64xf32, #tpu.memory_space<vmem>>) dst(%dma_wait3A_190 : memref<10240x64xf32, #tpu.memory_space<vmem_shared>>)
      tpu.yield
    }) : () -> ()
    %dma_wait3A_92 = arith.constant 0 : i32
    %dma_wait3A_93 = arith.constant 0 : i32
    %dma_wait3A_94 = tpu.memref_slice %arg3[%dma_wait3A_92, %dma_wait3A_93] : memref<10000x64xf32, #tpu.memory_space<hbm>> -> memref<128x64xf32, #tpu.memory_space<hbm>>
    %dma_wait3A_95 = arith.constant 0 : i32
    %dma_wait3A_96 = arith.constant 0 : i32
    %dma_wait3A_97 = tpu.memref_slice %arg3[%dma_wait3A_95, %dma_wait3A_96] : memref<10000x64xf32, #tpu.memory_space<hbm>> -> memref<128x64xf32, #tpu.memory_space<hbm>>
    tpu.wait_dma2 semaphore(%arg17 : memref<!tpu.dma_semaphore, #tpu.memory_space<semaphore_mem>>) src(%dma_wait3A_97 : memref<128x64xf32, #tpu.memory_space<hbm>>) dst(%arg11 : memref<128x64xf32, #tpu.memory_space<vmem>>)
    %run_scoped3A_98 = arith.constant 75 : i32
    "tpu.region"() ({
      %run_scoped3A_178 = tpu.sem_alloc : memref<!tpu.dma_semaphore, #tpu.memory_space<semaphore_mem>>
      %dma_start3A_179 = arith.constant 0 : i32
      %dma_start3A_180 = tpu.memref_slice %arg7[%run_scoped3A_98, %dma_start3A_179] : memref<79x128xi32, #tpu.memory_space<vmem>> -> memref<1x128xi32, #tpu.memory_space<vmem>>
      %dma_start3A_181 = tpu.memref_squeeze %dma_start3A_180 : memref<1x128xi32, #tpu.memory_space<vmem>> -> memref<128xi32, #tpu.memory_space<vmem>>
      %dma_start3A_182 = arith.constant 0 : i32
      %dma_start3A_183 = arith.constant 0 : i32
      %dma_start3A_184 = tpu.memref_slice %arg20[%dma_start3A_182, %dma_start3A_183] : memref<10240x64xf32, #tpu.memory_space<vmem_shared>> -> memref<10240x64xf32, #tpu.memory_space<vmem_shared>>
      tpu.enqueue_indirect_dma source(%arg11 : memref<128x64xf32, #tpu.memory_space<vmem>>) target(%dma_start3A_184 : memref<10240x64xf32, #tpu.memory_space<vmem_shared>>) offsets(%dma_start3A_181 : memref<128xi32, #tpu.memory_space<vmem>>) semaphore(%run_scoped3A_178 : memref<!tpu.dma_semaphore, #tpu.memory_space<semaphore_mem>>) {add = true}
      %dma_wait3A_185 = arith.constant 0 : i32
      %dma_wait3A_186 = tpu.memref_slice %arg7[%run_scoped3A_98, %dma_wait3A_185] : memref<79x128xi32, #tpu.memory_space<vmem>> -> memref<1x128xi32, #tpu.memory_space<vmem>>
      %dma_wait3A_187 = tpu.memref_squeeze %dma_wait3A_186 : memref<1x128xi32, #tpu.memory_space<vmem>> -> memref<128xi32, #tpu.memory_space<vmem>>
      %dma_wait3A_188 = arith.constant 0 : i32
      %dma_wait3A_189 = arith.constant 0 : i32
      %dma_wait3A_190 = tpu.memref_slice %arg20[%dma_wait3A_188, %dma_wait3A_189] : memref<10240x64xf32, #tpu.memory_space<vmem_shared>> -> memref<10240x64xf32, #tpu.memory_space<vmem_shared>>
      tpu.wait_indirect_dma semaphore(%run_scoped3A_178 : memref<!tpu.dma_semaphore, #tpu.memory_space<semaphore_mem>>) src(%arg11 : memref<128x64xf32, #tpu.memory_space<vmem>>) dst(%dma_wait3A_190 : memref<10240x64xf32, #tpu.memory_space<vmem_shared>>)
      tpu.yield
    }) : () -> ()
    %dma_wait3A_99 = arith.constant 0 : i32
    %dma_wait3A_100 = arith.constant 0 : i32
    %dma_wait3A_101 = tpu.memref_slice %arg3[%dma_wait3A_99, %dma_wait3A_100] : memref<10000x64xf32, #tpu.memory_space<hbm>> -> memref<128x64xf32, #tpu.memory_space<hbm>>
    %dma_wait3A_102 = arith.constant 0 : i32
    %dma_wait3A_103 = arith.constant 0 : i32
    %dma_wait3A_104 = tpu.memref_slice %arg3[%dma_wait3A_102, %dma_wait3A_103] : memref<10000x64xf32, #tpu.memory_space<hbm>> -> memref<128x64xf32, #tpu.memory_space<hbm>>
    tpu.wait_dma2 semaphore(%arg18 : memref<!tpu.dma_semaphore, #tpu.memory_space<semaphore_mem>>) src(%dma_wait3A_104 : memref<128x64xf32, #tpu.memory_space<hbm>>) dst(%arg12 : memref<128x64xf32, #tpu.memory_space<vmem>>)
    %run_scoped3A_105 = arith.constant 76 : i32
    "tpu.region"() ({
      %run_scoped3A_178 = tpu.sem_alloc : memref<!tpu.dma_semaphore, #tpu.memory_space<semaphore_mem>>
      %dma_start3A_179 = arith.constant 0 : i32
      %dma_start3A_180 = tpu.memref_slice %arg7[%run_scoped3A_105, %dma_start3A_179] : memref<79x128xi32, #tpu.memory_space<vmem>> -> memref<1x128xi32, #tpu.memory_space<vmem>>
      %dma_start3A_181 = tpu.memref_squeeze %dma_start3A_180 : memref<1x128xi32, #tpu.memory_space<vmem>> -> memref<128xi32, #tpu.memory_space<vmem>>
      %dma_start3A_182 = arith.constant 0 : i32
      %dma_start3A_183 = arith.constant 0 : i32
      %dma_start3A_184 = tpu.memref_slice %arg20[%dma_start3A_182, %dma_start3A_183] : memref<10240x64xf32, #tpu.memory_space<vmem_shared>> -> memref<10240x64xf32, #tpu.memory_space<vmem_shared>>
      tpu.enqueue_indirect_dma source(%arg12 : memref<128x64xf32, #tpu.memory_space<vmem>>) target(%dma_start3A_184 : memref<10240x64xf32, #tpu.memory_space<vmem_shared>>) offsets(%dma_start3A_181 : memref<128xi32, #tpu.memory_space<vmem>>) semaphore(%run_scoped3A_178 : memref<!tpu.dma_semaphore, #tpu.memory_space<semaphore_mem>>) {add = true}
      %dma_wait3A_185 = arith.constant 0 : i32
      %dma_wait3A_186 = tpu.memref_slice %arg7[%run_scoped3A_105, %dma_wait3A_185] : memref<79x128xi32, #tpu.memory_space<vmem>> -> memref<1x128xi32, #tpu.memory_space<vmem>>
      %dma_wait3A_187 = tpu.memref_squeeze %dma_wait3A_186 : memref<1x128xi32, #tpu.memory_space<vmem>> -> memref<128xi32, #tpu.memory_space<vmem>>
      %dma_wait3A_188 = arith.constant 0 : i32
      %dma_wait3A_189 = arith.constant 0 : i32
      %dma_wait3A_190 = tpu.memref_slice %arg20[%dma_wait3A_188, %dma_wait3A_189] : memref<10240x64xf32, #tpu.memory_space<vmem_shared>> -> memref<10240x64xf32, #tpu.memory_space<vmem_shared>>
      tpu.wait_indirect_dma semaphore(%run_scoped3A_178 : memref<!tpu.dma_semaphore, #tpu.memory_space<semaphore_mem>>) src(%arg12 : memref<128x64xf32, #tpu.memory_space<vmem>>) dst(%dma_wait3A_190 : memref<10240x64xf32, #tpu.memory_space<vmem_shared>>)
      tpu.yield
    }) : () -> ()
    %dma_wait3A_106 = arith.constant 0 : i32
    %dma_wait3A_107 = arith.constant 0 : i32
    %dma_wait3A_108 = tpu.memref_slice %arg3[%dma_wait3A_106, %dma_wait3A_107] : memref<10000x64xf32, #tpu.memory_space<hbm>> -> memref<128x64xf32, #tpu.memory_space<hbm>>
    %dma_wait3A_109 = arith.constant 0 : i32
    %dma_wait3A_110 = arith.constant 0 : i32
    %dma_wait3A_111 = tpu.memref_slice %arg3[%dma_wait3A_109, %dma_wait3A_110] : memref<10000x64xf32, #tpu.memory_space<hbm>> -> memref<128x64xf32, #tpu.memory_space<hbm>>
    tpu.wait_dma2 semaphore(%arg19 : memref<!tpu.dma_semaphore, #tpu.memory_space<semaphore_mem>>) src(%dma_wait3A_111 : memref<128x64xf32, #tpu.memory_space<hbm>>) dst(%arg13 : memref<128x64xf32, #tpu.memory_space<vmem>>)
    %run_scoped3A_112 = arith.constant 77 : i32
    "tpu.region"() ({
      %run_scoped3A_178 = tpu.sem_alloc : memref<!tpu.dma_semaphore, #tpu.memory_space<semaphore_mem>>
      %dma_start3A_179 = arith.constant 0 : i32
      %dma_start3A_180 = tpu.memref_slice %arg7[%run_scoped3A_112, %dma_start3A_179] : memref<79x128xi32, #tpu.memory_space<vmem>> -> memref<1x128xi32, #tpu.memory_space<vmem>>
      %dma_start3A_181 = tpu.memref_squeeze %dma_start3A_180 : memref<1x128xi32, #tpu.memory_space<vmem>> -> memref<128xi32, #tpu.memory_space<vmem>>
      %dma_start3A_182 = arith.constant 0 : i32
      %dma_start3A_183 = arith.constant 0 : i32
      %dma_start3A_184 = tpu.memref_slice %arg20[%dma_start3A_182, %dma_start3A_183] : memref<10240x64xf32, #tpu.memory_space<vmem_shared>> -> memref<10240x64xf32, #tpu.memory_space<vmem_shared>>
      tpu.enqueue_indirect_dma source(%arg13 : memref<128x64xf32, #tpu.memory_space<vmem>>) target(%dma_start3A_184 : memref<10240x64xf32, #tpu.memory_space<vmem_shared>>) offsets(%dma_start3A_181 : memref<128xi32, #tpu.memory_space<vmem>>) semaphore(%run_scoped3A_178 : memref<!tpu.dma_semaphore, #tpu.memory_space<semaphore_mem>>) {add = true}
      %dma_wait3A_185 = arith.constant 0 : i32
      %dma_wait3A_186 = tpu.memref_slice %arg7[%run_scoped3A_112, %dma_wait3A_185] : memref<79x128xi32, #tpu.memory_space<vmem>> -> memref<1x128xi32, #tpu.memory_space<vmem>>
      %dma_wait3A_187 = tpu.memref_squeeze %dma_wait3A_186 : memref<1x128xi32, #tpu.memory_space<vmem>> -> memref<128xi32, #tpu.memory_space<vmem>>
      %dma_wait3A_188 = arith.constant 0 : i32
      %dma_wait3A_189 = arith.constant 0 : i32
      %dma_wait3A_190 = tpu.memref_slice %arg20[%dma_wait3A_188, %dma_wait3A_189] : memref<10240x64xf32, #tpu.memory_space<vmem_shared>> -> memref<10240x64xf32, #tpu.memory_space<vmem_shared>>
      tpu.wait_indirect_dma semaphore(%run_scoped3A_178 : memref<!tpu.dma_semaphore, #tpu.memory_space<semaphore_mem>>) src(%arg13 : memref<128x64xf32, #tpu.memory_space<vmem>>) dst(%dma_wait3A_190 : memref<10240x64xf32, #tpu.memory_space<vmem_shared>>)
      tpu.yield
    }) : () -> ()
    %lt3A_113 = arith.constant 4 : i32
    %lt3A_114 = arith.cmpi slt, %add3A, %lt3A_113 : i32
    %convert_element_type3A_115 = arith.extui %lt3A_114 : i1 to i32
    %cond3A_116 = arith.constant 0 : i32
    %cond3A_117 = arith.cmpi ne, %convert_element_type3A_115, %cond3A_116 : i32
    scf.if %cond3A_117 {
      %dma_start3A_178 = arith.constant 78 : i32
      %dma_start3A_179 = arith.constant 0 : i32
      %dma_start3A_180 = tpu.memref_slice %arg6[%dma_start3A_178, %dma_start3A_179] : memref<79x128xi32, #tpu.memory_space<vmem>> -> memref<1x128xi32, #tpu.memory_space<vmem>>
      %dma_start3A_181 = tpu.memref_squeeze %dma_start3A_180 : memref<1x128xi32, #tpu.memory_space<vmem>> -> memref<128xi32, #tpu.memory_space<vmem>>
      %dma_start3A_182 = arith.constant 0 : i32
      %dma_start3A_183 = arith.constant 0 : i32
      %dma_start3A_184 = tpu.memref_slice %arg3[%dma_start3A_182, %dma_start3A_183] : memref<10000x64xf32, #tpu.memory_space<hbm>> -> memref<10000x64xf32, #tpu.memory_space<hbm>>
      tpu.enqueue_indirect_dma source(%dma_start3A_184 : memref<10000x64xf32, #tpu.memory_space<hbm>>) target(%arg8 : memref<128x64xf32, #tpu.memory_space<vmem>>) offsets(%dma_start3A_181 : memref<128xi32, #tpu.memory_space<vmem>>) semaphore(%arg14 : memref<!tpu.dma_semaphore, #tpu.memory_space<semaphore_mem>>)
      %dma_wait3A_185 = arith.constant 0 : i32
      %dma_wait3A_186 = arith.constant 0 : i32
      %dma_wait3A_187 = tpu.memref_slice %arg3[%dma_wait3A_185, %dma_wait3A_186] : memref<10000x64xf32, #tpu.memory_space<hbm>> -> memref<128x64xf32, #tpu.memory_space<hbm>>
      %dma_wait3A_188 = arith.constant 0 : i32
      %dma_wait3A_189 = arith.constant 0 : i32
      %dma_wait3A_190 = tpu.memref_slice %arg3[%dma_wait3A_188, %dma_wait3A_189] : memref<10000x64xf32, #tpu.memory_space<hbm>> -> memref<128x64xf32, #tpu.memory_space<hbm>>
      tpu.wait_dma2 semaphore(%arg14 : memref<!tpu.dma_semaphore, #tpu.memory_space<semaphore_mem>>) src(%dma_wait3A_190 : memref<128x64xf32, #tpu.memory_space<hbm>>) dst(%arg8 : memref<128x64xf32, #tpu.memory_space<vmem>>)
      %run_scoped3A_191 = arith.constant 78 : i32
      "tpu.region"() ({
        %run_scoped3A_192 = tpu.sem_alloc : memref<!tpu.dma_semaphore, #tpu.memory_space<semaphore_mem>>
        %dma_start3A_193 = arith.constant 0 : i32
        %dma_start3A_194 = tpu.memref_slice %arg7[%run_scoped3A_191, %dma_start3A_193] : memref<79x128xi32, #tpu.memory_space<vmem>> -> memref<1x128xi32, #tpu.memory_space<vmem>>
        %dma_start3A_195 = tpu.memref_squeeze %dma_start3A_194 : memref<1x128xi32, #tpu.memory_space<vmem>> -> memref<128xi32, #tpu.memory_space<vmem>>
        %dma_start3A_196 = arith.constant 0 : i32
        %dma_start3A_197 = arith.constant 0 : i32
        %dma_start3A_198 = tpu.memref_slice %arg20[%dma_start3A_196, %dma_start3A_197] : memref<10240x64xf32, #tpu.memory_space<vmem_shared>> -> memref<10240x64xf32, #tpu.memory_space<vmem_shared>>
        tpu.enqueue_indirect_dma source(%arg8 : memref<128x64xf32, #tpu.memory_space<vmem>>) target(%dma_start3A_198 : memref<10240x64xf32, #tpu.memory_space<vmem_shared>>) offsets(%dma_start3A_195 : memref<128xi32, #tpu.memory_space<vmem>>) semaphore(%run_scoped3A_192 : memref<!tpu.dma_semaphore, #tpu.memory_space<semaphore_mem>>) {add = true}
        %dma_wait3A_199 = arith.constant 0 : i32
        %dma_wait3A_200 = tpu.memref_slice %arg7[%run_scoped3A_191, %dma_wait3A_199] : memref<79x128xi32, #tpu.memory_space<vmem>> -> memref<1x128xi32, #tpu.memory_space<vmem>>
        %dma_wait3A_201 = tpu.memref_squeeze %dma_wait3A_200 : memref<1x128xi32, #tpu.memory_space<vmem>> -> memref<128xi32, #tpu.memory_space<vmem>>
        %dma_wait3A_202 = arith.constant 0 : i32
        %dma_wait3A_203 = arith.constant 0 : i32
        %dma_wait3A_204 = tpu.memref_slice %arg20[%dma_wait3A_202, %dma_wait3A_203] : memref<10240x64xf32, #tpu.memory_space<vmem_shared>> -> memref<10240x64xf32, #tpu.memory_space<vmem_shared>>
        tpu.wait_indirect_dma semaphore(%run_scoped3A_192 : memref<!tpu.dma_semaphore, #tpu.memory_space<semaphore_mem>>) src(%arg8 : memref<128x64xf32, #tpu.memory_space<vmem>>) dst(%dma_wait3A_204 : memref<10240x64xf32, #tpu.memory_space<vmem_shared>>)
        tpu.yield
      }) : () -> ()
    } else {
    }
    %barrier3A_118 = arith.constant 0 : index
    tpu.barrier barrier_id(%barrier3A_118)
    %add3A_119 = arith.constant 0 : i32
    %add3A_120 = arith.addi %mul3A_2, %add3A_119 : i32
    "tpu.region"() ({
      %run_scoped3A_178 = tpu.sem_alloc : memref<!tpu.dma_semaphore, #tpu.memory_space<semaphore_mem>>
      %dma_start3A_179 = arith.constant 0 : i32
      %dma_start3A_180 = tpu.memref_slice %arg20[%add3A_120, %dma_start3A_179] : memref<10240x64xf32, #tpu.memory_space<vmem_shared>> -> memref<128x64xf32, #tpu.memory_space<vmem_shared>>
      %dma_start3A_181 = arith.constant 0 : i32
      %dma_start3A_182 = tpu.memref_slice %arg20[%add3A_120, %dma_start3A_181] : memref<10240x64xf32, #tpu.memory_space<vmem_shared>> -> memref<128x64xf32, #tpu.memory_space<vmem_shared>>
      tpu.enqueue_dma source(%dma_start3A_182 : memref<128x64xf32, #tpu.memory_space<vmem_shared>>) target(%arg8 : memref<128x64xf32, #tpu.memory_space<vmem>>) target_semaphore(%run_scoped3A_178 : memref<!tpu.dma_semaphore, #tpu.memory_space<semaphore_mem>>)
      %dma_wait3A_183 = arith.constant 0 : i32
      %dma_wait3A_184 = tpu.memref_slice %arg20[%add3A_120, %dma_wait3A_183] : memref<10240x64xf32, #tpu.memory_space<vmem_shared>> -> memref<128x64xf32, #tpu.memory_space<vmem_shared>>
      %dma_wait3A_185 = arith.constant 0 : i32
      %dma_wait3A_186 = tpu.memref_slice %arg20[%add3A_120, %dma_wait3A_185] : memref<10240x64xf32, #tpu.memory_space<vmem_shared>> -> memref<128x64xf32, #tpu.memory_space<vmem_shared>>
      tpu.wait_dma2 semaphore(%run_scoped3A_178 : memref<!tpu.dma_semaphore, #tpu.memory_space<semaphore_mem>>) src(%dma_wait3A_186 : memref<128x64xf32, #tpu.memory_space<vmem_shared>>) dst(%arg8 : memref<128x64xf32, #tpu.memory_space<vmem>>)
      tpu.yield
    }) : () -> ()
    %eq3A = arith.constant 0 : i32
    %eq3A_121 = arith.cmpi eq, %arg0, %eq3A : i32
    %convert_element_type3A_122 = arith.extui %eq3A_121 : i1 to i32
    %cond3A_123 = arith.constant 0 : i32
    %cond3A_124 = arith.cmpi ne, %convert_element_type3A_122, %cond3A_123 : i32
    scf.if %cond3A_124 {
      %add3A_178 = arith.constant 0 : i32
      %add3A_179 = arith.addi %mul3A_2, %add3A_178 : i32
      "tpu.region"() ({
        %run_scoped3A_180 = tpu.sem_alloc : memref<!tpu.dma_semaphore, #tpu.memory_space<semaphore_mem>>
        %dma_start3A_181 = arith.constant 0 : i32
        %dma_start3A_182 = tpu.memref_slice %arg4[%add3A_179, %dma_start3A_181] : memref<10240x64xf32, #tpu.memory_space<hbm>> -> memref<128x64xf32, #tpu.memory_space<hbm>>
        %dma_start3A_183 = arith.constant 0 : i32
        %dma_start3A_184 = tpu.memref_slice %arg4[%add3A_179, %dma_start3A_183] : memref<10240x64xf32, #tpu.memory_space<hbm>> -> memref<128x64xf32, #tpu.memory_space<hbm>>
        tpu.enqueue_dma source(%arg8 : memref<128x64xf32, #tpu.memory_space<vmem>>) target(%dma_start3A_184 : memref<128x64xf32, #tpu.memory_space<hbm>>) target_semaphore(%run_scoped3A_180 : memref<!tpu.dma_semaphore, #tpu.memory_space<semaphore_mem>>)
        %dma_wait3A_185 = arith.constant 0 : i32
        %dma_wait3A_186 = tpu.memref_slice %arg4[%add3A_179, %dma_wait3A_185] : memref<10240x64xf32, #tpu.memory_space<hbm>> -> memref<128x64xf32, #tpu.memory_space<hbm>>
        %dma_wait3A_187 = arith.constant 0 : i32
        %dma_wait3A_188 = tpu.memref_slice %arg4[%add3A_179, %dma_wait3A_187] : memref<10240x64xf32, #tpu.memory_space<hbm>> -> memref<128x64xf32, #tpu.memory_space<hbm>>
        tpu.wait_dma2 semaphore(%run_scoped3A_180 : memref<!tpu.dma_semaphore, #tpu.memory_space<semaphore_mem>>) src(%arg8 : memref<128x64xf32, #tpu.memory_space<vmem>>) dst(%dma_wait3A_188 : memref<128x64xf32, #tpu.memory_space<hbm>>)
        tpu.yield
      }) : () -> ()
    } else {
    }
    %eq3A_125 = arith.constant 1 : i32
    %eq3A_126 = arith.cmpi eq, %arg0, %eq3A_125 : i32
    %convert_element_type3A_127 = arith.extui %eq3A_126 : i1 to i32
    %cond3A_128 = arith.constant 0 : i32
    %cond3A_129 = arith.cmpi ne, %convert_element_type3A_127, %cond3A_128 : i32
    scf.if %cond3A_129 {
      %add3A_178 = arith.constant 0 : i32
      %add3A_179 = arith.addi %mul3A_2, %add3A_178 : i32
      "tpu.region"() ({
        %run_scoped3A_180 = tpu.sem_alloc : memref<!tpu.dma_semaphore, #tpu.memory_space<semaphore_mem>>
        %dma_start3A_181 = arith.constant 0 : i32
        %dma_start3A_182 = tpu.memref_slice %arg5[%add3A_179, %dma_start3A_181] : memref<10240x64xf32, #tpu.memory_space<hbm>> -> memref<128x64xf32, #tpu.memory_space<hbm>>
        %dma_start3A_183 = arith.constant 0 : i32
        %dma_start3A_184 = tpu.memref_slice %arg5[%add3A_179, %dma_start3A_183] : memref<10240x64xf32, #tpu.memory_space<hbm>> -> memref<128x64xf32, #tpu.memory_space<hbm>>
        tpu.enqueue_dma source(%arg8 : memref<128x64xf32, #tpu.memory_space<vmem>>) target(%dma_start3A_184 : memref<128x64xf32, #tpu.memory_space<hbm>>) target_semaphore(%run_scoped3A_180 : memref<!tpu.dma_semaphore, #tpu.memory_space<semaphore_mem>>)
        %dma_wait3A_185 = arith.constant 0 : i32
        %dma_wait3A_186 = tpu.memref_slice %arg5[%add3A_179, %dma_wait3A_185] : memref<10240x64xf32, #tpu.memory_space<hbm>> -> memref<128x64xf32, #tpu.memory_space<hbm>>
        %dma_wait3A_187 = arith.constant 0 : i32
        %dma_wait3A_188 = tpu.memref_slice %arg5[%add3A_179, %dma_wait3A_187] : memref<10240x64xf32, #tpu.memory_space<hbm>> -> memref<128x64xf32, #tpu.memory_space<hbm>>
        tpu.wait_dma2 semaphore(%run_scoped3A_180 : memref<!tpu.dma_semaphore, #tpu.memory_space<semaphore_mem>>) src(%arg8 : memref<128x64xf32, #tpu.memory_space<vmem>>) dst(%dma_wait3A_188 : memref<128x64xf32, #tpu.memory_space<hbm>>)
        tpu.yield
      }) : () -> ()
    } else {
    }
    %add3A_130 = arith.constant 128 : i32
    %add3A_131 = arith.addi %mul3A_2, %add3A_130 : i32
    "tpu.region"() ({
      %run_scoped3A_178 = tpu.sem_alloc : memref<!tpu.dma_semaphore, #tpu.memory_space<semaphore_mem>>
      %dma_start3A_179 = arith.constant 0 : i32
      %dma_start3A_180 = tpu.memref_slice %arg20[%add3A_131, %dma_start3A_179] : memref<10240x64xf32, #tpu.memory_space<vmem_shared>> -> memref<128x64xf32, #tpu.memory_space<vmem_shared>>
      %dma_start3A_181 = arith.constant 0 : i32
      %dma_start3A_182 = tpu.memref_slice %arg20[%add3A_131, %dma_start3A_181] : memref<10240x64xf32, #tpu.memory_space<vmem_shared>> -> memref<128x64xf32, #tpu.memory_space<vmem_shared>>
      tpu.enqueue_dma source(%dma_start3A_182 : memref<128x64xf32, #tpu.memory_space<vmem_shared>>) target(%arg9 : memref<128x64xf32, #tpu.memory_space<vmem>>) target_semaphore(%run_scoped3A_178 : memref<!tpu.dma_semaphore, #tpu.memory_space<semaphore_mem>>)
      %dma_wait3A_183 = arith.constant 0 : i32
      %dma_wait3A_184 = tpu.memref_slice %arg20[%add3A_131, %dma_wait3A_183] : memref<10240x64xf32, #tpu.memory_space<vmem_shared>> -> memref<128x64xf32, #tpu.memory_space<vmem_shared>>
      %dma_wait3A_185 = arith.constant 0 : i32
      %dma_wait3A_186 = tpu.memref_slice %arg20[%add3A_131, %dma_wait3A_185] : memref<10240x64xf32, #tpu.memory_space<vmem_shared>> -> memref<128x64xf32, #tpu.memory_space<vmem_shared>>
      tpu.wait_dma2 semaphore(%run_scoped3A_178 : memref<!tpu.dma_semaphore, #tpu.memory_space<semaphore_mem>>) src(%dma_wait3A_186 : memref<128x64xf32, #tpu.memory_space<vmem_shared>>) dst(%arg9 : memref<128x64xf32, #tpu.memory_space<vmem>>)
      tpu.yield
    }) : () -> ()
    %eq3A_132 = arith.constant 0 : i32
    %eq3A_133 = arith.cmpi eq, %arg0, %eq3A_132 : i32
    %convert_element_type3A_134 = arith.extui %eq3A_133 : i1 to i32
    %cond3A_135 = arith.constant 0 : i32
    %cond3A_136 = arith.cmpi ne, %convert_element_type3A_134, %cond3A_135 : i32
    scf.if %cond3A_136 {
      %add3A_178 = arith.constant 128 : i32
      %add3A_179 = arith.addi %mul3A_2, %add3A_178 : i32
      "tpu.region"() ({
        %run_scoped3A_180 = tpu.sem_alloc : memref<!tpu.dma_semaphore, #tpu.memory_space<semaphore_mem>>
        %dma_start3A_181 = arith.constant 0 : i32
        %dma_start3A_182 = tpu.memref_slice %arg4[%add3A_179, %dma_start3A_181] : memref<10240x64xf32, #tpu.memory_space<hbm>> -> memref<128x64xf32, #tpu.memory_space<hbm>>
        %dma_start3A_183 = arith.constant 0 : i32
        %dma_start3A_184 = tpu.memref_slice %arg4[%add3A_179, %dma_start3A_183] : memref<10240x64xf32, #tpu.memory_space<hbm>> -> memref<128x64xf32, #tpu.memory_space<hbm>>
        tpu.enqueue_dma source(%arg9 : memref<128x64xf32, #tpu.memory_space<vmem>>) target(%dma_start3A_184 : memref<128x64xf32, #tpu.memory_space<hbm>>) target_semaphore(%run_scoped3A_180 : memref<!tpu.dma_semaphore, #tpu.memory_space<semaphore_mem>>)
        %dma_wait3A_185 = arith.constant 0 : i32
        %dma_wait3A_186 = tpu.memref_slice %arg4[%add3A_179, %dma_wait3A_185] : memref<10240x64xf32, #tpu.memory_space<hbm>> -> memref<128x64xf32, #tpu.memory_space<hbm>>
        %dma_wait3A_187 = arith.constant 0 : i32
        %dma_wait3A_188 = tpu.memref_slice %arg4[%add3A_179, %dma_wait3A_187] : memref<10240x64xf32, #tpu.memory_space<hbm>> -> memref<128x64xf32, #tpu.memory_space<hbm>>
        tpu.wait_dma2 semaphore(%run_scoped3A_180 : memref<!tpu.dma_semaphore, #tpu.memory_space<semaphore_mem>>) src(%arg9 : memref<128x64xf32, #tpu.memory_space<vmem>>) dst(%dma_wait3A_188 : memref<128x64xf32, #tpu.memory_space<hbm>>)
        tpu.yield
      }) : () -> ()
    } else {
    }
    %eq3A_137 = arith.constant 1 : i32
    %eq3A_138 = arith.cmpi eq, %arg0, %eq3A_137 : i32
    %convert_element_type3A_139 = arith.extui %eq3A_138 : i1 to i32
    %cond3A_140 = arith.constant 0 : i32
    %cond3A_141 = arith.cmpi ne, %convert_element_type3A_139, %cond3A_140 : i32
    scf.if %cond3A_141 {
      %add3A_178 = arith.constant 128 : i32
      %add3A_179 = arith.addi %mul3A_2, %add3A_178 : i32
      "tpu.region"() ({
        %run_scoped3A_180 = tpu.sem_alloc : memref<!tpu.dma_semaphore, #tpu.memory_space<semaphore_mem>>
        %dma_start3A_181 = arith.constant 0 : i32
        %dma_start3A_182 = tpu.memref_slice %arg5[%add3A_179, %dma_start3A_181] : memref<10240x64xf32, #tpu.memory_space<hbm>> -> memref<128x64xf32, #tpu.memory_space<hbm>>
        %dma_start3A_183 = arith.constant 0 : i32
        %dma_start3A_184 = tpu.memref_slice %arg5[%add3A_179, %dma_start3A_183] : memref<10240x64xf32, #tpu.memory_space<hbm>> -> memref<128x64xf32, #tpu.memory_space<hbm>>
        tpu.enqueue_dma source(%arg9 : memref<128x64xf32, #tpu.memory_space<vmem>>) target(%dma_start3A_184 : memref<128x64xf32, #tpu.memory_space<hbm>>) target_semaphore(%run_scoped3A_180 : memref<!tpu.dma_semaphore, #tpu.memory_space<semaphore_mem>>)
        %dma_wait3A_185 = arith.constant 0 : i32
        %dma_wait3A_186 = tpu.memref_slice %arg5[%add3A_179, %dma_wait3A_185] : memref<10240x64xf32, #tpu.memory_space<hbm>> -> memref<128x64xf32, #tpu.memory_space<hbm>>
        %dma_wait3A_187 = arith.constant 0 : i32
        %dma_wait3A_188 = tpu.memref_slice %arg5[%add3A_179, %dma_wait3A_187] : memref<10240x64xf32, #tpu.memory_space<hbm>> -> memref<128x64xf32, #tpu.memory_space<hbm>>
        tpu.wait_dma2 semaphore(%run_scoped3A_180 : memref<!tpu.dma_semaphore, #tpu.memory_space<semaphore_mem>>) src(%arg9 : memref<128x64xf32, #tpu.memory_space<vmem>>) dst(%dma_wait3A_188 : memref<128x64xf32, #tpu.memory_space<hbm>>)
        tpu.yield
      }) : () -> ()
    } else {
    }
    %add3A_142 = arith.constant 256 : i32
    %add3A_143 = arith.addi %mul3A_2, %add3A_142 : i32
    "tpu.region"() ({
      %run_scoped3A_178 = tpu.sem_alloc : memref<!tpu.dma_semaphore, #tpu.memory_space<semaphore_mem>>
      %dma_start3A_179 = arith.constant 0 : i32
      %dma_start3A_180 = tpu.memref_slice %arg20[%add3A_143, %dma_start3A_179] : memref<10240x64xf32, #tpu.memory_space<vmem_shared>> -> memref<128x64xf32, #tpu.memory_space<vmem_shared>>
      %dma_start3A_181 = arith.constant 0 : i32
      %dma_start3A_182 = tpu.memref_slice %arg20[%add3A_143, %dma_start3A_181] : memref<10240x64xf32, #tpu.memory_space<vmem_shared>> -> memref<128x64xf32, #tpu.memory_space<vmem_shared>>
      tpu.enqueue_dma source(%dma_start3A_182 : memref<128x64xf32, #tpu.memory_space<vmem_shared>>) target(%arg10 : memref<128x64xf32, #tpu.memory_space<vmem>>) target_semaphore(%run_scoped3A_178 : memref<!tpu.dma_semaphore, #tpu.memory_space<semaphore_mem>>)
      %dma_wait3A_183 = arith.constant 0 : i32
      %dma_wait3A_184 = tpu.memref_slice %arg20[%add3A_143, %dma_wait3A_183] : memref<10240x64xf32, #tpu.memory_space<vmem_shared>> -> memref<128x64xf32, #tpu.memory_space<vmem_shared>>
      %dma_wait3A_185 = arith.constant 0 : i32
      %dma_wait3A_186 = tpu.memref_slice %arg20[%add3A_143, %dma_wait3A_185] : memref<10240x64xf32, #tpu.memory_space<vmem_shared>> -> memref<128x64xf32, #tpu.memory_space<vmem_shared>>
      tpu.wait_dma2 semaphore(%run_scoped3A_178 : memref<!tpu.dma_semaphore, #tpu.memory_space<semaphore_mem>>) src(%dma_wait3A_186 : memref<128x64xf32, #tpu.memory_space<vmem_shared>>) dst(%arg10 : memref<128x64xf32, #tpu.memory_space<vmem>>)
      tpu.yield
    }) : () -> ()
    %eq3A_144 = arith.constant 0 : i32
    %eq3A_145 = arith.cmpi eq, %arg0, %eq3A_144 : i32
    %convert_element_type3A_146 = arith.extui %eq3A_145 : i1 to i32
    %cond3A_147 = arith.constant 0 : i32
    %cond3A_148 = arith.cmpi ne, %convert_element_type3A_146, %cond3A_147 : i32
    scf.if %cond3A_148 {
      %add3A_178 = arith.constant 256 : i32
      %add3A_179 = arith.addi %mul3A_2, %add3A_178 : i32
      "tpu.region"() ({
        %run_scoped3A_180 = tpu.sem_alloc : memref<!tpu.dma_semaphore, #tpu.memory_space<semaphore_mem>>
        %dma_start3A_181 = arith.constant 0 : i32
        %dma_start3A_182 = tpu.memref_slice %arg4[%add3A_179, %dma_start3A_181] : memref<10240x64xf32, #tpu.memory_space<hbm>> -> memref<128x64xf32, #tpu.memory_space<hbm>>
        %dma_start3A_183 = arith.constant 0 : i32
        %dma_start3A_184 = tpu.memref_slice %arg4[%add3A_179, %dma_start3A_183] : memref<10240x64xf32, #tpu.memory_space<hbm>> -> memref<128x64xf32, #tpu.memory_space<hbm>>
        tpu.enqueue_dma source(%arg10 : memref<128x64xf32, #tpu.memory_space<vmem>>) target(%dma_start3A_184 : memref<128x64xf32, #tpu.memory_space<hbm>>) target_semaphore(%run_scoped3A_180 : memref<!tpu.dma_semaphore, #tpu.memory_space<semaphore_mem>>)
        %dma_wait3A_185 = arith.constant 0 : i32
        %dma_wait3A_186 = tpu.memref_slice %arg4[%add3A_179, %dma_wait3A_185] : memref<10240x64xf32, #tpu.memory_space<hbm>> -> memref<128x64xf32, #tpu.memory_space<hbm>>
        %dma_wait3A_187 = arith.constant 0 : i32
        %dma_wait3A_188 = tpu.memref_slice %arg4[%add3A_179, %dma_wait3A_187] : memref<10240x64xf32, #tpu.memory_space<hbm>> -> memref<128x64xf32, #tpu.memory_space<hbm>>
        tpu.wait_dma2 semaphore(%run_scoped3A_180 : memref<!tpu.dma_semaphore, #tpu.memory_space<semaphore_mem>>) src(%arg10 : memref<128x64xf32, #tpu.memory_space<vmem>>) dst(%dma_wait3A_188 : memref<128x64xf32, #tpu.memory_space<hbm>>)
        tpu.yield
      }) : () -> ()
    } else {
    }
    %eq3A_149 = arith.constant 1 : i32
    %eq3A_150 = arith.cmpi eq, %arg0, %eq3A_149 : i32
    %convert_element_type3A_151 = arith.extui %eq3A_150 : i1 to i32
    %cond3A_152 = arith.constant 0 : i32
    %cond3A_153 = arith.cmpi ne, %convert_element_type3A_151, %cond3A_152 : i32
    scf.if %cond3A_153 {
      %add3A_178 = arith.constant 256 : i32
      %add3A_179 = arith.addi %mul3A_2, %add3A_178 : i32
      "tpu.region"() ({
        %run_scoped3A_180 = tpu.sem_alloc : memref<!tpu.dma_semaphore, #tpu.memory_space<semaphore_mem>>
        %dma_start3A_181 = arith.constant 0 : i32
        %dma_start3A_182 = tpu.memref_slice %arg5[%add3A_179, %dma_start3A_181] : memref<10240x64xf32, #tpu.memory_space<hbm>> -> memref<128x64xf32, #tpu.memory_space<hbm>>
        %dma_start3A_183 = arith.constant 0 : i32
        %dma_start3A_184 = tpu.memref_slice %arg5[%add3A_179, %dma_start3A_183] : memref<10240x64xf32, #tpu.memory_space<hbm>> -> memref<128x64xf32, #tpu.memory_space<hbm>>
        tpu.enqueue_dma source(%arg10 : memref<128x64xf32, #tpu.memory_space<vmem>>) target(%dma_start3A_184 : memref<128x64xf32, #tpu.memory_space<hbm>>) target_semaphore(%run_scoped3A_180 : memref<!tpu.dma_semaphore, #tpu.memory_space<semaphore_mem>>)
        %dma_wait3A_185 = arith.constant 0 : i32
        %dma_wait3A_186 = tpu.memref_slice %arg5[%add3A_179, %dma_wait3A_185] : memref<10240x64xf32, #tpu.memory_space<hbm>> -> memref<128x64xf32, #tpu.memory_space<hbm>>
        %dma_wait3A_187 = arith.constant 0 : i32
        %dma_wait3A_188 = tpu.memref_slice %arg5[%add3A_179, %dma_wait3A_187] : memref<10240x64xf32, #tpu.memory_space<hbm>> -> memref<128x64xf32, #tpu.memory_space<hbm>>
        tpu.wait_dma2 semaphore(%run_scoped3A_180 : memref<!tpu.dma_semaphore, #tpu.memory_space<semaphore_mem>>) src(%arg10 : memref<128x64xf32, #tpu.memory_space<vmem>>) dst(%dma_wait3A_188 : memref<128x64xf32, #tpu.memory_space<hbm>>)
        tpu.yield
      }) : () -> ()
    } else {
    }
    %add3A_154 = arith.constant 384 : i32
    %add3A_155 = arith.addi %mul3A_2, %add3A_154 : i32
    "tpu.region"() ({
      %run_scoped3A_178 = tpu.sem_alloc : memref<!tpu.dma_semaphore, #tpu.memory_space<semaphore_mem>>
      %dma_start3A_179 = arith.constant 0 : i32
      %dma_start3A_180 = tpu.memref_slice %arg20[%add3A_155, %dma_start3A_179] : memref<10240x64xf32, #tpu.memory_space<vmem_shared>> -> memref<128x64xf32, #tpu.memory_space<vmem_shared>>
      %dma_start3A_181 = arith.constant 0 : i32
      %dma_start3A_182 = tpu.memref_slice %arg20[%add3A_155, %dma_start3A_181] : memref<10240x64xf32, #tpu.memory_space<vmem_shared>> -> memref<128x64xf32, #tpu.memory_space<vmem_shared>>
      tpu.enqueue_dma source(%dma_start3A_182 : memref<128x64xf32, #tpu.memory_space<vmem_shared>>) target(%arg11 : memref<128x64xf32, #tpu.memory_space<vmem>>) target_semaphore(%run_scoped3A_178 : memref<!tpu.dma_semaphore, #tpu.memory_space<semaphore_mem>>)
      %dma_wait3A_183 = arith.constant 0 : i32
      %dma_wait3A_184 = tpu.memref_slice %arg20[%add3A_155, %dma_wait3A_183] : memref<10240x64xf32, #tpu.memory_space<vmem_shared>> -> memref<128x64xf32, #tpu.memory_space<vmem_shared>>
      %dma_wait3A_185 = arith.constant 0 : i32
      %dma_wait3A_186 = tpu.memref_slice %arg20[%add3A_155, %dma_wait3A_185] : memref<10240x64xf32, #tpu.memory_space<vmem_shared>> -> memref<128x64xf32, #tpu.memory_space<vmem_shared>>
      tpu.wait_dma2 semaphore(%run_scoped3A_178 : memref<!tpu.dma_semaphore, #tpu.memory_space<semaphore_mem>>) src(%dma_wait3A_186 : memref<128x64xf32, #tpu.memory_space<vmem_shared>>) dst(%arg11 : memref<128x64xf32, #tpu.memory_space<vmem>>)
      tpu.yield
    }) : () -> ()
    %eq3A_156 = arith.constant 0 : i32
    %eq3A_157 = arith.cmpi eq, %arg0, %eq3A_156 : i32
    %convert_element_type3A_158 = arith.extui %eq3A_157 : i1 to i32
    %cond3A_159 = arith.constant 0 : i32
    %cond3A_160 = arith.cmpi ne, %convert_element_type3A_158, %cond3A_159 : i32
    scf.if %cond3A_160 {
      %add3A_178 = arith.constant 384 : i32
      %add3A_179 = arith.addi %mul3A_2, %add3A_178 : i32
      "tpu.region"() ({
        %run_scoped3A_180 = tpu.sem_alloc : memref<!tpu.dma_semaphore, #tpu.memory_space<semaphore_mem>>
        %dma_start3A_181 = arith.constant 0 : i32
        %dma_start3A_182 = tpu.memref_slice %arg4[%add3A_179, %dma_start3A_181] : memref<10240x64xf32, #tpu.memory_space<hbm>> -> memref<128x64xf32, #tpu.memory_space<hbm>>
        %dma_start3A_183 = arith.constant 0 : i32
        %dma_start3A_184 = tpu.memref_slice %arg4[%add3A_179, %dma_start3A_183] : memref<10240x64xf32, #tpu.memory_space<hbm>> -> memref<128x64xf32, #tpu.memory_space<hbm>>
        tpu.enqueue_dma source(%arg11 : memref<128x64xf32, #tpu.memory_space<vmem>>) target(%dma_start3A_184 : memref<128x64xf32, #tpu.memory_space<hbm>>) target_semaphore(%run_scoped3A_180 : memref<!tpu.dma_semaphore, #tpu.memory_space<semaphore_mem>>)
        %dma_wait3A_185 = arith.constant 0 : i32
        %dma_wait3A_186 = tpu.memref_slice %arg4[%add3A_179, %dma_wait3A_185] : memref<10240x64xf32, #tpu.memory_space<hbm>> -> memref<128x64xf32, #tpu.memory_space<hbm>>
        %dma_wait3A_187 = arith.constant 0 : i32
        %dma_wait3A_188 = tpu.memref_slice %arg4[%add3A_179, %dma_wait3A_187] : memref<10240x64xf32, #tpu.memory_space<hbm>> -> memref<128x64xf32, #tpu.memory_space<hbm>>
        tpu.wait_dma2 semaphore(%run_scoped3A_180 : memref<!tpu.dma_semaphore, #tpu.memory_space<semaphore_mem>>) src(%arg11 : memref<128x64xf32, #tpu.memory_space<vmem>>) dst(%dma_wait3A_188 : memref<128x64xf32, #tpu.memory_space<hbm>>)
        tpu.yield
      }) : () -> ()
    } else {
    }
    %eq3A_161 = arith.constant 1 : i32
    %eq3A_162 = arith.cmpi eq, %arg0, %eq3A_161 : i32
    %convert_element_type3A_163 = arith.extui %eq3A_162 : i1 to i32
    %cond3A_164 = arith.constant 0 : i32
    %cond3A_165 = arith.cmpi ne, %convert_element_type3A_163, %cond3A_164 : i32
    scf.if %cond3A_165 {
      %add3A_178 = arith.constant 384 : i32
      %add3A_179 = arith.addi %mul3A_2, %add3A_178 : i32
      "tpu.region"() ({
        %run_scoped3A_180 = tpu.sem_alloc : memref<!tpu.dma_semaphore, #tpu.memory_space<semaphore_mem>>
        %dma_start3A_181 = arith.constant 0 : i32
        %dma_start3A_182 = tpu.memref_slice %arg5[%add3A_179, %dma_start3A_181] : memref<10240x64xf32, #tpu.memory_space<hbm>> -> memref<128x64xf32, #tpu.memory_space<hbm>>
        %dma_start3A_183 = arith.constant 0 : i32
        %dma_start3A_184 = tpu.memref_slice %arg5[%add3A_179, %dma_start3A_183] : memref<10240x64xf32, #tpu.memory_space<hbm>> -> memref<128x64xf32, #tpu.memory_space<hbm>>
        tpu.enqueue_dma source(%arg11 : memref<128x64xf32, #tpu.memory_space<vmem>>) target(%dma_start3A_184 : memref<128x64xf32, #tpu.memory_space<hbm>>) target_semaphore(%run_scoped3A_180 : memref<!tpu.dma_semaphore, #tpu.memory_space<semaphore_mem>>)
        %dma_wait3A_185 = arith.constant 0 : i32
        %dma_wait3A_186 = tpu.memref_slice %arg5[%add3A_179, %dma_wait3A_185] : memref<10240x64xf32, #tpu.memory_space<hbm>> -> memref<128x64xf32, #tpu.memory_space<hbm>>
        %dma_wait3A_187 = arith.constant 0 : i32
        %dma_wait3A_188 = tpu.memref_slice %arg5[%add3A_179, %dma_wait3A_187] : memref<10240x64xf32, #tpu.memory_space<hbm>> -> memref<128x64xf32, #tpu.memory_space<hbm>>
        tpu.wait_dma2 semaphore(%run_scoped3A_180 : memref<!tpu.dma_semaphore, #tpu.memory_space<semaphore_mem>>) src(%arg11 : memref<128x64xf32, #tpu.memory_space<vmem>>) dst(%dma_wait3A_188 : memref<128x64xf32, #tpu.memory_space<hbm>>)
        tpu.yield
      }) : () -> ()
    } else {
    }
    %add3A_166 = arith.constant 512 : i32
    %add3A_167 = arith.addi %mul3A_2, %add3A_166 : i32
    "tpu.region"() ({
      %run_scoped3A_178 = tpu.sem_alloc : memref<!tpu.dma_semaphore, #tpu.memory_space<semaphore_mem>>
      %dma_start3A_179 = arith.constant 0 : i32
      %dma_start3A_180 = tpu.memref_slice %arg20[%add3A_167, %dma_start3A_179] : memref<10240x64xf32, #tpu.memory_space<vmem_shared>> -> memref<128x64xf32, #tpu.memory_space<vmem_shared>>
      %dma_start3A_181 = arith.constant 0 : i32
      %dma_start3A_182 = tpu.memref_slice %arg20[%add3A_167, %dma_start3A_181] : memref<10240x64xf32, #tpu.memory_space<vmem_shared>> -> memref<128x64xf32, #tpu.memory_space<vmem_shared>>
      tpu.enqueue_dma source(%dma_start3A_182 : memref<128x64xf32, #tpu.memory_space<vmem_shared>>) target(%arg12 : memref<128x64xf32, #tpu.memory_space<vmem>>) target_semaphore(%run_scoped3A_178 : memref<!tpu.dma_semaphore, #tpu.memory_space<semaphore_mem>>)
      %dma_wait3A_183 = arith.constant 0 : i32
      %dma_wait3A_184 = tpu.memref_slice %arg20[%add3A_167, %dma_wait3A_183] : memref<10240x64xf32, #tpu.memory_space<vmem_shared>> -> memref<128x64xf32, #tpu.memory_space<vmem_shared>>
      %dma_wait3A_185 = arith.constant 0 : i32
      %dma_wait3A_186 = tpu.memref_slice %arg20[%add3A_167, %dma_wait3A_185] : memref<10240x64xf32, #tpu.memory_space<vmem_shared>> -> memref<128x64xf32, #tpu.memory_space<vmem_shared>>
      tpu.wait_dma2 semaphore(%run_scoped3A_178 : memref<!tpu.dma_semaphore, #tpu.memory_space<semaphore_mem>>) src(%dma_wait3A_186 : memref<128x64xf32, #tpu.memory_space<vmem_shared>>) dst(%arg12 : memref<128x64xf32, #tpu.memory_space<vmem>>)
      tpu.yield
    }) : () -> ()
    %eq3A_168 = arith.constant 0 : i32
    %eq3A_169 = arith.cmpi eq, %arg0, %eq3A_168 : i32
    %convert_element_type3A_170 = arith.extui %eq3A_169 : i1 to i32
    %cond3A_171 = arith.constant 0 : i32
    %cond3A_172 = arith.cmpi ne, %convert_element_type3A_170, %cond3A_171 : i32
    scf.if %cond3A_172 {
      %add3A_178 = arith.constant 512 : i32
      %add3A_179 = arith.addi %mul3A_2, %add3A_178 : i32
      "tpu.region"() ({
        %run_scoped3A_180 = tpu.sem_alloc : memref<!tpu.dma_semaphore, #tpu.memory_space<semaphore_mem>>
        %dma_start3A_181 = arith.constant 0 : i32
        %dma_start3A_182 = tpu.memref_slice %arg4[%add3A_179, %dma_start3A_181] : memref<10240x64xf32, #tpu.memory_space<hbm>> -> memref<128x64xf32, #tpu.memory_space<hbm>>
        %dma_start3A_183 = arith.constant 0 : i32
        %dma_start3A_184 = tpu.memref_slice %arg4[%add3A_179, %dma_start3A_183] : memref<10240x64xf32, #tpu.memory_space<hbm>> -> memref<128x64xf32, #tpu.memory_space<hbm>>
        tpu.enqueue_dma source(%arg12 : memref<128x64xf32, #tpu.memory_space<vmem>>) target(%dma_start3A_184 : memref<128x64xf32, #tpu.memory_space<hbm>>) target_semaphore(%run_scoped3A_180 : memref<!tpu.dma_semaphore, #tpu.memory_space<semaphore_mem>>)
        %dma_wait3A_185 = arith.constant 0 : i32
        %dma_wait3A_186 = tpu.memref_slice %arg4[%add3A_179, %dma_wait3A_185] : memref<10240x64xf32, #tpu.memory_space<hbm>> -> memref<128x64xf32, #tpu.memory_space<hbm>>
        %dma_wait3A_187 = arith.constant 0 : i32
        %dma_wait3A_188 = tpu.memref_slice %arg4[%add3A_179, %dma_wait3A_187] : memref<10240x64xf32, #tpu.memory_space<hbm>> -> memref<128x64xf32, #tpu.memory_space<hbm>>
        tpu.wait_dma2 semaphore(%run_scoped3A_180 : memref<!tpu.dma_semaphore, #tpu.memory_space<semaphore_mem>>) src(%arg12 : memref<128x64xf32, #tpu.memory_space<vmem>>) dst(%dma_wait3A_188 : memref<128x64xf32, #tpu.memory_space<hbm>>)
        tpu.yield
      }) : () -> ()
    } else {
    }
    %eq3A_173 = arith.constant 1 : i32
    %eq3A_174 = arith.cmpi eq, %arg0, %eq3A_173 : i32
    %convert_element_type3A_175 = arith.extui %eq3A_174 : i1 to i32
    %cond3A_176 = arith.constant 0 : i32
    %cond3A_177 = arith.cmpi ne, %convert_element_type3A_175, %cond3A_176 : i32
    scf.if %cond3A_177 {
      %add3A_178 = arith.constant 512 : i32
      %add3A_179 = arith.addi %mul3A_2, %add3A_178 : i32
      "tpu.region"() ({
        %run_scoped3A_180 = tpu.sem_alloc : memref<!tpu.dma_semaphore, #tpu.memory_space<semaphore_mem>>
        %dma_start3A_181 = arith.constant 0 : i32
        %dma_start3A_182 = tpu.memref_slice %arg5[%add3A_179, %dma_start3A_181] : memref<10240x64xf32, #tpu.memory_space<hbm>> -> memref<128x64xf32, #tpu.memory_space<hbm>>
        %dma_start3A_183 = arith.constant 0 : i32
        %dma_start3A_184 = tpu.memref_slice %arg5[%add3A_179, %dma_start3A_183] : memref<10240x64xf32, #tpu.memory_space<hbm>> -> memref<128x64xf32, #tpu.memory_space<hbm>>
        tpu.enqueue_dma source(%arg12 : memref<128x64xf32, #tpu.memory_space<vmem>>) target(%dma_start3A_184 : memref<128x64xf32, #tpu.memory_space<hbm>>) target_semaphore(%run_scoped3A_180 : memref<!tpu.dma_semaphore, #tpu.memory_space<semaphore_mem>>)
        %dma_wait3A_185 = arith.constant 0 : i32
        %dma_wait3A_186 = tpu.memref_slice %arg5[%add3A_179, %dma_wait3A_185] : memref<10240x64xf32, #tpu.memory_space<hbm>> -> memref<128x64xf32, #tpu.memory_space<hbm>>
        %dma_wait3A_187 = arith.constant 0 : i32
        %dma_wait3A_188 = tpu.memref_slice %arg5[%add3A_179, %dma_wait3A_187] : memref<10240x64xf32, #tpu.memory_space<hbm>> -> memref<128x64xf32, #tpu.memory_space<hbm>>
        tpu.wait_dma2 semaphore(%run_scoped3A_180 : memref<!tpu.dma_semaphore, #tpu.memory_space<semaphore_mem>>) src(%arg12 : memref<128x64xf32, #tpu.memory_space<vmem>>) dst(%dma_wait3A_188 : memref<128x64xf32, #tpu.memory_space<hbm>>)
        tpu.yield
      }) : () -> ()
    } else {
    }
    return
  }
}

module attributes {stable_mosaic.version = 14 : i64} {
  func.func @_xform_body(%arg0: i32, %arg1: memref<1000x128xf32, #tpu.memory_space<vmem>>, %arg2: memref<128x128xf32, #tpu.memory_space<vmem>>, %arg3: memref<1000x1xf32, #tpu.memory_space<vmem>>, %arg4: memref<1000x128xf32, #tpu.memory_space<vmem>>) attributes {dimension_semantics = [#tpu.dimension_semantics<arbitrary>], iteration_bounds = array<i64: 10>, scalar_prefetch = 0 : i64, scratch_operands = 0 : i64, tpu.core_type = #tpu.core_type<tc>, window_params = [{transform_indices = @transform_0, window_bounds = array<i64: 1000, 128>}, {pipeline_mode = #tpu.pipeline_mode<synchronous>, transform_indices = @transform_1, window_bounds = array<i64: 128, 128>}, {transform_indices = @transform_2, window_bounds = array<i64: 1000, 1>}, {transform_indices = @transform_3, window_bounds = array<i64: 1000, 128>}]} {
    %get3A = arith.constant 0 : index
    %get3A_0 = arith.constant 0 : index
    %get3A_1 = vector.load %arg1[%get3A, %get3A_0] : memref<1000x128xf32, #tpu.memory_space<vmem>>, vector<1000x128xf32>
    %get3A_2 = arith.constant 0 : index
    %get3A_3 = arith.constant 0 : index
    %get3A_4 = vector.load %arg2[%get3A_2, %get3A_3] : memref<128x128xf32, #tpu.memory_space<vmem>>, vector<128x128xf32>
    %dot_general3A = arith.constant dense<0.000000e+00> : vector<1000x128xf32>
    %dot_general3A_5 = tpu.matmul %get3A_1, %get3A_4, %dot_general3A {dimension_numbers = #tpu.dot_dimension_numbers<[1], [0], [0], [1], [0, 0, 1, 1], [], []>, transpose_lhs_hint = false} : vector<1000x128xf32>, vector<128x128xf32>, vector<1000x128xf32> -> vector<1000x128xf32>
    %get3A_6 = arith.constant 0 : index
    %get3A_7 = arith.constant 0 : index
    %get3A_8 = vector.load %arg3[%get3A_6, %get3A_7] : memref<1000x1xf32, #tpu.memory_space<vmem>>, vector<1000x1xf32>
    %mul3A = vector.broadcast %get3A_8 : vector<1000x1xf32> to vector<1000x128xf32>
    %mul3A_9 = arith.mulf %dot_general3A_5, %mul3A : vector<1000x128xf32>
    %swap3A = arith.constant 0 : index
    %swap3A_10 = arith.constant 0 : index
    %swap3A_11 = vector.load %arg4[%swap3A, %swap3A_10] : memref<1000x128xf32, #tpu.memory_space<vmem>>, vector<1000x128xf32>
    tpu.vector_store %arg4[%swap3A, %swap3A_10], %mul3A_9 {strides = array<i32>} : memref<1000x128xf32, #tpu.memory_space<vmem>>, vector<1000x128xf32>,
    return
  }
  func.func @transform_0(%arg0: i32) -> (i32, i32) {
    %c0_i32 = arith.constant 0 : i32
    %c0_i32_0 = arith.constant 0 : i32
    return %arg0, %c0_i32 : i32, i32
  }
  func.func @transform_1(%arg0: i32) -> (i32, i32) {
    %c0_i32 = arith.constant 0 : i32
    %c0_i32_0 = arith.constant 0 : i32
    %c0_i32_1 = arith.constant 0 : i32
    return %c0_i32, %c0_i32_0 : i32, i32
  }
  func.func @transform_2(%arg0: i32) -> (i32, i32) {
    %c0_i32 = arith.constant 0 : i32
    %c0_i32_0 = arith.constant 0 : i32
    return %arg0, %c0_i32 : i32, i32
  }
  func.func @transform_3(%arg0: i32) -> (i32, i32) {
    %c0_i32 = arith.constant 0 : i32
    %c0_i32_0 = arith.constant 0 : i32
    return %arg0, %c0_i32 : i32, i32
  }
}

module attributes {stable_mosaic.version = 14 : i64} {
  func.func @_combine_body(%arg0: i32, %arg1: memref<1000x64xf32, #tpu.memory_space<vmem>>, %arg2: memref<1000x64xf32, #tpu.memory_space<vmem>>, %arg3: memref<1000x64xf32, #tpu.memory_space<vmem>>, %arg4: memref<1000x64xf32, #tpu.memory_space<vmem>>, %arg5: memref<1000x128xf32, #tpu.memory_space<vmem>>, %arg6: memref<1000x1xf32, #tpu.memory_space<vmem>>, %arg7: memref<1x128xf32, #tpu.memory_space<vmem>>, %arg8: memref<1000x128xf32, #tpu.memory_space<vmem>>) attributes {dimension_semantics = [#tpu.dimension_semantics<arbitrary>], iteration_bounds = array<i64: 10>, scalar_prefetch = 0 : i64, scratch_operands = 0 : i64, tpu.core_type = #tpu.core_type<tc>, window_params = [{transform_indices = @transform_0, window_bounds = array<i64: 1000, 64>}, {transform_indices = @transform_1, window_bounds = array<i64: 1000, 64>}, {transform_indices = @transform_2, window_bounds = array<i64: 1000, 64>}, {transform_indices = @transform_3, window_bounds = array<i64: 1000, 64>}, {transform_indices = @transform_4, window_bounds = array<i64: 1000, 128>}, {transform_indices = @transform_5, window_bounds = array<i64: 1000, 1>}, {pipeline_mode = #tpu.pipeline_mode<synchronous>, transform_indices = @transform_6, window_bounds = array<i64: 1, 128>}, {transform_indices = @transform_7, window_bounds = array<i64: 1000, 128>}]} {
    %get3A = arith.constant 0 : index
    %get3A_0 = arith.constant 0 : index
    %get3A_1 = vector.load %arg6[%get3A, %get3A_0] : memref<1000x1xf32, #tpu.memory_space<vmem>>, vector<1000x1xf32>
    %get3A_2 = arith.constant 0 : index
    %get3A_3 = arith.constant 0 : index
    %get3A_4 = vector.load %arg7[%get3A_2, %get3A_3] : memref<1x128xf32, #tpu.memory_space<vmem>>, vector<1x128xf32>
    %get3A_5 = arith.constant 0 : index
    %get3A_6 = arith.constant 0 : index
    %get3A_7 = vector.load %arg5[%get3A_5, %get3A_6] : memref<1000x128xf32, #tpu.memory_space<vmem>>, vector<1000x128xf32>
    %get3A_8 = arith.constant 0 : index
    %get3A_9 = arith.constant 0 : index
    %get3A_10 = vector.load %arg1[%get3A_8, %get3A_9] : memref<1000x64xf32, #tpu.memory_space<vmem>>, vector<1000x64xf32>
    %get3A_11 = arith.constant 0 : index
    %get3A_12 = arith.constant 0 : index
    %get3A_13 = vector.load %arg2[%get3A_11, %get3A_12] : memref<1000x64xf32, #tpu.memory_space<vmem>>, vector<1000x64xf32>
    %add3A = arith.addf %get3A_10, %get3A_13 : vector<1000x64xf32>
    %slice3A = vector.extract_strided_slice %get3A_7 {offsets = [0, 0], sizes = [1000, 64], strides = [1, 1]} : vector<1000x128xf32> to vector<1000x64xf32>
    %add3A_14 = arith.addf %add3A, %slice3A : vector<1000x64xf32>
    %mul3A = vector.broadcast %get3A_1 : vector<1000x1xf32> to vector<1000x64xf32>
    %mul3A_15 = arith.mulf %mul3A, %add3A_14 : vector<1000x64xf32>
    %slice3A_16 = vector.extract_strided_slice %get3A_4 {offsets = [0, 0], sizes = [1, 64], strides = [1, 1]} : vector<1x128xf32> to vector<1x64xf32>
    %add3A_17 = vector.broadcast %slice3A_16 : vector<1x64xf32> to vector<1000x64xf32>
    %add3A_18 = arith.addf %mul3A_15, %add3A_17 : vector<1000x64xf32>
    %get3A_19 = arith.constant 0 : index
    %get3A_20 = arith.constant 0 : index
    %get3A_21 = vector.load %arg3[%get3A_19, %get3A_20] : memref<1000x64xf32, #tpu.memory_space<vmem>>, vector<1000x64xf32>
    %get3A_22 = arith.constant 0 : index
    %get3A_23 = arith.constant 0 : index
    %get3A_24 = vector.load %arg4[%get3A_22, %get3A_23] : memref<1000x64xf32, #tpu.memory_space<vmem>>, vector<1000x64xf32>
    %add3A_25 = arith.addf %get3A_21, %get3A_24 : vector<1000x64xf32>
    %slice3A_26 = vector.extract_strided_slice %get3A_7 {offsets = [0, 64], sizes = [1000, 64], strides = [1, 1]} : vector<1000x128xf32> to vector<1000x64xf32>
    %add3A_27 = arith.addf %add3A_25, %slice3A_26 : vector<1000x64xf32>
    %mul3A_28 = vector.broadcast %get3A_1 : vector<1000x1xf32> to vector<1000x64xf32>
    %mul3A_29 = arith.mulf %mul3A_28, %add3A_27 : vector<1000x64xf32>
    %slice3A_30 = vector.extract_strided_slice %get3A_4 {offsets = [0, 64], sizes = [1, 64], strides = [1, 1]} : vector<1x128xf32> to vector<1x64xf32>
    %add3A_31 = vector.broadcast %slice3A_30 : vector<1x64xf32> to vector<1000x64xf32>
    %add3A_32 = arith.addf %mul3A_29, %add3A_31 : vector<1000x64xf32>
    %concatenate3A = tpu.concatenate %add3A_18, %add3A_32 in 1 : vector<1000x64xf32>, vector<1000x64xf32> -> vector<1000x128xf32>
    %swap3A = arith.constant 0 : index
    %swap3A_33 = arith.constant 0 : index
    %swap3A_34 = vector.load %arg8[%swap3A, %swap3A_33] : memref<1000x128xf32, #tpu.memory_space<vmem>>, vector<1000x128xf32>
    tpu.vector_store %arg8[%swap3A, %swap3A_33], %concatenate3A {strides = array<i32>} : memref<1000x128xf32, #tpu.memory_space<vmem>>, vector<1000x128xf32>,
    return
  }
  func.func @transform_0(%arg0: i32) -> (i32, i32) {
    %c0_i32 = arith.constant 0 : i32
    %c0_i32_0 = arith.constant 0 : i32
    return %arg0, %c0_i32 : i32, i32
  }
  func.func @transform_1(%arg0: i32) -> (i32, i32) {
    %c0_i32 = arith.constant 0 : i32
    %c0_i32_0 = arith.constant 0 : i32
    return %arg0, %c0_i32 : i32, i32
  }
  func.func @transform_2(%arg0: i32) -> (i32, i32) {
    %c0_i32 = arith.constant 0 : i32
    %c0_i32_0 = arith.constant 0 : i32
    return %arg0, %c0_i32 : i32, i32
  }
  func.func @transform_3(%arg0: i32) -> (i32, i32) {
    %c0_i32 = arith.constant 0 : i32
    %c0_i32_0 = arith.constant 0 : i32
    return %arg0, %c0_i32 : i32, i32
  }
  func.func @transform_4(%arg0: i32) -> (i32, i32) {
    %c0_i32 = arith.constant 0 : i32
    %c0_i32_0 = arith.constant 0 : i32
    return %arg0, %c0_i32 : i32, i32
  }
  func.func @transform_5(%arg0: i32) -> (i32, i32) {
    %c0_i32 = arith.constant 0 : i32
    %c0_i32_0 = arith.constant 0 : i32
    return %arg0, %c0_i32 : i32, i32
  }
  func.func @transform_6(%arg0: i32) -> (i32, i32) {
    %c0_i32 = arith.constant 0 : i32
    %c0_i32_0 = arith.constant 0 : i32
    %c0_i32_1 = arith.constant 0 : i32
    return %c0_i32, %c0_i32_0 : i32, i32
  }
  func.func @transform_7(%arg0: i32) -> (i32, i32) {
    %c0_i32 = arith.constant 0 : i32
    %c0_i32_0 = arith.constant 0 : i32
    return %arg0, %c0_i32 : i32, i32
  }
}

</mosaic_0001>

<sc_bundles>
// kernel: kernel.11.cloned.1.call-start
scs
__scs_entry_jumppad:
0x0: {  	(pc) =	sbr.rel $0x88, $3  }
0x1: {  	(tag) =	ssettag $0x0;
	lr =	simm.s32 $0x1  }
0x2: {  	[smem:$0x3F9D] =	sst lr;
	_ =	strace $0xD0000000  }
0x3: {  	_ = 	snop  }
0x4: {  	_ = 	snop  }
0x5: {  	_ = 	snop  }
0x6: {  	_ = 	snop  }
0x7: {  	_ = 	snop  }
__scs_overlays_trampoline_lowered:
0x8: {  	[smem:$0x3FAC] =	sst s0  }
0x9: {  	[smem:$0x3FAD] =	sst s1  }
0xa: {  	[smem:$0x3FAE] =	sst s2  }
0xb: {  	[smem:$0x3FAF] =	sst s3  }
0xc: {  	[smem:$0x3FB0] =	sst s4  }
0xd: {  	[smem:$0x3FB1] =	sst s5  }
0xe: {  	[smem:$0x3FB2] =	sst s6  }
0xf: {  	[smem:$0x3FB3] =	sst s7  }
0x10: {  	[smem:$0x3FB4] =	sst s8  }
0x11: {  	[smem:$0x3FB5] =	sst s9;
	s0 =	simm.s32 @!p0 $0x0  }
0x12: {  	s1 =	sld [smem:$0x3F9B];
	s0 =	simm.s32 @p0 $0x1  }
0x13: {  	[smem:$0x3FB6] =	sst s0;
	s0 =	simm.s32 @!p1 $0x0  }
0x14: {  	s2 =	sld [smem:$0x3F9A];
	s0 =	simm.s32 @p1 $0x1  }
0x15: {  	[smem:$0x3FB7] =	sst s0;
	s0 =	simm.s32 @!p2 $0x0  }
0x16: {  	s3 =	sld [smem:$0x3FDB];
	s0 =	simm.s32 @p2 $0x1  }
0x17: {  	s4 =	simm.s32 $0x1BF5;
	[smem:$0x3FB9] =	sst s0  }
0x18: {  	s0 =	sld [smem:$0x3F9C];
	_ =	swait.ge [sflag:s4], $0x0  }
0x19: {  	s7 =	sld [smem:$0x3F9D]  }
0x1a: {  	s8 =	sadd.s32 $0xFFFFE003, lr  }
0x1b: {  	s9 =	sadd.s32 $0xFFFFFEF7, lr;
	s5 =	simm.s32 $0xFFFFFFFF;
	p2 =	slt.u32 s8, $0xFFFFF086  }
0x1c: {  	p1 =	slt.u32 s9, $0xF7A;
	s5 =	simm.s32 @!p2 $0x0  }
0x1d: {  	s5 =	simm.s32 @p1 $0x1;
	p0 =	seq.s32 s7, s2  }
0x1e: {  	s7 =	smul.u32 @!p0 $0xF7A, s2;
	p2 =	seq.s32 @!p0 s5, $0x0  }
0x1f: {  	s9 =	smul.u32 $0xF7A, s1;
	s8 =	simm.s32 @!p0 $0x1BF5;
	p2 =	por !p2, p0  }
0x20: {  	[sflag:s8] =	ssyncset.s32 @!p0 $0xFFFFF086;
	s6 =	sadd.s32 @!p0 s3, s7;
	s7 =	simm.s32 @!p0 $0x108  }
0x21: {  	s3 =	sadd.s32 s3, s9;
	s6 =	sadd.s32 @!p0 $0x88, s6;
	s7 =	simm.s32 @p2 $0x1082  }
0x22: {  	[simem:s7], [sflag:s8] =	dma.local @!p0 [hbm:s6], $0xF7A  }
0x23: {  	s9 =	sor.u32 $0xD0000000, s2;
	s6 =	simm.s32 $0x108;
	_ =	swait.ge @!p0 [sflag:s8], $0x0  }
0x24: {  	s3 =	sadd.s32 $0x88, s3;
	s6 =	simm.s32 @!p1 $0x1082;
	[sflag:s4] =	ssyncset.s32 $0xFFFFF086  }
0x25: {  	[simem:s6], [sflag:s4] =	dma.local [hbm:s3], $0xF7A  }
0x26: {  	[smem:$0x3F9D] =	sst s1;
	(tag) =	ssettag s2;
	_ =	strace s9  }
0x27: {  	s1 =	sld [smem:$0x3FAD]  }
0x28: {  	s2 =	sld [smem:$0x3FAE]  }
0x29: {  	s4 =	sld [smem:$0x3FB0]  }
0x2a: {  	p0 =	seq.s32 s5, $0x0;
	s5 =	sld [smem:$0x3FB1]  }
0x2b: {  	s6 =	sld [smem:$0x3FB2]  }
0x2c: {  	s7 =	sld [smem:$0x3FB3]  }
0x2d: {  	s3 =	simm.s32 $0x108;
	s8 =	sld [smem:$0x3FB4]  }
0x2e: {  	s3 =	simm.s32 @!p0 $0x1082;
	s9 =	sld [smem:$0x3FB5]  }
0x2f: {  	lr =	sadd.s32 s0, s3;
	s0 =	sld [smem:$0x3FAC]  }
0x30: {  	s3 =	sld [smem:$0x3FAF]  }
0x31: {  	[smem:$0x3FB8] =	sst s10  }
0x32: {  	s10 =	sld [smem:$0x3FB6];
	_ =	sdelay $0x3  }
0x33: {  	p0 =	seq.s32 s10, $0x1;
	s10 =	sld [smem:$0x3FB8];
	_ =	sdelay $0x3  }
0x34: {  	[smem:$0x3FB8] =	sst s10  }
0x35: {  	s10 =	sld [smem:$0x3FB7];
	_ =	sdelay $0x3  }
0x36: {  	p1 =	seq.s32 s10, $0x1;
	s10 =	sld [smem:$0x3FB8];
	_ =	sdelay $0x3  }
0x37: {  	[smem:$0x3FB8] =	sst s10  }
0x38: {  	s10 =	sld [smem:$0x3FB9]  }
0x39: {  	_ = 	snop;
	(pc) =	sbr.ind lr, $3  }
0x3a: {  	_ = 	snop  }
0x3b: {  	_ = 	snop  }
0x3c: {  	p2 =	seq.s32 s10, $0x1;
	s10 =	sld [smem:$0x3FB8]  }
0x3d: {  	_ =	shalt  }
0x3e: {  	_ =	shalt  }
0x3f: {  	_ =	shalt  }
0x40: {  	_ =	shalt  }
0x41: {  	_ =	shalt  }
0x42: {  	_ =	shalt  }
0x43: {  	_ =	shalt  }
0x44: {  	_ =	shalt  }
0x45: {  	_ =	shalt  }
0x46: {  	_ =	shalt  }
0x47: {  	_ =	shalt  }
0x48: {  	_ =	shalt  }
0x49: {  	_ =	shalt  }
0x4a: {  	_ =	shalt  }
0x4b: {  	_ =	shalt  }
0x4c: {  	_ =	shalt  }
0x4d: {  	_ =	shalt  }
0x4e: {  	_ =	shalt  }
0x4f: {  	_ =	shalt  }
0x50: {  	_ =	shalt  }
0x51: {  	_ =	shalt  }
0x52: {  	_ =	shalt  }
0x53: {  	_ =	shalt  }
0x54: {  	_ =	shalt  }
0x55: {  	_ =	shalt  }
0x56: {  	_ =	shalt  }
0x57: {  	_ =	shalt  }
0x58: {  	_ =	shalt  }
0x59: {  	_ =	shalt  }
0x5a: {  	_ =	shalt  }
0x5b: {  	_ =	shalt  }
0x5c: {  	_ =	shalt  }
0x5d: {  	_ =	shalt  }
0x5e: {  	_ =	shalt  }
0x5f: {  	_ =	shalt  }
0x60: {  	_ =	shalt  }
0x61: {  	_ =	shalt  }
0x62: {  	_ =	shalt  }
0x63: {  	_ =	shalt  }
0x64: {  	_ =	shalt  }
0x65: {  	_ =	shalt  }
0x66: {  	_ =	shalt  }
0x67: {  	_ =	shalt  }
0x68: {  	_ =	shalt  }
0x69: {  	_ =	shalt  }
0x6a: {  	_ =	shalt  }
0x6b: {  	_ =	shalt  }
0x6c: {  	_ =	shalt  }
0x6d: {  	_ =	shalt  }
0x6e: {  	_ =	shalt  }
0x6f: {  	_ =	shalt  }
0x70: {  	_ =	shalt  }
0x71: {  	_ =	shalt  }
0x72: {  	_ =	shalt  }
0x73: {  	_ =	shalt  }
0x74: {  	_ =	shalt  }
0x75: {  	_ =	shalt  }
0x76: {  	_ =	shalt  }
0x77: {  	_ =	shalt  }
0x78: {  	_ =	shalt  }
0x79: {  	_ =	shalt  }
0x7a: {  	_ =	shalt  }
0x7b: {  	_ =	shalt  }
0x7c: {  	_ =	shalt  }
0x7d: {  	_ =	shalt  }
0x7e: {  	_ =	shalt  }
0x7f: {  	_ =	shalt  }
0x80: {  	_ =	shalt  }
0x81: {  	_ =	shalt  }
0x82: {  	_ =	shalt  }
0x83: {  	_ =	shalt  }
0x84: {  	_ =	shalt  }
0x85: {  	_ =	shalt  }
0x86: {  	_ =	shalt  }
0x87: {  	_ =	shalt  }
.Lfunc_end0:
.L_simem_size_0:
called_computation.1_lowered:
.L_overlay_start_0:
0x88: {  	s2 =	sld [smem:$0x3FD9]  }
0x89: {  	s3 =	sld [smem:$0x3FFE];
	_ =	sdelay $0x1  }
0x8a: {  	s1 =	srdreg.scid  }
0x8b: {  	s0 =	sand.u32 $0x1, s1  }
0x8c: {  	s17 =	sshll.u32 s0, $0xA;
	s2 =	sadd.s32 s3, s2  }
0x8d: {  	s2 =	sadd.s32 s2, s17  }
0x8e: {  	[smem:$0x3FC4] =	sst s2  }
0x8f: {  	_ = 	snop  }
0x90: {  	s2 =	sld [smem:$0x3FD0];
	(tm) =	ssettm $0x1  }
0x91: {  	s18 =	sld [smem:$0x3FFB];
	_ =	sdelay $0x3  }
0x92: {  	_ =	strace s18  }
0x93: {  	s3 =	sld [smem:$0x3FFC];
	_ =	sdelay $0x3  }
0x94: {  	_ =	strace s3  }
0x95: {  	s3 =	sld [smem:$0x3FFD];
	_ =	sdelay $0x3  }
0x96: {  	_ =	strace s3  }
0x97: {  	_ =	strace $0x8FFFFFFF  }
0x98: {  	s19 =	sld [smem:$0x3FDB];
	_ =	sdelay $0x1  }
0x99: {  	s4 =	simm.s32 $_scs_section_size  }
0x9a: {  	s5 =	simm.s32 $_size__tile_overlayer_lowered;
	s6 =	simm.s32 $_tile_overlayer_lowered  }
0x9b: {  	s22 =	simm.s32 $0x1BFF;
	s21 =	sshll.u32 s6, $0x1;
	s3 =	sadd.s32 s4, s19  }
0x9c: {  	s7 =	simm.s32 $0x0;
	s20 =	sshll.u32 s5, $0x1;
	s5 =	sadd.s32 s21, s3  }
0x9d: {  	[timem:s7], [sflag:s22] =	dma.local [hbm:s5], s20  }
0x9e: {  	_ =	swait.ge [sflag:s22], s20  }
0x9f: {  	s4 =	ssub.s32 $0x0, s20;
	[sflag:s22] =	ssyncset.done $0x0  }
0xa0: {  	[sflag:s22] =	ssyncadd.s32 s4;
	_ =	sdelay $0x1  }
0xa1: {  	s23 =	simm.s32 $0x1B8B  }
0xa2: {  	_ =	swait.ge [sflag:s23], $0x1  }
0xa3: {  	[sflag:s23] =	ssyncset.done $0x0  }
0xa4: {  	s25 =	simm.s32 $0x1B8E;
	s24 =	sld [smem:$0x3FFE];
	[sflag:s23] =	ssyncadd.s32 $0xFFFFFFFF  }
0xa5: {  	s26 =	simm.s32 $execute0_lowered;
	[smem:$0x3FD2] =	sst s25  }
0xa6: {  	s5 =	sshll.u32 s26, $0x1;
	_ =	strace $0x80000049;
	[dreg:$0x1] =	wrdreg $0xFFFFFFFF  }
0xa7: {  	s28 =	simm.s32 $_size_execute0_lowered;
	s3 =	sadd.s32 s3, s5;
	[dreg:$0x0] =	wrdreg $0x0  }
0xa8: {  	s5 =	sshll.u32 s28, $0x1;
	[dreg:$0x2] =	wrdreg s3  }
0xa9: {  	[dreg:$0x3] =	wrdreg s5  }
0xaa: {  	[dreg:$0x4] =	wrdreg $0xC0  }
0xab: {  	_ =	task [dreg:s7], $0x5FFFF  }
0xac: {  	[dreg:$0x1] =	wrdreg $0xFFFFFFFF  }
0xad: {  	[dreg:$0x0] =	wrdreg $0x60  }
0xae: {  	[dreg:$0x2] =	wrdreg s2  }
0xaf: {  	[dreg:$0x3] =	wrdreg s24  }
0xb0: {  	[dreg:$0x4] =	wrdreg $0x9  }
0xb1: {  	_ =	task.clear_ibuf [dreg:s7], $0x5FFFF;
	_ =	strace $0x90000049  }
0xb2: {  	s29 =	simm.s32 $0x9;
	_ =	strace $0x8000004B  }
0xb3: {  	_ =	swait.ge [sflag:s29], $0x1  }
0xb4: {  	[sflag:s29] =	ssyncadd.s32 $0xFFFFFFFF  }
0xb5: {  	_ =	strace $0x9000004B  }
0xb6: {  	_ =	sfence  }
0xb7: {  	s30 =	sld [smem:$0x0];
	_ =	sdelay $0x2  }
0xb8: {  	s31 =	sshll.u32 s1, $0xD;
	s1 =	sshrl.u32 s1, $0x2  }
0xb9: {  	s3 =	sand.u32 $0x4000, s31;
	s1 =	sadd.s32 s1, s30  }
0xba: {  	s0 =	sor.u32 s3, s0;
	s1 =	sshll.u32 s1, $0x11  }
0xbb: {  	s0 =	sor.u32 s1, s0  }
0xbc: {  	s0 =	sadd.s32 $0x8F2B, s0  }
0xbd: {  	[sflag:s0] =	ssyncadd.remote.s32 $0x1  }
0xbe: {  	_ =	sfence.sel $0xFFFF  }
0xbf: {  	[dreg:$0x0] =	wrdreg $0xFFFFFFFF;
	(pc) =	sbr.abs _section_cstart, $3  }
0xc0: {  	[dreg:$0x1] =	wrdreg $0xFFFFFFFF  }
0xc1: {  	_ =	task.clear_ibuf [dreg:s7], $0x2FFFF;
	_ =	strace $0x9FFFFFFF  }
0xc2: {  	(tm) =	ssettm $0x7FFFFFFF  }
0xc3: {  	_ =	shalt  }
tec
execute0_lowered:
.L_overlay_start_1:
0x0: {  	(tag) =	ssettag $0x1  }
0x1: {  	s1 =	srdreg.scid;
	s0 =	stileid.u32  }
0x2: {  	s3 =	rddreg [dreg:$0x0];
	s4 =	sand.u32 $0x1, s1;
	s30 =	sshll.u32 s0, $0x1  }
0x3: {  	s5 =	rddreg [dreg:$0x1];
	s2 =	simm.s32 $0x0;
	s6 =	sor.u32 s4, s30  }
0x4: {  	s1 =	rddreg [dreg:$0x2];
	s4 =	ssub.s32 $0x2, s4;
	s6 =	smul.u32 $0x140, s6  }
0x5: {  	s8 =	simm.s32 $0x140;
	[smem:$0x7FF] =	sst s2;
	s7 =	sshrl.u32 s4, $0x1  }
0x6: {  	_ =	strace $0x8000004A;
	s31 =	ssub.s32 s4, s7;
	s6 =	sshrl.u32 s6, $0x3  }
0x7: {  	s7 =	simm.s32 $0x1;
	s5 =	sadd.s32 s6, s5;
	s3 =	sadd.s32 s3, s6  }
0x8: {  	s6 =	smax.u32 s31, $0x1;
	s4 =	sadd.s32 $0x500, s3;
	s5 =	sadd.s32 $0x16600, s5  }
.LBB2_1:
0x9: {  	[tilespmem:s2], [sflag:$0x1] =	stream.linear.gather [hbm4b:s3+s2], $0x140, $0x38;
	[tilespmem:$0x280] =	vst v63  }
0xa: {  	_ =	swait.ge [sflag:s7], $0x140  }
0xb: {  	[sflag:s7] =	ssyncset.done $0x0  }
0xc: {  	[sflag:s7] =	ssyncadd.s32 $0xFFFFFEC0  }
0xd: {  	[tilespmem:s8], [sflag:$0x1] =	stream.linear.gather [hbm4b:s4+s2], $0x140, $0x38;
	[tilespmem:$0x280] =	vst v63  }
0xe: {  	_ =	swait.ge [sflag:s7], $0x140  }
0xf: {  	[sflag:s7] =	ssyncset.done $0x0  }
0x10: {  	[sflag:s7] =	ssyncadd.s32 $0xFFFFFEC0  }
0x11: {  	v0 =	vld [tilespmem:$0x0]  }
0x12: {  	v1 =	vld [tilespmem:$0x140]  }
0x13: {  	v42 =	vld [tilespmem:$0x10]  }
0x14: {  	v2 =	vld [tilespmem:$0x150]  }
0x15: {  	v5 =	vld [tilespmem:$0x20]  }
0x16: {  	v43 =	vld [tilespmem:$0x160]  }
0x17: {  	v6 =	vld [tilespmem:$0x30];
	v0 =	vadd.f32 v1, v0  }
0x18: {  	v7 =	vld [tilespmem:$0x170]  }
0x19: {  	v9 =	vld [tilespmem:$0x40];
	v0 =	vadd.f32 $1.000000000e+00, v0  }
0x1a: {  	v10 =	vld [tilespmem:$0x180]  }
0x1b: {  	v3 =	vshra.s32 v0, $0x1;
	v0 =	vmul.f32 $-5.000000000e-01, v0  }
0x1c: {  	v17 =	vld [tilespmem:$0x80];
	v1 =	vadd.f32 v2, v42;
	v2 =	vadd.f32 v43, v5;
	v3 =	vsub.s32 $0x5F3759DF, v3  }
0x1d: {  	v19 =	vld [tilespmem:$0x1C0];
	v4 =	vmul.f32 v3, v0  }
0x1e: {  	v2 =	vadd.f32 $1.000000000e+00, v2  }
0x1f: {  	v13 =	vld [tilespmem:$0x50];
	v6 =	vadd.f32 v7, v6;
	v48 =	vadd.f32 v10, v9;
	v4 =	vmul.f32 v3, v4  }
0x20: {  	v62 =	vld [tilespmem:$0x60];
	v1 =	vadd.f32 $1.000000000e+00, v1;
	v11 =	vshra.s32 v2, $0x1;
	v2 =	vmul.f32 $-5.000000000e-01, v2  }
0x21: {  	v63 =	vld [tilespmem:$0x1A0];
	v6 =	vadd.f32 $1.000000000e+00, v6;
	v47 =	vsub.s32 $0x5F3759DF, v11;
	v4 =	vadd.f32 $1.500000000e+00, v4  }
0x22: {  	v55 =	vld [tilespmem:$0x190];
	v28 =	vadd.f32 v19, v17;
	v44 =	vshra.s32 v1, $0x1;
	v11 =	vmul.f32 v47, v2  }
0x23: {  	v1 =	vmul.f32 $-5.000000000e-01, v1;
	v50 =	vshra.s32 v6, $0x1;
	v3 =	vmul.f32 v3, v4  }
0x24: {  	v6 =	vmul.f32 $-5.000000000e-01, v6;
	v49 =	vmul.f32 v47, v11;
	v4 =	vsub.s32 $0x5F3759DF, v44  }
0x25: {  	v9 =	vsub.s32 $0x5F3759DF, v50;
	v8 =	vmul.f32 v4, v1;
	v45 =	vmul.f32 v3, v0  }
0x26: {  	v52 =	vmul.f32 v9, v6;
	v11 =	vadd.f32 v63, v62;
	v7 =	vadd.f32 $1.500000000e+00, v49  }
0x27: {  	v59 =	vadd.f32 v55, v13;
	v8 =	vmul.f32 v4, v8;
	v5 =	vmul.f32 v45, v3  }
0x28: {  	v27 =	vadd.f32 $1.000000000e+00, v11;
	v11 =	vadd.f32 $1.000000000e+00, v28;
	v7 =	vmul.f32 v47, v7  }
0x29: {  	v53 =	vmul.f32 v9, v52;
	v46 =	vadd.f32 $1.500000000e+00, v8;
	v5 =	vadd.f32 $1.500000000e+00, v5  }
0x2a: {  	v30 =	vmul.f32 $-5.000000000e-01, v27;
	v32 =	vshra.s32 v11, $0x1;
	v15 =	vmul.f32 v7, v2  }
0x2b: {  	v4 =	vmul.f32 v4, v46;
	v3 =	vmul.f32 v5, v3;
	v5 =	vadd.f32 $1.000000000e+00, v48  }
0x2c: {  	v11 =	vmul.f32 $-5.000000000e-01, v11;
	v57 =	vmul.f32 v15, v7;
	v8 =	vadd.f32 $1.500000000e+00, v53  }
0x2d: {  	v51 =	vmul.f32 v4, v1;
	v12 =	vshra.s32 v5, $0x1;
	v5 =	vmul.f32 $-5.000000000e-01, v5  }
0x2e: {  	v8 =	vmul.f32 v9, v8;
	v0 =	vmul.f32 v3, v0;
	v54 =	vsub.s32 $0x5F3759DF, v12  }
0x2f: {  	v29 =	vshra.s32 v27, $0x1;
	v10 =	vmul.f32 v51, v4;
	v14 =	vmul.f32 v54, v5  }
0x30: {  	v60 =	vadd.f32 $1.500000000e+00, v57;
	v61 =	vmul.f32 v8, v6;
	v0 =	vmul.f32 v0, v3  }
0x31: {  	v12 =	vsub.s32 $0x5F3759DF, v29;
	v10 =	vadd.f32 $1.500000000e+00, v10;
	v56 =	vmul.f32 v54, v14  }
0x32: {  	v20 =	vmul.f32 v61, v8;
	v33 =	vmul.f32 v12, v30;
	v0 =	vadd.f32 $1.500000000e+00, v0  }
0x33: {  	v4 =	vmul.f32 v10, v4;
	v10 =	vadd.f32 $1.000000000e+00, v59;
	v58 =	vadd.f32 $1.500000000e+00, v56  }
0x34: {  	v21 =	vld [tilespmem:$0x70];
	v0 =	vmul.f32 v0, v3;
	v3 =	vmul.f32 v60, v7;
	v7 =	vadd.f32 $1.500000000e+00, v20  }
0x35: {  	v16 =	vld [tilespmem:$0x1B0];
	v1 =	vmul.f32 v4, v1;
	v23 =	vshra.s32 v10, $0x1;
	v10 =	vmul.f32 $-5.000000000e-01, v10  }
0x36: {  	v9 =	vmul.f32 v54, v58;
	v2 =	vmul.f32 v3, v2  }
0x37: {  	v15 =	vsub.s32 $0x5F3759DF, v23;
	v7 =	vmul.f32 v7, v8;
	v1 =	vmul.f32 v1, v4  }
0x38: {  	v18 =	vmul.f32 v15, v10;
	v22 =	vmul.f32 v9, v5  }
0x39: {  	v35 =	vld [tilespmem:$0x90];
	v2 =	vmul.f32 v2, v3;
	v6 =	vmul.f32 v7, v6;
	v1 =	vadd.f32 $1.500000000e+00, v1  }
0x3a: {  	v37 =	vld [tilespmem:$0x1D0];
	v26 =	vadd.f32 v16, v21;
	v25 =	vmul.f32 v15, v18;
	v14 =	vmul.f32 v22, v9  }
0x3b: {  	v2 =	vadd.f32 $1.500000000e+00, v2;
	v6 =	vmul.f32 v6, v7;
	v1 =	vmul.f32 v1, v4  }
0x3c: {  	v8 =	vadd.f32 $1.500000000e+00, v25;
	v24 =	vadd.f32 $1.500000000e+00, v14;
	v14 =	vsub.s32 $0x5F3759DF, v32  }
0x3d: {  	v2 =	vmul.f32 v2, v3;
	v36 =	vmul.f32 v14, v11  }
0x3e: {  	v8 =	vmul.f32 v15, v8;
	v4 =	vmul.f32 v24, v9;
	v9 =	vadd.f32 $1.000000000e+00, v26  }
0x3f: {  	v41 =	vadd.f32 v37, v35;
	v15 =	vmul.f32 v12, v33;
	v18 =	vmul.f32 v14, v36  }
0x40: {  	v20 =	vmul.f32 v8, v10;
	v31 =	vshra.s32 v9, $0x1;
	v9 =	vmul.f32 $-5.000000000e-01, v9  }
0x41: {  	v5 =	vmul.f32 v4, v5;
	v34 =	vsub.s32 $0x5F3759DF, v31;
	v18 =	vadd.f32 $1.500000000e+00, v18  }
0x42: {  	v6 =	vadd.f32 $1.500000000e+00, v6;
	v38 =	vmul.f32 v20, v8;
	v3 =	vmul.f32 v34, v9  }
0x43: {  	v39 =	vadd.f32 $1.500000000e+00, v15;
	v5 =	vmul.f32 v5, v4;
	v14 =	vmul.f32 v14, v18  }
0x44: {  	v21 =	vmul.f32 v34, v3;
	v3 =	vmul.f32 v6, v7;
	v6 =	vadd.f32 $1.500000000e+00, v38  }
0x45: {  	v7 =	vmul.f32 v12, v39;
	v12 =	vadd.f32 $1.000000000e+00, v41;
	v5 =	vadd.f32 $1.500000000e+00, v5  }
0x46: {  	v50 =	vld [tilespmem:$0xB0];
	v43 =	vmul.f32 v14, v11;
	v40 =	vadd.f32 $1.500000000e+00, v21;
	v6 =	vmul.f32 v6, v8  }
0x47: {  	v49 =	vld [tilespmem:$0x1E0];
	v42 =	vmul.f32 v7, v30;
	v44 =	vshra.s32 v12, $0x1;
	v12 =	vmul.f32 $-5.000000000e-01, v12  }
0x48: {  	v51 =	vld [tilespmem:$0x1F0];
	v17 =	vmul.f32 v43, v14;
	v18 =	vsub.s32 $0x5F3759DF, v44;
	v15 =	vmul.f32 v34, v40  }
0x49: {  	v48 =	vld [tilespmem:$0xA0];
	v8 =	vmul.f32 v42, v7;
	v46 =	vmul.f32 v18, v12  }
0x4a: {  	v4 =	vmul.f32 v5, v4;
	v10 =	vmul.f32 v6, v10;
	v17 =	vadd.f32 $1.500000000e+00, v17  }
0x4b: {  	v56 =	vld [tilespmem:$0x200];
	v16 =	vmul.f32 v15, v9;
	v45 =	vadd.f32 $1.500000000e+00, v8;
	v47 =	vmul.f32 v18, v46  }
0x4c: {  	v54 =	vld [tilespmem:$0xC0];
	v10 =	vmul.f32 v10, v6;
	v14 =	vmul.f32 v17, v14  }
0x4d: {  	v60 =	vadd.f32 v51, v50;
	v16 =	vmul.f32 v16, v15;
	v5 =	vmul.f32 v45, v7  }
0x4e: {  	v8 =	vadd.f32 v49, v48;
	v7 =	vadd.f32 $1.500000000e+00, v47;
	v11 =	vmul.f32 v14, v11  }
0x4f: {  	v52 =	vadd.f32 $1.500000000e+00, v10;
	v16 =	vadd.f32 $1.500000000e+00, v16;
	v13 =	vmul.f32 v5, v30  }
0x50: {  	v61 =	vld [tilespmem:$0x210];
	v58 =	vadd.f32 $1.000000000e+00, v8;
	v18 =	vmul.f32 v18, v7;
	v53 =	vmul.f32 v11, v14  }
0x51: {  	v59 =	vld [tilespmem:$0xD0];
	v11 =	vadd.f32 v56, v54;
	v15 =	vmul.f32 v16, v15;
	v13 =	vmul.f32 v13, v5  }
0x52: {  	v7 =	vmul.f32 v52, v6;
	v62 =	vshra.s32 v58, $0x1;
	v55 =	vmul.f32 v18, v12  }
0x53: {  	v11 =	vadd.f32 $1.000000000e+00, v11;
	v9 =	vmul.f32 v15, v9;
	v13 =	vadd.f32 $1.500000000e+00, v13  }
0x54: {  	v63 =	vmul.f32 $-5.000000000e-01, v58;
	v10 =	vadd.f32 $1.500000000e+00, v53;
	v57 =	vmul.f32 v55, v18  }
0x55: {  	v29 =	vshra.s32 v11, $0x1;
	v9 =	vmul.f32 v9, v15;
	v6 =	vmul.f32 v13, v5  }
0x56: {  	v5 =	vmul.f32 v10, v14;
	v14 =	vsub.s32 $0x5F3759DF, v62;
	v10 =	vadd.f32 v61, v59  }
0x57: {  	v11 =	vmul.f32 $-5.000000000e-01, v11;
	v26 =	vmul.f32 v14, v63;
	v9 =	vadd.f32 $1.500000000e+00, v9  }
0x58: {  	v13 =	vadd.f32 $1.500000000e+00, v57;
	v19 =	vsub.s32 $0x5F3759DF, v29;
	v10 =	vadd.f32 $1.000000000e+00, v10  }
0x59: {  	v16 =	vmul.f32 v14, v26;
	v8 =	vmul.f32 v9, v15;
	v9 =	vadd.f32 $1.000000000e+00, v60  }
0x5a: {  	v30 =	vmul.f32 v19, v11;
	v13 =	vmul.f32 v13, v18;
	v31 =	vshra.s32 v10, $0x1  }
0x5b: {  	v51 =	vld [tilespmem:$0x110];
	v16 =	vadd.f32 $1.500000000e+00, v16;
	v27 =	vshra.s32 v9, $0x1;
	v9 =	vmul.f32 $-5.000000000e-01, v9  }
0x5c: {  	v25 =	vld [tilespmem:$0x250];
	v10 =	vmul.f32 $-5.000000000e-01, v10;
	v12 =	vmul.f32 v13, v12;
	v17 =	vsub.s32 $0x5F3759DF, v27  }
0x5d: {  	v14 =	vmul.f32 v14, v16;
	v16 =	vsub.s32 $0x5F3759DF, v31;
	v28 =	vmul.f32 v17, v9  }
0x5e: {  	v37 =	vld [tilespmem:$0x220];
	v12 =	vmul.f32 v12, v13;
	v22 =	vmul.f32 v16, v10  }
0x5f: {  	v36 =	vld [tilespmem:$0xE0];
	v32 =	vmul.f32 v14, v63;
	v18 =	vmul.f32 v17, v28  }
0x60: {  	v43 =	vld [tilespmem:$0xF0];
	v20 =	vmul.f32 v19, v30;
	v12 =	vadd.f32 $1.500000000e+00, v12;
	v35 =	vmul.f32 v16, v22  }
0x61: {  	v45 =	vld [tilespmem:$0x230];
	v22 =	vadd.f32 v25, v51;
	v34 =	vmul.f32 v32, v14;
	v18 =	vadd.f32 $1.500000000e+00, v18  }
0x62: {  	v33 =	vadd.f32 $1.500000000e+00, v20;
	v12 =	vmul.f32 v12, v13;
	v21 =	vadd.f32 $1.500000000e+00, v35  }
0x63: {  	v22 =	vadd.f32 $1.000000000e+00, v22;
	v20 =	vadd.f32 $1.500000000e+00, v34;
	v17 =	vmul.f32 v17, v18  }
0x64: {  	v55 =	vld [tilespmem:$0x130];
	v18 =	vmul.f32 v19, v33;
	v16 =	vmul.f32 v16, v21;
	v19 =	vadd.f32 v37, v36  }
0x65: {  	v57 =	vld [tilespmem:$0x270];
	v62 =	vshra.s32 v22, $0x1;
	v22 =	vmul.f32 $-5.000000000e-01, v22;
	v14 =	vmul.f32 v20, v14  }
0x66: {  	v20 =	vadd.f32 v45, v43;
	v23 =	vmul.f32 v17, v9;
	v24 =	vmul.f32 v18, v11  }
0x67: {  	v50 =	vld [tilespmem:$0x240];
	v40 =	vmul.f32 v16, v10;
	v19 =	vadd.f32 $1.000000000e+00, v19;
	v15 =	vmul.f32 v14, v63  }
0x68: {  	v48 =	vld [tilespmem:$0x100];
	v52 =	vadd.f32 $1.000000000e+00, v20;
	v23 =	vmul.f32 v23, v17;
	v39 =	vmul.f32 v24, v18  }
0x69: {  	v44 =	vmul.f32 v40, v16;
	v47 =	vshra.s32 v19, $0x1;
	v19 =	vmul.f32 $-5.000000000e-01, v19  }
0x6a: {  	v24 =	vadd.f32 v57, v55;
	v15 =	vmul.f32 v15, v14;
	v21 =	vsub.s32 $0x5F3759DF, v47  }
0x6b: {  	v26 =	vshra.s32 v52, $0x1;
	v13 =	vmul.f32 $-5.000000000e-01, v52;
	v38 =	vadd.f32 $1.500000000e+00, v23  }
0x6c: {  	v54 =	vld [tilespmem:$0x260];
	v42 =	vadd.f32 $1.500000000e+00, v39;
	v46 =	vadd.f32 $1.500000000e+00, v44;
	v49 =	vmul.f32 v21, v19  }
0x6d: {  	v53 =	vld [tilespmem:$0x120];
	v23 =	vadd.f32 v50, v48;
	v56 =	vsub.s32 $0x5F3759DF, v26;
	v26 =	vsub.s32 $0x5F3759DF, v62  }
0x6e: {  	v24 =	vadd.f32 $1.000000000e+00, v24;
	v58 =	vmul.f32 v56, v13;
	v27 =	vmul.f32 v26, v22  }
0x6f: {  	v15 =	vadd.f32 $1.500000000e+00, v15;
	v41 =	vmul.f32 v38, v17;
	v17 =	vmul.f32 v42, v18  }
0x70: {  	v16 =	vmul.f32 v46, v16;
	v18 =	vmul.f32 v21, v49;
	v23 =	vadd.f32 $1.000000000e+00, v23  }
0x71: {  	v29 =	vshra.s32 v24, $0x1;
	v24 =	vmul.f32 $-5.000000000e-01, v24;
	v14 =	vmul.f32 v15, v14  }
0x72: {  	v15 =	vadd.f32 v54, v53;
	v27 =	vmul.f32 v26, v27;
	v9 =	vmul.f32 v41, v9  }
0x73: {  	v29 =	vsub.s32 $0x5F3759DF, v29;
	v11 =	vmul.f32 v17, v11;
	v10 =	vmul.f32 v16, v10  }
0x74: {  	v18 =	vadd.f32 $1.500000000e+00, v18;
	v60 =	vshra.s32 v23, $0x1;
	v23 =	vmul.f32 $-5.000000000e-01, v23  }
0x75: {  	v63 =	vmul.f32 v29, v24;
	v25 =	vsub.s32 $0x5F3759DF, v60;
	v9 =	vmul.f32 v9, v41  }
0x76: {  	v15 =	vadd.f32 $1.000000000e+00, v15;
	v11 =	vmul.f32 v11, v17;
	v10 =	vmul.f32 v10, v16  }
0x77: {  	v27 =	vadd.f32 $1.500000000e+00, v27;
	v18 =	vmul.f32 v21, v18;
	v61 =	vmul.f32 v25, v23  }
0x78: {  	v21 =	vmul.f32 v29, v63;
	v28 =	vshra.s32 v15, $0x1;
	v15 =	vmul.f32 $-5.000000000e-01, v15  }
0x79: {  	v32 =	vmul.f32 v26, v27;
	v9 =	vadd.f32 $1.500000000e+00, v9;
	v11 =	vadd.f32 $1.500000000e+00, v11  }
0x7a: {  	v59 =	vmul.f32 v18, v19;
	v20 =	vmul.f32 v25, v61;
	v28 =	vsub.s32 $0x5F3759DF, v28  }
0x7b: {  	v10 =	vadd.f32 $1.500000000e+00, v10;
	v30 =	vmul.f32 v28, v15;
	v36 =	vmul.f32 v32, v22  }
0x7c: {  	v21 =	vadd.f32 $1.500000000e+00, v21;
	v9 =	vmul.f32 v9, v41;
	v11 =	vmul.f32 v11, v17  }
0x7d: {  	v10 =	vmul.f32 v10, v16;
	v17 =	vmul.f32 v56, v58  }
0x7e: {  	v20 =	vadd.f32 $1.500000000e+00, v20;
	v16 =	vmul.f32 v59, v18;
	v21 =	vmul.f32 v29, v21  }
0x7f: {  	v30 =	vmul.f32 v28, v30;
	v39 =	vmul.f32 v36, v32;
	v17 =	vadd.f32 $1.500000000e+00, v17  }
0x80: {  	v20 =	vmul.f32 v25, v20;
	v40 =	vmul.f32 v21, v24  }
0x81: {  	v41 =	vadd.f32 $1.500000000e+00, v16;
	v33 =	vadd.f32 $1.500000000e+00, v30;
	v17 =	vmul.f32 v56, v17  }
0x82: {  	[tilespmem:$0x10] =	vst v1;
	v1 =	vadd.f32 $1.500000000e+00, v39;
	v35 =	vmul.f32 v20, v23;
	v44 =	vmul.f32 v40, v21  }
0x83: {  	[tilespmem:$0x20] =	vst v2;
	v2 =	vmul.f32 v41, v18;
	v26 =	vmul.f32 v28, v33  }
0x84: {  	[tilespmem:$0x0] =	vst v0;
	v1 =	vmul.f32 v1, v32;
	v31 =	vmul.f32 v17, v13  }
0x85: {  	[tilespmem:$0x30] =	vst v3;
	v37 =	vmul.f32 v35, v20;
	v38 =	vmul.f32 v26, v15  }
0x86: {  	[tilespmem:$0x40] =	vst v4;
	v3 =	vadd.f32 $1.500000000e+00, v44;
	v48 =	vmul.f32 v2, v19;
	v34 =	vmul.f32 v31, v17  }
0x87: {  	[tilespmem:$0x50] =	vst v7;
	v52 =	vmul.f32 v1, v22;
	v0 =	vadd.f32 $1.500000000e+00, v37;
	v43 =	vmul.f32 v38, v26  }
0x88: {  	[tilespmem:$0x60] =	vst v6;
	v3 =	vmul.f32 v3, v21;
	v50 =	vmul.f32 v48, v2;
	v42 =	vadd.f32 $1.500000000e+00, v34  }
0x89: {  	[tilespmem:$0x80] =	vst v5;
	v54 =	vmul.f32 v52, v1;
	v0 =	vmul.f32 v0, v20;
	v46 =	vadd.f32 $1.500000000e+00, v43  }
0x8a: {  	[tilespmem:$0x70] =	vst v8;
	v55 =	vmul.f32 v3, v24;
	v45 =	vmul.f32 v42, v17  }
0x8b: {  	[tilespmem:$0x90] =	vst v12;
	v51 =	vmul.f32 v0, v23;
	v47 =	vmul.f32 v46, v26  }
0x8c: {  	[tilespmem:$0xA0] =	vst v14;
	v5 =	vadd.f32 $1.500000000e+00, v50;
	v59 =	vmul.f32 v55, v3;
	v49 =	vmul.f32 v45, v13  }
0x8d: {  	[tilespmem:$0xB0] =	vst v9;
	v58 =	vadd.f32 $1.500000000e+00, v54;
	v7 =	vmul.f32 v51, v0;
	v53 =	vmul.f32 v47, v15  }
0x8e: {  	[tilespmem:$0xC0] =	vst v11;
	v2 =	vmul.f32 v5, v2;
	v61 =	vadd.f32 $1.500000000e+00, v59;
	v8 =	vmul.f32 v49, v45  }
0x8f: {  	[tilespmem:$0xD0] =	vst v10;
	v1 =	vmul.f32 v58, v1;
	v56 =	vadd.f32 $1.500000000e+00, v7;
	v57 =	vmul.f32 v53, v47  }
0x90: {  	[tilespmem:$0xE0] =	vst v2;
	v63 =	vmul.f32 v61, v3;
	v8 =	vadd.f32 $1.500000000e+00, v8  }
0x91: {  	[tilespmem:$0x110] =	vst v1;
	v0 =	vmul.f32 v56, v0;
	v60 =	vadd.f32 $1.500000000e+00, v57  }
0x92: {  	[tilespmem:$0x130] =	vst v63;
	v4 =	vmul.f32 v8, v45  }
0x93: {  	[tilespmem:$0x100] =	vst v0;
	v62 =	vmul.f32 v60, v47  }
0x94: {  	p0 =	sne.s32 s6, $0x1;
	[tilespmem:$0xF0] =	vst v4  }
.Ltmp0:
0x95: {  	[tilespmem:$0x120] =	vst v62;
	(pc) =	sbr.rel @p0 .LBB2_1-.Ltmp0, $4  }
0x96: {  	[hbm4b:s5+s2] =	stream.linear.scatter [tilespmem:s2], [sflag:$0x1], $0x140, $0x38;
	[tilespmem:$0x280] =	vst v63  }
0x97: {  	_ =	swait.ge [sflag:s7], $0x140  }
0x98: {  	[sflag:s7] =	ssyncset.done $0x0  }
0x99: {  	s6 =	sadd.s32 $0xFFFFFFFF, s6;
	[sflag:s7] =	ssyncadd.s32 $0xFFFFFEC0  }
0x9a: {  	_ =	sfence.sel $0x180000  }
0x9b: {  	[bflag:$0x0] =	sbarrier.arrive $0xFFFF  }
0x9c: {  	p0 =	sne.s32 s0, $0x0;
	_ =	strace $0x9000004A  }
0x9d: {  	s0 =	sadd.s32 @!p0 $0x100000, s1;
	[bflag:$0x2] =	sbarrier.arrive $0xFFFF  }
0x9e: {  	[sflag:s0] =	ssyncadd.tile.s32 @!p0 $0x1;
	_ =	shalt  }
.Lfunc_end2:
_tile_overlayer_lowered:
.L_overlay_start_2:
0x9f: {  	(tag) =	ssettag $0x2  }
0xa0: {  	s0 =	rddreg [dreg:$0x0];
	s2 =	stileid.u32  }
0xa1: {  	s1 =	rddreg [dreg:$0x1];
	p0 =	sne.s32 s2, $0x0  }
0xa2: {  	s3 =	rddreg [dreg:$0x2];
	[bflag:$0x3] =	sbarrier.arrive $0xFFFF;
	s2 =	simm.s32 @!p0 $0x1C01  }
0xa3: {  	[timem:s3], [sflag:s2] =	dma.local @!p0 [hbm:s0], s1  }
0xa4: {  	s0 =	simm.s32 @!p0 $0x1  }
0xa5: {  	_ =	swait.ge @!p0 [sflag:s0], s1  }
0xa6: {  	s1 =	ssub.s32 @!p0 $0x0, s1;
	[sflag:s0] =	ssyncset.done @!p0 $0x0  }
0xa7: {  	[sflag:s0] =	ssyncadd.s32 @!p0 s1  }
0xa8: {  	[bflag:$0x3] =	sbarrier.arrive $0xFFFF  }
0xa9: {  	_ =	shalt  }

// kernel: kernel.14.cloned.1.call-start
scs
__scs_entry_jumppad:
0x0: {  	(pc) =	sbr.rel $0x88, $3  }
0x1: {  	(tag) =	ssettag $0x0;
	lr =	simm.s32 $0x1  }
0x2: {  	[smem:$0x3F9D] =	sst lr;
	_ =	strace $0xD0000000  }
0x3: {  	_ = 	snop  }
0x4: {  	_ = 	snop  }
0x5: {  	_ = 	snop  }
0x6: {  	_ = 	snop  }
0x7: {  	_ = 	snop  }
__scs_overlays_trampoline_lowered:
0x8: {  	[smem:$0x3FAC] =	sst s0  }
0x9: {  	[smem:$0x3FAD] =	sst s1  }
0xa: {  	[smem:$0x3FAE] =	sst s2  }
0xb: {  	[smem:$0x3FAF] =	sst s3  }
0xc: {  	[smem:$0x3FB0] =	sst s4  }
0xd: {  	[smem:$0x3FB1] =	sst s5  }
0xe: {  	[smem:$0x3FB2] =	sst s6  }
0xf: {  	[smem:$0x3FB3] =	sst s7  }
0x10: {  	[smem:$0x3FB4] =	sst s8  }
0x11: {  	[smem:$0x3FB5] =	sst s9;
	s0 =	simm.s32 @!p0 $0x0  }
0x12: {  	s1 =	sld [smem:$0x3F9B];
	s0 =	simm.s32 @p0 $0x1  }
0x13: {  	[smem:$0x3FB6] =	sst s0;
	s0 =	simm.s32 @!p1 $0x0  }
0x14: {  	s2 =	sld [smem:$0x3F9A];
	s0 =	simm.s32 @p1 $0x1  }
0x15: {  	[smem:$0x3FB7] =	sst s0;
	s0 =	simm.s32 @!p2 $0x0  }
0x16: {  	s3 =	sld [smem:$0x3FDB];
	s0 =	simm.s32 @p2 $0x1  }
0x17: {  	s4 =	simm.s32 $0x1BF5;
	[smem:$0x3FB9] =	sst s0  }
0x18: {  	s0 =	sld [smem:$0x3F9C];
	_ =	swait.ge [sflag:s4], $0x0  }
0x19: {  	s7 =	sld [smem:$0x3F9D]  }
0x1a: {  	s8 =	sadd.s32 $0xFFFFE003, lr  }
0x1b: {  	s9 =	sadd.s32 $0xFFFFFEF7, lr;
	s5 =	simm.s32 $0xFFFFFFFF;
	p2 =	slt.u32 s8, $0xFFFFF086  }
0x1c: {  	p1 =	slt.u32 s9, $0xF7A;
	s5 =	simm.s32 @!p2 $0x0  }
0x1d: {  	s5 =	simm.s32 @p1 $0x1;
	p0 =	seq.s32 s7, s2  }
0x1e: {  	s7 =	smul.u32 @!p0 $0xF7A, s2;
	p2 =	seq.s32 @!p0 s5, $0x0  }
0x1f: {  	s9 =	smul.u32 $0xF7A, s1;
	s8 =	simm.s32 @!p0 $0x1BF5;
	p2 =	por !p2, p0  }
0x20: {  	[sflag:s8] =	ssyncset.s32 @!p0 $0xFFFFF086;
	s6 =	sadd.s32 @!p0 s3, s7;
	s7 =	simm.s32 @!p0 $0x108  }
0x21: {  	s3 =	sadd.s32 s3, s9;
	s6 =	sadd.s32 @!p0 $0x88, s6;
	s7 =	simm.s32 @p2 $0x1082  }
0x22: {  	[simem:s7], [sflag:s8] =	dma.local @!p0 [hbm:s6], $0xF7A  }
0x23: {  	s9 =	sor.u32 $0xD0000000, s2;
	s6 =	simm.s32 $0x108;
	_ =	swait.ge @!p0 [sflag:s8], $0x0  }
0x24: {  	s3 =	sadd.s32 $0x88, s3;
	s6 =	simm.s32 @!p1 $0x1082;
	[sflag:s4] =	ssyncset.s32 $0xFFFFF086  }
0x25: {  	[simem:s6], [sflag:s4] =	dma.local [hbm:s3], $0xF7A  }
0x26: {  	[smem:$0x3F9D] =	sst s1;
	(tag) =	ssettag s2;
	_ =	strace s9  }
0x27: {  	s1 =	sld [smem:$0x3FAD]  }
0x28: {  	s2 =	sld [smem:$0x3FAE]  }
0x29: {  	s4 =	sld [smem:$0x3FB0]  }
0x2a: {  	p0 =	seq.s32 s5, $0x0;
	s5 =	sld [smem:$0x3FB1]  }
0x2b: {  	s6 =	sld [smem:$0x3FB2]  }
0x2c: {  	s7 =	sld [smem:$0x3FB3]  }
0x2d: {  	s3 =	simm.s32 $0x108;
	s8 =	sld [smem:$0x3FB4]  }
0x2e: {  	s3 =	simm.s32 @!p0 $0x1082;
	s9 =	sld [smem:$0x3FB5]  }
0x2f: {  	lr =	sadd.s32 s0, s3;
	s0 =	sld [smem:$0x3FAC]  }
0x30: {  	s3 =	sld [smem:$0x3FAF]  }
0x31: {  	[smem:$0x3FB8] =	sst s10  }
0x32: {  	s10 =	sld [smem:$0x3FB6];
	_ =	sdelay $0x3  }
0x33: {  	p0 =	seq.s32 s10, $0x1;
	s10 =	sld [smem:$0x3FB8];
	_ =	sdelay $0x3  }
0x34: {  	[smem:$0x3FB8] =	sst s10  }
0x35: {  	s10 =	sld [smem:$0x3FB7];
	_ =	sdelay $0x3  }
0x36: {  	p1 =	seq.s32 s10, $0x1;
	s10 =	sld [smem:$0x3FB8];
	_ =	sdelay $0x3  }
0x37: {  	[smem:$0x3FB8] =	sst s10  }
0x38: {  	s10 =	sld [smem:$0x3FB9]  }
0x39: {  	_ = 	snop;
	(pc) =	sbr.ind lr, $3  }
0x3a: {  	_ = 	snop  }
0x3b: {  	_ = 	snop  }
0x3c: {  	p2 =	seq.s32 s10, $0x1;
	s10 =	sld [smem:$0x3FB8]  }
0x3d: {  	_ =	shalt  }
0x3e: {  	_ =	shalt  }
0x3f: {  	_ =	shalt  }
0x40: {  	_ =	shalt  }
0x41: {  	_ =	shalt  }
0x42: {  	_ =	shalt  }
0x43: {  	_ =	shalt  }
0x44: {  	_ =	shalt  }
0x45: {  	_ =	shalt  }
0x46: {  	_ =	shalt  }
0x47: {  	_ =	shalt  }
0x48: {  	_ =	shalt  }
0x49: {  	_ =	shalt  }
0x4a: {  	_ =	shalt  }
0x4b: {  	_ =	shalt  }
0x4c: {  	_ =	shalt  }
0x4d: {  	_ =	shalt  }
0x4e: {  	_ =	shalt  }
0x4f: {  	_ =	shalt  }
0x50: {  	_ =	shalt  }
0x51: {  	_ =	shalt  }
0x52: {  	_ =	shalt  }
0x53: {  	_ =	shalt  }
0x54: {  	_ =	shalt  }
0x55: {  	_ =	shalt  }
0x56: {  	_ =	shalt  }
0x57: {  	_ =	shalt  }
0x58: {  	_ =	shalt  }
0x59: {  	_ =	shalt  }
0x5a: {  	_ =	shalt  }
0x5b: {  	_ =	shalt  }
0x5c: {  	_ =	shalt  }
0x5d: {  	_ =	shalt  }
0x5e: {  	_ =	shalt  }
0x5f: {  	_ =	shalt  }
0x60: {  	_ =	shalt  }
0x61: {  	_ =	shalt  }
0x62: {  	_ =	shalt  }
0x63: {  	_ =	shalt  }
0x64: {  	_ =	shalt  }
0x65: {  	_ =	shalt  }
0x66: {  	_ =	shalt  }
0x67: {  	_ =	shalt  }
0x68: {  	_ =	shalt  }
0x69: {  	_ =	shalt  }
0x6a: {  	_ =	shalt  }
0x6b: {  	_ =	shalt  }
0x6c: {  	_ =	shalt  }
0x6d: {  	_ =	shalt  }
0x6e: {  	_ =	shalt  }
0x6f: {  	_ =	shalt  }
0x70: {  	_ =	shalt  }
0x71: {  	_ =	shalt  }
0x72: {  	_ =	shalt  }
0x73: {  	_ =	shalt  }
0x74: {  	_ =	shalt  }
0x75: {  	_ =	shalt  }
0x76: {  	_ =	shalt  }
0x77: {  	_ =	shalt  }
0x78: {  	_ =	shalt  }
0x79: {  	_ =	shalt  }
0x7a: {  	_ =	shalt  }
0x7b: {  	_ =	shalt  }
0x7c: {  	_ =	shalt  }
0x7d: {  	_ =	shalt  }
0x7e: {  	_ =	shalt  }
0x7f: {  	_ =	shalt  }
0x80: {  	_ =	shalt  }
0x81: {  	_ =	shalt  }
0x82: {  	_ =	shalt  }
0x83: {  	_ =	shalt  }
0x84: {  	_ =	shalt  }
0x85: {  	_ =	shalt  }
0x86: {  	_ =	shalt  }
0x87: {  	_ =	shalt  }
.Lfunc_end0:
.L_simem_size_0:
called_computation.2_lowered:
.L_overlay_start_0:
0x88: {  	s2 =	sld [smem:$0x3FD9]  }
0x89: {  	s3 =	sld [smem:$0x3FFE];
	_ =	sdelay $0x1  }
0x8a: {  	s1 =	srdreg.scid  }
0x8b: {  	s0 =	sand.u32 $0x1, s1  }
0x8c: {  	s16 =	sshll.u32 s0, $0xA;
	s2 =	sadd.s32 s3, s2  }
0x8d: {  	s2 =	sadd.s32 s2, s16  }
0x8e: {  	[smem:$0x3FC4] =	sst s2  }
0x8f: {  	_ = 	snop  }
0x90: {  	(tm) =	ssettm $0x1  }
0x91: {  	s17 =	sld [smem:$0x3FFB];
	_ =	sdelay $0x3  }
0x92: {  	_ =	strace s17  }
0x93: {  	s2 =	sld [smem:$0x3FFC];
	_ =	sdelay $0x3  }
0x94: {  	_ =	strace s2  }
0x95: {  	s2 =	sld [smem:$0x3FFD];
	_ =	sdelay $0x3  }
0x96: {  	_ =	strace s2  }
0x97: {  	_ =	strace $0x8FFFFFFF  }
0x98: {  	s18 =	sld [smem:$0x3FDB];
	_ =	sdelay $0x1  }
0x99: {  	s19 =	simm.s32 $_scs_section_size  }
0x9a: {  	s4 =	simm.s32 $_size__tile_overlayer_lowered;
	s5 =	simm.s32 $_tile_overlayer_lowered  }
0x9b: {  	s22 =	simm.s32 $0x1BFF;
	s21 =	sshll.u32 s5, $0x1;
	s2 =	sadd.s32 s19, s18  }
0x9c: {  	s6 =	simm.s32 $0x0;
	s20 =	sshll.u32 s4, $0x1;
	s4 =	sadd.s32 s21, s2  }
0x9d: {  	[timem:s6], [sflag:s22] =	dma.local [hbm:s4], s20  }
0x9e: {  	_ =	swait.ge [sflag:s22], s20  }
0x9f: {  	s3 =	ssub.s32 $0x0, s20;
	[sflag:s22] =	ssyncset.done $0x0  }
0xa0: {  	[sflag:s22] =	ssyncadd.s32 s3;
	_ =	sdelay $0x1  }
0xa1: {  	s23 =	simm.s32 $0x1B8B  }
0xa2: {  	_ =	swait.ge [sflag:s23], $0x1  }
0xa3: {  	[sflag:s23] =	ssyncset.done $0x0  }
0xa4: {  	s25 =	simm.s32 $0x1B8E;
	s24 =	sld [smem:$0x3FFE];
	[sflag:s23] =	ssyncadd.s32 $0xFFFFFFFF  }
0xa5: {  	s26 =	simm.s32 $execute0_lowered;
	[smem:$0x3FD2] =	sst s25  }
0xa6: {  	s4 =	sshll.u32 s26, $0x1;
	_ =	strace $0x8000004C;
	[dreg:$0x1] =	wrdreg $0xFFFFFFFF  }
0xa7: {  	s28 =	simm.s32 $_size_execute0_lowered;
	s2 =	sadd.s32 s2, s4;
	[dreg:$0x0] =	wrdreg $0x0  }
0xa8: {  	s4 =	sshll.u32 s28, $0x1;
	[dreg:$0x2] =	wrdreg s2  }
0xa9: {  	[dreg:$0x3] =	wrdreg s4  }
0xaa: {  	[dreg:$0x4] =	wrdreg $0xC0  }
0xab: {  	_ =	task [dreg:s6], $0x5FFFF  }
0xac: {  	[dreg:$0x1] =	wrdreg $0xFFFFFFFF  }
0xad: {  	[dreg:$0x0] =	wrdreg $0x60  }
0xae: {  	[dreg:$0x2] =	wrdreg s24  }
0xaf: {  	[dreg:$0x3] =	wrdreg $0x10F000  }
0xb0: {  	[dreg:$0x4] =	wrdreg $0x9  }
0xb1: {  	_ =	task.clear_ibuf [dreg:s6], $0x5FFFF;
	_ =	strace $0x9000004C  }
0xb2: {  	s29 =	simm.s32 $0x9;
	_ =	strace $0x8000004E  }
0xb3: {  	_ =	swait.ge [sflag:s29], $0x1  }
0xb4: {  	[sflag:s29] =	ssyncadd.s32 $0xFFFFFFFF  }
0xb5: {  	_ =	strace $0x9000004E  }
0xb6: {  	_ =	sfence  }
0xb7: {  	s30 =	sld [smem:$0x0];
	_ =	sdelay $0x2  }
0xb8: {  	s31 =	sshll.u32 s1, $0xD;
	s1 =	sshrl.u32 s1, $0x2  }
0xb9: {  	s3 =	sand.u32 $0x4000, s31;
	s1 =	sadd.s32 s1, s30  }
0xba: {  	s0 =	sor.u32 s3, s0;
	s1 =	sshll.u32 s1, $0x11  }
0xbb: {  	s0 =	sor.u32 s1, s0  }
0xbc: {  	s0 =	sadd.s32 $0x8F2B, s0  }
0xbd: {  	[sflag:s0] =	ssyncadd.remote.s32 $0x1  }
0xbe: {  	_ =	sfence.sel $0xFFFF  }
0xbf: {  	[dreg:$0x0] =	wrdreg $0xFFFFFFFF;
	(pc) =	sbr.abs _section_cstart, $3  }
0xc0: {  	[dreg:$0x1] =	wrdreg $0xFFFFFFFF  }
0xc1: {  	_ =	task.clear_ibuf [dreg:s6], $0x2FFFF;
	_ =	strace $0x9FFFFFFF  }
0xc2: {  	(tm) =	ssettm $0x7FFFFFFF  }
0xc3: {  	_ =	shalt  }
tec
execute0_lowered:
.L_overlay_start_1:
0x0: {  	(tag) =	ssettag $0x1  }
0x1: {  	s0 =	rddreg [dreg:$0x0]  }
0x2: {  	s1 =	rddreg [dreg:$0x1];
	s2 =	simm.s32 $0x0;
	s3 =	srdreg.scid  }
0x3: {  	s19 =	stileid.u32;
	s29 =	simm.s32 $0xAF00;
	s31 =	simm.s32 $0xCF00  }
0x4: {  	s28 =	simm.s32 $0x3;
	s30 =	simm.s32 $0x4;
	[smem:$0x7FF] =	sst s2  }
0x5: {  	s3 =	sand.u32 $0x1, s3;
	s10 =	sadd.s32 $0x2C00, s0;
	s11 =	smul.u32 $0xA000, s19  }
0x6: {  	s4 =	sadd.s32 $0x3E600, s0;
	_ =	strace $0x8000004D;
	s5 =	ssub.s32 $0x2, s3  }
0x7: {  	s20 =	sshll.u32 s3, $0x4;
	p0 =	seq.s32 s3, $0x0;
	s6 =	sshrl.u32 s5, $0x1  }
0x8: {  	s13 =	sor.u32 s19, s20;
	s14 =	sadd.s32 $0x2000, s11;
	s15 =	sadd.s32 $0x4000, s11  }
0x9: {  	s16 =	sadd.s32 $0x6000, s11;
	s17 =	sadd.s32 $0x8000, s11;
	s19 =	sshll.u32 s19, $0x4  }
0xa: {  	s22 =	sshrl.u32 s11, $0x3;
	s12 =	ssub.s32 s5, s6;
	s5 =	sadd.s32 s11, s1  }
0xb: {  	s9 =	smul.u32 $0x2700, s13;
	s6 =	sadd.s32 s14, s1;
	s7 =	sadd.s32 s15, s1  }
0xc: {  	s8 =	sadd.s32 s16, s1;
	s23 =	sshrl.u32 s14, $0x3;
	s24 =	sshrl.u32 s15, $0x3  }
0xd: {  	s25 =	sshrl.u32 s16, $0x3;
	s20 =	sshrl.u32 s17, $0x3;
	s11 =	simm.s32 $0x6  }
0xe: {  	s26 =	smax.u32 s12, $0x1;
	s12 =	simm.s32 $0x0;
	s18 =	sshrl.u32 s9, $0x3  }
0xf: {  	[dreg:$0x7] =	wrdreg s26;
	s18 =	sadd.s32 s10, s18;
	s10 =	sadd.s32 s19, s10  }
0x10: {  	[dreg:$0x3] =	wrdreg s18;
	s21 =	sadd.s32 $0x9C00, s10;
	s10 =	sadd.s32 $0x13840, s10  }
0x11: {  	s18 =	sadd.s32 $0x9C40, s18;
	[dreg:$0x6] =	wrdreg s10;
	s10 =	simm.s32 $0x66000  }
0x12: {  	s9 =	sadd.s32 s17, s1;
	[dreg:$0x4] =	wrdreg s18;
	s10 =	simm.s32 @!p0 $0x52000  }
0x13: {  	s26 =	simm.s32 $0x8F00;
	[dreg:$0x5] =	wrdreg s21;
	s0 =	sadd.s32 s10, s0  }
0x14: {  	s21 =	simm.s32 $0x7;
	p0 =	sgt.u32 s13, $0x3;
	s3 =	sadd.s32 s0, s22  }
0x15: {  	s16 =	sadd.s32 s0, s23;
	s17 =	sadd.s32 s0, s24;
	s18 =	sadd.s32 s0, s25  }
0x16: {  	s19 =	sadd.s32 s0, s20;
	s20 =	simm.s32 $0x4F00;
	s23 =	simm.s32 $0x80  }
0x17: {  	s24 =	simm.s32 $0x6F00;
	s22 =	simm.s32 $0x1;
	s25 =	simm.s32 $0x2  }
0x18: {  	v0 =	vimm.f32 $0.0e+00;
	s0 =	simm.s32 $0x5;
	[dreg:$0x8] =	wrdreg s3;
	s3 =	simm.s32 $0xEF00  }
.LBB2_1:
0x19: {  	s13 =	simm.s32 $0x100;
	s10 =	simm.s32 $0x0  }
.LBB2_2:
0x1a: {  	p1 =	sne.s32 s13, $0x7F00;
	[tilespmem:s10+$0x4F30] =	vst v0;
	s14 =	smov.u32 s13;
	s13 =	sadd.s32 $0x100, s13  }
.Ltmp0:
0x1b: {  	[tilespmem:s10+$0x4F20] =	vst v0;
	(pc) =	sbr.rel @p1 .LBB2_2-.Ltmp0, $3  }
0x1c: {  	[tilespmem:s10+$0x4F00] =	vst v0  }
0x1d: {  	[tilespmem:s10+$0x4F10] =	vst v0;
	_ =	sdelay $0x1  }
0x1e: {  	s10 =	sshra.s32 s14, $0x2  }
0x1f: {  	[tilespmem:s10+$0x4F30] =	vst v0  }
0x20: {  	[tilespmem:s10+$0x4F20] =	vst v0  }
0x21: {  	[tilespmem:s10+$0x4F00] =	vst v0  }
0x22: {  	[tilespmem:s10+$0x4F10] =	vst v0  }
0x23: {  	[spmem:s5] =	stream.linear.scatter [tilespmem:s20], [sflag:$0x7], $0x2000, $0x38;
	[tilespmem:$0x1AF00] =	vst v63  }
0x24: {  	_ =	swait.ge [sflag:s21], $0x2000  }
0x25: {  	[sflag:s21] =	ssyncset.done $0x0  }
0x26: {  	[sflag:s21] =	ssyncadd.s32 $0xFFFFE000  }
0x27: {  	[spmem:s6] =	stream.linear.scatter [tilespmem:s20], [sflag:$0x7], $0x2000, $0x38;
	[tilespmem:$0x1AF00] =	vst v63  }
0x28: {  	_ =	swait.ge [sflag:s21], $0x2000  }
0x29: {  	[sflag:s21] =	ssyncset.done $0x0  }
0x2a: {  	[sflag:s21] =	ssyncadd.s32 $0xFFFFE000  }
0x2b: {  	[spmem:s7] =	stream.linear.scatter [tilespmem:s20], [sflag:$0x7], $0x2000, $0x38;
	[tilespmem:$0x1AF00] =	vst v63  }
0x2c: {  	_ =	swait.ge [sflag:s21], $0x2000  }
0x2d: {  	[sflag:s21] =	ssyncset.done $0x0  }
0x2e: {  	[sflag:s21] =	ssyncadd.s32 $0xFFFFE000  }
0x2f: {  	[spmem:s8] =	stream.linear.scatter [tilespmem:s20], [sflag:$0x7], $0x2000, $0x38;
	[tilespmem:$0x1AF00] =	vst v63  }
0x30: {  	_ =	swait.ge [sflag:s21], $0x2000  }
0x31: {  	[sflag:s21] =	ssyncset.done $0x0  }
0x32: {  	[sflag:s21] =	ssyncadd.s32 $0xFFFFE000  }
0x33: {  	[spmem:s9] =	stream.linear.scatter [tilespmem:s20], [sflag:$0x7], $0x2000, $0x38;
	[tilespmem:$0x1AF00] =	vst v63  }
0x34: {  	_ =	swait.ge [sflag:s21], $0x2000  }
0x35: {  	[sflag:s21] =	ssyncset.done $0x0  }
0x36: {  	s13 =	rddreg [dreg:$0x3];
	[sflag:s21] =	ssyncadd.s32 $0xFFFFE000  }
0x37: {  	[tilespmem:s2], [sflag:$0x7] =	stream.linear.gather [hbm4b:s13+s2], $0x2700, $0x38;
	[tilespmem:$0x1AF00] =	vst v63  }
0x38: {  	_ =	swait.ge [sflag:s21], $0x2700  }
0x39: {  	[sflag:s21] =	ssyncset.done $0x0  }
0x3a: {  	s13 =	simm.s32 $0x2780;
	s14 =	rddreg [dreg:$0x4];
	[sflag:s21] =	ssyncadd.s32 $0xFFFFD900  }
0x3b: {  	[tilespmem:s13], [sflag:$0x7] =	stream.linear.gather [hbm4b:s14+s2], $0x2700, $0x38;
	[tilespmem:$0x1AF00] =	vst v63  }
0x3c: {  	_ =	swait.ge [sflag:s21], $0x2700  }
0x3d: {  	s10 =	simm.s32 @!p0 $0x0;
	[sflag:s21] =	ssyncset.done $0x0  }
0x3e: {  	s13 =	simm.s32 @!p0 $0x2700;
	s14 =	rddreg [dreg:$0x5];
	[sflag:s21] =	ssyncadd.s32 $0xFFFFD900  }
0x3f: {  	[tilespmem:s13], [sflag:$0x7] =	stream.linear.gather @!p0 [hbm4b:s14+s10], $0x80, $0x38;
	[tilespmem:$0x1AF00] =	vst v63  }
0x40: {  	s13 =	simm.s32 @!p0 $0x7  }
0x41: {  	_ =	swait.ge @!p0 [sflag:s13], $0x80  }
0x42: {  	[sflag:s13] =	ssyncset.done @!p0 $0x0  }
0x43: {  	s14 =	simm.s32 @!p0 $0x4E80;
	s15 =	rddreg [dreg:$0x6];
	[sflag:s13] =	ssyncadd.s32 @!p0 $0xFFFFFF80  }
0x44: {  	[tilespmem:s14], [sflag:$0x7] =	stream.linear.gather @!p0 [hbm4b:s15+s10], $0x80, $0x38;
	[tilespmem:$0x1AF00] =	vst v63  }
0x45: {  	_ =	swait.ge @!p0 [sflag:s13], $0x80  }
0x46: {  	[sflag:s13] =	ssyncset.done @!p0 $0x0  }
0x47: {  	[sflag:s13] =	ssyncadd.s32 @!p0 $0xFFFFFF80  }
0x48: {  	s15 =	simm.s32 $0x0;
	[bflag:$0x0] =	sbarrier.arrive $0xFFFF  }
0x49: {  	[tilespmem:s20], [sflag:$0x1] =	stream.indirect.gather [hbm4b:s4+s23], $0x40, s15, s23, $0xb8;
	[tilespmem:$0x1AF00] =	vst v63  }
0x4a: {  	_ = 	snop  }
0x4b: {  	[tilespmem:s24], [sflag:$0x2] =	stream.indirect.gather [hbm4b:s4+s23], $0x40, s23, s23, $0xb8;
	[tilespmem:$0x1AF00] =	vst v63  }
0x4c: {  	s13 =	simm.s32 $0x100  }
0x4d: {  	[tilespmem:s26], [sflag:$0x3] =	stream.indirect.gather [hbm4b:s4+s23], $0x40, s13, s23, $0xb8;
	[tilespmem:$0x1AF00] =	vst v63  }
0x4e: {  	s14 =	simm.s32 $0x180  }
0x4f: {  	[tilespmem:s29], [sflag:$0x4] =	stream.indirect.gather [hbm4b:s4+s23], $0x40, s14, s23, $0xb8;
	[tilespmem:$0x1AF00] =	vst v63  }
0x50: {  	s15 =	simm.s32 $0x200  }
0x51: {  	[tilespmem:s31], [sflag:$0x5] =	stream.indirect.gather [hbm4b:s4+s23], $0x40, s15, s23, $0xb8;
	[tilespmem:$0x1AF00] =	vst v63  }
0x52: {  	s13 =	simm.s32 $0x280  }
0x53: {  	[tilespmem:s3], [sflag:$0x6] =	stream.indirect.gather [hbm4b:s4+s23], $0x40, s13, s23, $0xb8;
	[tilespmem:$0x1AF00] =	vst v63  }
0x54: {  	_ =	swait.ge [sflag:s22], $0x2000  }
0x55: {  	[sflag:s22] =	ssyncset.done $0x0  }
0x56: {  	s14 =	simm.s32 $0x2780;
	[sflag:s22] =	ssyncadd.s32 $0xFFFFE000  }
0x57: {  	[spmem:s1] =	stream.indirect.scatter.add.f32 [tilespmem:s20], [sflag:$0x7], $0x40, s14, s23, $0xb8;
	[tilespmem:$0x1AF00] =	vst v63  }
0x58: {  	_ =	swait.ge [sflag:s21], $0x2000  }
0x59: {  	[sflag:s21] =	ssyncset.done $0x0  }
0x5a: {  	s15 =	simm.s32 $0x300;
	[sflag:s21] =	ssyncadd.s32 $0xFFFFE000  }
0x5b: {  	[tilespmem:s20], [sflag:$0x1] =	stream.indirect.gather [hbm4b:s4+s23], $0x40, s15, s23, $0xb8;
	[tilespmem:$0x1AF00] =	vst v63  }
0x5c: {  	_ =	swait.ge [sflag:s25], $0x2000  }
0x5d: {  	[sflag:s25] =	ssyncset.done $0x0  }
0x5e: {  	s13 =	simm.s32 $0x2800;
	[sflag:s25] =	ssyncadd.s32 $0xFFFFE000  }
0x5f: {  	[spmem:s1] =	stream.indirect.scatter.add.f32 [tilespmem:s24], [sflag:$0x7], $0x40, s13, s23, $0xb8;
	[tilespmem:$0x1AF00] =	vst v63  }
0x60: {  	_ =	swait.ge [sflag:s21], $0x2000  }
0x61: {  	[sflag:s21] =	ssyncset.done $0x0  }
0x62: {  	s14 =	simm.s32 $0x380;
	[sflag:s21] =	ssyncadd.s32 $0xFFFFE000  }
0x63: {  	[tilespmem:s24], [sflag:$0x2] =	stream.indirect.gather [hbm4b:s4+s23], $0x40, s14, s23, $0xb8;
	[tilespmem:$0x1AF00] =	vst v63  }
0x64: {  	_ =	swait.ge [sflag:s28], $0x2000  }
0x65: {  	[sflag:s28] =	ssyncset.done $0x0  }
0x66: {  	s15 =	simm.s32 $0x2880;
	[sflag:s28] =	ssyncadd.s32 $0xFFFFE000  }
0x67: {  	[spmem:s1] =	stream.indirect.scatter.add.f32 [tilespmem:s26], [sflag:$0x7], $0x40, s15, s23, $0xb8;
	[tilespmem:$0x1AF00] =	vst v63  }
0x68: {  	_ =	swait.ge [sflag:s21], $0x2000  }
0x69: {  	[sflag:s21] =	ssyncset.done $0x0  }
0x6a: {  	s13 =	simm.s32 $0x400;
	[sflag:s21] =	ssyncadd.s32 $0xFFFFE000  }
0x6b: {  	[tilespmem:s26], [sflag:$0x3] =	stream.indirect.gather [hbm4b:s4+s23], $0x40, s13, s23, $0xb8;
	[tilespmem:$0x1AF00] =	vst v63  }
0x6c: {  	_ =	swait.ge [sflag:s30], $0x2000  }
0x6d: {  	[sflag:s30] =	ssyncset.done $0x0  }
0x6e: {  	s14 =	simm.s32 $0x2900;
	[sflag:s30] =	ssyncadd.s32 $0xFFFFE000  }
0x6f: {  	[spmem:s1] =	stream.indirect.scatter.add.f32 [tilespmem:s29], [sflag:$0x7], $0x40, s14, s23, $0xb8;
	[tilespmem:$0x1AF00] =	vst v63  }
0x70: {  	_ =	swait.ge [sflag:s21], $0x2000  }
0x71: {  	[sflag:s21] =	ssyncset.done $0x0  }
0x72: {  	s15 =	simm.s32 $0x480;
	[sflag:s21] =	ssyncadd.s32 $0xFFFFE000  }
0x73: {  	[tilespmem:s29], [sflag:$0x4] =	stream.indirect.gather [hbm4b:s4+s23], $0x40, s15, s23, $0xb8;
	[tilespmem:$0x1AF00] =	vst v63  }
0x74: {  	_ =	swait.ge [sflag:s0], $0x2000  }
0x75: {  	[sflag:s0] =	ssyncset.done $0x0  }
0x76: {  	s13 =	simm.s32 $0x2980;
	[sflag:s0] =	ssyncadd.s32 $0xFFFFE000  }
0x77: {  	[spmem:s1] =	stream.indirect.scatter.add.f32 [tilespmem:s31], [sflag:$0x7], $0x40, s13, s23, $0xb8;
	[tilespmem:$0x1AF00] =	vst v63  }
0x78: {  	_ =	swait.ge [sflag:s21], $0x2000  }
0x79: {  	[sflag:s21] =	ssyncset.done $0x0  }
0x7a: {  	s14 =	simm.s32 $0x500;
	[sflag:s21] =	ssyncadd.s32 $0xFFFFE000  }
0x7b: {  	[tilespmem:s31], [sflag:$0x5] =	stream.indirect.gather [hbm4b:s4+s23], $0x40, s14, s23, $0xb8;
	[tilespmem:$0x1AF00] =	vst v63  }
0x7c: {  	_ =	swait.ge [sflag:s11], $0x2000  }
0x7d: {  	[sflag:s11] =	ssyncset.done $0x0  }
0x7e: {  	s15 =	simm.s32 $0x2A00;
	[sflag:s11] =	ssyncadd.s32 $0xFFFFE000  }
0x7f: {  	[spmem:s1] =	stream.indirect.scatter.add.f32 [tilespmem:s3], [sflag:$0x7], $0x40, s15, s23, $0xb8;
	[tilespmem:$0x1AF00] =	vst v63  }
0x80: {  	_ =	swait.ge [sflag:s21], $0x2000  }
0x81: {  	[sflag:s21] =	ssyncset.done $0x0  }
0x82: {  	s10 =	simm.s32 $0x580;
	s13 =	simm.s32 $0xC00;
	[sflag:s21] =	ssyncadd.s32 $0xFFFFE000  }
.LBB2_4:
0x83: {  	[tilespmem:s3], [sflag:$0x6] =	stream.indirect.gather [hbm4b:s4+s23], $0x40, s10, s23, $0xb8;
	[tilespmem:$0x1AF00] =	vst v63  }
0x84: {  	s10 =	smov.u32 s13  }
0x85: {  	p1 =	sne.s32 s13, $0x8400;
	s13 =	sadd.s32 $0xC00, s13;
	_ =	swait.ge [sflag:s22], $0x2000  }
0x86: {  	s10 =	sshra.s32 s10, $0x2;
	[sflag:s22] =	ssyncset.done $0x0  }
0x87: {  	s14 =	sadd.s32 $0x2780, s10;
	[sflag:s22] =	ssyncadd.s32 $0xFFFFE000  }
0x88: {  	[spmem:s1] =	stream.indirect.scatter.add.f32 [tilespmem:s20], [sflag:$0x7], $0x40, s14, s23, $0xb8;
	[tilespmem:$0x1AF00] =	vst v63  }
0x89: {  	_ =	swait.ge [sflag:s21], $0x2000  }
0x8a: {  	[sflag:s21] =	ssyncset.done $0x0  }
0x8b: {  	s14 =	sadd.s32 $0x300, s10;
	[sflag:s21] =	ssyncadd.s32 $0xFFFFE000  }
0x8c: {  	[tilespmem:s20], [sflag:$0x1] =	stream.indirect.gather [hbm4b:s4+s23], $0x40, s14, s23, $0xb8;
	[tilespmem:$0x1AF00] =	vst v63  }
0x8d: {  	_ =	swait.ge [sflag:s25], $0x2000  }
0x8e: {  	[sflag:s25] =	ssyncset.done $0x0  }
0x8f: {  	s14 =	sadd.s32 $0x2800, s10;
	[sflag:s25] =	ssyncadd.s32 $0xFFFFE000  }
0x90: {  	[spmem:s1] =	stream.indirect.scatter.add.f32 [tilespmem:s24], [sflag:$0x7], $0x40, s14, s23, $0xb8;
	[tilespmem:$0x1AF00] =	vst v63  }
0x91: {  	_ =	swait.ge [sflag:s21], $0x2000  }
0x92: {  	[sflag:s21] =	ssyncset.done $0x0  }
0x93: {  	s14 =	sadd.s32 $0x380, s10;
	[sflag:s21] =	ssyncadd.s32 $0xFFFFE000  }
0x94: {  	[tilespmem:s24], [sflag:$0x2] =	stream.indirect.gather [hbm4b:s4+s23], $0x40, s14, s23, $0xb8;
	[tilespmem:$0x1AF00] =	vst v63  }
0x95: {  	_ =	swait.ge [sflag:s28], $0x2000  }
0x96: {  	[sflag:s28] =	ssyncset.done $0x0  }
0x97: {  	s14 =	sadd.s32 $0x2880, s10;
	[sflag:s28] =	ssyncadd.s32 $0xFFFFE000  }
0x98: {  	[spmem:s1] =	stream.indirect.scatter.add.f32 [tilespmem:s26], [sflag:$0x7], $0x40, s14, s23, $0xb8;
	[tilespmem:$0x1AF00] =	vst v63  }
0x99: {  	_ =	swait.ge [sflag:s21], $0x2000  }
0x9a: {  	[sflag:s21] =	ssyncset.done $0x0  }
0x9b: {  	s14 =	sadd.s32 $0x400, s10;
	[sflag:s21] =	ssyncadd.s32 $0xFFFFE000  }
0x9c: {  	[tilespmem:s26], [sflag:$0x3] =	stream.indirect.gather [hbm4b:s4+s23], $0x40, s14, s23, $0xb8;
	[tilespmem:$0x1AF00] =	vst v63  }
0x9d: {  	_ =	swait.ge [sflag:s30], $0x2000  }
0x9e: {  	[sflag:s30] =	ssyncset.done $0x0  }
0x9f: {  	s14 =	sadd.s32 $0x2900, s10;
	[sflag:s30] =	ssyncadd.s32 $0xFFFFE000  }
0xa0: {  	[spmem:s1] =	stream.indirect.scatter.add.f32 [tilespmem:s29], [sflag:$0x7], $0x40, s14, s23, $0xb8;
	[tilespmem:$0x1AF00] =	vst v63  }
0xa1: {  	_ =	swait.ge [sflag:s21], $0x2000  }
0xa2: {  	[sflag:s21] =	ssyncset.done $0x0  }
0xa3: {  	s14 =	sadd.s32 $0x480, s10;
	[sflag:s21] =	ssyncadd.s32 $0xFFFFE000  }
0xa4: {  	[tilespmem:s29], [sflag:$0x4] =	stream.indirect.gather [hbm4b:s4+s23], $0x40, s14, s23, $0xb8;
	[tilespmem:$0x1AF00] =	vst v63  }
0xa5: {  	_ =	swait.ge [sflag:s0], $0x2000  }
0xa6: {  	[sflag:s0] =	ssyncset.done $0x0  }
0xa7: {  	s14 =	sadd.s32 $0x2980, s10;
	[sflag:s0] =	ssyncadd.s32 $0xFFFFE000  }
0xa8: {  	[spmem:s1] =	stream.indirect.scatter.add.f32 [tilespmem:s31], [sflag:$0x7], $0x40, s14, s23, $0xb8;
	[tilespmem:$0x1AF00] =	vst v63  }
0xa9: {  	_ =	swait.ge [sflag:s21], $0x2000  }
0xaa: {  	[sflag:s21] =	ssyncset.done $0x0  }
0xab: {  	s14 =	sadd.s32 $0x500, s10;
	[sflag:s21] =	ssyncadd.s32 $0xFFFFE000  }
0xac: {  	[tilespmem:s31], [sflag:$0x5] =	stream.indirect.gather [hbm4b:s4+s23], $0x40, s14, s23, $0xb8;
	[tilespmem:$0x1AF00] =	vst v63  }
0xad: {  	_ =	swait.ge [sflag:s11], $0x2000  }
0xae: {  	[sflag:s11] =	ssyncset.done $0x0  }
.Ltmp1:
0xaf: {  	s14 =	sadd.s32 $0x2A00, s10;
	[sflag:s11] =	ssyncadd.s32 $0xFFFFE000;
	(pc) =	sbr.rel @p1 .LBB2_4-.Ltmp1, $4  }
0xb0: {  	[spmem:s1] =	stream.indirect.scatter.add.f32 [tilespmem:s3], [sflag:$0x7], $0x40, s14, s23, $0xb8;
	[tilespmem:$0x1AF00] =	vst v63  }
0xb1: {  	_ =	swait.ge [sflag:s21], $0x2000  }
0xb2: {  	[sflag:s21] =	ssyncset.done $0x0  }
0xb3: {  	s10 =	sadd.s32 $0x580, s10;
	[sflag:s21] =	ssyncadd.s32 $0xFFFFE000  }
0xb4: {  	[tilespmem:s3], [sflag:$0x6] =	stream.indirect.gather [hbm4b:s4+s23], $0x40, s10, s23, $0xb8;
	[tilespmem:$0x1AF00] =	vst v63  }
0xb5: {  	_ =	swait.ge [sflag:s22], $0x2000  }
0xb6: {  	[sflag:s22] =	ssyncset.done $0x0  }
0xb7: {  	s14 =	simm.s32 $0x4B80;
	[sflag:s22] =	ssyncadd.s32 $0xFFFFE000  }
0xb8: {  	[spmem:s1] =	stream.indirect.scatter.add.f32 [tilespmem:s20], [sflag:$0x7], $0x40, s14, s23, $0xb8;
	[tilespmem:$0x1AF00] =	vst v63  }
0xb9: {  	_ =	swait.ge [sflag:s21], $0x2000  }
0xba: {  	[sflag:s21] =	ssyncset.done $0x0  }
0xbb: {  	[sflag:s21] =	ssyncadd.s32 $0xFFFFE000  }
0xbc: {  	_ =	swait.ge [sflag:s25], $0x2000  }
0xbd: {  	[sflag:s25] =	ssyncset.done $0x0  }
0xbe: {  	s15 =	simm.s32 $0x4C00;
	[sflag:s25] =	ssyncadd.s32 $0xFFFFE000  }
0xbf: {  	[spmem:s1] =	stream.indirect.scatter.add.f32 [tilespmem:s24], [sflag:$0x7], $0x40, s15, s23, $0xb8;
	[tilespmem:$0x1AF00] =	vst v63  }
0xc0: {  	_ =	swait.ge [sflag:s21], $0x2000  }
0xc1: {  	[sflag:s21] =	ssyncset.done $0x0  }
0xc2: {  	[sflag:s21] =	ssyncadd.s32 $0xFFFFE000  }
0xc3: {  	_ =	swait.ge [sflag:s28], $0x2000  }
0xc4: {  	[sflag:s28] =	ssyncset.done $0x0  }
0xc5: {  	s13 =	simm.s32 $0x4C80;
	[sflag:s28] =	ssyncadd.s32 $0xFFFFE000  }
0xc6: {  	[spmem:s1] =	stream.indirect.scatter.add.f32 [tilespmem:s26], [sflag:$0x7], $0x40, s13, s23, $0xb8;
	[tilespmem:$0x1AF00] =	vst v63  }
0xc7: {  	_ =	swait.ge [sflag:s21], $0x2000  }
0xc8: {  	[sflag:s21] =	ssyncset.done $0x0  }
0xc9: {  	[sflag:s21] =	ssyncadd.s32 $0xFFFFE000  }
0xca: {  	_ =	swait.ge [sflag:s30], $0x2000  }
0xcb: {  	[sflag:s30] =	ssyncset.done $0x0  }
0xcc: {  	s14 =	simm.s32 $0x4D00;
	[sflag:s30] =	ssyncadd.s32 $0xFFFFE000  }
0xcd: {  	[spmem:s1] =	stream.indirect.scatter.add.f32 [tilespmem:s29], [sflag:$0x7], $0x40, s14, s23, $0xb8;
	[tilespmem:$0x1AF00] =	vst v63  }
0xce: {  	_ =	swait.ge [sflag:s21], $0x2000  }
0xcf: {  	[sflag:s21] =	ssyncset.done $0x0  }
0xd0: {  	[sflag:s21] =	ssyncadd.s32 $0xFFFFE000  }
0xd1: {  	_ =	swait.ge [sflag:s0], $0x2000  }
0xd2: {  	[sflag:s0] =	ssyncset.done $0x0  }
0xd3: {  	s15 =	simm.s32 $0x4D80;
	[sflag:s0] =	ssyncadd.s32 $0xFFFFE000  }
0xd4: {  	[spmem:s1] =	stream.indirect.scatter.add.f32 [tilespmem:s31], [sflag:$0x7], $0x40, s15, s23, $0xb8;
	[tilespmem:$0x1AF00] =	vst v63  }
0xd5: {  	_ =	swait.ge [sflag:s21], $0x2000  }
0xd6: {  	[sflag:s21] =	ssyncset.done $0x0  }
0xd7: {  	[sflag:s21] =	ssyncadd.s32 $0xFFFFE000  }
0xd8: {  	_ =	swait.ge [sflag:s11], $0x2000  }
0xd9: {  	[sflag:s11] =	ssyncset.done $0x0  }
0xda: {  	s13 =	simm.s32 $0x4E00;
	[sflag:s11] =	ssyncadd.s32 $0xFFFFE000  }
0xdb: {  	[spmem:s1] =	stream.indirect.scatter.add.f32 [tilespmem:s3], [sflag:$0x7], $0x40, s13, s23, $0xb8;
	[tilespmem:$0x1AF00] =	vst v63  }
0xdc: {  	_ =	swait.ge [sflag:s21], $0x2000  }
0xdd: {  	s10 =	simm.s32 @!p0 $0x80;
	[sflag:s21] =	ssyncset.done $0x0  }
0xde: {  	s14 =	simm.s32 @!p0 $0x4F00;
	s13 =	simm.s32 @!p0 $0x2700;
	[sflag:s21] =	ssyncadd.s32 $0xFFFFE000  }
0xdf: {  	[tilespmem:s14], [sflag:$0x1] =	stream.indirect.gather @!p0 [hbm4b:s4+s10], $0x40, s13, s10, $0xb8;
	[tilespmem:$0x1AF00] =	vst v63  }
0xe0: {  	s13 =	simm.s32 @!p0 $0x1  }
0xe1: {  	_ =	swait.ge @!p0 [sflag:s13], $0x2000  }
0xe2: {  	[sflag:s13] =	ssyncset.done @!p0 $0x0  }
0xe3: {  	[sflag:s13] =	ssyncadd.s32 @!p0 $0xFFFFE000;
	s13 =	simm.s32 @!p0 $0x4E80  }
0xe4: {  	[spmem:s1] =	stream.indirect.scatter.add.f32 @!p0 [tilespmem:s14], [sflag:$0x7], $0x40, s13, s10, $0xb8;
	[tilespmem:$0x1AF00] =	vst v63  }
0xe5: {  	s10 =	simm.s32 @!p0 $0x7  }
0xe6: {  	_ =	swait.ge @!p0 [sflag:s10], $0x2000  }
0xe7: {  	[sflag:s10] =	ssyncset.done @!p0 $0x0  }
0xe8: {  	[sflag:s10] =	ssyncadd.s32 @!p0 $0xFFFFE000  }
0xe9: {  	[bflag:$0x0] =	sbarrier.arrive $0xFFFF  }
0xea: {  	[tilespmem:s20], [sflag:$0x7] =	stream.linear.gather [spmem:s5], $0x2000, $0x38;
	[tilespmem:$0x1AF00] =	vst v63  }
0xeb: {  	_ =	swait.ge [sflag:s21], $0x2000  }
0xec: {  	[sflag:s21] =	ssyncset.done $0x0  }
0xed: {  	s14 =	rddreg [dreg:$0x8];
	[sflag:s21] =	ssyncadd.s32 $0xFFFFE000  }
0xee: {  	[hbm4b:s14+s2] =	stream.linear.scatter [tilespmem:s20], [sflag:$0x7], $0x2000, $0x38;
	[tilespmem:$0x1AF00] =	vst v63  }
0xef: {  	_ =	swait.ge [sflag:s21], $0x2000  }
0xf0: {  	[sflag:s21] =	ssyncset.done $0x0  }
0xf1: {  	[sflag:s21] =	ssyncadd.s32 $0xFFFFE000  }
0xf2: {  	[tilespmem:s24], [sflag:$0x7] =	stream.linear.gather [spmem:s6], $0x2000, $0x38;
	[tilespmem:$0x1AF00] =	vst v63  }
0xf3: {  	_ =	swait.ge [sflag:s21], $0x2000  }
0xf4: {  	[sflag:s21] =	ssyncset.done $0x0  }
0xf5: {  	[sflag:s21] =	ssyncadd.s32 $0xFFFFE000  }
0xf6: {  	[hbm4b:s16+s2] =	stream.linear.scatter [tilespmem:s24], [sflag:$0x7], $0x2000, $0x38;
	[tilespmem:$0x1AF00] =	vst v63  }
0xf7: {  	_ =	swait.ge [sflag:s21], $0x2000  }
0xf8: {  	[sflag:s21] =	ssyncset.done $0x0  }
0xf9: {  	[sflag:s21] =	ssyncadd.s32 $0xFFFFE000  }
0xfa: {  	[tilespmem:s26], [sflag:$0x7] =	stream.linear.gather [spmem:s7], $0x2000, $0x38;
	[tilespmem:$0x1AF00] =	vst v63  }
0xfb: {  	_ =	swait.ge [sflag:s21], $0x2000  }
0xfc: {  	[sflag:s21] =	ssyncset.done $0x0  }
0xfd: {  	[sflag:s21] =	ssyncadd.s32 $0xFFFFE000  }
0xfe: {  	[hbm4b:s17+s2] =	stream.linear.scatter [tilespmem:s26], [sflag:$0x7], $0x2000, $0x38;
	[tilespmem:$0x1AF00] =	vst v63  }
0xff: {  	_ =	swait.ge [sflag:s21], $0x2000  }
0x100: {  	[sflag:s21] =	ssyncset.done $0x0  }
0x101: {  	[sflag:s21] =	ssyncadd.s32 $0xFFFFE000  }
0x102: {  	[tilespmem:s29], [sflag:$0x7] =	stream.linear.gather [spmem:s8], $0x2000, $0x38;
	[tilespmem:$0x1AF00] =	vst v63  }
0x103: {  	_ =	swait.ge [sflag:s21], $0x2000  }
0x104: {  	[sflag:s21] =	ssyncset.done $0x0  }
0x105: {  	[sflag:s21] =	ssyncadd.s32 $0xFFFFE000  }
0x106: {  	[hbm4b:s18+s2] =	stream.linear.scatter [tilespmem:s29], [sflag:$0x7], $0x2000, $0x38;
	[tilespmem:$0x1AF00] =	vst v63  }
0x107: {  	_ =	swait.ge [sflag:s21], $0x2000  }
0x108: {  	[sflag:s21] =	ssyncset.done $0x0  }
0x109: {  	[sflag:s21] =	ssyncadd.s32 $0xFFFFE000  }
0x10a: {  	[tilespmem:s31], [sflag:$0x7] =	stream.linear.gather [spmem:s9], $0x2000, $0x38;
	[tilespmem:$0x1AF00] =	vst v63  }
0x10b: {  	_ =	swait.ge [sflag:s21], $0x2000  }
0x10c: {  	[sflag:s21] =	ssyncset.done $0x0  }
0x10d: {  	[sflag:s21] =	ssyncadd.s32 $0xFFFFE000  }
0x10e: {  	[hbm4b:s19+s2] =	stream.linear.scatter [tilespmem:s31], [sflag:$0x7], $0x2000, $0x38;
	[tilespmem:$0x1AF00] =	vst v63  }
0x10f: {  	_ =	swait.ge [sflag:s21], $0x2000  }
0x110: {  	s12 =	sadd.s32 $0x1, s12;
	s15 =	rddreg [dreg:$0x7]  }
0x111: {  	p1 =	sne.s32 s12, s15  }
.Ltmp2:
0x112: {  	_ = 	snop;
	(pc) =	sbr.rel @p1 .LBB2_1-.Ltmp2, $3  }
0x113: {  	_ =	sdelay $0x1  }
0x114: {  	[sflag:s21] =	ssyncset.done $0x0  }
0x115: {  	[sflag:s21] =	ssyncadd.s32 $0xFFFFE000  }
0x116: {  	_ =	sfence.sel $0x180000  }
0x117: {  	[bflag:$0x0] =	sbarrier.arrive $0xFFFF  }
0x118: {  	_ =	strace $0x9000004D  }
0x119: {  	s0 =	stileid.u32;
	[bflag:$0x2] =	sbarrier.arrive $0xFFFF  }
0x11a: {  	p0 =	sne.s32 s0, $0x0;
	s0 =	rddreg [dreg:$0x2]  }
0x11b: {  	s0 =	sadd.s32 @!p0 $0x100000, s0  }
0x11c: {  	[sflag:s0] =	ssyncadd.tile.s32 @!p0 $0x1;
	_ =	shalt  }
.Lfunc_end2:
_tile_overlayer_lowered:
.L_overlay_start_2:
0x11d: {  	(tag) =	ssettag $0x2  }
0x11e: {  	s0 =	rddreg [dreg:$0x0];
	s2 =	stileid.u32  }
0x11f: {  	s1 =	rddreg [dreg:$0x1];
	p0 =	sne.s32 s2, $0x0  }
0x120: {  	s3 =	rddreg [dreg:$0x2];
	[bflag:$0x3] =	sbarrier.arrive $0xFFFF;
	s2 =	simm.s32 @!p0 $0x1C07  }
0x121: {  	[timem:s3], [sflag:s2] =	dma.local @!p0 [hbm:s0], s1  }
0x122: {  	s0 =	simm.s32 @!p0 $0x7  }
0x123: {  	_ =	swait.ge @!p0 [sflag:s0], s1  }
0x124: {  	s1 =	ssub.s32 @!p0 $0x0, s1;
	[sflag:s0] =	ssyncset.done @!p0 $0x0  }
0x125: {  	[sflag:s0] =	ssyncadd.s32 @!p0 s1  }
0x126: {  	[bflag:$0x3] =	sbarrier.arrive $0xFFFF  }
0x127: {  	_ =	shalt  }

// kernel: kernel.17.cloned.1.call-start
scs
__scs_entry_jumppad:
0x0: {  	(pc) =	sbr.rel $0x88, $3  }
0x1: {  	(tag) =	ssettag $0x0;
	lr =	simm.s32 $0x1  }
0x2: {  	[smem:$0x3F9D] =	sst lr;
	_ =	strace $0xD0000000  }
0x3: {  	_ = 	snop  }
0x4: {  	_ = 	snop  }
0x5: {  	_ = 	snop  }
0x6: {  	_ = 	snop  }
0x7: {  	_ = 	snop  }
__scs_overlays_trampoline_lowered:
0x8: {  	[smem:$0x3FAC] =	sst s0  }
0x9: {  	[smem:$0x3FAD] =	sst s1  }
0xa: {  	[smem:$0x3FAE] =	sst s2  }
0xb: {  	[smem:$0x3FAF] =	sst s3  }
0xc: {  	[smem:$0x3FB0] =	sst s4  }
0xd: {  	[smem:$0x3FB1] =	sst s5  }
0xe: {  	[smem:$0x3FB2] =	sst s6  }
0xf: {  	[smem:$0x3FB3] =	sst s7  }
0x10: {  	[smem:$0x3FB4] =	sst s8  }
0x11: {  	[smem:$0x3FB5] =	sst s9;
	s0 =	simm.s32 @!p0 $0x0  }
0x12: {  	s1 =	sld [smem:$0x3F9B];
	s0 =	simm.s32 @p0 $0x1  }
0x13: {  	[smem:$0x3FB6] =	sst s0;
	s0 =	simm.s32 @!p1 $0x0  }
0x14: {  	s2 =	sld [smem:$0x3F9A];
	s0 =	simm.s32 @p1 $0x1  }
0x15: {  	[smem:$0x3FB7] =	sst s0;
	s0 =	simm.s32 @!p2 $0x0  }
0x16: {  	s3 =	sld [smem:$0x3FDB];
	s0 =	simm.s32 @p2 $0x1  }
0x17: {  	s4 =	simm.s32 $0x1BF5;
	[smem:$0x3FB9] =	sst s0  }
0x18: {  	s0 =	sld [smem:$0x3F9C];
	_ =	swait.ge [sflag:s4], $0x0  }
0x19: {  	s7 =	sld [smem:$0x3F9D]  }
0x1a: {  	s8 =	sadd.s32 $0xFFFFE003, lr  }
0x1b: {  	s9 =	sadd.s32 $0xFFFFFEF7, lr;
	s5 =	simm.s32 $0xFFFFFFFF;
	p2 =	slt.u32 s8, $0xFFFFF086  }
0x1c: {  	p1 =	slt.u32 s9, $0xF7A;
	s5 =	simm.s32 @!p2 $0x0  }
0x1d: {  	s5 =	simm.s32 @p1 $0x1;
	p0 =	seq.s32 s7, s2  }
0x1e: {  	s7 =	smul.u32 @!p0 $0xF7A, s2;
	p2 =	seq.s32 @!p0 s5, $0x0  }
0x1f: {  	s9 =	smul.u32 $0xF7A, s1;
	s8 =	simm.s32 @!p0 $0x1BF5;
	p2 =	por !p2, p0  }
0x20: {  	[sflag:s8] =	ssyncset.s32 @!p0 $0xFFFFF086;
	s6 =	sadd.s32 @!p0 s3, s7;
	s7 =	simm.s32 @!p0 $0x108  }
0x21: {  	s3 =	sadd.s32 s3, s9;
	s6 =	sadd.s32 @!p0 $0x88, s6;
	s7 =	simm.s32 @p2 $0x1082  }
0x22: {  	[simem:s7], [sflag:s8] =	dma.local @!p0 [hbm:s6], $0xF7A  }
0x23: {  	s9 =	sor.u32 $0xD0000000, s2;
	s6 =	simm.s32 $0x108;
	_ =	swait.ge @!p0 [sflag:s8], $0x0  }
0x24: {  	s3 =	sadd.s32 $0x88, s3;
	s6 =	simm.s32 @!p1 $0x1082;
	[sflag:s4] =	ssyncset.s32 $0xFFFFF086  }
0x25: {  	[simem:s6], [sflag:s4] =	dma.local [hbm:s3], $0xF7A  }
0x26: {  	[smem:$0x3F9D] =	sst s1;
	(tag) =	ssettag s2;
	_ =	strace s9  }
0x27: {  	s1 =	sld [smem:$0x3FAD]  }
0x28: {  	s2 =	sld [smem:$0x3FAE]  }
0x29: {  	s4 =	sld [smem:$0x3FB0]  }
0x2a: {  	p0 =	seq.s32 s5, $0x0;
	s5 =	sld [smem:$0x3FB1]  }
0x2b: {  	s6 =	sld [smem:$0x3FB2]  }
0x2c: {  	s7 =	sld [smem:$0x3FB3]  }
0x2d: {  	s3 =	simm.s32 $0x108;
	s8 =	sld [smem:$0x3FB4]  }
0x2e: {  	s3 =	simm.s32 @!p0 $0x1082;
	s9 =	sld [smem:$0x3FB5]  }
0x2f: {  	lr =	sadd.s32 s0, s3;
	s0 =	sld [smem:$0x3FAC]  }
0x30: {  	s3 =	sld [smem:$0x3FAF]  }
0x31: {  	[smem:$0x3FB8] =	sst s10  }
0x32: {  	s10 =	sld [smem:$0x3FB6];
	_ =	sdelay $0x3  }
0x33: {  	p0 =	seq.s32 s10, $0x1;
	s10 =	sld [smem:$0x3FB8];
	_ =	sdelay $0x3  }
0x34: {  	[smem:$0x3FB8] =	sst s10  }
0x35: {  	s10 =	sld [smem:$0x3FB7];
	_ =	sdelay $0x3  }
0x36: {  	p1 =	seq.s32 s10, $0x1;
	s10 =	sld [smem:$0x3FB8];
	_ =	sdelay $0x3  }
0x37: {  	[smem:$0x3FB8] =	sst s10  }
0x38: {  	s10 =	sld [smem:$0x3FB9]  }
0x39: {  	_ = 	snop;
	(pc) =	sbr.ind lr, $3  }
0x3a: {  	_ = 	snop  }
0x3b: {  	_ = 	snop  }
0x3c: {  	p2 =	seq.s32 s10, $0x1;
	s10 =	sld [smem:$0x3FB8]  }
0x3d: {  	_ =	shalt  }
0x3e: {  	_ =	shalt  }
0x3f: {  	_ =	shalt  }
0x40: {  	_ =	shalt  }
0x41: {  	_ =	shalt  }
0x42: {  	_ =	shalt  }
0x43: {  	_ =	shalt  }
0x44: {  	_ =	shalt  }
0x45: {  	_ =	shalt  }
0x46: {  	_ =	shalt  }
0x47: {  	_ =	shalt  }
0x48: {  	_ =	shalt  }
0x49: {  	_ =	shalt  }
0x4a: {  	_ =	shalt  }
0x4b: {  	_ =	shalt  }
0x4c: {  	_ =	shalt  }
0x4d: {  	_ =	shalt  }
0x4e: {  	_ =	shalt  }
0x4f: {  	_ =	shalt  }
0x50: {  	_ =	shalt  }
0x51: {  	_ =	shalt  }
0x52: {  	_ =	shalt  }
0x53: {  	_ =	shalt  }
0x54: {  	_ =	shalt  }
0x55: {  	_ =	shalt  }
0x56: {  	_ =	shalt  }
0x57: {  	_ =	shalt  }
0x58: {  	_ =	shalt  }
0x59: {  	_ =	shalt  }
0x5a: {  	_ =	shalt  }
0x5b: {  	_ =	shalt  }
0x5c: {  	_ =	shalt  }
0x5d: {  	_ =	shalt  }
0x5e: {  	_ =	shalt  }
0x5f: {  	_ =	shalt  }
0x60: {  	_ =	shalt  }
0x61: {  	_ =	shalt  }
0x62: {  	_ =	shalt  }
0x63: {  	_ =	shalt  }
0x64: {  	_ =	shalt  }
0x65: {  	_ =	shalt  }
0x66: {  	_ =	shalt  }
0x67: {  	_ =	shalt  }
0x68: {  	_ =	shalt  }
0x69: {  	_ =	shalt  }
0x6a: {  	_ =	shalt  }
0x6b: {  	_ =	shalt  }
0x6c: {  	_ =	shalt  }
0x6d: {  	_ =	shalt  }
0x6e: {  	_ =	shalt  }
0x6f: {  	_ =	shalt  }
0x70: {  	_ =	shalt  }
0x71: {  	_ =	shalt  }
0x72: {  	_ =	shalt  }
0x73: {  	_ =	shalt  }
0x74: {  	_ =	shalt  }
0x75: {  	_ =	shalt  }
0x76: {  	_ =	shalt  }
0x77: {  	_ =	shalt  }
0x78: {  	_ =	shalt  }
0x79: {  	_ =	shalt  }
0x7a: {  	_ =	shalt  }
0x7b: {  	_ =	shalt  }
0x7c: {  	_ =	shalt  }
0x7d: {  	_ =	shalt  }
0x7e: {  	_ =	shalt  }
0x7f: {  	_ =	shalt  }
0x80: {  	_ =	shalt  }
0x81: {  	_ =	shalt  }
0x82: {  	_ =	shalt  }
0x83: {  	_ =	shalt  }
0x84: {  	_ =	shalt  }
0x85: {  	_ =	shalt  }
0x86: {  	_ =	shalt  }
0x87: {  	_ =	shalt  }
.Lfunc_end0:
.L_simem_size_0:
called_computation.3_lowered:
.L_overlay_start_0:
0x88: {  	s2 =	sld [smem:$0x3FD9]  }
0x89: {  	s3 =	sld [smem:$0x3FFE];
	_ =	sdelay $0x1  }
0x8a: {  	s1 =	srdreg.scid  }
0x8b: {  	s0 =	sand.u32 $0x1, s1  }
0x8c: {  	s17 =	sshll.u32 s0, $0xA;
	s2 =	sadd.s32 s3, s2  }
0x8d: {  	s2 =	sadd.s32 s2, s17  }
0x8e: {  	[smem:$0x3FC4] =	sst s2  }
0x8f: {  	_ = 	snop  }
0x90: {  	s18 =	sld [smem:$0x3FD0];
	(tm) =	ssettm $0x1  }
0x91: {  	s19 =	sld [smem:$0x3FFB];
	_ =	sdelay $0x3  }
0x92: {  	_ =	strace s19  }
0x93: {  	s2 =	sld [smem:$0x3FFC];
	_ =	sdelay $0x3  }
0x94: {  	_ =	strace s2  }
0x95: {  	s2 =	sld [smem:$0x3FFD];
	_ =	sdelay $0x3  }
0x96: {  	_ =	strace s2  }
0x97: {  	_ =	strace $0x8FFFFFFF  }
0x98: {  	s20 =	sld [smem:$0x3FDB];
	_ =	sdelay $0x1  }
0x99: {  	s4 =	simm.s32 $_scs_section_size  }
0x9a: {  	s5 =	simm.s32 $_size__tile_overlayer_lowered;
	s6 =	simm.s32 $_tile_overlayer_lowered  }
0x9b: {  	s7 =	simm.s32 $0x1BFF;
	s21 =	sshll.u32 s6, $0x1;
	s4 =	sadd.s32 s4, s20  }
0x9c: {  	s22 =	simm.s32 $0x0;
	s5 =	sshll.u32 s5, $0x1;
	s6 =	sadd.s32 s21, s4  }
0x9d: {  	[timem:s22], [sflag:s7] =	dma.local [hbm:s6], s5  }
0x9e: {  	_ =	swait.ge [sflag:s7], s5  }
0x9f: {  	s5 =	ssub.s32 $0x0, s5;
	[sflag:s7] =	ssyncset.done $0x0  }
0xa0: {  	[sflag:s7] =	ssyncadd.s32 s5;
	_ =	sdelay $0x1  }
0xa1: {  	s23 =	simm.s32 $0x1B8B  }
0xa2: {  	_ =	swait.ge [sflag:s23], $0x1  }
0xa3: {  	[sflag:s23] =	ssyncset.done $0x0  }
0xa4: {  	[sflag:s23] =	ssyncadd.s32 $0xFFFFFFFF  }
0xa5: {  	s5 =	sld [smem:$0x0]  }
0xa6: {  	s6 =	sand.u32 $0xFFFFFFFE, s1  }
0xa7: {  	p0 =	sne.s32 s1, s6  }
0xa8: {  	s6 =	sshll.u32 @p0 s6, $0xE  }
0xa9: {  	s6 =	sadd.s32 @p0 $0x11B8D, s6;
	s7 =	sshll.u32 @p0 s5, $0x11  }
0xaa: {  	s6 =	sor.u32 @p0 s7, s6  }
0xab: {  	[sflag:s6] =	ssyncadd.remote.s32 @p0 $0x1;
	_ =	sdelay $0x1  }
0xac: {  	s6 =	simm.s32 @p0 $0x1B8D  }
0xad: {  	_ =	swait.eq @p0 [sflag:s6], $0x1  }
0xae: {  	[sflag:s6] =	ssyncadd.s32 @p0 $0xFFFFFFFF  }
0xaf: {  	s7 =	sshll.u32 @!p0 s1, $0xE  }
0xb0: {  	s7 =	sor.u32 @!p0 $0x4000, s7;
	s6 =	simm.s32 @!p0 $0x1B8D  }
0xb1: {  	s5 =	sshll.u32 @!p0 s5, $0x11;
	s7 =	sadd.s32 @!p0 $0x11B8D, s7;
	_ =	swait.eq @!p0 [sflag:s6], $0x1  }
0xb2: {  	s5 =	sor.u32 @!p0 s5, s7;
	[sflag:s6] =	ssyncadd.s32 @!p0 $0xFFFFFFFF  }
0xb3: {  	s25 =	simm.s32 $0x1B8E;
	s24 =	sld [smem:$0x3FFE];
	[sflag:s5] =	ssyncadd.remote.s32 @!p0 $0x1  }
0xb4: {  	s26 =	simm.s32 $execute0_lowered;
	[smem:$0x3FD2] =	sst s25  }
0xb5: {  	s6 =	sshll.u32 s26, $0x1;
	_ =	strace $0x8000004F;
	[dreg:$0x1] =	wrdreg $0xFFFFFFFF  }
0xb6: {  	s28 =	simm.s32 $_size_execute0_lowered;
	s4 =	sadd.s32 s4, s6;
	[dreg:$0x0] =	wrdreg $0x0  }
0xb7: {  	s6 =	sshll.u32 s28, $0x1;
	[dreg:$0x2] =	wrdreg s4  }
0xb8: {  	[dreg:$0x3] =	wrdreg s6  }
0xb9: {  	[dreg:$0x4] =	wrdreg $0xC0  }
0xba: {  	_ =	task [dreg:s22], $0x5FFFF  }
0xbb: {  	[dreg:$0x1] =	wrdreg $0xFFFFFFFF  }
0xbc: {  	[dreg:$0x0] =	wrdreg $0x60  }
0xbd: {  	[dreg:$0x2] =	wrdreg s24  }
0xbe: {  	[dreg:$0x3] =	wrdreg s18  }
0xbf: {  	[dreg:$0x4] =	wrdreg $0x10F000  }
0xc0: {  	[dreg:$0x5] =	wrdreg $0xA  }
0xc1: {  	_ =	task.clear_ibuf [dreg:s22], $0x6FFFF;
	_ =	strace $0x9000004F  }
0xc2: {  	s29 =	simm.s32 $0xA;
	_ =	strace $0x80000051  }
0xc3: {  	_ =	swait.ge [sflag:s29], $0x1  }
0xc4: {  	[sflag:s29] =	ssyncadd.s32 $0xFFFFFFFF  }
0xc5: {  	_ =	strace $0x90000051  }
0xc6: {  	_ =	sfence  }
0xc7: {  	s30 =	sld [smem:$0x0];
	_ =	sdelay $0x2  }
0xc8: {  	s31 =	sshll.u32 s1, $0xD;
	s1 =	sshrl.u32 s1, $0x2  }
0xc9: {  	s4 =	sand.u32 $0x4000, s31;
	s1 =	sadd.s32 s1, s30  }
0xca: {  	s0 =	sor.u32 s4, s0;
	s1 =	sshll.u32 s1, $0x11  }
0xcb: {  	s0 =	sor.u32 s1, s0  }
0xcc: {  	s0 =	sadd.s32 $0x8F2B, s0  }
0xcd: {  	[sflag:s0] =	ssyncadd.remote.s32 $0x1  }
0xce: {  	_ =	sfence.sel $0xFFFF  }
0xcf: {  	[dreg:$0x0] =	wrdreg $0xFFFFFFFF;
	(pc) =	sbr.abs _section_cstart, $3  }
0xd0: {  	[dreg:$0x1] =	wrdreg $0xFFFFFFFF  }
0xd1: {  	_ =	task.clear_ibuf [dreg:s22], $0x2FFFF;
	_ =	strace $0x9FFFFFFF  }
0xd2: {  	(tm) =	ssettm $0x7FFFFFFF  }
0xd3: {  	_ =	shalt  }
tec
execute0_lowered:
.L_overlay_start_1:
0x0: {  	(tag) =	ssettag $0x1  }
0x1: {  	s0 =	rddreg [dreg:$0x0]  }
0x2: {  	s3 =	rddreg [dreg:$0x1]  }
0x3: {  	s1 =	rddreg [dreg:$0x2];
	s2 =	simm.s32 $0x0  }
0x4: {  	s4 =	srdreg.scid;
	s18 =	stileid.u32;
	s29 =	simm.s32 $0xAF00  }
0x5: {  	s31 =	simm.s32 $0xCF00;
	s28 =	simm.s32 $0x3;
	s30 =	simm.s32 $0x4  }
0x6: {  	[smem:$0x7FF] =	sst s2;
	s9 =	sadd.s32 $0x2C00, s0;
	s11 =	sand.u32 $0x1, s4  }
0x7: {  	s4 =	sadd.s32 $0x7A000, s0;
	s12 =	smul.u32 $0xA000, s18;
	s0 =	sadd.s32 $0x8DA00, s0  }
0x8: {  	_ =	strace $0x80000050;
	s5 =	ssub.s32 $0x2, s11;
	s7 =	sshll.u32 s11, $0x4  }
0x9: {  	p0 =	seq.s32 s11, $0x0;
	s11 =	simm.s32 $0x6;
	s6 =	sshrl.u32 s5, $0x1  }
0xa: {  	s20 =	sor.u32 s18, s7;
	s14 =	sadd.s32 $0x2000, s12;
	s15 =	sadd.s32 $0x4000, s12  }
0xb: {  	s16 =	sadd.s32 $0x6000, s12;
	s17 =	sadd.s32 $0x8000, s12;
	s18 =	sshll.u32 s18, $0x4  }
0xc: {  	s0 =	smov.u32 @p0 s3;
	s3 =	simm.s32 $0xEF00;
	s13 =	ssub.s32 s5, s6  }
0xd: {  	s5 =	sadd.s32 s12, s1;
	s10 =	smul.u32 $0x2700, s20;
	s6 =	sadd.s32 s14, s1  }
0xe: {  	s7 =	sadd.s32 s15, s1;
	s8 =	sadd.s32 s16, s1;
	s21 =	sshrl.u32 s14, $0x3  }
0xf: {  	s22 =	sshrl.u32 s15, $0x3;
	s23 =	sshrl.u32 s16, $0x3;
	s24 =	sshrl.u32 s17, $0x3  }
0x10: {  	p0 =	sgt.u32 s20, $0x3;
	s20 =	simm.s32 $0x4F00;
	s25 =	smax.u32 s13, $0x1  }
0x11: {  	s16 =	sadd.s32 s0, s21;
	s21 =	simm.s32 $0x7;
	s10 =	sshrl.u32 s10, $0x3  }
0x12: {  	[dreg:$0x8] =	wrdreg s25;
	s25 =	simm.s32 $0x2;
	s19 =	sadd.s32 s9, s10  }
0x13: {  	s9 =	sadd.s32 s18, s9;
	[dreg:$0x4] =	wrdreg s19;
	s19 =	sadd.s32 $0x9C40, s19  }
0x14: {  	s10 =	sadd.s32 s17, s1;
	s18 =	sadd.s32 $0x9C00, s9;
	[dreg:$0x5] =	wrdreg s19  }
0x15: {  	s17 =	sadd.s32 s0, s22;
	s9 =	sadd.s32 $0x13840, s9;
	[dreg:$0x6] =	wrdreg s18  }
0x16: {  	s22 =	simm.s32 $0x1;
	[dreg:$0x7] =	wrdreg s9;
	s19 =	sshrl.u32 s12, $0x3  }
0x17: {  	s18 =	sadd.s32 s0, s23;
	s23 =	simm.s32 $0x80;
	s12 =	simm.s32 $0x0  }
0x18: {  	s26 =	sadd.s32 s0, s19;
	s19 =	sadd.s32 s0, s24;
	s24 =	simm.s32 $0x6F00  }
0x19: {  	v0 =	vimm.f32 $0.0e+00;
	s0 =	simm.s32 $0x5;
	[dreg:$0x9] =	wrdreg s26;
	s26 =	simm.s32 $0x8F00  }
.LBB2_1:
0x1a: {  	s13 =	simm.s32 $0x100;
	s9 =	simm.s32 $0x0  }
.LBB2_2:
0x1b: {  	p1 =	sne.s32 s13, $0x7F00;
	[tilespmem:s9+$0x4F30] =	vst v0;
	s14 =	smov.u32 s13;
	s13 =	sadd.s32 $0x100, s13  }
.Ltmp0:
0x1c: {  	[tilespmem:s9+$0x4F20] =	vst v0;
	(pc) =	sbr.rel @p1 .LBB2_2-.Ltmp0, $3  }
0x1d: {  	[tilespmem:s9+$0x4F00] =	vst v0  }
0x1e: {  	[tilespmem:s9+$0x4F10] =	vst v0;
	_ =	sdelay $0x1  }
0x1f: {  	s9 =	sshra.s32 s14, $0x2  }
0x20: {  	[tilespmem:s9+$0x4F30] =	vst v0  }
0x21: {  	[tilespmem:s9+$0x4F20] =	vst v0  }
0x22: {  	[tilespmem:s9+$0x4F00] =	vst v0  }
0x23: {  	[tilespmem:s9+$0x4F10] =	vst v0  }
0x24: {  	[spmem:s5] =	stream.linear.scatter [tilespmem:s20], [sflag:$0x7], $0x2000, $0x38;
	[tilespmem:$0x1AF00] =	vst v63  }
0x25: {  	_ =	swait.ge [sflag:s21], $0x2000  }
0x26: {  	[sflag:s21] =	ssyncset.done $0x0  }
0x27: {  	[sflag:s21] =	ssyncadd.s32 $0xFFFFE000  }
0x28: {  	[spmem:s6] =	stream.linear.scatter [tilespmem:s20], [sflag:$0x7], $0x2000, $0x38;
	[tilespmem:$0x1AF00] =	vst v63  }
0x29: {  	_ =	swait.ge [sflag:s21], $0x2000  }
0x2a: {  	[sflag:s21] =	ssyncset.done $0x0  }
0x2b: {  	[sflag:s21] =	ssyncadd.s32 $0xFFFFE000  }
0x2c: {  	[spmem:s7] =	stream.linear.scatter [tilespmem:s20], [sflag:$0x7], $0x2000, $0x38;
	[tilespmem:$0x1AF00] =	vst v63  }
0x2d: {  	_ =	swait.ge [sflag:s21], $0x2000  }
0x2e: {  	[sflag:s21] =	ssyncset.done $0x0  }
0x2f: {  	[sflag:s21] =	ssyncadd.s32 $0xFFFFE000  }
0x30: {  	[spmem:s8] =	stream.linear.scatter [tilespmem:s20], [sflag:$0x7], $0x2000, $0x38;
	[tilespmem:$0x1AF00] =	vst v63  }
0x31: {  	_ =	swait.ge [sflag:s21], $0x2000  }
0x32: {  	[sflag:s21] =	ssyncset.done $0x0  }
0x33: {  	[sflag:s21] =	ssyncadd.s32 $0xFFFFE000  }
0x34: {  	[spmem:s10] =	stream.linear.scatter [tilespmem:s20], [sflag:$0x7], $0x2000, $0x38;
	[tilespmem:$0x1AF00] =	vst v63  }
0x35: {  	_ =	swait.ge [sflag:s21], $0x2000  }
0x36: {  	[sflag:s21] =	ssyncset.done $0x0  }
0x37: {  	s13 =	rddreg [dreg:$0x4];
	[sflag:s21] =	ssyncadd.s32 $0xFFFFE000  }
0x38: {  	[tilespmem:s2], [sflag:$0x7] =	stream.linear.gather [hbm4b:s13+s2], $0x2700, $0x38;
	[tilespmem:$0x1AF00] =	vst v63  }
0x39: {  	_ =	swait.ge [sflag:s21], $0x2700  }
0x3a: {  	[sflag:s21] =	ssyncset.done $0x0  }
0x3b: {  	s13 =	simm.s32 $0x2780;
	s14 =	rddreg [dreg:$0x5];
	[sflag:s21] =	ssyncadd.s32 $0xFFFFD900  }
0x3c: {  	[tilespmem:s13], [sflag:$0x7] =	stream.linear.gather [hbm4b:s14+s2], $0x2700, $0x38;
	[tilespmem:$0x1AF00] =	vst v63  }
0x3d: {  	_ =	swait.ge [sflag:s21], $0x2700  }
0x3e: {  	s9 =	simm.s32 @!p0 $0x0;
	[sflag:s21] =	ssyncset.done $0x0  }
0x3f: {  	s13 =	simm.s32 @!p0 $0x2700;
	s14 =	rddreg [dreg:$0x6];
	[sflag:s21] =	ssyncadd.s32 $0xFFFFD900  }
0x40: {  	[tilespmem:s13], [sflag:$0x7] =	stream.linear.gather @!p0 [hbm4b:s14+s9], $0x80, $0x38;
	[tilespmem:$0x1AF00] =	vst v63  }
0x41: {  	s13 =	simm.s32 @!p0 $0x7  }
0x42: {  	_ =	swait.ge @!p0 [sflag:s13], $0x80  }
0x43: {  	[sflag:s13] =	ssyncset.done @!p0 $0x0  }
0x44: {  	s14 =	simm.s32 @!p0 $0x4E80;
	s15 =	rddreg [dreg:$0x7];
	[sflag:s13] =	ssyncadd.s32 @!p0 $0xFFFFFF80  }
0x45: {  	[tilespmem:s14], [sflag:$0x7] =	stream.linear.gather @!p0 [hbm4b:s15+s9], $0x80, $0x38;
	[tilespmem:$0x1AF00] =	vst v63  }
0x46: {  	_ =	swait.ge @!p0 [sflag:s13], $0x80  }
0x47: {  	[sflag:s13] =	ssyncset.done @!p0 $0x0  }
0x48: {  	[sflag:s13] =	ssyncadd.s32 @!p0 $0xFFFFFF80  }
0x49: {  	s15 =	simm.s32 $0x0;
	[bflag:$0x0] =	sbarrier.arrive $0xFFFF  }
0x4a: {  	[tilespmem:s20], [sflag:$0x1] =	stream.indirect.gather [hbm4b:s4+s23], $0x40, s15, s23, $0xb8;
	[tilespmem:$0x1AF00] =	vst v63  }
0x4b: {  	_ = 	snop  }
0x4c: {  	[tilespmem:s24], [sflag:$0x2] =	stream.indirect.gather [hbm4b:s4+s23], $0x40, s23, s23, $0xb8;
	[tilespmem:$0x1AF00] =	vst v63  }
0x4d: {  	s13 =	simm.s32 $0x100  }
0x4e: {  	[tilespmem:s26], [sflag:$0x3] =	stream.indirect.gather [hbm4b:s4+s23], $0x40, s13, s23, $0xb8;
	[tilespmem:$0x1AF00] =	vst v63  }
0x4f: {  	s14 =	simm.s32 $0x180  }
0x50: {  	[tilespmem:s29], [sflag:$0x4] =	stream.indirect.gather [hbm4b:s4+s23], $0x40, s14, s23, $0xb8;
	[tilespmem:$0x1AF00] =	vst v63  }
0x51: {  	s15 =	simm.s32 $0x200  }
0x52: {  	[tilespmem:s31], [sflag:$0x5] =	stream.indirect.gather [hbm4b:s4+s23], $0x40, s15, s23, $0xb8;
	[tilespmem:$0x1AF00] =	vst v63  }
0x53: {  	s13 =	simm.s32 $0x280  }
0x54: {  	[tilespmem:s3], [sflag:$0x6] =	stream.indirect.gather [hbm4b:s4+s23], $0x40, s13, s23, $0xb8;
	[tilespmem:$0x1AF00] =	vst v63  }
0x55: {  	_ =	swait.ge [sflag:s22], $0x2000  }
0x56: {  	[sflag:s22] =	ssyncset.done $0x0  }
0x57: {  	s14 =	simm.s32 $0x2780;
	[sflag:s22] =	ssyncadd.s32 $0xFFFFE000  }
0x58: {  	[spmem:s1] =	stream.indirect.scatter.add.f32 [tilespmem:s20], [sflag:$0x7], $0x40, s14, s23, $0xb8;
	[tilespmem:$0x1AF00] =	vst v63  }
0x59: {  	_ =	swait.ge [sflag:s21], $0x2000  }
0x5a: {  	[sflag:s21] =	ssyncset.done $0x0  }
0x5b: {  	s15 =	simm.s32 $0x300;
	[sflag:s21] =	ssyncadd.s32 $0xFFFFE000  }
0x5c: {  	[tilespmem:s20], [sflag:$0x1] =	stream.indirect.gather [hbm4b:s4+s23], $0x40, s15, s23, $0xb8;
	[tilespmem:$0x1AF00] =	vst v63  }
0x5d: {  	_ =	swait.ge [sflag:s25], $0x2000  }
0x5e: {  	[sflag:s25] =	ssyncset.done $0x0  }
0x5f: {  	s13 =	simm.s32 $0x2800;
	[sflag:s25] =	ssyncadd.s32 $0xFFFFE000  }
0x60: {  	[spmem:s1] =	stream.indirect.scatter.add.f32 [tilespmem:s24], [sflag:$0x7], $0x40, s13, s23, $0xb8;
	[tilespmem:$0x1AF00] =	vst v63  }
0x61: {  	_ =	swait.ge [sflag:s21], $0x2000  }
0x62: {  	[sflag:s21] =	ssyncset.done $0x0  }
0x63: {  	s14 =	simm.s32 $0x380;
	[sflag:s21] =	ssyncadd.s32 $0xFFFFE000  }
0x64: {  	[tilespmem:s24], [sflag:$0x2] =	stream.indirect.gather [hbm4b:s4+s23], $0x40, s14, s23, $0xb8;
	[tilespmem:$0x1AF00] =	vst v63  }
0x65: {  	_ =	swait.ge [sflag:s28], $0x2000  }
0x66: {  	[sflag:s28] =	ssyncset.done $0x0  }
0x67: {  	s15 =	simm.s32 $0x2880;
	[sflag:s28] =	ssyncadd.s32 $0xFFFFE000  }
0x68: {  	[spmem:s1] =	stream.indirect.scatter.add.f32 [tilespmem:s26], [sflag:$0x7], $0x40, s15, s23, $0xb8;
	[tilespmem:$0x1AF00] =	vst v63  }
0x69: {  	_ =	swait.ge [sflag:s21], $0x2000  }
0x6a: {  	[sflag:s21] =	ssyncset.done $0x0  }
0x6b: {  	s13 =	simm.s32 $0x400;
	[sflag:s21] =	ssyncadd.s32 $0xFFFFE000  }
0x6c: {  	[tilespmem:s26], [sflag:$0x3] =	stream.indirect.gather [hbm4b:s4+s23], $0x40, s13, s23, $0xb8;
	[tilespmem:$0x1AF00] =	vst v63  }
0x6d: {  	_ =	swait.ge [sflag:s30], $0x2000  }
0x6e: {  	[sflag:s30] =	ssyncset.done $0x0  }
0x6f: {  	s14 =	simm.s32 $0x2900;
	[sflag:s30] =	ssyncadd.s32 $0xFFFFE000  }
0x70: {  	[spmem:s1] =	stream.indirect.scatter.add.f32 [tilespmem:s29], [sflag:$0x7], $0x40, s14, s23, $0xb8;
	[tilespmem:$0x1AF00] =	vst v63  }
0x71: {  	_ =	swait.ge [sflag:s21], $0x2000  }
0x72: {  	[sflag:s21] =	ssyncset.done $0x0  }
0x73: {  	s15 =	simm.s32 $0x480;
	[sflag:s21] =	ssyncadd.s32 $0xFFFFE000  }
0x74: {  	[tilespmem:s29], [sflag:$0x4] =	stream.indirect.gather [hbm4b:s4+s23], $0x40, s15, s23, $0xb8;
	[tilespmem:$0x1AF00] =	vst v63  }
0x75: {  	_ =	swait.ge [sflag:s0], $0x2000  }
0x76: {  	[sflag:s0] =	ssyncset.done $0x0  }
0x77: {  	s13 =	simm.s32 $0x2980;
	[sflag:s0] =	ssyncadd.s32 $0xFFFFE000  }
0x78: {  	[spmem:s1] =	stream.indirect.scatter.add.f32 [tilespmem:s31], [sflag:$0x7], $0x40, s13, s23, $0xb8;
	[tilespmem:$0x1AF00] =	vst v63  }
0x79: {  	_ =	swait.ge [sflag:s21], $0x2000  }
0x7a: {  	[sflag:s21] =	ssyncset.done $0x0  }
0x7b: {  	s14 =	simm.s32 $0x500;
	[sflag:s21] =	ssyncadd.s32 $0xFFFFE000  }
0x7c: {  	[tilespmem:s31], [sflag:$0x5] =	stream.indirect.gather [hbm4b:s4+s23], $0x40, s14, s23, $0xb8;
	[tilespmem:$0x1AF00] =	vst v63  }
0x7d: {  	_ =	swait.ge [sflag:s11], $0x2000  }
0x7e: {  	[sflag:s11] =	ssyncset.done $0x0  }
0x7f: {  	s15 =	simm.s32 $0x2A00;
	[sflag:s11] =	ssyncadd.s32 $0xFFFFE000  }
0x80: {  	[spmem:s1] =	stream.indirect.scatter.add.f32 [tilespmem:s3], [sflag:$0x7], $0x40, s15, s23, $0xb8;
	[tilespmem:$0x1AF00] =	vst v63  }
0x81: {  	_ =	swait.ge [sflag:s21], $0x2000  }
0x82: {  	[sflag:s21] =	ssyncset.done $0x0  }
0x83: {  	s9 =	simm.s32 $0x580;
	s13 =	simm.s32 $0xC00;
	[sflag:s21] =	ssyncadd.s32 $0xFFFFE000  }
.LBB2_4:
0x84: {  	[tilespmem:s3], [sflag:$0x6] =	stream.indirect.gather [hbm4b:s4+s23], $0x40, s9, s23, $0xb8;
	[tilespmem:$0x1AF00] =	vst v63  }
0x85: {  	s9 =	smov.u32 s13  }
0x86: {  	p1 =	sne.s32 s13, $0x8400;
	s13 =	sadd.s32 $0xC00, s13;
	_ =	swait.ge [sflag:s22], $0x2000  }
0x87: {  	s9 =	sshra.s32 s9, $0x2;
	[sflag:s22] =	ssyncset.done $0x0  }
0x88: {  	s14 =	sadd.s32 $0x2780, s9;
	[sflag:s22] =	ssyncadd.s32 $0xFFFFE000  }
0x89: {  	[spmem:s1] =	stream.indirect.scatter.add.f32 [tilespmem:s20], [sflag:$0x7], $0x40, s14, s23, $0xb8;
	[tilespmem:$0x1AF00] =	vst v63  }
0x8a: {  	_ =	swait.ge [sflag:s21], $0x2000  }
0x8b: {  	[sflag:s21] =	ssyncset.done $0x0  }
0x8c: {  	s14 =	sadd.s32 $0x300, s9;
	[sflag:s21] =	ssyncadd.s32 $0xFFFFE000  }
0x8d: {  	[tilespmem:s20], [sflag:$0x1] =	stream.indirect.gather [hbm4b:s4+s23], $0x40, s14, s23, $0xb8;
	[tilespmem:$0x1AF00] =	vst v63  }
0x8e: {  	_ =	swait.ge [sflag:s25], $0x2000  }
0x8f: {  	[sflag:s25] =	ssyncset.done $0x0  }
0x90: {  	s14 =	sadd.s32 $0x2800, s9;
	[sflag:s25] =	ssyncadd.s32 $0xFFFFE000  }
0x91: {  	[spmem:s1] =	stream.indirect.scatter.add.f32 [tilespmem:s24], [sflag:$0x7], $0x40, s14, s23, $0xb8;
	[tilespmem:$0x1AF00] =	vst v63  }
0x92: {  	_ =	swait.ge [sflag:s21], $0x2000  }
0x93: {  	[sflag:s21] =	ssyncset.done $0x0  }
0x94: {  	s14 =	sadd.s32 $0x380, s9;
	[sflag:s21] =	ssyncadd.s32 $0xFFFFE000  }
0x95: {  	[tilespmem:s24], [sflag:$0x2] =	stream.indirect.gather [hbm4b:s4+s23], $0x40, s14, s23, $0xb8;
	[tilespmem:$0x1AF00] =	vst v63  }
0x96: {  	_ =	swait.ge [sflag:s28], $0x2000  }
0x97: {  	[sflag:s28] =	ssyncset.done $0x0  }
0x98: {  	s14 =	sadd.s32 $0x2880, s9;
	[sflag:s28] =	ssyncadd.s32 $0xFFFFE000  }
0x99: {  	[spmem:s1] =	stream.indirect.scatter.add.f32 [tilespmem:s26], [sflag:$0x7], $0x40, s14, s23, $0xb8;
	[tilespmem:$0x1AF00] =	vst v63  }
0x9a: {  	_ =	swait.ge [sflag:s21], $0x2000  }
0x9b: {  	[sflag:s21] =	ssyncset.done $0x0  }
0x9c: {  	s14 =	sadd.s32 $0x400, s9;
	[sflag:s21] =	ssyncadd.s32 $0xFFFFE000  }
0x9d: {  	[tilespmem:s26], [sflag:$0x3] =	stream.indirect.gather [hbm4b:s4+s23], $0x40, s14, s23, $0xb8;
	[tilespmem:$0x1AF00] =	vst v63  }
0x9e: {  	_ =	swait.ge [sflag:s30], $0x2000  }
0x9f: {  	[sflag:s30] =	ssyncset.done $0x0  }
0xa0: {  	s14 =	sadd.s32 $0x2900, s9;
	[sflag:s30] =	ssyncadd.s32 $0xFFFFE000  }
0xa1: {  	[spmem:s1] =	stream.indirect.scatter.add.f32 [tilespmem:s29], [sflag:$0x7], $0x40, s14, s23, $0xb8;
	[tilespmem:$0x1AF00] =	vst v63  }
0xa2: {  	_ =	swait.ge [sflag:s21], $0x2000  }
0xa3: {  	[sflag:s21] =	ssyncset.done $0x0  }
0xa4: {  	s14 =	sadd.s32 $0x480, s9;
	[sflag:s21] =	ssyncadd.s32 $0xFFFFE000  }
0xa5: {  	[tilespmem:s29], [sflag:$0x4] =	stream.indirect.gather [hbm4b:s4+s23], $0x40, s14, s23, $0xb8;
	[tilespmem:$0x1AF00] =	vst v63  }
0xa6: {  	_ =	swait.ge [sflag:s0], $0x2000  }
0xa7: {  	[sflag:s0] =	ssyncset.done $0x0  }
0xa8: {  	s14 =	sadd.s32 $0x2980, s9;
	[sflag:s0] =	ssyncadd.s32 $0xFFFFE000  }
0xa9: {  	[spmem:s1] =	stream.indirect.scatter.add.f32 [tilespmem:s31], [sflag:$0x7], $0x40, s14, s23, $0xb8;
	[tilespmem:$0x1AF00] =	vst v63  }
0xaa: {  	_ =	swait.ge [sflag:s21], $0x2000  }
0xab: {  	[sflag:s21] =	ssyncset.done $0x0  }
0xac: {  	s14 =	sadd.s32 $0x500, s9;
	[sflag:s21] =	ssyncadd.s32 $0xFFFFE000  }
0xad: {  	[tilespmem:s31], [sflag:$0x5] =	stream.indirect.gather [hbm4b:s4+s23], $0x40, s14, s23, $0xb8;
	[tilespmem:$0x1AF00] =	vst v63  }
0xae: {  	_ =	swait.ge [sflag:s11], $0x2000  }
0xaf: {  	[sflag:s11] =	ssyncset.done $0x0  }
.Ltmp1:
0xb0: {  	s14 =	sadd.s32 $0x2A00, s9;
	[sflag:s11] =	ssyncadd.s32 $0xFFFFE000;
	(pc) =	sbr.rel @p1 .LBB2_4-.Ltmp1, $4  }
0xb1: {  	[spmem:s1] =	stream.indirect.scatter.add.f32 [tilespmem:s3], [sflag:$0x7], $0x40, s14, s23, $0xb8;
	[tilespmem:$0x1AF00] =	vst v63  }
0xb2: {  	_ =	swait.ge [sflag:s21], $0x2000  }
0xb3: {  	[sflag:s21] =	ssyncset.done $0x0  }
0xb4: {  	s9 =	sadd.s32 $0x580, s9;
	[sflag:s21] =	ssyncadd.s32 $0xFFFFE000  }
0xb5: {  	[tilespmem:s3], [sflag:$0x6] =	stream.indirect.gather [hbm4b:s4+s23], $0x40, s9, s23, $0xb8;
	[tilespmem:$0x1AF00] =	vst v63  }
0xb6: {  	_ =	swait.ge [sflag:s22], $0x2000  }
0xb7: {  	[sflag:s22] =	ssyncset.done $0x0  }
0xb8: {  	s14 =	simm.s32 $0x4B80;
	[sflag:s22] =	ssyncadd.s32 $0xFFFFE000  }
0xb9: {  	[spmem:s1] =	stream.indirect.scatter.add.f32 [tilespmem:s20], [sflag:$0x7], $0x40, s14, s23, $0xb8;
	[tilespmem:$0x1AF00] =	vst v63  }
0xba: {  	_ =	swait.ge [sflag:s21], $0x2000  }
0xbb: {  	[sflag:s21] =	ssyncset.done $0x0  }
0xbc: {  	[sflag:s21] =	ssyncadd.s32 $0xFFFFE000  }
0xbd: {  	_ =	swait.ge [sflag:s25], $0x2000  }
0xbe: {  	[sflag:s25] =	ssyncset.done $0x0  }
0xbf: {  	s15 =	simm.s32 $0x4C00;
	[sflag:s25] =	ssyncadd.s32 $0xFFFFE000  }
0xc0: {  	[spmem:s1] =	stream.indirect.scatter.add.f32 [tilespmem:s24], [sflag:$0x7], $0x40, s15, s23, $0xb8;
	[tilespmem:$0x1AF00] =	vst v63  }
0xc1: {  	_ =	swait.ge [sflag:s21], $0x2000  }
0xc2: {  	[sflag:s21] =	ssyncset.done $0x0  }
0xc3: {  	[sflag:s21] =	ssyncadd.s32 $0xFFFFE000  }
0xc4: {  	_ =	swait.ge [sflag:s28], $0x2000  }
0xc5: {  	[sflag:s28] =	ssyncset.done $0x0  }
0xc6: {  	s13 =	simm.s32 $0x4C80;
	[sflag:s28] =	ssyncadd.s32 $0xFFFFE000  }
0xc7: {  	[spmem:s1] =	stream.indirect.scatter.add.f32 [tilespmem:s26], [sflag:$0x7], $0x40, s13, s23, $0xb8;
	[tilespmem:$0x1AF00] =	vst v63  }
0xc8: {  	_ =	swait.ge [sflag:s21], $0x2000  }
0xc9: {  	[sflag:s21] =	ssyncset.done $0x0  }
0xca: {  	[sflag:s21] =	ssyncadd.s32 $0xFFFFE000  }
0xcb: {  	_ =	swait.ge [sflag:s30], $0x2000  }
0xcc: {  	[sflag:s30] =	ssyncset.done $0x0  }
0xcd: {  	s14 =	simm.s32 $0x4D00;
	[sflag:s30] =	ssyncadd.s32 $0xFFFFE000  }
0xce: {  	[spmem:s1] =	stream.indirect.scatter.add.f32 [tilespmem:s29], [sflag:$0x7], $0x40, s14, s23, $0xb8;
	[tilespmem:$0x1AF00] =	vst v63  }
0xcf: {  	_ =	swait.ge [sflag:s21], $0x2000  }
0xd0: {  	[sflag:s21] =	ssyncset.done $0x0  }
0xd1: {  	[sflag:s21] =	ssyncadd.s32 $0xFFFFE000  }
0xd2: {  	_ =	swait.ge [sflag:s0], $0x2000  }
0xd3: {  	[sflag:s0] =	ssyncset.done $0x0  }
0xd4: {  	s15 =	simm.s32 $0x4D80;
	[sflag:s0] =	ssyncadd.s32 $0xFFFFE000  }
0xd5: {  	[spmem:s1] =	stream.indirect.scatter.add.f32 [tilespmem:s31], [sflag:$0x7], $0x40, s15, s23, $0xb8;
	[tilespmem:$0x1AF00] =	vst v63  }
0xd6: {  	_ =	swait.ge [sflag:s21], $0x2000  }
0xd7: {  	[sflag:s21] =	ssyncset.done $0x0  }
0xd8: {  	[sflag:s21] =	ssyncadd.s32 $0xFFFFE000  }
0xd9: {  	_ =	swait.ge [sflag:s11], $0x2000  }
0xda: {  	[sflag:s11] =	ssyncset.done $0x0  }
0xdb: {  	s13 =	simm.s32 $0x4E00;
	[sflag:s11] =	ssyncadd.s32 $0xFFFFE000  }
0xdc: {  	[spmem:s1] =	stream.indirect.scatter.add.f32 [tilespmem:s3], [sflag:$0x7], $0x40, s13, s23, $0xb8;
	[tilespmem:$0x1AF00] =	vst v63  }
0xdd: {  	_ =	swait.ge [sflag:s21], $0x2000  }
0xde: {  	s9 =	simm.s32 @!p0 $0x80;
	[sflag:s21] =	ssyncset.done $0x0  }
0xdf: {  	s14 =	simm.s32 @!p0 $0x4F00;
	s13 =	simm.s32 @!p0 $0x2700;
	[sflag:s21] =	ssyncadd.s32 $0xFFFFE000  }
0xe0: {  	[tilespmem:s14], [sflag:$0x1] =	stream.indirect.gather @!p0 [hbm4b:s4+s9], $0x40, s13, s9, $0xb8;
	[tilespmem:$0x1AF00] =	vst v63  }
0xe1: {  	s13 =	simm.s32 @!p0 $0x1  }
0xe2: {  	_ =	swait.ge @!p0 [sflag:s13], $0x2000  }
0xe3: {  	[sflag:s13] =	ssyncset.done @!p0 $0x0  }
0xe4: {  	[sflag:s13] =	ssyncadd.s32 @!p0 $0xFFFFE000;
	s13 =	simm.s32 @!p0 $0x4E80  }
0xe5: {  	[spmem:s1] =	stream.indirect.scatter.add.f32 @!p0 [tilespmem:s14], [sflag:$0x7], $0x40, s13, s9, $0xb8;
	[tilespmem:$0x1AF00] =	vst v63  }
0xe6: {  	s9 =	simm.s32 @!p0 $0x7  }
0xe7: {  	_ =	swait.ge @!p0 [sflag:s9], $0x2000  }
0xe8: {  	[sflag:s9] =	ssyncset.done @!p0 $0x0  }
0xe9: {  	[sflag:s9] =	ssyncadd.s32 @!p0 $0xFFFFE000  }
0xea: {  	[bflag:$0x0] =	sbarrier.arrive $0xFFFF  }
0xeb: {  	[tilespmem:s20], [sflag:$0x7] =	stream.linear.gather [spmem:s5], $0x2000, $0x38;
	[tilespmem:$0x1AF00] =	vst v63  }
0xec: {  	_ =	swait.ge [sflag:s21], $0x2000  }
0xed: {  	[sflag:s21] =	ssyncset.done $0x0  }
0xee: {  	s14 =	rddreg [dreg:$0x9];
	[sflag:s21] =	ssyncadd.s32 $0xFFFFE000  }
0xef: {  	[hbm4b:s14+s2] =	stream.linear.scatter [tilespmem:s20], [sflag:$0x7], $0x2000, $0x38;
	[tilespmem:$0x1AF00] =	vst v63  }
0xf0: {  	_ =	swait.ge [sflag:s21], $0x2000  }
0xf1: {  	[sflag:s21] =	ssyncset.done $0x0  }
0xf2: {  	[sflag:s21] =	ssyncadd.s32 $0xFFFFE000  }
0xf3: {  	[tilespmem:s24], [sflag:$0x7] =	stream.linear.gather [spmem:s6], $0x2000, $0x38;
	[tilespmem:$0x1AF00] =	vst v63  }
0xf4: {  	_ =	swait.ge [sflag:s21], $0x2000  }
0xf5: {  	[sflag:s21] =	ssyncset.done $0x0  }
0xf6: {  	[sflag:s21] =	ssyncadd.s32 $0xFFFFE000  }
0xf7: {  	[hbm4b:s16+s2] =	stream.linear.scatter [tilespmem:s24], [sflag:$0x7], $0x2000, $0x38;
	[tilespmem:$0x1AF00] =	vst v63  }
0xf8: {  	_ =	swait.ge [sflag:s21], $0x2000  }
0xf9: {  	[sflag:s21] =	ssyncset.done $0x0  }
0xfa: {  	[sflag:s21] =	ssyncadd.s32 $0xFFFFE000  }
0xfb: {  	[tilespmem:s26], [sflag:$0x7] =	stream.linear.gather [spmem:s7], $0x2000, $0x38;
	[tilespmem:$0x1AF00] =	vst v63  }
0xfc: {  	_ =	swait.ge [sflag:s21], $0x2000  }
0xfd: {  	[sflag:s21] =	ssyncset.done $0x0  }
0xfe: {  	[sflag:s21] =	ssyncadd.s32 $0xFFFFE000  }
0xff: {  	[hbm4b:s17+s2] =	stream.linear.scatter [tilespmem:s26], [sflag:$0x7], $0x2000, $0x38;
	[tilespmem:$0x1AF00] =	vst v63  }
0x100: {  	_ =	swait.ge [sflag:s21], $0x2000  }
0x101: {  	[sflag:s21] =	ssyncset.done $0x0  }
0x102: {  	[sflag:s21] =	ssyncadd.s32 $0xFFFFE000  }
0x103: {  	[tilespmem:s29], [sflag:$0x7] =	stream.linear.gather [spmem:s8], $0x2000, $0x38;
	[tilespmem:$0x1AF00] =	vst v63  }
0x104: {  	_ =	swait.ge [sflag:s21], $0x2000  }
0x105: {  	[sflag:s21] =	ssyncset.done $0x0  }
0x106: {  	[sflag:s21] =	ssyncadd.s32 $0xFFFFE000  }
0x107: {  	[hbm4b:s18+s2] =	stream.linear.scatter [tilespmem:s29], [sflag:$0x7], $0x2000, $0x38;
	[tilespmem:$0x1AF00] =	vst v63  }
0x108: {  	_ =	swait.ge [sflag:s21], $0x2000  }
0x109: {  	[sflag:s21] =	ssyncset.done $0x0  }
0x10a: {  	[sflag:s21] =	ssyncadd.s32 $0xFFFFE000  }
0x10b: {  	[tilespmem:s31], [sflag:$0x7] =	stream.linear.gather [spmem:s10], $0x2000, $0x38;
	[tilespmem:$0x1AF00] =	vst v63  }
0x10c: {  	_ =	swait.ge [sflag:s21], $0x2000  }
0x10d: {  	[sflag:s21] =	ssyncset.done $0x0  }
0x10e: {  	[sflag:s21] =	ssyncadd.s32 $0xFFFFE000  }
0x10f: {  	[hbm4b:s19+s2] =	stream.linear.scatter [tilespmem:s31], [sflag:$0x7], $0x2000, $0x38;
	[tilespmem:$0x1AF00] =	vst v63  }
0x110: {  	_ =	swait.ge [sflag:s21], $0x2000  }
0x111: {  	s12 =	sadd.s32 $0x1, s12;
	s15 =	rddreg [dreg:$0x8]  }
0x112: {  	p1 =	sne.s32 s12, s15  }
.Ltmp2:
0x113: {  	_ = 	snop;
	(pc) =	sbr.rel @p1 .LBB2_1-.Ltmp2, $3  }
0x114: {  	_ =	sdelay $0x1  }
0x115: {  	[sflag:s21] =	ssyncset.done $0x0  }
0x116: {  	[sflag:s21] =	ssyncadd.s32 $0xFFFFE000  }
0x117: {  	_ =	sfence.sel $0x180000  }
0x118: {  	[bflag:$0x0] =	sbarrier.arrive $0xFFFF  }
0x119: {  	_ =	strace $0x90000050  }
0x11a: {  	s0 =	stileid.u32;
	[bflag:$0x2] =	sbarrier.arrive $0xFFFF  }
0x11b: {  	p0 =	sne.s32 s0, $0x0;
	s0 =	rddreg [dreg:$0x3]  }
0x11c: {  	s0 =	sadd.s32 @!p0 $0x100000, s0  }
0x11d: {  	[sflag:s0] =	ssyncadd.tile.s32 @!p0 $0x1;
	_ =	shalt  }
.Lfunc_end2:
_tile_overlayer_lowered:
.L_overlay_start_2:
0x11e: {  	(tag) =	ssettag $0x2  }
0x11f: {  	s0 =	rddreg [dreg:$0x0];
	s2 =	stileid.u32  }
0x120: {  	s1 =	rddreg [dreg:$0x1];
	p0 =	sne.s32 s2, $0x0  }
0x121: {  	s3 =	rddreg [dreg:$0x2];
	[bflag:$0x3] =	sbarrier.arrive $0xFFFF;
	s2 =	simm.s32 @!p0 $0x1C07  }
0x122: {  	[timem:s3], [sflag:s2] =	dma.local @!p0 [hbm:s0], s1  }
0x123: {  	s0 =	simm.s32 @!p0 $0x7  }
0x124: {  	_ =	swait.ge @!p0 [sflag:s0], s1  }
0x125: {  	s1 =	ssub.s32 @!p0 $0x0, s1;
	[sflag:s0] =	ssyncset.done @!p0 $0x0  }
0x126: {  	[sflag:s0] =	ssyncadd.s32 @!p0 s1  }
0x127: {  	[bflag:$0x3] =	sbarrier.arrive $0xFFFF  }
0x128: {  	_ =	shalt  }

// kernel: kernel.8.cloned.1.call-start
scs
__scs_entry_jumppad:
0x0: {  	(pc) =	sbr.rel $0x88, $3  }
0x1: {  	(tag) =	ssettag $0x0;
	lr =	simm.s32 $0x1  }
0x2: {  	[smem:$0x3F9D] =	sst lr;
	_ =	strace $0xD0000000  }
0x3: {  	_ = 	snop  }
0x4: {  	_ = 	snop  }
0x5: {  	_ = 	snop  }
0x6: {  	_ = 	snop  }
0x7: {  	_ = 	snop  }
__scs_overlays_trampoline_lowered:
0x8: {  	[smem:$0x3FAC] =	sst s0  }
0x9: {  	[smem:$0x3FAD] =	sst s1  }
0xa: {  	[smem:$0x3FAE] =	sst s2  }
0xb: {  	[smem:$0x3FAF] =	sst s3  }
0xc: {  	[smem:$0x3FB0] =	sst s4  }
0xd: {  	[smem:$0x3FB1] =	sst s5  }
0xe: {  	[smem:$0x3FB2] =	sst s6  }
0xf: {  	[smem:$0x3FB3] =	sst s7  }
0x10: {  	[smem:$0x3FB4] =	sst s8  }
0x11: {  	[smem:$0x3FB5] =	sst s9;
	s0 =	simm.s32 @!p0 $0x0  }
0x12: {  	s1 =	sld [smem:$0x3F9B];
	s0 =	simm.s32 @p0 $0x1  }
0x13: {  	[smem:$0x3FB6] =	sst s0;
	s0 =	simm.s32 @!p1 $0x0  }
0x14: {  	s2 =	sld [smem:$0x3F9A];
	s0 =	simm.s32 @p1 $0x1  }
0x15: {  	[smem:$0x3FB7] =	sst s0;
	s0 =	simm.s32 @!p2 $0x0  }
0x16: {  	s3 =	sld [smem:$0x3FDB];
	s0 =	simm.s32 @p2 $0x1  }
0x17: {  	s4 =	simm.s32 $0x1BF5;
	[smem:$0x3FB9] =	sst s0  }
0x18: {  	s0 =	sld [smem:$0x3F9C];
	_ =	swait.ge [sflag:s4], $0x0  }
0x19: {  	s7 =	sld [smem:$0x3F9D]  }
0x1a: {  	s8 =	sadd.s32 $0xFFFFE003, lr  }
0x1b: {  	s9 =	sadd.s32 $0xFFFFFEF7, lr;
	s5 =	simm.s32 $0xFFFFFFFF;
	p2 =	slt.u32 s8, $0xFFFFF086  }
0x1c: {  	p1 =	slt.u32 s9, $0xF7A;
	s5 =	simm.s32 @!p2 $0x0  }
0x1d: {  	s5 =	simm.s32 @p1 $0x1;
	p0 =	seq.s32 s7, s2  }
0x1e: {  	s7 =	smul.u32 @!p0 $0xF7A, s2;
	p2 =	seq.s32 @!p0 s5, $0x0  }
0x1f: {  	s9 =	smul.u32 $0xF7A, s1;
	s8 =	simm.s32 @!p0 $0x1BF5;
	p2 =	por !p2, p0  }
0x20: {  	[sflag:s8] =	ssyncset.s32 @!p0 $0xFFFFF086;
	s6 =	sadd.s32 @!p0 s3, s7;
	s7 =	simm.s32 @!p0 $0x108  }
0x21: {  	s3 =	sadd.s32 s3, s9;
	s6 =	sadd.s32 @!p0 $0x88, s6;
	s7 =	simm.s32 @p2 $0x1082  }
0x22: {  	[simem:s7], [sflag:s8] =	dma.local @!p0 [hbm:s6], $0xF7A  }
0x23: {  	s9 =	sor.u32 $0xD0000000, s2;
	s6 =	simm.s32 $0x108;
	_ =	swait.ge @!p0 [sflag:s8], $0x0  }
0x24: {  	s3 =	sadd.s32 $0x88, s3;
	s6 =	simm.s32 @!p1 $0x1082;
	[sflag:s4] =	ssyncset.s32 $0xFFFFF086  }
0x25: {  	[simem:s6], [sflag:s4] =	dma.local [hbm:s3], $0xF7A  }
0x26: {  	[smem:$0x3F9D] =	sst s1;
	(tag) =	ssettag s2;
	_ =	strace s9  }
0x27: {  	s1 =	sld [smem:$0x3FAD]  }
0x28: {  	s2 =	sld [smem:$0x3FAE]  }
0x29: {  	s4 =	sld [smem:$0x3FB0]  }
0x2a: {  	p0 =	seq.s32 s5, $0x0;
	s5 =	sld [smem:$0x3FB1]  }
0x2b: {  	s6 =	sld [smem:$0x3FB2]  }
0x2c: {  	s7 =	sld [smem:$0x3FB3]  }
0x2d: {  	s3 =	simm.s32 $0x108;
	s8 =	sld [smem:$0x3FB4]  }
0x2e: {  	s3 =	simm.s32 @!p0 $0x1082;
	s9 =	sld [smem:$0x3FB5]  }
0x2f: {  	lr =	sadd.s32 s0, s3;
	s0 =	sld [smem:$0x3FAC]  }
0x30: {  	s3 =	sld [smem:$0x3FAF]  }
0x31: {  	[smem:$0x3FB8] =	sst s10  }
0x32: {  	s10 =	sld [smem:$0x3FB6];
	_ =	sdelay $0x3  }
0x33: {  	p0 =	seq.s32 s10, $0x1;
	s10 =	sld [smem:$0x3FB8];
	_ =	sdelay $0x3  }
0x34: {  	[smem:$0x3FB8] =	sst s10  }
0x35: {  	s10 =	sld [smem:$0x3FB7];
	_ =	sdelay $0x3  }
0x36: {  	p1 =	seq.s32 s10, $0x1;
	s10 =	sld [smem:$0x3FB8];
	_ =	sdelay $0x3  }
0x37: {  	[smem:$0x3FB8] =	sst s10  }
0x38: {  	s10 =	sld [smem:$0x3FB9]  }
0x39: {  	_ = 	snop;
	(pc) =	sbr.ind lr, $3  }
0x3a: {  	_ = 	snop  }
0x3b: {  	_ = 	snop  }
0x3c: {  	p2 =	seq.s32 s10, $0x1;
	s10 =	sld [smem:$0x3FB8]  }
0x3d: {  	_ =	shalt  }
0x3e: {  	_ =	shalt  }
0x3f: {  	_ =	shalt  }
0x40: {  	_ =	shalt  }
0x41: {  	_ =	shalt  }
0x42: {  	_ =	shalt  }
0x43: {  	_ =	shalt  }
0x44: {  	_ =	shalt  }
0x45: {  	_ =	shalt  }
0x46: {  	_ =	shalt  }
0x47: {  	_ =	shalt  }
0x48: {  	_ =	shalt  }
0x49: {  	_ =	shalt  }
0x4a: {  	_ =	shalt  }
0x4b: {  	_ =	shalt  }
0x4c: {  	_ =	shalt  }
0x4d: {  	_ =	shalt  }
0x4e: {  	_ =	shalt  }
0x4f: {  	_ =	shalt  }
0x50: {  	_ =	shalt  }
0x51: {  	_ =	shalt  }
0x52: {  	_ =	shalt  }
0x53: {  	_ =	shalt  }
0x54: {  	_ =	shalt  }
0x55: {  	_ =	shalt  }
0x56: {  	_ =	shalt  }
0x57: {  	_ =	shalt  }
0x58: {  	_ =	shalt  }
0x59: {  	_ =	shalt  }
0x5a: {  	_ =	shalt  }
0x5b: {  	_ =	shalt  }
0x5c: {  	_ =	shalt  }
0x5d: {  	_ =	shalt  }
0x5e: {  	_ =	shalt  }
0x5f: {  	_ =	shalt  }
0x60: {  	_ =	shalt  }
0x61: {  	_ =	shalt  }
0x62: {  	_ =	shalt  }
0x63: {  	_ =	shalt  }
0x64: {  	_ =	shalt  }
0x65: {  	_ =	shalt  }
0x66: {  	_ =	shalt  }
0x67: {  	_ =	shalt  }
0x68: {  	_ =	shalt  }
0x69: {  	_ =	shalt  }
0x6a: {  	_ =	shalt  }
0x6b: {  	_ =	shalt  }
0x6c: {  	_ =	shalt  }
0x6d: {  	_ =	shalt  }
0x6e: {  	_ =	shalt  }
0x6f: {  	_ =	shalt  }
0x70: {  	_ =	shalt  }
0x71: {  	_ =	shalt  }
0x72: {  	_ =	shalt  }
0x73: {  	_ =	shalt  }
0x74: {  	_ =	shalt  }
0x75: {  	_ =	shalt  }
0x76: {  	_ =	shalt  }
0x77: {  	_ =	shalt  }
0x78: {  	_ =	shalt  }
0x79: {  	_ =	shalt  }
0x7a: {  	_ =	shalt  }
0x7b: {  	_ =	shalt  }
0x7c: {  	_ =	shalt  }
0x7d: {  	_ =	shalt  }
0x7e: {  	_ =	shalt  }
0x7f: {  	_ =	shalt  }
0x80: {  	_ =	shalt  }
0x81: {  	_ =	shalt  }
0x82: {  	_ =	shalt  }
0x83: {  	_ =	shalt  }
0x84: {  	_ =	shalt  }
0x85: {  	_ =	shalt  }
0x86: {  	_ =	shalt  }
0x87: {  	_ =	shalt  }
.Lfunc_end0:
.L_simem_size_0:
called_computation_lowered:
.L_overlay_start_0:
0x88: {  	s2 =	sld [smem:$0x3FD9]  }
0x89: {  	s3 =	sld [smem:$0x3FFE];
	_ =	sdelay $0x1  }
0x8a: {  	s1 =	srdreg.scid  }
0x8b: {  	s0 =	sand.u32 $0x1, s1  }
0x8c: {  	s17 =	sshll.u32 s0, $0xA;
	s2 =	sadd.s32 s3, s2  }
0x8d: {  	s2 =	sadd.s32 s2, s17  }
0x8e: {  	[smem:$0x3FC4] =	sst s2  }
0x8f: {  	_ = 	snop  }
0x90: {  	s2 =	sld [smem:$0x3FD0];
	(tm) =	ssettm $0x1  }
0x91: {  	s18 =	sld [smem:$0x3FFB];
	_ =	sdelay $0x3  }
0x92: {  	_ =	strace s18  }
0x93: {  	s3 =	sld [smem:$0x3FFC];
	_ =	sdelay $0x3  }
0x94: {  	_ =	strace s3  }
0x95: {  	s3 =	sld [smem:$0x3FFD];
	_ =	sdelay $0x3  }
0x96: {  	_ =	strace s3  }
0x97: {  	_ =	strace $0x8FFFFFFF  }
0x98: {  	s19 =	sld [smem:$0x3FDB];
	_ =	sdelay $0x1  }
0x99: {  	s4 =	simm.s32 $_scs_section_size  }
0x9a: {  	s5 =	simm.s32 $_size__tile_overlayer_lowered;
	s6 =	simm.s32 $_tile_overlayer_lowered  }
0x9b: {  	s22 =	simm.s32 $0x1BFF;
	s21 =	sshll.u32 s6, $0x1;
	s3 =	sadd.s32 s4, s19  }
0x9c: {  	s7 =	simm.s32 $0x0;
	s20 =	sshll.u32 s5, $0x1;
	s5 =	sadd.s32 s21, s3  }
0x9d: {  	[timem:s7], [sflag:s22] =	dma.local [hbm:s5], s20  }
0x9e: {  	_ =	swait.ge [sflag:s22], s20  }
0x9f: {  	s4 =	ssub.s32 $0x0, s20;
	[sflag:s22] =	ssyncset.done $0x0  }
0xa0: {  	[sflag:s22] =	ssyncadd.s32 s4;
	_ =	sdelay $0x1  }
0xa1: {  	s23 =	simm.s32 $0x1B8B  }
0xa2: {  	_ =	swait.ge [sflag:s23], $0x1  }
0xa3: {  	[sflag:s23] =	ssyncset.done $0x0  }
0xa4: {  	s25 =	simm.s32 $0x1B8E;
	s24 =	sld [smem:$0x3FFE];
	[sflag:s23] =	ssyncadd.s32 $0xFFFFFFFF  }
0xa5: {  	s26 =	simm.s32 $execute0_lowered;
	[smem:$0x3FD2] =	sst s25  }
0xa6: {  	s5 =	sshll.u32 s26, $0x1;
	_ =	strace $0x80000046;
	[dreg:$0x1] =	wrdreg $0xFFFFFFFF  }
0xa7: {  	s28 =	simm.s32 $_size_execute0_lowered;
	s3 =	sadd.s32 s3, s5;
	[dreg:$0x0] =	wrdreg $0x0  }
0xa8: {  	s5 =	sshll.u32 s28, $0x1;
	[dreg:$0x2] =	wrdreg s3  }
0xa9: {  	[dreg:$0x3] =	wrdreg s5  }
0xaa: {  	[dreg:$0x4] =	wrdreg $0xC0  }
0xab: {  	_ =	task [dreg:s7], $0x5FFFF  }
0xac: {  	[dreg:$0x1] =	wrdreg $0xFFFFFFFF  }
0xad: {  	[dreg:$0x0] =	wrdreg $0x60  }
0xae: {  	[dreg:$0x2] =	wrdreg s24  }
0xaf: {  	[dreg:$0x3] =	wrdreg s2  }
0xb0: {  	[dreg:$0x4] =	wrdreg $0x2A800  }
0xb1: {  	[dreg:$0x5] =	wrdreg $0x9  }
0xb2: {  	_ =	task.clear_ibuf [dreg:s7], $0x6FFFF;
	_ =	strace $0x90000046  }
0xb3: {  	s29 =	simm.s32 $0x9;
	_ =	strace $0x80000048  }
0xb4: {  	_ =	swait.ge [sflag:s29], $0x1  }
0xb5: {  	[sflag:s29] =	ssyncadd.s32 $0xFFFFFFFF  }
0xb6: {  	_ =	strace $0x90000048  }
0xb7: {  	_ =	sfence  }
0xb8: {  	s30 =	sld [smem:$0x0];
	_ =	sdelay $0x2  }
0xb9: {  	s31 =	sshll.u32 s1, $0xD;
	s1 =	sshrl.u32 s1, $0x2  }
0xba: {  	s3 =	sand.u32 $0x4000, s31;
	s1 =	sadd.s32 s1, s30  }
0xbb: {  	s0 =	sor.u32 s3, s0;
	s1 =	sshll.u32 s1, $0x11  }
0xbc: {  	s0 =	sor.u32 s1, s0  }
0xbd: {  	s0 =	sadd.s32 $0x8F2B, s0  }
0xbe: {  	[sflag:s0] =	ssyncadd.remote.s32 $0x1  }
0xbf: {  	_ =	sfence.sel $0xFFFF  }
0xc0: {  	[dreg:$0x0] =	wrdreg $0xFFFFFFFF;
	(pc) =	sbr.abs _section_cstart, $3  }
0xc1: {  	[dreg:$0x1] =	wrdreg $0xFFFFFFFF  }
0xc2: {  	_ =	task.clear_ibuf [dreg:s7], $0x2FFFF;
	_ =	strace $0x9FFFFFFF  }
0xc3: {  	(tm) =	ssettm $0x7FFFFFFF  }
tec
execute0_lowered:
.L_overlay_start_1:
0x0: {  	(tag) =	ssettag $0x1  }
0x1: {  	s4 =	rddreg [dreg:$0x0]  }
0x2: {  	s7 =	rddreg [dreg:$0x1]  }
0x3: {  	s1 =	rddreg [dreg:$0x2];
	s2 =	srdreg.scid  }
0x4: {  	s0 =	rddreg [dreg:$0x3];
	s3 =	simm.s32 $0x0;
	s13 =	simm.s32 $0x100  }
0x5: {  	s14 =	simm.s32 $0x180;
	s15 =	simm.s32 $0x200;
	s16 =	simm.s32 $0x280  }
0x6: {  	s17 =	simm.s32 $0x1;
	s18 =	simm.s32 $0x2;
	s19 =	simm.s32 $0x3  }
0x7: {  	s20 =	simm.s32 $0x4;
	s21 =	simm.s32 $0x5;
	s22 =	simm.s32 $0x6  }
0x8: {  	s23 =	simm.s32 $0x0;
	s5 =	sand.u32 $0x1, s2;
	[smem:$0x7FF] =	sst s3  }
0x9: {  	s2 =	stileid.u32;
	s12 =	sadd.s32 $0x2C00, s4;
	s6 =	sshll.u32 s5, $0x4  }
0xa: {  	s8 =	ssub.s32 $0x2, s5;
	s26 =	smul.u32 $0x280, s2;
	_ =	strace $0x80000047  }
0xb: {  	s5 =	smul.u32 $0x2800, s5;
	s9 =	sor.u32 s2, s6;
	s10 =	sshrl.u32 s8, $0x1  }
0xc: {  	s29 =	sshll.u32 s2, $0x4;
	s11 =	smul.u32 $0x2700, s9;
	s8 =	ssub.s32 s8, s10  }
0xd: {  	s4 =	sadd.s32 s26, s1;
	s30 =	sadd.s32 s26, s5;
	p0 =	sgt.u32 s9, $0x3  }
0xe: {  	s9 =	simm.s32 $0x2780;
	s31 =	sshrl.u32 s30, $0x3;
	s8 =	smax.u32 s8, $0x1  }
0xf: {  	s28 =	sshrl.u32 s11, $0x3;
	s11 =	sadd.s32 s29, s12;
	s7 =	sadd.s32 s7, s31  }
0x10: {  	s10 =	sadd.s32 s12, s28;
	s6 =	sadd.s32 $0x13840, s11;
	s11 =	simm.s32 $0x80  }
0x11: {  	v0 =	vimm.f32 $0.0e+00;
	v1 =	vimm.f32 $1.000000000e+00;
	s12 =	simm.s32 $0x2A00;
	s5 =	sadd.s32 $0x9C40, s10;
	s10 =	simm.s32 $0x7  }
.LBB2_1:
0x12: {  	[tilespmem:$0x2780] =	vst v0  }
0x13: {  	[tilespmem:$0x2790] =	vst v0  }
0x14: {  	[tilespmem:$0x27A0] =	vst v0  }
0x15: {  	[tilespmem:$0x27B0] =	vst v0  }
0x16: {  	[tilespmem:$0x27C0] =	vst v0  }
0x17: {  	[tilespmem:$0x27D0] =	vst v0  }
0x18: {  	[tilespmem:$0x27E0] =	vst v0  }
0x19: {  	[tilespmem:$0x27F0] =	vst v0  }
0x1a: {  	[tilespmem:$0x2800] =	vst v0  }
0x1b: {  	[tilespmem:$0x2810] =	vst v0  }
0x1c: {  	[tilespmem:$0x2820] =	vst v0  }
0x1d: {  	[tilespmem:$0x2830] =	vst v0  }
0x1e: {  	[tilespmem:$0x2840] =	vst v0  }
0x1f: {  	[tilespmem:$0x2850] =	vst v0  }
0x20: {  	[tilespmem:$0x2860] =	vst v0  }
0x21: {  	[tilespmem:$0x2870] =	vst v0  }
0x22: {  	[tilespmem:$0x2880] =	vst v0  }
0x23: {  	[tilespmem:$0x2890] =	vst v0  }
0x24: {  	[tilespmem:$0x28A0] =	vst v0  }
0x25: {  	[tilespmem:$0x28B0] =	vst v0  }
0x26: {  	[tilespmem:$0x28C0] =	vst v0  }
0x27: {  	[tilespmem:$0x28D0] =	vst v0  }
0x28: {  	[tilespmem:$0x28E0] =	vst v0  }
0x29: {  	[tilespmem:$0x28F0] =	vst v0  }
0x2a: {  	[tilespmem:$0x2900] =	vst v0  }
0x2b: {  	[tilespmem:$0x2910] =	vst v0  }
0x2c: {  	[tilespmem:$0x2920] =	vst v0  }
0x2d: {  	[tilespmem:$0x2930] =	vst v0  }
0x2e: {  	[tilespmem:$0x2940] =	vst v0  }
0x2f: {  	[tilespmem:$0x2950] =	vst v0  }
0x30: {  	[tilespmem:$0x2960] =	vst v0  }
0x31: {  	[tilespmem:$0x2970] =	vst v0  }
0x32: {  	[tilespmem:$0x2980] =	vst v0  }
0x33: {  	[tilespmem:$0x2990] =	vst v0  }
0x34: {  	[tilespmem:$0x29A0] =	vst v0  }
0x35: {  	[tilespmem:$0x29B0] =	vst v0  }
0x36: {  	[tilespmem:$0x29C0] =	vst v0  }
0x37: {  	[tilespmem:$0x29D0] =	vst v0  }
0x38: {  	[tilespmem:$0x29E0] =	vst v0  }
0x39: {  	[tilespmem:$0x29F0] =	vst v0  }
0x3a: {  	[tilespmem:$0x2A00] =	vst v1  }
0x3b: {  	[tilespmem:$0x2A10] =	vst v1  }
0x3c: {  	[tilespmem:$0x2A20] =	vst v1  }
0x3d: {  	[tilespmem:$0x2A30] =	vst v1  }
0x3e: {  	[tilespmem:$0x2A40] =	vst v1  }
0x3f: {  	[tilespmem:$0x2A50] =	vst v1  }
0x40: {  	[tilespmem:$0x2A60] =	vst v1  }
0x41: {  	[tilespmem:$0x2A70] =	vst v1  }
0x42: {  	[spmem:s4] =	stream.linear.scatter [tilespmem:s9], [sflag:$0x7], $0x280, $0x38;
	[tilespmem:$0x2D00] =	vst v63  }
0x43: {  	_ =	swait.ge [sflag:s10], $0x280  }
0x44: {  	[sflag:s10] =	ssyncset.done $0x0  }
0x45: {  	[sflag:s10] =	ssyncadd.s32 $0xFFFFFD80  }
0x46: {  	[tilespmem:s3], [sflag:$0x7] =	stream.linear.gather [hbm4b:s5+s3], $0x2700, $0x38;
	[tilespmem:$0x2D00] =	vst v63  }
0x47: {  	_ =	swait.ge [sflag:s10], $0x2700  }
0x48: {  	[sflag:s10] =	ssyncset.done $0x0  }
0x49: {  	s24 =	simm.s32 @!p0 $0x0;
	s25 =	simm.s32 @!p0 $0x2700;
	[sflag:s10] =	ssyncadd.s32 $0xFFFFD900  }
0x4a: {  	[tilespmem:s25], [sflag:$0x7] =	stream.linear.gather @!p0 [hbm4b:s6+s24], $0x80, $0x38;
	[tilespmem:$0x2D00] =	vst v63  }
0x4b: {  	s24 =	simm.s32 @!p0 $0x7  }
0x4c: {  	_ =	swait.ge @!p0 [sflag:s24], $0x80  }
0x4d: {  	[sflag:s24] =	ssyncset.done @!p0 $0x0  }
0x4e: {  	[sflag:s24] =	ssyncadd.s32 @!p0 $0xFFFFFF80  }
0x4f: {  	[bflag:$0x0] =	sbarrier.arrive $0xFFFF  }
0x50: {  	[spmem:s1] =	stream.indirect.scatter.add.f32 [tilespmem:s12], [sflag:$0x1], $0x1, s3, s11, $0xb8;
	[tilespmem:$0x2D00] =	vst v63  }
0x51: {  	_ = 	snop  }
0x52: {  	[spmem:s1] =	stream.indirect.scatter.add.f32 [tilespmem:s12], [sflag:$0x2], $0x1, s11, s11, $0xb8;
	[tilespmem:$0x2D00] =	vst v63  }
0x53: {  	_ = 	snop  }
0x54: {  	[spmem:s1] =	stream.indirect.scatter.add.f32 [tilespmem:s12], [sflag:$0x3], $0x1, s13, s11, $0xb8;
	[tilespmem:$0x2D00] =	vst v63  }
0x55: {  	_ = 	snop  }
0x56: {  	[spmem:s1] =	stream.indirect.scatter.add.f32 [tilespmem:s12], [sflag:$0x4], $0x1, s14, s11, $0xb8;
	[tilespmem:$0x2D00] =	vst v63  }
0x57: {  	_ = 	snop  }
0x58: {  	[spmem:s1] =	stream.indirect.scatter.add.f32 [tilespmem:s12], [sflag:$0x5], $0x1, s15, s11, $0xb8;
	[tilespmem:$0x2D00] =	vst v63  }
0x59: {  	_ = 	snop  }
0x5a: {  	[spmem:s1] =	stream.indirect.scatter.add.f32 [tilespmem:s12], [sflag:$0x6], $0x1, s16, s11, $0xb8;
	[tilespmem:$0x2D00] =	vst v63  }
0x5b: {  	_ =	swait.ge [sflag:s17], $0x80  }
0x5c: {  	[sflag:s17] =	ssyncset.done $0x0  }
0x5d: {  	s26 =	simm.s32 $0x300;
	[sflag:s17] =	ssyncadd.s32 $0xFFFFFF80  }
0x5e: {  	[spmem:s1] =	stream.indirect.scatter.add.f32 [tilespmem:s12], [sflag:$0x1], $0x1, s26, s11, $0xb8;
	[tilespmem:$0x2D00] =	vst v63  }
0x5f: {  	_ =	swait.ge [sflag:s18], $0x80  }
0x60: {  	[sflag:s18] =	ssyncset.done $0x0  }
0x61: {  	s28 =	simm.s32 $0x380;
	[sflag:s18] =	ssyncadd.s32 $0xFFFFFF80  }
0x62: {  	[spmem:s1] =	stream.indirect.scatter.add.f32 [tilespmem:s12], [sflag:$0x2], $0x1, s28, s11, $0xb8;
	[tilespmem:$0x2D00] =	vst v63  }
0x63: {  	_ =	swait.ge [sflag:s19], $0x80  }
0x64: {  	[sflag:s19] =	ssyncset.done $0x0  }
0x65: {  	s29 =	simm.s32 $0x400;
	[sflag:s19] =	ssyncadd.s32 $0xFFFFFF80  }
0x66: {  	[spmem:s1] =	stream.indirect.scatter.add.f32 [tilespmem:s12], [sflag:$0x3], $0x1, s29, s11, $0xb8;
	[tilespmem:$0x2D00] =	vst v63  }
0x67: {  	_ =	swait.ge [sflag:s20], $0x80  }
0x68: {  	[sflag:s20] =	ssyncset.done $0x0  }
0x69: {  	s30 =	simm.s32 $0x480;
	[sflag:s20] =	ssyncadd.s32 $0xFFFFFF80  }
0x6a: {  	[spmem:s1] =	stream.indirect.scatter.add.f32 [tilespmem:s12], [sflag:$0x4], $0x1, s30, s11, $0xb8;
	[tilespmem:$0x2D00] =	vst v63  }
0x6b: {  	_ =	swait.ge [sflag:s21], $0x80  }
0x6c: {  	[sflag:s21] =	ssyncset.done $0x0  }
0x6d: {  	s31 =	simm.s32 $0x500;
	[sflag:s21] =	ssyncadd.s32 $0xFFFFFF80  }
0x6e: {  	[spmem:s1] =	stream.indirect.scatter.add.f32 [tilespmem:s12], [sflag:$0x5], $0x1, s31, s11, $0xb8;
	[tilespmem:$0x2D00] =	vst v63  }
0x6f: {  	_ =	swait.ge [sflag:s22], $0x80  }
0x70: {  	[sflag:s22] =	ssyncset.done $0x0  }
0x71: {  	s25 =	simm.s32 $0x580;
	s24 =	simm.s32 $0xC00;
	[sflag:s22] =	ssyncadd.s32 $0xFFFFFF80  }
.LBB2_2:
0x72: {  	[spmem:s1] =	stream.indirect.scatter.add.f32 [tilespmem:s12], [sflag:$0x6], $0x1, s25, s11, $0xb8;
	[tilespmem:$0x2D00] =	vst v63  }
0x73: {  	s25 =	smov.u32 s24  }
0x74: {  	p1 =	sne.s32 s24, $0x8400;
	s24 =	sadd.s32 $0xC00, s24;
	_ =	swait.ge [sflag:s17], $0x80  }
0x75: {  	s25 =	sshra.s32 s25, $0x2;
	[sflag:s17] =	ssyncset.done $0x0  }
0x76: {  	s26 =	sadd.s32 $0x300, s25;
	[sflag:s17] =	ssyncadd.s32 $0xFFFFFF80  }
0x77: {  	[spmem:s1] =	stream.indirect.scatter.add.f32 [tilespmem:s12], [sflag:$0x1], $0x1, s26, s11, $0xb8;
	[tilespmem:$0x2D00] =	vst v63  }
0x78: {  	_ =	swait.ge [sflag:s18], $0x80  }
0x79: {  	[sflag:s18] =	ssyncset.done $0x0  }
0x7a: {  	s26 =	sadd.s32 $0x380, s25;
	[sflag:s18] =	ssyncadd.s32 $0xFFFFFF80  }
0x7b: {  	[spmem:s1] =	stream.indirect.scatter.add.f32 [tilespmem:s12], [sflag:$0x2], $0x1, s26, s11, $0xb8;
	[tilespmem:$0x2D00] =	vst v63  }
0x7c: {  	_ =	swait.ge [sflag:s19], $0x80  }
0x7d: {  	[sflag:s19] =	ssyncset.done $0x0  }
0x7e: {  	s26 =	sadd.s32 $0x400, s25;
	[sflag:s19] =	ssyncadd.s32 $0xFFFFFF80  }
0x7f: {  	[spmem:s1] =	stream.indirect.scatter.add.f32 [tilespmem:s12], [sflag:$0x3], $0x1, s26, s11, $0xb8;
	[tilespmem:$0x2D00] =	vst v63  }
0x80: {  	_ =	swait.ge [sflag:s20], $0x80  }
0x81: {  	[sflag:s20] =	ssyncset.done $0x0  }
0x82: {  	s26 =	sadd.s32 $0x480, s25;
	[sflag:s20] =	ssyncadd.s32 $0xFFFFFF80  }
0x83: {  	[spmem:s1] =	stream.indirect.scatter.add.f32 [tilespmem:s12], [sflag:$0x4], $0x1, s26, s11, $0xb8;
	[tilespmem:$0x2D00] =	vst v63  }
0x84: {  	_ =	swait.ge [sflag:s21], $0x80  }
0x85: {  	[sflag:s21] =	ssyncset.done $0x0  }
.Ltmp0:
0x86: {  	s26 =	sadd.s32 $0x500, s25;
	[sflag:s21] =	ssyncadd.s32 $0xFFFFFF80;
	(pc) =	sbr.rel @p1 .LBB2_2-.Ltmp0, $4  }
0x87: {  	[spmem:s1] =	stream.indirect.scatter.add.f32 [tilespmem:s12], [sflag:$0x5], $0x1, s26, s11, $0xb8;
	[tilespmem:$0x2D00] =	vst v63  }
0x88: {  	_ =	swait.ge [sflag:s22], $0x80  }
0x89: {  	[sflag:s22] =	ssyncset.done $0x0  }
0x8a: {  	s25 =	sadd.s32 $0x580, s25;
	[sflag:s22] =	ssyncadd.s32 $0xFFFFFF80  }
0x8b: {  	[spmem:s1] =	stream.indirect.scatter.add.f32 [tilespmem:s12], [sflag:$0x6], $0x1, s25, s11, $0xb8;
	[tilespmem:$0x2D00] =	vst v63  }
0x8c: {  	_ =	swait.ge [sflag:s17], $0x80  }
0x8d: {  	[sflag:s17] =	ssyncset.done $0x0  }
0x8e: {  	[sflag:s17] =	ssyncadd.s32 $0xFFFFFF80  }
0x8f: {  	_ =	swait.ge [sflag:s18], $0x80  }
0x90: {  	[sflag:s18] =	ssyncset.done $0x0  }
0x91: {  	[sflag:s18] =	ssyncadd.s32 $0xFFFFFF80  }
0x92: {  	_ =	swait.ge [sflag:s19], $0x80  }
0x93: {  	[sflag:s19] =	ssyncset.done $0x0  }
0x94: {  	[sflag:s19] =	ssyncadd.s32 $0xFFFFFF80  }
0x95: {  	_ =	swait.ge [sflag:s20], $0x80  }
0x96: {  	[sflag:s20] =	ssyncset.done $0x0  }
0x97: {  	[sflag:s20] =	ssyncadd.s32 $0xFFFFFF80  }
0x98: {  	_ =	swait.ge [sflag:s21], $0x80  }
0x99: {  	[sflag:s21] =	ssyncset.done $0x0  }
0x9a: {  	[sflag:s21] =	ssyncadd.s32 $0xFFFFFF80  }
0x9b: {  	_ =	swait.ge [sflag:s22], $0x80  }
0x9c: {  	s24 =	simm.s32 @!p0 $0x80;
	[sflag:s22] =	ssyncset.done $0x0  }
0x9d: {  	s25 =	simm.s32 @!p0 $0x2700;
	s26 =	simm.s32 @!p0 $0x2A00;
	[sflag:s22] =	ssyncadd.s32 $0xFFFFFF80  }
0x9e: {  	[spmem:s1] =	stream.indirect.scatter.add.f32 @!p0 [tilespmem:s26], [sflag:$0x7], $0x1, s25, s24, $0xb8;
	[tilespmem:$0x2D00] =	vst v63  }
0x9f: {  	s24 =	simm.s32 @!p0 $0x7  }
0xa0: {  	_ =	swait.ge @!p0 [sflag:s24], $0x80  }
0xa1: {  	[sflag:s24] =	ssyncset.done @!p0 $0x0  }
0xa2: {  	[sflag:s24] =	ssyncadd.s32 @!p0 $0xFFFFFF80  }
0xa3: {  	[bflag:$0x0] =	sbarrier.arrive $0xFFFF  }
0xa4: {  	[tilespmem:s9], [sflag:$0x7] =	stream.linear.gather [spmem:s4], $0x280, $0x38;
	[tilespmem:$0x2D00] =	vst v63  }
0xa5: {  	s23 =	sadd.s32 $0x1, s23;
	_ =	swait.ge [sflag:s10], $0x280  }
0xa6: {  	p1 =	sne.s32 s23, s8;
	[sflag:s10] =	ssyncset.done $0x0  }
.Ltmp1:
0xa7: {  	[sflag:s10] =	ssyncadd.s32 $0xFFFFFD80;
	(pc) =	sbr.rel @p1 .LBB2_1-.Ltmp1, $4  }
0xa8: {  	[hbm4b:s7+s3] =	stream.linear.scatter [tilespmem:s9], [sflag:$0x7], $0x280, $0x38;
	[tilespmem:$0x2D00] =	vst v63  }
0xa9: {  	_ =	swait.ge [sflag:s10], $0x280  }
0xaa: {  	[sflag:s10] =	ssyncset.done $0x0  }
0xab: {  	[sflag:s10] =	ssyncadd.s32 $0xFFFFFD80  }
0xac: {  	_ =	sfence.sel $0x180000  }
0xad: {  	[bflag:$0x0] =	sbarrier.arrive $0xFFFF  }
0xae: {  	p0 =	sne.s32 s2, $0x0;
	_ =	strace $0x90000047  }
0xaf: {  	s0 =	sadd.s32 @!p0 $0x100000, s0;
	[bflag:$0x2] =	sbarrier.arrive $0xFFFF  }
0xb0: {  	[sflag:s0] =	ssyncadd.tile.s32 @!p0 $0x1;
	_ =	shalt  }
.Lfunc_end2:
_tile_overlayer_lowered:
.L_overlay_start_2:
0xb1: {  	(tag) =	ssettag $0x2  }
0xb2: {  	s0 =	rddreg [dreg:$0x0];
	s2 =	stileid.u32  }
0xb3: {  	s1 =	rddreg [dreg:$0x1];
	p0 =	sne.s32 s2, $0x0  }
0xb4: {  	s3 =	rddreg [dreg:$0x2];
	[bflag:$0x3] =	sbarrier.arrive $0xFFFF;
	s2 =	simm.s32 @!p0 $0x1C07  }
0xb5: {  	[timem:s3], [sflag:s2] =	dma.local @!p0 [hbm:s0], s1  }
0xb6: {  	s0 =	simm.s32 @!p0 $0x7  }
0xb7: {  	_ =	swait.ge @!p0 [sflag:s0], s1  }
0xb8: {  	s1 =	ssub.s32 @!p0 $0x0, s1;
	[sflag:s0] =	ssyncset.done @!p0 $0x0  }
0xb9: {  	[sflag:s0] =	ssyncadd.s32 @!p0 s1  }
0xba: {  	[bflag:$0x3] =	sbarrier.arrive $0xFFFF  }
0xbb: {  	_ =	shalt  }

</sc_bundles>
